<compile_context>
chip_gen: v7x
topology: tpu7x:2x2x1
jax: 0.10.2.dev20260603
libtpu: 0.0.44.dev20260713+nightly
codegen_flags: <defaults>
</compile_context>

<pallas_src>
import functools

import jax
import jax.numpy as jnp
from jax import lax
from jax.experimental import pallas as pl
from jax.experimental.pallas import tpu as pltpu
from jax.experimental.pallas import tpu_sc as plsc

NEG_SLOPE = 0.2
EPS = 1e-16
L = 16
NCORE = 2
NSUB = 16
NW = NCORE * NSUB
ZB = 64


def _sc_edge_pass(D, NH, N_sp, E_pad, K):
    VPH = D // (L * NH)
    RPT = N_sp // NSUB
    n_chunks = E_pad // (NW * K)
    assert n_chunks % 4 == 0
    mesh = plsc.VectorSubcoreMesh(core_axis_name="c", subcore_axis_name="s")

    def body(feat_hbm, asrc_hbm, adst_hbm, sd_hbm,
             outp_hbm, denp_hbm,
             sd0, sd1, sd2, sd3, as0, as1, ad0, ad1, f0, f1, p0, p1, z_d, z_l,
             sp_out, sp_den, sem0, sem1, ssem0, ssem1,
             dsem0, dsem1, dsem2, dsem3):
        c = lax.axis_index("c")
        s = lax.axis_index("s")
        chunk_base = (c * NSUB + s) * n_chunks
        sds = ((sd0, dsem0), (sd1, dsem1), (sd2, dsem2), (sd3, dsem3))
        bufs = ((as0, ad0, f0, p0, sem0, ssem0),
                (as1, ad1, f1, p1, sem1, ssem1))

        def zrow(r, carry):
            for j in range(D // L):
                z_d[r, pl.ds(j * L, L)] = jnp.zeros((L,), jnp.float32)
            z_l[r, :] = jnp.zeros((L,), jnp.float32)
            return carry
        lax.fori_loop(0, ZB, zrow, 0)
        for b in range(RPT // ZB):
            r0 = s * RPT + b * ZB
            pltpu.sync_copy(z_d, sp_out.at[pl.ds(r0, ZB)])
            pltpu.sync_copy(z_l, sp_den.at[pl.ds(r0, ZB)])
        plsc.subcore_barrier()

        def sd_fetch(t, slot):
            sd_v, dsem = slot
            pltpu.async_copy(sd_hbm.at[chunk_base + t], sd_v, dsem)

        def wait_sd(slot):
            sd_v, dsem = slot
            pltpu.make_async_copy(sd_hbm.at[chunk_base], sd_v, dsem).wait()

        def wait_scatters(buf, slot):
            as_v, ad_v, f_v, p_v, _, ssem = buf
            sd_v = slot[0]
            pltpu.make_async_copy(f_v, sp_out.at[sd_v.at[1]], ssem).wait()
            pltpu.make_async_copy(p_v, sp_den.at[sd_v.at[1]], ssem).wait()

        def issue_gathers(buf, slot):
            as_v, ad_v, f_v, _, sem, _2 = buf
            sd_v = slot[0]
            pltpu.async_copy(asrc_hbm.at[sd_v.at[0]], as_v, sem)
            pltpu.async_copy(adst_hbm.at[sd_v.at[1]], ad_v, sem)
            pltpu.async_copy(feat_hbm.at[sd_v.at[0]], f_v, sem)

        def wait_gathers(buf, slot):
            as_v, ad_v, f_v, _, sem, _2 = buf
            sd_v = slot[0]
            pltpu.make_async_copy(asrc_hbm.at[sd_v.at[0]], as_v, sem).wait()
            pltpu.make_async_copy(adst_hbm.at[sd_v.at[1]], ad_v, sem).wait()
            pltpu.make_async_copy(feat_hbm.at[sd_v.at[0]], f_v, sem).wait()

        def compute_scatter(buf, slot):
            as_v, ad_v, f_v, p_v, _, ssem = buf
            sd_v = slot[0]

            def edge(e, ecarry):
                a = as_v[e, :] + ad_v[e, :]
                a = jnp.where(a >= 0.0, a, NEG_SLOPE * a)
                p = jnp.exp(a)
                p_v[e, :] = p
                for hh in range(NH):
                    ph = p[hh]
                    for j in range(VPH):
                        col = (hh * VPH + j) * L
                        f_v[e, pl.ds(col, L)] = f_v[e, pl.ds(col, L)] * ph
                return ecarry
            lax.fori_loop(0, K, edge, 0)

            pltpu.async_copy(f_v, sp_out.at[sd_v.at[1]], ssem, add=True)
            pltpu.async_copy(p_v, sp_den.at[sd_v.at[1]], ssem, add=True)

        sd_fetch(0, sds[0])
        sd_fetch(1, sds[1])
        wait_sd(sds[0])
        issue_gathers(bufs[0], sds[0])

        def outer(o, carry):
            for u in range(4):
                t = o * 4 + u
                b = u % 2
                wait_gathers(bufs[b], sds[u])

                @pl.when(t + 1 < n_chunks)
                def _():
                    @pl.when(t >= 1)
                    def _2():
                        wait_scatters(bufs[1 - b], sds[(u + 3) % 4])

                    @pl.when(t + 2 < n_chunks)
                    def _3():
                        sd_fetch(t + 2, sds[(u + 2) % 4])
                    wait_sd(sds[(u + 1) % 4])
                    issue_gathers(bufs[1 - b], sds[(u + 1) % 4])
                compute_scatter(bufs[b], sds[u])
            return carry
        lax.fori_loop(0, n_chunks // 4, outer, 0)
        wait_scatters(bufs[0], sds[2])
        wait_scatters(bufs[1], sds[3])
        plsc.subcore_barrier()

        for b in range(RPT // ZB):
            r0 = s * RPT + b * ZB
            pltpu.sync_copy(sp_out.at[pl.ds(r0, ZB)], outp_hbm.at[c, pl.ds(r0, ZB)])
            pltpu.sync_copy(sp_den.at[pl.ds(r0, ZB)], denp_hbm.at[c, pl.ds(r0, ZB)])

    return pl.kernel(
        body,
        out_type=[
            jax.ShapeDtypeStruct((NCORE, N_sp, D), jnp.float32),
            jax.ShapeDtypeStruct((NCORE, N_sp, L), jnp.float32),
        ],
        mesh=mesh,
        compiler_params=pltpu.CompilerParams(use_tc_tiling_on_sc=False),
        scratch_types=[
            pltpu.VMEM((2, K), jnp.int32),
            pltpu.VMEM((2, K), jnp.int32),
            pltpu.VMEM((2, K), jnp.int32),
            pltpu.VMEM((2, K), jnp.int32),
            pltpu.VMEM((K, L), jnp.float32),
            pltpu.VMEM((K, L), jnp.float32),
            pltpu.VMEM((K, L), jnp.float32),
            pltpu.VMEM((K, L), jnp.float32),
            pltpu.VMEM((K, D), jnp.float32),
            pltpu.VMEM((K, D), jnp.float32),
            pltpu.VMEM((K, L), jnp.float32),
            pltpu.VMEM((K, L), jnp.float32),
            pltpu.VMEM((ZB, D), jnp.float32),
            pltpu.VMEM((ZB, L), jnp.float32),
            pltpu.VMEM_SHARED((N_sp, D), jnp.float32),
            pltpu.VMEM_SHARED((N_sp, L), jnp.float32),
            pltpu.SemaphoreType.DMA,
            pltpu.SemaphoreType.DMA,
            pltpu.SemaphoreType.DMA,
            pltpu.SemaphoreType.DMA,
            pltpu.SemaphoreType.DMA,
            pltpu.SemaphoreType.DMA,
            pltpu.SemaphoreType.DMA,
            pltpu.SemaphoreType.DMA,
        ],
    )


def _tc1_body(x_ref, w_ref, avs_ref, avd_ref, h_ref, as_ref, ad_ref):
    h = jnp.dot(x_ref[...], w_ref[...], preferred_element_type=jnp.float32)
    h_ref[...] = h
    as_ref[...] = jnp.dot(h, avs_ref[...], preferred_element_type=jnp.float32)
    ad_ref[...] = jnp.dot(h, avd_ref[...], preferred_element_type=jnp.float32)


def _tc2_body(o0_ref, o1_ref, d0_ref, d1_ref, r_ref, b1_ref, wmu_ref, wls_ref,
              s_ref, t_ref, hcat_ref, as2_ref, ad2_ref):
    den = d0_ref[...] + d1_ref[...]
    den_wide = jnp.dot(den, r_ref[...], preferred_element_type=jnp.float32)
    h1 = (o0_ref[...] + o1_ref[...]) / (den_wide + EPS) + b1_ref[...]
    h1 = jnp.maximum(h1, 0.0)
    hm = jnp.dot(h1, wmu_ref[...], preferred_element_type=jnp.float32)
    hl = jnp.dot(h1, wls_ref[...], preferred_element_type=jnp.float32)
    hcat = jnp.concatenate([hm, hl], axis=1)
    hcat_ref[...] = hcat
    as2_ref[...] = jnp.dot(hcat, s_ref[...], preferred_element_type=jnp.float32)
    ad2_ref[...] = jnp.dot(hcat, t_ref[...], preferred_element_type=jnp.float32)


def _tc3_body(o0_ref, o1_ref, d0_ref, d1_ref, rm_ref, rl_ref, bmu_ref, bls_ref,
              mu_ref, ls_ref):
    o = o0_ref[...] + o1_ref[...]
    den = d0_ref[...] + d1_ref[...]
    den_mu = jnp.dot(den, rm_ref[...], preferred_element_type=jnp.float32)
    den_ls = jnp.dot(den, rl_ref[...], preferred_element_type=jnp.float32)
    mu_ref[...] = o[:, :32] / (den_mu + EPS) + bmu_ref[...]
    ls_ref[...] = o[:, 32:] / (den_ls + EPS) + bls_ref[...]


def kernel(x, edge_index, W1, att_src1, att_dst1, b1, Wmu, att_src_mu,
           att_dst_mu, bmu, Wls, att_src_ls, att_dst_ls, bls):
    N, IN = x.shape
    H, HID = att_src1.shape
    LAT = Wmu.shape[1]
    D1 = H * HID
    E = edge_index.shape[1]

    BLK = 256
    N_sp = ((N + 1 + BLK - 1) // BLK) * BLK
    K1, K2 = 64, 128
    E_tot = E + N
    quant = 4 * NW * max(K1, K2)
    E_pad = ((E_tot + quant - 1) // quant) * quant

    f32 = jnp.float32
    ei = edge_index.astype(jnp.int32)
    loops = jnp.arange(N, dtype=jnp.int32)
    src = jnp.concatenate(
        [ei[0], loops, jnp.zeros((E_pad - E_tot,), jnp.int32)])
    dst = jnp.concatenate(
        [ei[1], loops, jnp.full((E_pad - E_tot,), N, jnp.int32)])
    sdf = jnp.stack([src, dst])
    sd1 = sdf.reshape(2, E_pad // K1, K1).transpose(1, 0, 2)
    sd2 = sdf.reshape(2, E_pad // K2, K2).transpose(1, 0, 2)
    x_pad = jnp.pad(x, ((0, N_sp - N), (0, 0)))

    rows = jnp.arange(D1)
    Avs = jnp.zeros((D1, L), f32).at[rows, rows // HID].set(att_src1.reshape(-1))
    Avd = jnp.zeros((D1, L), f32).at[rows, rows // HID].set(att_dst1.reshape(-1))

    grid = (N_sp // BLK,)
    h_tab, as1, ad1 = pl.pallas_call(
        _tc1_body,
        grid=grid,
        in_specs=[
            pl.BlockSpec((BLK, IN), lambda i: (i, 0)),
            pl.BlockSpec((IN, D1), lambda i: (0, 0)),
            pl.BlockSpec((D1, L), lambda i: (0, 0)),
            pl.BlockSpec((D1, L), lambda i: (0, 0)),
        ],
        out_specs=[
            pl.BlockSpec((BLK, D1), lambda i: (i, 0)),
            pl.BlockSpec((BLK, L), lambda i: (i, 0)),
            pl.BlockSpec((BLK, L), lambda i: (i, 0)),
        ],
        out_shape=[
            jax.ShapeDtypeStruct((N_sp, D1), f32),
            jax.ShapeDtypeStruct((N_sp, L), f32),
            jax.ShapeDtypeStruct((N_sp, L), f32),
        ],
    )(x_pad, W1, Avs, Avd)

    outp1, denp1 = _sc_edge_pass(D1, H, N_sp, E_pad, K1)(h_tab, as1, ad1, sd1)

    R = jnp.repeat(jnp.eye(L, dtype=f32)[:, :H], HID, axis=1)
    S2 = jnp.zeros((2 * LAT, L), f32)
    S2 = S2.at[jnp.arange(LAT), 0].set(att_src_mu[0])
    S2 = S2.at[jnp.arange(LAT) + LAT, 1].set(att_src_ls[0])
    T2 = jnp.zeros((2 * LAT, L), f32)
    T2 = T2.at[jnp.arange(LAT), 0].set(att_dst_mu[0])
    T2 = T2.at[jnp.arange(LAT) + LAT, 1].set(att_dst_ls[0])

    hcat, as2, ad2 = pl.pallas_call(
        _tc2_body,
        grid=grid,
        in_specs=[
            pl.BlockSpec((BLK, D1), lambda i: (i, 0)),
            pl.BlockSpec((BLK, D1), lambda i: (i, 0)),
            pl.BlockSpec((BLK, L), lambda i: (i, 0)),
            pl.BlockSpec((BLK, L), lambda i: (i, 0)),
            pl.BlockSpec((L, D1), lambda i: (0, 0)),
            pl.BlockSpec((1, D1), lambda i: (0, 0)),
            pl.BlockSpec((D1, LAT), lambda i: (0, 0)),
            pl.BlockSpec((D1, LAT), lambda i: (0, 0)),
            pl.BlockSpec((2 * LAT, L), lambda i: (0, 0)),
            pl.BlockSpec((2 * LAT, L), lambda i: (0, 0)),
        ],
        out_specs=[
            pl.BlockSpec((BLK, 2 * LAT), lambda i: (i, 0)),
            pl.BlockSpec((BLK, L), lambda i: (i, 0)),
            pl.BlockSpec((BLK, L), lambda i: (i, 0)),
        ],
        out_shape=[
            jax.ShapeDtypeStruct((N_sp, 2 * LAT), f32),
            jax.ShapeDtypeStruct((N_sp, L), f32),
            jax.ShapeDtypeStruct((N_sp, L), f32),
        ],
    )(outp1[0], outp1[1], denp1[0], denp1[1], R, b1.reshape(1, D1), Wmu, Wls,
      S2, T2)

    outp2, denp2 = _sc_edge_pass(2 * LAT, 2, N_sp, E_pad, K2)(hcat, as2, ad2, sd2)

    Rm = jnp.zeros((L, LAT), f32).at[0].set(1.0)
    Rl = jnp.zeros((L, LAT), f32).at[1].set(1.0)
    mu_pad, ls_pad = pl.pallas_call(
        _tc3_body,
        grid=grid,
        in_specs=[
            pl.BlockSpec((BLK, 2 * LAT), lambda i: (i, 0)),
            pl.BlockSpec((BLK, 2 * LAT), lambda i: (i, 0)),
            pl.BlockSpec((BLK, L), lambda i: (i, 0)),
            pl.BlockSpec((BLK, L), lambda i: (i, 0)),
            pl.BlockSpec((L, LAT), lambda i: (0, 0)),
            pl.BlockSpec((L, LAT), lambda i: (0, 0)),
            pl.BlockSpec((1, LAT), lambda i: (0, 0)),
            pl.BlockSpec((1, LAT), lambda i: (0, 0)),
        ],
        out_specs=[
            pl.BlockSpec((BLK, LAT), lambda i: (i, 0)),
            pl.BlockSpec((BLK, LAT), lambda i: (i, 0)),
        ],
        out_shape=[
            jax.ShapeDtypeStruct((N_sp, LAT), f32),
            jax.ShapeDtypeStruct((N_sp, LAT), f32),
        ],
    )(outp2[0], outp2[1], denp2[0], denp2[1], Rm, Rl, bmu.reshape(1, LAT),
      bls.reshape(1, LAT))

    return (mu_pad[:N], ls_pad[:N])

# --- scband reference (transcript-rebuilt; emitter-appended) ---
"""Pipeline reference for scband-encoder-81140522156752 (READ-ONLY COPY).

The authoritative reference and input builder live on the scoring server;
editing this copy changes nothing except your own understanding.
"""

import jax, jax.numpy as jnp
import numpy as np

NEG_SLOPE = 0.2


def gat_conv(x, edge_index, W, att_src, att_dst, bias, heads, out_ch, concat):
    N = x.shape[0]
    loop = jnp.arange(N, dtype=edge_index.dtype)
    src = jnp.concatenate([edge_index[0], loop])
    dst = jnp.concatenate([edge_index[1], loop])
    h = (x @ W).reshape(N, heads, out_ch)
    a_src = (h * att_src).sum(-1)
    a_dst = (h * att_dst).sum(-1)
    alpha = a_src[src] + a_dst[dst]
    alpha = jax.nn.leaky_relu(alpha, NEG_SLOPE)
    amax = jax.ops.segment_max(alpha, dst, num_segments=N)
    alpha = jnp.exp(alpha - amax[dst])
    denom = jax.ops.segment_sum(alpha, dst, num_segments=N)
    alpha = alpha / (denom[dst] + 1e-16)
    out = jax.ops.segment_sum(h[src] * alpha[:, :, None], dst, num_segments=N)
    if concat:
        out = out.reshape(N, heads * out_ch)
    else:
        out = out.mean(axis=1)
    return out + bias


def setup_inputs(seed: int = 0) -> dict:
    key = jax.random.key(seed)
    ks = jax.random.split(key, 16)
    N, E, IN, HID, LAT, H = 10000, 320000, 128, 32, 32, 4
    x = jax.random.normal(ks[0], (N, IN), dtype=jnp.float32)
    edge_index = jax.random.randint(ks[1], (2, E), 0, N, dtype=jnp.int64)
    s = 0.1
    W1 = jax.random.normal(ks[2], (IN, H * HID), dtype=jnp.float32) * s
    att_src1 = jax.random.normal(ks[3], (H, HID), dtype=jnp.float32) * s
    att_dst1 = jax.random.normal(ks[4], (H, HID), dtype=jnp.float32) * s
    b1 = jnp.zeros((H * HID,), dtype=jnp.float32)
    Wmu = jax.random.normal(ks[5], (H * HID, LAT), dtype=jnp.float32) * s
    att_src_mu = jax.random.normal(ks[6], (1, LAT), dtype=jnp.float32) * s
    att_dst_mu = jax.random.normal(ks[7], (1, LAT), dtype=jnp.float32) * s
    bmu = jnp.zeros((LAT,), dtype=jnp.float32)
    Wls = jax.random.normal(ks[8], (H * HID, LAT), dtype=jnp.float32) * s
    att_src_ls = jax.random.normal(ks[9], (1, LAT), dtype=jnp.float32) * s
    att_dst_ls = jax.random.normal(ks[10], (1, LAT), dtype=jnp.float32) * s
    bls = jnp.zeros((LAT,), dtype=jnp.float32)
    return {"x": x, "edge_index": edge_index, "W1": W1, "att_src1": att_src1,
            "att_dst1": att_dst1, "b1": b1, "Wmu": Wmu, "att_src_mu": att_src_mu,
            "att_dst_mu": att_dst_mu, "bmu": bmu, "Wls": Wls, "att_src_ls": att_src_ls,
            "att_dst_ls": att_dst_ls, "bls": bls}


def reference(x, edge_index, W1, att_src1, att_dst1, b1, Wmu, att_src_mu, att_dst_mu,
              bmu, Wls, att_src_ls, att_dst_ls, bls):
    h = jax.nn.relu(gat_conv(x, edge_index, W1, att_src1, att_dst1, b1, 4, 32, True))
    mu = gat_conv(h, edge_index, Wmu, att_src_mu, att_dst_mu, bmu, 1, 32, False)
    logstd = gat_conv(h, edge_index, Wls, att_src_ls, att_dst_ls, bls, 1, 32, False)
    return (mu, logstd)

if __name__ == "__main__":
    import jax
    _d = setup_inputs()
    print(jax.jit(kernel)(*tuple(_d.values())))

</pallas_src>

<mosaic_0001>
#map = affine_map<(d0, d1) -> (0, 0)>
#map1 = affine_map<(d0, d1) -> (0, 0, 0)>
module attributes {stable_mosaic.version = 14 : i64} {
  func.func @body(%arg0: i32, %arg1: i32, %arg2: memref<10240x64xf32, #tpu.memory_space<hbm>>, %arg3: memref<10240x16xf32, #tpu.memory_space<hbm>>, %arg4: memref<10240x16xf32, #tpu.memory_space<hbm>>, %arg5: memref<2688x2x128xi32, #tpu.memory_space<hbm>>, %arg6: memref<2x10240x64xf32, #tpu.memory_space<hbm>>, %arg7: memref<2x10240x16xf32, #tpu.memory_space<hbm>>, %arg8: memref<2x128xi32, #tpu.memory_space<vmem>>, %arg9: memref<2x128xi32, #tpu.memory_space<vmem>>, %arg10: memref<2x128xi32, #tpu.memory_space<vmem>>, %arg11: memref<2x128xi32, #tpu.memory_space<vmem>>, %arg12: memref<128x16xf32, #tpu.memory_space<vmem>>, %arg13: memref<128x16xf32, #tpu.memory_space<vmem>>, %arg14: memref<128x16xf32, #tpu.memory_space<vmem>>, %arg15: memref<128x16xf32, #tpu.memory_space<vmem>>, %arg16: memref<128x64xf32, #tpu.memory_space<vmem>>, %arg17: memref<128x64xf32, #tpu.memory_space<vmem>>, %arg18: memref<128x16xf32, #tpu.memory_space<vmem>>, %arg19: memref<128x16xf32, #tpu.memory_space<vmem>>, %arg20: memref<64x64xf32, #tpu.memory_space<vmem>>, %arg21: memref<64x16xf32, #tpu.memory_space<vmem>>, %arg22: memref<10240x64xf32, #tpu.memory_space<vmem_shared>>, %arg23: memref<10240x16xf32, #tpu.memory_space<vmem_shared>>, %arg24: memref<!tpu.dma_semaphore, #tpu.memory_space<semaphore_mem>>, %arg25: memref<!tpu.dma_semaphore, #tpu.memory_space<semaphore_mem>>, %arg26: memref<!tpu.dma_semaphore, #tpu.memory_space<semaphore_mem>>, %arg27: memref<!tpu.dma_semaphore, #tpu.memory_space<semaphore_mem>>, %arg28: memref<!tpu.dma_semaphore, #tpu.memory_space<semaphore_mem>>, %arg29: memref<!tpu.dma_semaphore, #tpu.memory_space<semaphore_mem>>, %arg30: memref<!tpu.dma_semaphore, #tpu.memory_space<semaphore_mem>>, %arg31: memref<!tpu.dma_semaphore, #tpu.memory_space<semaphore_mem>>) attributes {dimension_semantics = [#tpu.dimension_semantics<core_parallel>, #tpu.dimension_semantics<subcore_parallel>], iteration_bounds = array<i64: 2, 16>, scalar_prefetch = 0 : i64, scratch_operands = 24 : i64, tpu.core_type = #tpu.core_type<sc_vector_subcore>, window_params = [{transform_indices = #map}, {transform_indices = #map}, {transform_indices = #map}, {transform_indices = #map1}, {transform_indices = #map1}, {transform_indices = #map1}]} {
    %mul3A = arith.constant 16 : i32
    %mul3A_0 = arith.muli %arg0, %mul3A : i32
    %add3A = arith.addi %mul3A_0, %arg1 : i32
    %mul3A_1 = arith.constant 84 : i32
    %mul3A_2 = arith.muli %add3A, %mul3A_1 : i32
    %scan3A = arith.constant 0 : i32
    %scan3A_3 = arith.constant 0 : i32
    %scan3A_4 = arith.constant 64 : i32
    %scan3A_5 = arith.addi %scan3A_3, %scan3A_4 : i32
    %scan3A_6 = arith.constant 1 : i32
    scf.for %scan3A_170 = %scan3A_3 to %scan3A_5 step %scan3A_6  : i32 {
      %broadcast_in_dim3A = arith.constant 0.000000e+00 : f32
      %broadcast_in_dim3A_171 = vector.broadcast %broadcast_in_dim3A : f32 to vector<16xf32>
      %swap3A = arith.index_cast %scan3A_170 : i32 to index
      %swap3A_172 = arith.constant 0 : index
      %swap3A_173 = tpu.vector_load %arg20[%swap3A, %swap3A_172] {strides = array<i32>} : memref<64x64xf32, #tpu.memory_space<vmem>>, vector<1x16xf32>,
      %swap3A_174 = vector.shape_cast %swap3A_173 : vector<1x16xf32> to vector<16xf32>
      %swap3A_175 = vector.shape_cast %broadcast_in_dim3A_171 : vector<16xf32> to vector<1x16xf32>
      tpu.vector_store %arg20[%swap3A, %swap3A_172], %swap3A_175 {strides = array<i32>} : memref<64x64xf32, #tpu.memory_space<vmem>>, vector<1x16xf32>,
      %broadcast_in_dim3A_176 = arith.constant 0.000000e+00 : f32
      %broadcast_in_dim3A_177 = vector.broadcast %broadcast_in_dim3A_176 : f32 to vector<16xf32>
      %swap3A_178 = arith.index_cast %scan3A_170 : i32 to index
      %swap3A_179 = arith.constant 16 : index
      %swap3A_180 = tpu.vector_load %arg20[%swap3A_178, %swap3A_179] {strides = array<i32>} : memref<64x64xf32, #tpu.memory_space<vmem>>, vector<1x16xf32>,
      %swap3A_181 = vector.shape_cast %swap3A_180 : vector<1x16xf32> to vector<16xf32>
      %swap3A_182 = vector.shape_cast %broadcast_in_dim3A_177 : vector<16xf32> to vector<1x16xf32>
      tpu.vector_store %arg20[%swap3A_178, %swap3A_179], %swap3A_182 {strides = array<i32>} : memref<64x64xf32, #tpu.memory_space<vmem>>, vector<1x16xf32>,
      %broadcast_in_dim3A_183 = arith.constant 0.000000e+00 : f32
      %broadcast_in_dim3A_184 = vector.broadcast %broadcast_in_dim3A_183 : f32 to vector<16xf32>
      %swap3A_185 = arith.index_cast %scan3A_170 : i32 to index
      %swap3A_186 = arith.constant 32 : index
      %swap3A_187 = tpu.vector_load %arg20[%swap3A_185, %swap3A_186] {strides = array<i32>} : memref<64x64xf32, #tpu.memory_space<vmem>>, vector<1x16xf32>,
      %swap3A_188 = vector.shape_cast %swap3A_187 : vector<1x16xf32> to vector<16xf32>
      %swap3A_189 = vector.shape_cast %broadcast_in_dim3A_184 : vector<16xf32> to vector<1x16xf32>
      tpu.vector_store %arg20[%swap3A_185, %swap3A_186], %swap3A_189 {strides = array<i32>} : memref<64x64xf32, #tpu.memory_space<vmem>>, vector<1x16xf32>,
      %broadcast_in_dim3A_190 = arith.constant 0.000000e+00 : f32
      %broadcast_in_dim3A_191 = vector.broadcast %broadcast_in_dim3A_190 : f32 to vector<16xf32>
      %swap3A_192 = arith.index_cast %scan3A_170 : i32 to index
      %swap3A_193 = arith.constant 48 : index
      %swap3A_194 = tpu.vector_load %arg20[%swap3A_192, %swap3A_193] {strides = array<i32>} : memref<64x64xf32, #tpu.memory_space<vmem>>, vector<1x16xf32>,
      %swap3A_195 = vector.shape_cast %swap3A_194 : vector<1x16xf32> to vector<16xf32>
      %swap3A_196 = vector.shape_cast %broadcast_in_dim3A_191 : vector<16xf32> to vector<1x16xf32>
      tpu.vector_store %arg20[%swap3A_192, %swap3A_193], %swap3A_196 {strides = array<i32>} : memref<64x64xf32, #tpu.memory_space<vmem>>, vector<1x16xf32>,
      %broadcast_in_dim3A_197 = arith.constant 0.000000e+00 : f32
      %broadcast_in_dim3A_198 = vector.broadcast %broadcast_in_dim3A_197 : f32 to vector<16xf32>
      %swap3A_199 = arith.index_cast %scan3A_170 : i32 to index
      %swap3A_200 = arith.constant 0 : index
      %swap3A_201 = tpu.vector_load %arg21[%swap3A_199, %swap3A_200] {strides = array<i32>} : memref<64x16xf32, #tpu.memory_space<vmem>>, vector<1x16xf32>,
      %swap3A_202 = vector.shape_cast %swap3A_201 : vector<1x16xf32> to vector<16xf32>
      %swap3A_203 = vector.shape_cast %broadcast_in_dim3A_198 : vector<16xf32> to vector<1x16xf32>
      tpu.vector_store %arg21[%swap3A_199, %swap3A_200], %swap3A_203 {strides = array<i32>} : memref<64x16xf32, #tpu.memory_space<vmem>>, vector<1x16xf32>,
    }
    %scan3A_7 = arith.constant 64 : i32
    %mul3A_8 = arith.constant 640 : i32
    %mul3A_9 = arith.muli %arg1, %mul3A_8 : i32
    %add3A_10 = arith.constant 0 : i32
    %add3A_11 = arith.addi %mul3A_9, %add3A_10 : i32
    "tpu.region"() ({
      %run_scoped3A = tpu.sem_alloc : memref<!tpu.dma_semaphore, #tpu.memory_space<semaphore_mem>>
      %dma_start3A_170 = arith.constant 0 : i32
      %dma_start3A_171 = tpu.memref_slice %arg22[%add3A_11, %dma_start3A_170] : memref<10240x64xf32, #tpu.memory_space<vmem_shared>> -> memref<64x64xf32, #tpu.memory_space<vmem_shared>>
      %dma_start3A_172 = arith.constant 0 : i32
      %dma_start3A_173 = tpu.memref_slice %arg22[%add3A_11, %dma_start3A_172] : memref<10240x64xf32, #tpu.memory_space<vmem_shared>> -> memref<64x64xf32, #tpu.memory_space<vmem_shared>>
      tpu.enqueue_dma source(%arg20 : memref<64x64xf32, #tpu.memory_space<vmem>>) target(%dma_start3A_173 : memref<64x64xf32, #tpu.memory_space<vmem_shared>>) target_semaphore(%run_scoped3A : memref<!tpu.dma_semaphore, #tpu.memory_space<semaphore_mem>>)
      %dma_wait3A_174 = arith.constant 0 : i32
      %dma_wait3A_175 = tpu.memref_slice %arg22[%add3A_11, %dma_wait3A_174] : memref<10240x64xf32, #tpu.memory_space<vmem_shared>> -> memref<64x64xf32, #tpu.memory_space<vmem_shared>>
      %dma_wait3A_176 = arith.constant 0 : i32
      %dma_wait3A_177 = tpu.memref_slice %arg22[%add3A_11, %dma_wait3A_176] : memref<10240x64xf32, #tpu.memory_space<vmem_shared>> -> memref<64x64xf32, #tpu.memory_space<vmem_shared>>
      tpu.wait_dma2 semaphore(%run_scoped3A : memref<!tpu.dma_semaphore, #tpu.memory_space<semaphore_mem>>) src(%arg20 : memref<64x64xf32, #tpu.memory_space<vmem>>) dst(%dma_wait3A_177 : memref<64x64xf32, #tpu.memory_space<vmem_shared>>)
      tpu.yield
    }) : () -> ()
    "tpu.region"() ({
      %run_scoped3A = tpu.sem_alloc : memref<!tpu.dma_semaphore, #tpu.memory_space<semaphore_mem>>
      %dma_start3A_170 = arith.constant 0 : i32
      %dma_start3A_171 = tpu.memref_slice %arg23[%add3A_11, %dma_start3A_170] : memref<10240x16xf32, #tpu.memory_space<vmem_shared>> -> memref<64x16xf32, #tpu.memory_space<vmem_shared>>
      %dma_start3A_172 = arith.constant 0 : i32
      %dma_start3A_173 = tpu.memref_slice %arg23[%add3A_11, %dma_start3A_172] : memref<10240x16xf32, #tpu.memory_space<vmem_shared>> -> memref<64x16xf32, #tpu.memory_space<vmem_shared>>
      tpu.enqueue_dma source(%arg21 : memref<64x16xf32, #tpu.memory_space<vmem>>) target(%dma_start3A_173 : memref<64x16xf32, #tpu.memory_space<vmem_shared>>) target_semaphore(%run_scoped3A : memref<!tpu.dma_semaphore, #tpu.memory_space<semaphore_mem>>)
      %dma_wait3A_174 = arith.constant 0 : i32
      %dma_wait3A_175 = tpu.memref_slice %arg23[%add3A_11, %dma_wait3A_174] : memref<10240x16xf32, #tpu.memory_space<vmem_shared>> -> memref<64x16xf32, #tpu.memory_space<vmem_shared>>
      %dma_wait3A_176 = arith.constant 0 : i32
      %dma_wait3A_177 = tpu.memref_slice %arg23[%add3A_11, %dma_wait3A_176] : memref<10240x16xf32, #tpu.memory_space<vmem_shared>> -> memref<64x16xf32, #tpu.memory_space<vmem_shared>>
      tpu.wait_dma2 semaphore(%run_scoped3A : memref<!tpu.dma_semaphore, #tpu.memory_space<semaphore_mem>>) src(%arg21 : memref<64x16xf32, #tpu.memory_space<vmem>>) dst(%dma_wait3A_177 : memref<64x16xf32, #tpu.memory_space<vmem_shared>>)
      tpu.yield
    }) : () -> ()
    %mul3A_12 = arith.constant 640 : i32
    %mul3A_13 = arith.muli %arg1, %mul3A_12 : i32
    %add3A_14 = arith.constant 64 : i32
    %add3A_15 = arith.addi %mul3A_13, %add3A_14 : i32
    "tpu.region"() ({
      %run_scoped3A = tpu.sem_alloc : memref<!tpu.dma_semaphore, #tpu.memory_space<semaphore_mem>>
      %dma_start3A_170 = arith.constant 0 : i32
      %dma_start3A_171 = tpu.memref_slice %arg22[%add3A_15, %dma_start3A_170] : memref<10240x64xf32, #tpu.memory_space<vmem_shared>> -> memref<64x64xf32, #tpu.memory_space<vmem_shared>>
      %dma_start3A_172 = arith.constant 0 : i32
      %dma_start3A_173 = tpu.memref_slice %arg22[%add3A_15, %dma_start3A_172] : memref<10240x64xf32, #tpu.memory_space<vmem_shared>> -> memref<64x64xf32, #tpu.memory_space<vmem_shared>>
      tpu.enqueue_dma source(%arg20 : memref<64x64xf32, #tpu.memory_space<vmem>>) target(%dma_start3A_173 : memref<64x64xf32, #tpu.memory_space<vmem_shared>>) target_semaphore(%run_scoped3A : memref<!tpu.dma_semaphore, #tpu.memory_space<semaphore_mem>>)
      %dma_wait3A_174 = arith.constant 0 : i32
      %dma_wait3A_175 = tpu.memref_slice %arg22[%add3A_15, %dma_wait3A_174] : memref<10240x64xf32, #tpu.memory_space<vmem_shared>> -> memref<64x64xf32, #tpu.memory_space<vmem_shared>>
      %dma_wait3A_176 = arith.constant 0 : i32
      %dma_wait3A_177 = tpu.memref_slice %arg22[%add3A_15, %dma_wait3A_176] : memref<10240x64xf32, #tpu.memory_space<vmem_shared>> -> memref<64x64xf32, #tpu.memory_space<vmem_shared>>
      tpu.wait_dma2 semaphore(%run_scoped3A : memref<!tpu.dma_semaphore, #tpu.memory_space<semaphore_mem>>) src(%arg20 : memref<64x64xf32, #tpu.memory_space<vmem>>) dst(%dma_wait3A_177 : memref<64x64xf32, #tpu.memory_space<vmem_shared>>)
      tpu.yield
    }) : () -> ()
    "tpu.region"() ({
      %run_scoped3A = tpu.sem_alloc : memref<!tpu.dma_semaphore, #tpu.memory_space<semaphore_mem>>
      %dma_start3A_170 = arith.constant 0 : i32
      %dma_start3A_171 = tpu.memref_slice %arg23[%add3A_15, %dma_start3A_170] : memref<10240x16xf32, #tpu.memory_space<vmem_shared>> -> memref<64x16xf32, #tpu.memory_space<vmem_shared>>
      %dma_start3A_172 = arith.constant 0 : i32
      %dma_start3A_173 = tpu.memref_slice %arg23[%add3A_15, %dma_start3A_172] : memref<10240x16xf32, #tpu.memory_space<vmem_shared>> -> memref<64x16xf32, #tpu.memory_space<vmem_shared>>
      tpu.enqueue_dma source(%arg21 : memref<64x16xf32, #tpu.memory_space<vmem>>) target(%dma_start3A_173 : memref<64x16xf32, #tpu.memory_space<vmem_shared>>) target_semaphore(%run_scoped3A : memref<!tpu.dma_semaphore, #tpu.memory_space<semaphore_mem>>)
      %dma_wait3A_174 = arith.constant 0 : i32
      %dma_wait3A_175 = tpu.memref_slice %arg23[%add3A_15, %dma_wait3A_174] : memref<10240x16xf32, #tpu.memory_space<vmem_shared>> -> memref<64x16xf32, #tpu.memory_space<vmem_shared>>
      %dma_wait3A_176 = arith.constant 0 : i32
      %dma_wait3A_177 = tpu.memref_slice %arg23[%add3A_15, %dma_wait3A_176] : memref<10240x16xf32, #tpu.memory_space<vmem_shared>> -> memref<64x16xf32, #tpu.memory_space<vmem_shared>>
      tpu.wait_dma2 semaphore(%run_scoped3A : memref<!tpu.dma_semaphore, #tpu.memory_space<semaphore_mem>>) src(%arg21 : memref<64x16xf32, #tpu.memory_space<vmem>>) dst(%dma_wait3A_177 : memref<64x16xf32, #tpu.memory_space<vmem_shared>>)
      tpu.yield
    }) : () -> ()
    %mul3A_16 = arith.constant 640 : i32
    %mul3A_17 = arith.muli %arg1, %mul3A_16 : i32
    %add3A_18 = arith.constant 128 : i32
    %add3A_19 = arith.addi %mul3A_17, %add3A_18 : i32
    "tpu.region"() ({
      %run_scoped3A = tpu.sem_alloc : memref<!tpu.dma_semaphore, #tpu.memory_space<semaphore_mem>>
      %dma_start3A_170 = arith.constant 0 : i32
      %dma_start3A_171 = tpu.memref_slice %arg22[%add3A_19, %dma_start3A_170] : memref<10240x64xf32, #tpu.memory_space<vmem_shared>> -> memref<64x64xf32, #tpu.memory_space<vmem_shared>>
      %dma_start3A_172 = arith.constant 0 : i32
      %dma_start3A_173 = tpu.memref_slice %arg22[%add3A_19, %dma_start3A_172] : memref<10240x64xf32, #tpu.memory_space<vmem_shared>> -> memref<64x64xf32, #tpu.memory_space<vmem_shared>>
      tpu.enqueue_dma source(%arg20 : memref<64x64xf32, #tpu.memory_space<vmem>>) target(%dma_start3A_173 : memref<64x64xf32, #tpu.memory_space<vmem_shared>>) target_semaphore(%run_scoped3A : memref<!tpu.dma_semaphore, #tpu.memory_space<semaphore_mem>>)
      %dma_wait3A_174 = arith.constant 0 : i32
      %dma_wait3A_175 = tpu.memref_slice %arg22[%add3A_19, %dma_wait3A_174] : memref<10240x64xf32, #tpu.memory_space<vmem_shared>> -> memref<64x64xf32, #tpu.memory_space<vmem_shared>>
      %dma_wait3A_176 = arith.constant 0 : i32
      %dma_wait3A_177 = tpu.memref_slice %arg22[%add3A_19, %dma_wait3A_176] : memref<10240x64xf32, #tpu.memory_space<vmem_shared>> -> memref<64x64xf32, #tpu.memory_space<vmem_shared>>
      tpu.wait_dma2 semaphore(%run_scoped3A : memref<!tpu.dma_semaphore, #tpu.memory_space<semaphore_mem>>) src(%arg20 : memref<64x64xf32, #tpu.memory_space<vmem>>) dst(%dma_wait3A_177 : memref<64x64xf32, #tpu.memory_space<vmem_shared>>)
      tpu.yield
    }) : () -> ()
    "tpu.region"() ({
      %run_scoped3A = tpu.sem_alloc : memref<!tpu.dma_semaphore, #tpu.memory_space<semaphore_mem>>
      %dma_start3A_170 = arith.constant 0 : i32
      %dma_start3A_171 = tpu.memref_slice %arg23[%add3A_19, %dma_start3A_170] : memref<10240x16xf32, #tpu.memory_space<vmem_shared>> -> memref<64x16xf32, #tpu.memory_space<vmem_shared>>
      %dma_start3A_172 = arith.constant 0 : i32
      %dma_start3A_173 = tpu.memref_slice %arg23[%add3A_19, %dma_start3A_172] : memref<10240x16xf32, #tpu.memory_space<vmem_shared>> -> memref<64x16xf32, #tpu.memory_space<vmem_shared>>
      tpu.enqueue_dma source(%arg21 : memref<64x16xf32, #tpu.memory_space<vmem>>) target(%dma_start3A_173 : memref<64x16xf32, #tpu.memory_space<vmem_shared>>) target_semaphore(%run_scoped3A : memref<!tpu.dma_semaphore, #tpu.memory_space<semaphore_mem>>)
      %dma_wait3A_174 = arith.constant 0 : i32
      %dma_wait3A_175 = tpu.memref_slice %arg23[%add3A_19, %dma_wait3A_174] : memref<10240x16xf32, #tpu.memory_space<vmem_shared>> -> memref<64x16xf32, #tpu.memory_space<vmem_shared>>
      %dma_wait3A_176 = arith.constant 0 : i32
      %dma_wait3A_177 = tpu.memref_slice %arg23[%add3A_19, %dma_wait3A_176] : memref<10240x16xf32, #tpu.memory_space<vmem_shared>> -> memref<64x16xf32, #tpu.memory_space<vmem_shared>>
      tpu.wait_dma2 semaphore(%run_scoped3A : memref<!tpu.dma_semaphore, #tpu.memory_space<semaphore_mem>>) src(%arg21 : memref<64x16xf32, #tpu.memory_space<vmem>>) dst(%dma_wait3A_177 : memref<64x16xf32, #tpu.memory_space<vmem_shared>>)
      tpu.yield
    }) : () -> ()
    %mul3A_20 = arith.constant 640 : i32
    %mul3A_21 = arith.muli %arg1, %mul3A_20 : i32
    %add3A_22 = arith.constant 192 : i32
    %add3A_23 = arith.addi %mul3A_21, %add3A_22 : i32
    "tpu.region"() ({
      %run_scoped3A = tpu.sem_alloc : memref<!tpu.dma_semaphore, #tpu.memory_space<semaphore_mem>>
      %dma_start3A_170 = arith.constant 0 : i32
      %dma_start3A_171 = tpu.memref_slice %arg22[%add3A_23, %dma_start3A_170] : memref<10240x64xf32, #tpu.memory_space<vmem_shared>> -> memref<64x64xf32, #tpu.memory_space<vmem_shared>>
      %dma_start3A_172 = arith.constant 0 : i32
      %dma_start3A_173 = tpu.memref_slice %arg22[%add3A_23, %dma_start3A_172] : memref<10240x64xf32, #tpu.memory_space<vmem_shared>> -> memref<64x64xf32, #tpu.memory_space<vmem_shared>>
      tpu.enqueue_dma source(%arg20 : memref<64x64xf32, #tpu.memory_space<vmem>>) target(%dma_start3A_173 : memref<64x64xf32, #tpu.memory_space<vmem_shared>>) target_semaphore(%run_scoped3A : memref<!tpu.dma_semaphore, #tpu.memory_space<semaphore_mem>>)
      %dma_wait3A_174 = arith.constant 0 : i32
      %dma_wait3A_175 = tpu.memref_slice %arg22[%add3A_23, %dma_wait3A_174] : memref<10240x64xf32, #tpu.memory_space<vmem_shared>> -> memref<64x64xf32, #tpu.memory_space<vmem_shared>>
      %dma_wait3A_176 = arith.constant 0 : i32
      %dma_wait3A_177 = tpu.memref_slice %arg22[%add3A_23, %dma_wait3A_176] : memref<10240x64xf32, #tpu.memory_space<vmem_shared>> -> memref<64x64xf32, #tpu.memory_space<vmem_shared>>
      tpu.wait_dma2 semaphore(%run_scoped3A : memref<!tpu.dma_semaphore, #tpu.memory_space<semaphore_mem>>) src(%arg20 : memref<64x64xf32, #tpu.memory_space<vmem>>) dst(%dma_wait3A_177 : memref<64x64xf32, #tpu.memory_space<vmem_shared>>)
      tpu.yield
    }) : () -> ()
    "tpu.region"() ({
      %run_scoped3A = tpu.sem_alloc : memref<!tpu.dma_semaphore, #tpu.memory_space<semaphore_mem>>
      %dma_start3A_170 = arith.constant 0 : i32
      %dma_start3A_171 = tpu.memref_slice %arg23[%add3A_23, %dma_start3A_170] : memref<10240x16xf32, #tpu.memory_space<vmem_shared>> -> memref<64x16xf32, #tpu.memory_space<vmem_shared>>
      %dma_start3A_172 = arith.constant 0 : i32
      %dma_start3A_173 = tpu.memref_slice %arg23[%add3A_23, %dma_start3A_172] : memref<10240x16xf32, #tpu.memory_space<vmem_shared>> -> memref<64x16xf32, #tpu.memory_space<vmem_shared>>
      tpu.enqueue_dma source(%arg21 : memref<64x16xf32, #tpu.memory_space<vmem>>) target(%dma_start3A_173 : memref<64x16xf32, #tpu.memory_space<vmem_shared>>) target_semaphore(%run_scoped3A : memref<!tpu.dma_semaphore, #tpu.memory_space<semaphore_mem>>)
      %dma_wait3A_174 = arith.constant 0 : i32
      %dma_wait3A_175 = tpu.memref_slice %arg23[%add3A_23, %dma_wait3A_174] : memref<10240x16xf32, #tpu.memory_space<vmem_shared>> -> memref<64x16xf32, #tpu.memory_space<vmem_shared>>
      %dma_wait3A_176 = arith.constant 0 : i32
      %dma_wait3A_177 = tpu.memref_slice %arg23[%add3A_23, %dma_wait3A_176] : memref<10240x16xf32, #tpu.memory_space<vmem_shared>> -> memref<64x16xf32, #tpu.memory_space<vmem_shared>>
      tpu.wait_dma2 semaphore(%run_scoped3A : memref<!tpu.dma_semaphore, #tpu.memory_space<semaphore_mem>>) src(%arg21 : memref<64x16xf32, #tpu.memory_space<vmem>>) dst(%dma_wait3A_177 : memref<64x16xf32, #tpu.memory_space<vmem_shared>>)
      tpu.yield
    }) : () -> ()
    %mul3A_24 = arith.constant 640 : i32
    %mul3A_25 = arith.muli %arg1, %mul3A_24 : i32
    %add3A_26 = arith.constant 256 : i32
    %add3A_27 = arith.addi %mul3A_25, %add3A_26 : i32
    "tpu.region"() ({
      %run_scoped3A = tpu.sem_alloc : memref<!tpu.dma_semaphore, #tpu.memory_space<semaphore_mem>>
      %dma_start3A_170 = arith.constant 0 : i32
      %dma_start3A_171 = tpu.memref_slice %arg22[%add3A_27, %dma_start3A_170] : memref<10240x64xf32, #tpu.memory_space<vmem_shared>> -> memref<64x64xf32, #tpu.memory_space<vmem_shared>>
      %dma_start3A_172 = arith.constant 0 : i32
      %dma_start3A_173 = tpu.memref_slice %arg22[%add3A_27, %dma_start3A_172] : memref<10240x64xf32, #tpu.memory_space<vmem_shared>> -> memref<64x64xf32, #tpu.memory_space<vmem_shared>>
      tpu.enqueue_dma source(%arg20 : memref<64x64xf32, #tpu.memory_space<vmem>>) target(%dma_start3A_173 : memref<64x64xf32, #tpu.memory_space<vmem_shared>>) target_semaphore(%run_scoped3A : memref<!tpu.dma_semaphore, #tpu.memory_space<semaphore_mem>>)
      %dma_wait3A_174 = arith.constant 0 : i32
      %dma_wait3A_175 = tpu.memref_slice %arg22[%add3A_27, %dma_wait3A_174] : memref<10240x64xf32, #tpu.memory_space<vmem_shared>> -> memref<64x64xf32, #tpu.memory_space<vmem_shared>>
      %dma_wait3A_176 = arith.constant 0 : i32
      %dma_wait3A_177 = tpu.memref_slice %arg22[%add3A_27, %dma_wait3A_176] : memref<10240x64xf32, #tpu.memory_space<vmem_shared>> -> memref<64x64xf32, #tpu.memory_space<vmem_shared>>
      tpu.wait_dma2 semaphore(%run_scoped3A : memref<!tpu.dma_semaphore, #tpu.memory_space<semaphore_mem>>) src(%arg20 : memref<64x64xf32, #tpu.memory_space<vmem>>) dst(%dma_wait3A_177 : memref<64x64xf32, #tpu.memory_space<vmem_shared>>)
      tpu.yield
    }) : () -> ()
    "tpu.region"() ({
      %run_scoped3A = tpu.sem_alloc : memref<!tpu.dma_semaphore, #tpu.memory_space<semaphore_mem>>
      %dma_start3A_170 = arith.constant 0 : i32
      %dma_start3A_171 = tpu.memref_slice %arg23[%add3A_27, %dma_start3A_170] : memref<10240x16xf32, #tpu.memory_space<vmem_shared>> -> memref<64x16xf32, #tpu.memory_space<vmem_shared>>
      %dma_start3A_172 = arith.constant 0 : i32
      %dma_start3A_173 = tpu.memref_slice %arg23[%add3A_27, %dma_start3A_172] : memref<10240x16xf32, #tpu.memory_space<vmem_shared>> -> memref<64x16xf32, #tpu.memory_space<vmem_shared>>
      tpu.enqueue_dma source(%arg21 : memref<64x16xf32, #tpu.memory_space<vmem>>) target(%dma_start3A_173 : memref<64x16xf32, #tpu.memory_space<vmem_shared>>) target_semaphore(%run_scoped3A : memref<!tpu.dma_semaphore, #tpu.memory_space<semaphore_mem>>)
      %dma_wait3A_174 = arith.constant 0 : i32
      %dma_wait3A_175 = tpu.memref_slice %arg23[%add3A_27, %dma_wait3A_174] : memref<10240x16xf32, #tpu.memory_space<vmem_shared>> -> memref<64x16xf32, #tpu.memory_space<vmem_shared>>
      %dma_wait3A_176 = arith.constant 0 : i32
      %dma_wait3A_177 = tpu.memref_slice %arg23[%add3A_27, %dma_wait3A_176] : memref<10240x16xf32, #tpu.memory_space<vmem_shared>> -> memref<64x16xf32, #tpu.memory_space<vmem_shared>>
      tpu.wait_dma2 semaphore(%run_scoped3A : memref<!tpu.dma_semaphore, #tpu.memory_space<semaphore_mem>>) src(%arg21 : memref<64x16xf32, #tpu.memory_space<vmem>>) dst(%dma_wait3A_177 : memref<64x16xf32, #tpu.memory_space<vmem_shared>>)
      tpu.yield
    }) : () -> ()
    %mul3A_28 = arith.constant 640 : i32
    %mul3A_29 = arith.muli %arg1, %mul3A_28 : i32
    %add3A_30 = arith.constant 320 : i32
    %add3A_31 = arith.addi %mul3A_29, %add3A_30 : i32
    "tpu.region"() ({
      %run_scoped3A = tpu.sem_alloc : memref<!tpu.dma_semaphore, #tpu.memory_space<semaphore_mem>>
      %dma_start3A_170 = arith.constant 0 : i32
      %dma_start3A_171 = tpu.memref_slice %arg22[%add3A_31, %dma_start3A_170] : memref<10240x64xf32, #tpu.memory_space<vmem_shared>> -> memref<64x64xf32, #tpu.memory_space<vmem_shared>>
      %dma_start3A_172 = arith.constant 0 : i32
      %dma_start3A_173 = tpu.memref_slice %arg22[%add3A_31, %dma_start3A_172] : memref<10240x64xf32, #tpu.memory_space<vmem_shared>> -> memref<64x64xf32, #tpu.memory_space<vmem_shared>>
      tpu.enqueue_dma source(%arg20 : memref<64x64xf32, #tpu.memory_space<vmem>>) target(%dma_start3A_173 : memref<64x64xf32, #tpu.memory_space<vmem_shared>>) target_semaphore(%run_scoped3A : memref<!tpu.dma_semaphore, #tpu.memory_space<semaphore_mem>>)
      %dma_wait3A_174 = arith.constant 0 : i32
      %dma_wait3A_175 = tpu.memref_slice %arg22[%add3A_31, %dma_wait3A_174] : memref<10240x64xf32, #tpu.memory_space<vmem_shared>> -> memref<64x64xf32, #tpu.memory_space<vmem_shared>>
      %dma_wait3A_176 = arith.constant 0 : i32
      %dma_wait3A_177 = tpu.memref_slice %arg22[%add3A_31, %dma_wait3A_176] : memref<10240x64xf32, #tpu.memory_space<vmem_shared>> -> memref<64x64xf32, #tpu.memory_space<vmem_shared>>
      tpu.wait_dma2 semaphore(%run_scoped3A : memref<!tpu.dma_semaphore, #tpu.memory_space<semaphore_mem>>) src(%arg20 : memref<64x64xf32, #tpu.memory_space<vmem>>) dst(%dma_wait3A_177 : memref<64x64xf32, #tpu.memory_space<vmem_shared>>)
      tpu.yield
    }) : () -> ()
    "tpu.region"() ({
      %run_scoped3A = tpu.sem_alloc : memref<!tpu.dma_semaphore, #tpu.memory_space<semaphore_mem>>
      %dma_start3A_170 = arith.constant 0 : i32
      %dma_start3A_171 = tpu.memref_slice %arg23[%add3A_31, %dma_start3A_170] : memref<10240x16xf32, #tpu.memory_space<vmem_shared>> -> memref<64x16xf32, #tpu.memory_space<vmem_shared>>
      %dma_start3A_172 = arith.constant 0 : i32
      %dma_start3A_173 = tpu.memref_slice %arg23[%add3A_31, %dma_start3A_172] : memref<10240x16xf32, #tpu.memory_space<vmem_shared>> -> memref<64x16xf32, #tpu.memory_space<vmem_shared>>
      tpu.enqueue_dma source(%arg21 : memref<64x16xf32, #tpu.memory_space<vmem>>) target(%dma_start3A_173 : memref<64x16xf32, #tpu.memory_space<vmem_shared>>) target_semaphore(%run_scoped3A : memref<!tpu.dma_semaphore, #tpu.memory_space<semaphore_mem>>)
      %dma_wait3A_174 = arith.constant 0 : i32
      %dma_wait3A_175 = tpu.memref_slice %arg23[%add3A_31, %dma_wait3A_174] : memref<10240x16xf32, #tpu.memory_space<vmem_shared>> -> memref<64x16xf32, #tpu.memory_space<vmem_shared>>
      %dma_wait3A_176 = arith.constant 0 : i32
      %dma_wait3A_177 = tpu.memref_slice %arg23[%add3A_31, %dma_wait3A_176] : memref<10240x16xf32, #tpu.memory_space<vmem_shared>> -> memref<64x16xf32, #tpu.memory_space<vmem_shared>>
      tpu.wait_dma2 semaphore(%run_scoped3A : memref<!tpu.dma_semaphore, #tpu.memory_space<semaphore_mem>>) src(%arg21 : memref<64x16xf32, #tpu.memory_space<vmem>>) dst(%dma_wait3A_177 : memref<64x16xf32, #tpu.memory_space<vmem_shared>>)
      tpu.yield
    }) : () -> ()
    %mul3A_32 = arith.constant 640 : i32
    %mul3A_33 = arith.muli %arg1, %mul3A_32 : i32
    %add3A_34 = arith.constant 384 : i32
    %add3A_35 = arith.addi %mul3A_33, %add3A_34 : i32
    "tpu.region"() ({
      %run_scoped3A = tpu.sem_alloc : memref<!tpu.dma_semaphore, #tpu.memory_space<semaphore_mem>>
      %dma_start3A_170 = arith.constant 0 : i32
      %dma_start3A_171 = tpu.memref_slice %arg22[%add3A_35, %dma_start3A_170] : memref<10240x64xf32, #tpu.memory_space<vmem_shared>> -> memref<64x64xf32, #tpu.memory_space<vmem_shared>>
      %dma_start3A_172 = arith.constant 0 : i32
      %dma_start3A_173 = tpu.memref_slice %arg22[%add3A_35, %dma_start3A_172] : memref<10240x64xf32, #tpu.memory_space<vmem_shared>> -> memref<64x64xf32, #tpu.memory_space<vmem_shared>>
      tpu.enqueue_dma source(%arg20 : memref<64x64xf32, #tpu.memory_space<vmem>>) target(%dma_start3A_173 : memref<64x64xf32, #tpu.memory_space<vmem_shared>>) target_semaphore(%run_scoped3A : memref<!tpu.dma_semaphore, #tpu.memory_space<semaphore_mem>>)
      %dma_wait3A_174 = arith.constant 0 : i32
      %dma_wait3A_175 = tpu.memref_slice %arg22[%add3A_35, %dma_wait3A_174] : memref<10240x64xf32, #tpu.memory_space<vmem_shared>> -> memref<64x64xf32, #tpu.memory_space<vmem_shared>>
      %dma_wait3A_176 = arith.constant 0 : i32
      %dma_wait3A_177 = tpu.memref_slice %arg22[%add3A_35, %dma_wait3A_176] : memref<10240x64xf32, #tpu.memory_space<vmem_shared>> -> memref<64x64xf32, #tpu.memory_space<vmem_shared>>
      tpu.wait_dma2 semaphore(%run_scoped3A : memref<!tpu.dma_semaphore, #tpu.memory_space<semaphore_mem>>) src(%arg20 : memref<64x64xf32, #tpu.memory_space<vmem>>) dst(%dma_wait3A_177 : memref<64x64xf32, #tpu.memory_space<vmem_shared>>)
      tpu.yield
    }) : () -> ()
    "tpu.region"() ({
      %run_scoped3A = tpu.sem_alloc : memref<!tpu.dma_semaphore, #tpu.memory_space<semaphore_mem>>
      %dma_start3A_170 = arith.constant 0 : i32
      %dma_start3A_171 = tpu.memref_slice %arg23[%add3A_35, %dma_start3A_170] : memref<10240x16xf32, #tpu.memory_space<vmem_shared>> -> memref<64x16xf32, #tpu.memory_space<vmem_shared>>
      %dma_start3A_172 = arith.constant 0 : i32
      %dma_start3A_173 = tpu.memref_slice %arg23[%add3A_35, %dma_start3A_172] : memref<10240x16xf32, #tpu.memory_space<vmem_shared>> -> memref<64x16xf32, #tpu.memory_space<vmem_shared>>
      tpu.enqueue_dma source(%arg21 : memref<64x16xf32, #tpu.memory_space<vmem>>) target(%dma_start3A_173 : memref<64x16xf32, #tpu.memory_space<vmem_shared>>) target_semaphore(%run_scoped3A : memref<!tpu.dma_semaphore, #tpu.memory_space<semaphore_mem>>)
      %dma_wait3A_174 = arith.constant 0 : i32
      %dma_wait3A_175 = tpu.memref_slice %arg23[%add3A_35, %dma_wait3A_174] : memref<10240x16xf32, #tpu.memory_space<vmem_shared>> -> memref<64x16xf32, #tpu.memory_space<vmem_shared>>
      %dma_wait3A_176 = arith.constant 0 : i32
      %dma_wait3A_177 = tpu.memref_slice %arg23[%add3A_35, %dma_wait3A_176] : memref<10240x16xf32, #tpu.memory_space<vmem_shared>> -> memref<64x16xf32, #tpu.memory_space<vmem_shared>>
      tpu.wait_dma2 semaphore(%run_scoped3A : memref<!tpu.dma_semaphore, #tpu.memory_space<semaphore_mem>>) src(%arg21 : memref<64x16xf32, #tpu.memory_space<vmem>>) dst(%dma_wait3A_177 : memref<64x16xf32, #tpu.memory_space<vmem_shared>>)
      tpu.yield
    }) : () -> ()
    %mul3A_36 = arith.constant 640 : i32
    %mul3A_37 = arith.muli %arg1, %mul3A_36 : i32
    %add3A_38 = arith.constant 448 : i32
    %add3A_39 = arith.addi %mul3A_37, %add3A_38 : i32
    "tpu.region"() ({
      %run_scoped3A = tpu.sem_alloc : memref<!tpu.dma_semaphore, #tpu.memory_space<semaphore_mem>>
      %dma_start3A_170 = arith.constant 0 : i32
      %dma_start3A_171 = tpu.memref_slice %arg22[%add3A_39, %dma_start3A_170] : memref<10240x64xf32, #tpu.memory_space<vmem_shared>> -> memref<64x64xf32, #tpu.memory_space<vmem_shared>>
      %dma_start3A_172 = arith.constant 0 : i32
      %dma_start3A_173 = tpu.memref_slice %arg22[%add3A_39, %dma_start3A_172] : memref<10240x64xf32, #tpu.memory_space<vmem_shared>> -> memref<64x64xf32, #tpu.memory_space<vmem_shared>>
      tpu.enqueue_dma source(%arg20 : memref<64x64xf32, #tpu.memory_space<vmem>>) target(%dma_start3A_173 : memref<64x64xf32, #tpu.memory_space<vmem_shared>>) target_semaphore(%run_scoped3A : memref<!tpu.dma_semaphore, #tpu.memory_space<semaphore_mem>>)
      %dma_wait3A_174 = arith.constant 0 : i32
      %dma_wait3A_175 = tpu.memref_slice %arg22[%add3A_39, %dma_wait3A_174] : memref<10240x64xf32, #tpu.memory_space<vmem_shared>> -> memref<64x64xf32, #tpu.memory_space<vmem_shared>>
      %dma_wait3A_176 = arith.constant 0 : i32
      %dma_wait3A_177 = tpu.memref_slice %arg22[%add3A_39, %dma_wait3A_176] : memref<10240x64xf32, #tpu.memory_space<vmem_shared>> -> memref<64x64xf32, #tpu.memory_space<vmem_shared>>
      tpu.wait_dma2 semaphore(%run_scoped3A : memref<!tpu.dma_semaphore, #tpu.memory_space<semaphore_mem>>) src(%arg20 : memref<64x64xf32, #tpu.memory_space<vmem>>) dst(%dma_wait3A_177 : memref<64x64xf32, #tpu.memory_space<vmem_shared>>)
      tpu.yield
    }) : () -> ()
    "tpu.region"() ({
      %run_scoped3A = tpu.sem_alloc : memref<!tpu.dma_semaphore, #tpu.memory_space<semaphore_mem>>
      %dma_start3A_170 = arith.constant 0 : i32
      %dma_start3A_171 = tpu.memref_slice %arg23[%add3A_39, %dma_start3A_170] : memref<10240x16xf32, #tpu.memory_space<vmem_shared>> -> memref<64x16xf32, #tpu.memory_space<vmem_shared>>
      %dma_start3A_172 = arith.constant 0 : i32
      %dma_start3A_173 = tpu.memref_slice %arg23[%add3A_39, %dma_start3A_172] : memref<10240x16xf32, #tpu.memory_space<vmem_shared>> -> memref<64x16xf32, #tpu.memory_space<vmem_shared>>
      tpu.enqueue_dma source(%arg21 : memref<64x16xf32, #tpu.memory_space<vmem>>) target(%dma_start3A_173 : memref<64x16xf32, #tpu.memory_space<vmem_shared>>) target_semaphore(%run_scoped3A : memref<!tpu.dma_semaphore, #tpu.memory_space<semaphore_mem>>)
      %dma_wait3A_174 = arith.constant 0 : i32
      %dma_wait3A_175 = tpu.memref_slice %arg23[%add3A_39, %dma_wait3A_174] : memref<10240x16xf32, #tpu.memory_space<vmem_shared>> -> memref<64x16xf32, #tpu.memory_space<vmem_shared>>
      %dma_wait3A_176 = arith.constant 0 : i32
      %dma_wait3A_177 = tpu.memref_slice %arg23[%add3A_39, %dma_wait3A_176] : memref<10240x16xf32, #tpu.memory_space<vmem_shared>> -> memref<64x16xf32, #tpu.memory_space<vmem_shared>>
      tpu.wait_dma2 semaphore(%run_scoped3A : memref<!tpu.dma_semaphore, #tpu.memory_space<semaphore_mem>>) src(%arg21 : memref<64x16xf32, #tpu.memory_space<vmem>>) dst(%dma_wait3A_177 : memref<64x16xf32, #tpu.memory_space<vmem_shared>>)
      tpu.yield
    }) : () -> ()
    %mul3A_40 = arith.constant 640 : i32
    %mul3A_41 = arith.muli %arg1, %mul3A_40 : i32
    %add3A_42 = arith.constant 512 : i32
    %add3A_43 = arith.addi %mul3A_41, %add3A_42 : i32
    "tpu.region"() ({
      %run_scoped3A = tpu.sem_alloc : memref<!tpu.dma_semaphore, #tpu.memory_space<semaphore_mem>>
      %dma_start3A_170 = arith.constant 0 : i32
      %dma_start3A_171 = tpu.memref_slice %arg22[%add3A_43, %dma_start3A_170] : memref<10240x64xf32, #tpu.memory_space<vmem_shared>> -> memref<64x64xf32, #tpu.memory_space<vmem_shared>>
      %dma_start3A_172 = arith.constant 0 : i32
      %dma_start3A_173 = tpu.memref_slice %arg22[%add3A_43, %dma_start3A_172] : memref<10240x64xf32, #tpu.memory_space<vmem_shared>> -> memref<64x64xf32, #tpu.memory_space<vmem_shared>>
      tpu.enqueue_dma source(%arg20 : memref<64x64xf32, #tpu.memory_space<vmem>>) target(%dma_start3A_173 : memref<64x64xf32, #tpu.memory_space<vmem_shared>>) target_semaphore(%run_scoped3A : memref<!tpu.dma_semaphore, #tpu.memory_space<semaphore_mem>>)
      %dma_wait3A_174 = arith.constant 0 : i32
      %dma_wait3A_175 = tpu.memref_slice %arg22[%add3A_43, %dma_wait3A_174] : memref<10240x64xf32, #tpu.memory_space<vmem_shared>> -> memref<64x64xf32, #tpu.memory_space<vmem_shared>>
      %dma_wait3A_176 = arith.constant 0 : i32
      %dma_wait3A_177 = tpu.memref_slice %arg22[%add3A_43, %dma_wait3A_176] : memref<10240x64xf32, #tpu.memory_space<vmem_shared>> -> memref<64x64xf32, #tpu.memory_space<vmem_shared>>
      tpu.wait_dma2 semaphore(%run_scoped3A : memref<!tpu.dma_semaphore, #tpu.memory_space<semaphore_mem>>) src(%arg20 : memref<64x64xf32, #tpu.memory_space<vmem>>) dst(%dma_wait3A_177 : memref<64x64xf32, #tpu.memory_space<vmem_shared>>)
      tpu.yield
    }) : () -> ()
    "tpu.region"() ({
      %run_scoped3A = tpu.sem_alloc : memref<!tpu.dma_semaphore, #tpu.memory_space<semaphore_mem>>
      %dma_start3A_170 = arith.constant 0 : i32
      %dma_start3A_171 = tpu.memref_slice %arg23[%add3A_43, %dma_start3A_170] : memref<10240x16xf32, #tpu.memory_space<vmem_shared>> -> memref<64x16xf32, #tpu.memory_space<vmem_shared>>
      %dma_start3A_172 = arith.constant 0 : i32
      %dma_start3A_173 = tpu.memref_slice %arg23[%add3A_43, %dma_start3A_172] : memref<10240x16xf32, #tpu.memory_space<vmem_shared>> -> memref<64x16xf32, #tpu.memory_space<vmem_shared>>
      tpu.enqueue_dma source(%arg21 : memref<64x16xf32, #tpu.memory_space<vmem>>) target(%dma_start3A_173 : memref<64x16xf32, #tpu.memory_space<vmem_shared>>) target_semaphore(%run_scoped3A : memref<!tpu.dma_semaphore, #tpu.memory_space<semaphore_mem>>)
      %dma_wait3A_174 = arith.constant 0 : i32
      %dma_wait3A_175 = tpu.memref_slice %arg23[%add3A_43, %dma_wait3A_174] : memref<10240x16xf32, #tpu.memory_space<vmem_shared>> -> memref<64x16xf32, #tpu.memory_space<vmem_shared>>
      %dma_wait3A_176 = arith.constant 0 : i32
      %dma_wait3A_177 = tpu.memref_slice %arg23[%add3A_43, %dma_wait3A_176] : memref<10240x16xf32, #tpu.memory_space<vmem_shared>> -> memref<64x16xf32, #tpu.memory_space<vmem_shared>>
      tpu.wait_dma2 semaphore(%run_scoped3A : memref<!tpu.dma_semaphore, #tpu.memory_space<semaphore_mem>>) src(%arg21 : memref<64x16xf32, #tpu.memory_space<vmem>>) dst(%dma_wait3A_177 : memref<64x16xf32, #tpu.memory_space<vmem_shared>>)
      tpu.yield
    }) : () -> ()
    %mul3A_44 = arith.constant 640 : i32
    %mul3A_45 = arith.muli %arg1, %mul3A_44 : i32
    %add3A_46 = arith.constant 576 : i32
    %add3A_47 = arith.addi %mul3A_45, %add3A_46 : i32
    "tpu.region"() ({
      %run_scoped3A = tpu.sem_alloc : memref<!tpu.dma_semaphore, #tpu.memory_space<semaphore_mem>>
      %dma_start3A_170 = arith.constant 0 : i32
      %dma_start3A_171 = tpu.memref_slice %arg22[%add3A_47, %dma_start3A_170] : memref<10240x64xf32, #tpu.memory_space<vmem_shared>> -> memref<64x64xf32, #tpu.memory_space<vmem_shared>>
      %dma_start3A_172 = arith.constant 0 : i32
      %dma_start3A_173 = tpu.memref_slice %arg22[%add3A_47, %dma_start3A_172] : memref<10240x64xf32, #tpu.memory_space<vmem_shared>> -> memref<64x64xf32, #tpu.memory_space<vmem_shared>>
      tpu.enqueue_dma source(%arg20 : memref<64x64xf32, #tpu.memory_space<vmem>>) target(%dma_start3A_173 : memref<64x64xf32, #tpu.memory_space<vmem_shared>>) target_semaphore(%run_scoped3A : memref<!tpu.dma_semaphore, #tpu.memory_space<semaphore_mem>>)
      %dma_wait3A_174 = arith.constant 0 : i32
      %dma_wait3A_175 = tpu.memref_slice %arg22[%add3A_47, %dma_wait3A_174] : memref<10240x64xf32, #tpu.memory_space<vmem_shared>> -> memref<64x64xf32, #tpu.memory_space<vmem_shared>>
      %dma_wait3A_176 = arith.constant 0 : i32
      %dma_wait3A_177 = tpu.memref_slice %arg22[%add3A_47, %dma_wait3A_176] : memref<10240x64xf32, #tpu.memory_space<vmem_shared>> -> memref<64x64xf32, #tpu.memory_space<vmem_shared>>
      tpu.wait_dma2 semaphore(%run_scoped3A : memref<!tpu.dma_semaphore, #tpu.memory_space<semaphore_mem>>) src(%arg20 : memref<64x64xf32, #tpu.memory_space<vmem>>) dst(%dma_wait3A_177 : memref<64x64xf32, #tpu.memory_space<vmem_shared>>)
      tpu.yield
    }) : () -> ()
    "tpu.region"() ({
      %run_scoped3A = tpu.sem_alloc : memref<!tpu.dma_semaphore, #tpu.memory_space<semaphore_mem>>
      %dma_start3A_170 = arith.constant 0 : i32
      %dma_start3A_171 = tpu.memref_slice %arg23[%add3A_47, %dma_start3A_170] : memref<10240x16xf32, #tpu.memory_space<vmem_shared>> -> memref<64x16xf32, #tpu.memory_space<vmem_shared>>
      %dma_start3A_172 = arith.constant 0 : i32
      %dma_start3A_173 = tpu.memref_slice %arg23[%add3A_47, %dma_start3A_172] : memref<10240x16xf32, #tpu.memory_space<vmem_shared>> -> memref<64x16xf32, #tpu.memory_space<vmem_shared>>
      tpu.enqueue_dma source(%arg21 : memref<64x16xf32, #tpu.memory_space<vmem>>) target(%dma_start3A_173 : memref<64x16xf32, #tpu.memory_space<vmem_shared>>) target_semaphore(%run_scoped3A : memref<!tpu.dma_semaphore, #tpu.memory_space<semaphore_mem>>)
      %dma_wait3A_174 = arith.constant 0 : i32
      %dma_wait3A_175 = tpu.memref_slice %arg23[%add3A_47, %dma_wait3A_174] : memref<10240x16xf32, #tpu.memory_space<vmem_shared>> -> memref<64x16xf32, #tpu.memory_space<vmem_shared>>
      %dma_wait3A_176 = arith.constant 0 : i32
      %dma_wait3A_177 = tpu.memref_slice %arg23[%add3A_47, %dma_wait3A_176] : memref<10240x16xf32, #tpu.memory_space<vmem_shared>> -> memref<64x16xf32, #tpu.memory_space<vmem_shared>>
      tpu.wait_dma2 semaphore(%run_scoped3A : memref<!tpu.dma_semaphore, #tpu.memory_space<semaphore_mem>>) src(%arg21 : memref<64x16xf32, #tpu.memory_space<vmem>>) dst(%dma_wait3A_177 : memref<64x16xf32, #tpu.memory_space<vmem_shared>>)
      tpu.yield
    }) : () -> ()
    %barrier3A = arith.constant 0 : index
    tpu.barrier barrier_id(%barrier3A)
    %add3A_48 = arith.constant 0 : i32
    %add3A_49 = arith.addi %mul3A_2, %add3A_48 : i32
    %dma_start3A = arith.constant 0 : i32
    %dma_start3A_50 = arith.constant 0 : i32
    %dma_start3A_51 = tpu.memref_slice %arg5[%add3A_49, %dma_start3A, %dma_start3A_50] : memref<2688x2x128xi32, #tpu.memory_space<hbm>> -> memref<1x2x128xi32, #tpu.memory_space<hbm>>
    %dma_start3A_52 = tpu.memref_squeeze %dma_start3A_51 : memref<1x2x128xi32, #tpu.memory_space<hbm>> -> memref<2x128xi32, #tpu.memory_space<hbm>>
    %dma_start3A_53 = arith.constant 0 : i32
    %dma_start3A_54 = arith.constant 0 : i32
    %dma_start3A_55 = tpu.memref_slice %arg5[%add3A_49, %dma_start3A_53, %dma_start3A_54] : memref<2688x2x128xi32, #tpu.memory_space<hbm>> -> memref<1x2x128xi32, #tpu.memory_space<hbm>>
    %dma_start3A_56 = tpu.memref_squeeze %dma_start3A_55 : memref<1x2x128xi32, #tpu.memory_space<hbm>> -> memref<2x128xi32, #tpu.memory_space<hbm>>
    tpu.enqueue_dma source(%dma_start3A_56 : memref<2x128xi32, #tpu.memory_space<hbm>>) target(%arg8 : memref<2x128xi32, #tpu.memory_space<vmem>>) target_semaphore(%arg28 : memref<!tpu.dma_semaphore, #tpu.memory_space<semaphore_mem>>)
    %add3A_57 = arith.constant 1 : i32
    %add3A_58 = arith.addi %mul3A_2, %add3A_57 : i32
    %dma_start3A_59 = arith.constant 0 : i32
    %dma_start3A_60 = arith.constant 0 : i32
    %dma_start3A_61 = tpu.memref_slice %arg5[%add3A_58, %dma_start3A_59, %dma_start3A_60] : memref<2688x2x128xi32, #tpu.memory_space<hbm>> -> memref<1x2x128xi32, #tpu.memory_space<hbm>>
    %dma_start3A_62 = tpu.memref_squeeze %dma_start3A_61 : memref<1x2x128xi32, #tpu.memory_space<hbm>> -> memref<2x128xi32, #tpu.memory_space<hbm>>
    %dma_start3A_63 = arith.constant 0 : i32
    %dma_start3A_64 = arith.constant 0 : i32
    %dma_start3A_65 = tpu.memref_slice %arg5[%add3A_58, %dma_start3A_63, %dma_start3A_64] : memref<2688x2x128xi32, #tpu.memory_space<hbm>> -> memref<1x2x128xi32, #tpu.memory_space<hbm>>
    %dma_start3A_66 = tpu.memref_squeeze %dma_start3A_65 : memref<1x2x128xi32, #tpu.memory_space<hbm>> -> memref<2x128xi32, #tpu.memory_space<hbm>>
    tpu.enqueue_dma source(%dma_start3A_66 : memref<2x128xi32, #tpu.memory_space<hbm>>) target(%arg9 : memref<2x128xi32, #tpu.memory_space<vmem>>) target_semaphore(%arg29 : memref<!tpu.dma_semaphore, #tpu.memory_space<semaphore_mem>>)
    %dma_wait3A = arith.constant 0 : i32
    %dma_wait3A_67 = arith.constant 0 : i32
    %dma_wait3A_68 = tpu.memref_slice %arg5[%mul3A_2, %dma_wait3A, %dma_wait3A_67] : memref<2688x2x128xi32, #tpu.memory_space<hbm>> -> memref<1x2x128xi32, #tpu.memory_space<hbm>>
    %dma_wait3A_69 = tpu.memref_squeeze %dma_wait3A_68 : memref<1x2x128xi32, #tpu.memory_space<hbm>> -> memref<2x128xi32, #tpu.memory_space<hbm>>
    %dma_wait3A_70 = arith.constant 0 : i32
    %dma_wait3A_71 = arith.constant 0 : i32
    %dma_wait3A_72 = tpu.memref_slice %arg5[%mul3A_2, %dma_wait3A_70, %dma_wait3A_71] : memref<2688x2x128xi32, #tpu.memory_space<hbm>> -> memref<1x2x128xi32, #tpu.memory_space<hbm>>
    %dma_wait3A_73 = tpu.memref_squeeze %dma_wait3A_72 : memref<1x2x128xi32, #tpu.memory_space<hbm>> -> memref<2x128xi32, #tpu.memory_space<hbm>>
    tpu.wait_dma2 semaphore(%arg28 : memref<!tpu.dma_semaphore, #tpu.memory_space<semaphore_mem>>) src(%dma_wait3A_73 : memref<2x128xi32, #tpu.memory_space<hbm>>) dst(%arg8 : memref<2x128xi32, #tpu.memory_space<vmem>>)
    %dma_start3A_74 = arith.constant 0 : i32
    %dma_start3A_75 = arith.constant 0 : i32
    %dma_start3A_76 = tpu.memref_slice %arg8[%dma_start3A_74, %dma_start3A_75] : memref<2x128xi32, #tpu.memory_space<vmem>> -> memref<1x128xi32, #tpu.memory_space<vmem>>
    %dma_start3A_77 = tpu.memref_squeeze %dma_start3A_76 : memref<1x128xi32, #tpu.memory_space<vmem>> -> memref<128xi32, #tpu.memory_space<vmem>>
    %dma_start3A_78 = arith.constant 0 : i32
    %dma_start3A_79 = arith.constant 0 : i32
    %dma_start3A_80 = tpu.memref_slice %arg3[%dma_start3A_78, %dma_start3A_79] : memref<10240x16xf32, #tpu.memory_space<hbm>> -> memref<10240x16xf32, #tpu.memory_space<hbm>>
    tpu.enqueue_indirect_dma source(%dma_start3A_80 : memref<10240x16xf32, #tpu.memory_space<hbm>>) target(%arg12 : memref<128x16xf32, #tpu.memory_space<vmem>>) offsets(%dma_start3A_77 : memref<128xi32, #tpu.memory_space<vmem>>) semaphore(%arg24 : memref<!tpu.dma_semaphore, #tpu.memory_space<semaphore_mem>>)
    %dma_start3A_81 = arith.constant 1 : i32
    %dma_start3A_82 = arith.constant 0 : i32
    %dma_start3A_83 = tpu.memref_slice %arg8[%dma_start3A_81, %dma_start3A_82] : memref<2x128xi32, #tpu.memory_space<vmem>> -> memref<1x128xi32, #tpu.memory_space<vmem>>
    %dma_start3A_84 = tpu.memref_squeeze %dma_start3A_83 : memref<1x128xi32, #tpu.memory_space<vmem>> -> memref<128xi32, #tpu.memory_space<vmem>>
    %dma_start3A_85 = arith.constant 0 : i32
    %dma_start3A_86 = arith.constant 0 : i32
    %dma_start3A_87 = tpu.memref_slice %arg4[%dma_start3A_85, %dma_start3A_86] : memref<10240x16xf32, #tpu.memory_space<hbm>> -> memref<10240x16xf32, #tpu.memory_space<hbm>>
    tpu.enqueue_indirect_dma source(%dma_start3A_87 : memref<10240x16xf32, #tpu.memory_space<hbm>>) target(%arg14 : memref<128x16xf32, #tpu.memory_space<vmem>>) offsets(%dma_start3A_84 : memref<128xi32, #tpu.memory_space<vmem>>) semaphore(%arg24 : memref<!tpu.dma_semaphore, #tpu.memory_space<semaphore_mem>>)
    %dma_start3A_88 = arith.constant 0 : i32
    %dma_start3A_89 = arith.constant 0 : i32
    %dma_start3A_90 = tpu.memref_slice %arg8[%dma_start3A_88, %dma_start3A_89] : memref<2x128xi32, #tpu.memory_space<vmem>> -> memref<1x128xi32, #tpu.memory_space<vmem>>
    %dma_start3A_91 = tpu.memref_squeeze %dma_start3A_90 : memref<1x128xi32, #tpu.memory_space<vmem>> -> memref<128xi32, #tpu.memory_space<vmem>>
    %dma_start3A_92 = arith.constant 0 : i32
    %dma_start3A_93 = arith.constant 0 : i32
    %dma_start3A_94 = tpu.memref_slice %arg2[%dma_start3A_92, %dma_start3A_93] : memref<10240x64xf32, #tpu.memory_space<hbm>> -> memref<10240x64xf32, #tpu.memory_space<hbm>>
    tpu.enqueue_indirect_dma source(%dma_start3A_94 : memref<10240x64xf32, #tpu.memory_space<hbm>>) target(%arg16 : memref<128x64xf32, #tpu.memory_space<vmem>>) offsets(%dma_start3A_91 : memref<128xi32, #tpu.memory_space<vmem>>) semaphore(%arg24 : memref<!tpu.dma_semaphore, #tpu.memory_space<semaphore_mem>>)
    %scan3A_95 = arith.constant 0 : i32
    %scan3A_96 = arith.constant 0 : i32
    %scan3A_97 = arith.constant 21 : i32
    %scan3A_98 = arith.addi %scan3A_96, %scan3A_97 : i32
    %scan3A_99 = arith.constant 1 : i32
    scf.for %scan3A_170 = %scan3A_96 to %scan3A_98 step %scan3A_99  : i32 {
      %mul3A_171 = arith.constant 4 : i32
      %mul3A_172 = arith.muli %scan3A_170, %mul3A_171 : i32
      %add3A_173 = arith.constant 0 : i32
      %add3A_174 = arith.addi %mul3A_172, %add3A_173 : i32
      %dma_wait3A_175 = arith.constant 0 : i32
      %dma_wait3A_176 = arith.constant 0 : i32
      %dma_wait3A_177 = tpu.memref_slice %arg8[%dma_wait3A_175, %dma_wait3A_176] : memref<2x128xi32, #tpu.memory_space<vmem>> -> memref<1x128xi32, #tpu.memory_space<vmem>>
      %dma_wait3A_178 = tpu.memref_squeeze %dma_wait3A_177 : memref<1x128xi32, #tpu.memory_space<vmem>> -> memref<128xi32, #tpu.memory_space<vmem>>
      %dma_wait3A_179 = arith.constant 0 : i32
      %dma_wait3A_180 = arith.constant 0 : i32
      %dma_wait3A_181 = tpu.memref_slice %arg3[%dma_wait3A_179, %dma_wait3A_180] : memref<10240x16xf32, #tpu.memory_space<hbm>> -> memref<10240x16xf32, #tpu.memory_space<hbm>>
      tpu.wait_indirect_dma semaphore(%arg24 : memref<!tpu.dma_semaphore, #tpu.memory_space<semaphore_mem>>) src(%dma_wait3A_181 : memref<10240x16xf32, #tpu.memory_space<hbm>>) dst(%arg12 : memref<128x16xf32, #tpu.memory_space<vmem>>)
      %dma_wait3A_182 = arith.constant 1 : i32
      %dma_wait3A_183 = arith.constant 0 : i32
      %dma_wait3A_184 = tpu.memref_slice %arg8[%dma_wait3A_182, %dma_wait3A_183] : memref<2x128xi32, #tpu.memory_space<vmem>> -> memref<1x128xi32, #tpu.memory_space<vmem>>
      %dma_wait3A_185 = tpu.memref_squeeze %dma_wait3A_184 : memref<1x128xi32, #tpu.memory_space<vmem>> -> memref<128xi32, #tpu.memory_space<vmem>>
      %dma_wait3A_186 = arith.constant 0 : i32
      %dma_wait3A_187 = arith.constant 0 : i32
      %dma_wait3A_188 = tpu.memref_slice %arg4[%dma_wait3A_186, %dma_wait3A_187] : memref<10240x16xf32, #tpu.memory_space<hbm>> -> memref<10240x16xf32, #tpu.memory_space<hbm>>
      tpu.wait_indirect_dma semaphore(%arg24 : memref<!tpu.dma_semaphore, #tpu.memory_space<semaphore_mem>>) src(%dma_wait3A_188 : memref<10240x16xf32, #tpu.memory_space<hbm>>) dst(%arg14 : memref<128x16xf32, #tpu.memory_space<vmem>>)
      %dma_wait3A_189 = arith.constant 0 : i32
      %dma_wait3A_190 = arith.constant 0 : i32
      %dma_wait3A_191 = tpu.memref_slice %arg8[%dma_wait3A_189, %dma_wait3A_190] : memref<2x128xi32, #tpu.memory_space<vmem>> -> memref<1x128xi32, #tpu.memory_space<vmem>>
      %dma_wait3A_192 = tpu.memref_squeeze %dma_wait3A_191 : memref<1x128xi32, #tpu.memory_space<vmem>> -> memref<128xi32, #tpu.memory_space<vmem>>
      %dma_wait3A_193 = arith.constant 0 : i32
      %dma_wait3A_194 = arith.constant 0 : i32
      %dma_wait3A_195 = tpu.memref_slice %arg2[%dma_wait3A_193, %dma_wait3A_194] : memref<10240x64xf32, #tpu.memory_space<hbm>> -> memref<10240x64xf32, #tpu.memory_space<hbm>>
      tpu.wait_indirect_dma semaphore(%arg24 : memref<!tpu.dma_semaphore, #tpu.memory_space<semaphore_mem>>) src(%dma_wait3A_195 : memref<10240x64xf32, #tpu.memory_space<hbm>>) dst(%arg16 : memref<128x64xf32, #tpu.memory_space<vmem>>)
      %add3A_196 = arith.constant 1 : i32
      %add3A_197 = arith.addi %add3A_174, %add3A_196 : i32
      %lt3A = arith.constant 84 : i32
      %lt3A_198 = arith.cmpi slt, %add3A_197, %lt3A : i32
      %convert_element_type3A = arith.extui %lt3A_198 : i1 to i32
      %cond3A = arith.constant 0 : i32
      %cond3A_199 = arith.cmpi ne, %convert_element_type3A, %cond3A : i32
      scf.if %cond3A_199 {
        %ge3A = arith.constant 1 : i32
        %ge3A_376 = arith.cmpi sge, %add3A_174, %ge3A : i32
        %convert_element_type3A_377 = arith.extui %ge3A_376 : i1 to i32
        %cond3A_378 = arith.constant 0 : i32
        %cond3A_379 = arith.cmpi ne, %convert_element_type3A_377, %cond3A_378 : i32
        scf.if %cond3A_379 {
          %dma_wait3A_416 = arith.constant 1 : i32
          %dma_wait3A_417 = arith.constant 0 : i32
          %dma_wait3A_418 = tpu.memref_slice %arg11[%dma_wait3A_416, %dma_wait3A_417] : memref<2x128xi32, #tpu.memory_space<vmem>> -> memref<1x128xi32, #tpu.memory_space<vmem>>
          %dma_wait3A_419 = tpu.memref_squeeze %dma_wait3A_418 : memref<1x128xi32, #tpu.memory_space<vmem>> -> memref<128xi32, #tpu.memory_space<vmem>>
          %dma_wait3A_420 = arith.constant 0 : i32
          %dma_wait3A_421 = arith.constant 0 : i32
          %dma_wait3A_422 = tpu.memref_slice %arg22[%dma_wait3A_420, %dma_wait3A_421] : memref<10240x64xf32, #tpu.memory_space<vmem_shared>> -> memref<10240x64xf32, #tpu.memory_space<vmem_shared>>
          tpu.wait_indirect_dma semaphore(%arg27 : memref<!tpu.dma_semaphore, #tpu.memory_space<semaphore_mem>>) src(%arg17 : memref<128x64xf32, #tpu.memory_space<vmem>>) dst(%dma_wait3A_422 : memref<10240x64xf32, #tpu.memory_space<vmem_shared>>)
          %dma_wait3A_423 = arith.constant 1 : i32
          %dma_wait3A_424 = arith.constant 0 : i32
          %dma_wait3A_425 = tpu.memref_slice %arg11[%dma_wait3A_423, %dma_wait3A_424] : memref<2x128xi32, #tpu.memory_space<vmem>> -> memref<1x128xi32, #tpu.memory_space<vmem>>
          %dma_wait3A_426 = tpu.memref_squeeze %dma_wait3A_425 : memref<1x128xi32, #tpu.memory_space<vmem>> -> memref<128xi32, #tpu.memory_space<vmem>>
          %dma_wait3A_427 = arith.constant 0 : i32
          %dma_wait3A_428 = arith.constant 0 : i32
          %dma_wait3A_429 = tpu.memref_slice %arg23[%dma_wait3A_427, %dma_wait3A_428] : memref<10240x16xf32, #tpu.memory_space<vmem_shared>> -> memref<10240x16xf32, #tpu.memory_space<vmem_shared>>
          tpu.wait_indirect_dma semaphore(%arg27 : memref<!tpu.dma_semaphore, #tpu.memory_space<semaphore_mem>>) src(%arg19 : memref<128x16xf32, #tpu.memory_space<vmem>>) dst(%dma_wait3A_429 : memref<10240x16xf32, #tpu.memory_space<vmem_shared>>)
        } else {
        }
        %add3A_380 = arith.constant 2 : i32
        %add3A_381 = arith.addi %add3A_174, %add3A_380 : i32
        %lt3A_382 = arith.constant 84 : i32
        %lt3A_383 = arith.cmpi slt, %add3A_381, %lt3A_382 : i32
        %convert_element_type3A_384 = arith.extui %lt3A_383 : i1 to i32
        %cond3A_385 = arith.constant 0 : i32
        %cond3A_386 = arith.cmpi ne, %convert_element_type3A_384, %cond3A_385 : i32
        scf.if %cond3A_386 {
          %add3A_416 = arith.constant 2 : i32
          %add3A_417 = arith.addi %add3A_174, %add3A_416 : i32
          %add3A_418 = arith.addi %mul3A_2, %add3A_417 : i32
          %dma_start3A_419 = arith.constant 0 : i32
          %dma_start3A_420 = arith.constant 0 : i32
          %dma_start3A_421 = tpu.memref_slice %arg5[%add3A_418, %dma_start3A_419, %dma_start3A_420] : memref<2688x2x128xi32, #tpu.memory_space<hbm>> -> memref<1x2x128xi32, #tpu.memory_space<hbm>>
          %dma_start3A_422 = tpu.memref_squeeze %dma_start3A_421 : memref<1x2x128xi32, #tpu.memory_space<hbm>> -> memref<2x128xi32, #tpu.memory_space<hbm>>
          %dma_start3A_423 = arith.constant 0 : i32
          %dma_start3A_424 = arith.constant 0 : i32
          %dma_start3A_425 = tpu.memref_slice %arg5[%add3A_418, %dma_start3A_423, %dma_start3A_424] : memref<2688x2x128xi32, #tpu.memory_space<hbm>> -> memref<1x2x128xi32, #tpu.memory_space<hbm>>
          %dma_start3A_426 = tpu.memref_squeeze %dma_start3A_425 : memref<1x2x128xi32, #tpu.memory_space<hbm>> -> memref<2x128xi32, #tpu.memory_space<hbm>>
          tpu.enqueue_dma source(%dma_start3A_426 : memref<2x128xi32, #tpu.memory_space<hbm>>) target(%arg10 : memref<2x128xi32, #tpu.memory_space<vmem>>) target_semaphore(%arg30 : memref<!tpu.dma_semaphore, #tpu.memory_space<semaphore_mem>>)
        } else {
        }
        %dma_wait3A_387 = arith.constant 0 : i32
        %dma_wait3A_388 = arith.constant 0 : i32
        %dma_wait3A_389 = tpu.memref_slice %arg5[%mul3A_2, %dma_wait3A_387, %dma_wait3A_388] : memref<2688x2x128xi32, #tpu.memory_space<hbm>> -> memref<1x2x128xi32, #tpu.memory_space<hbm>>
        %dma_wait3A_390 = tpu.memref_squeeze %dma_wait3A_389 : memref<1x2x128xi32, #tpu.memory_space<hbm>> -> memref<2x128xi32, #tpu.memory_space<hbm>>
        %dma_wait3A_391 = arith.constant 0 : i32
        %dma_wait3A_392 = arith.constant 0 : i32
        %dma_wait3A_393 = tpu.memref_slice %arg5[%mul3A_2, %dma_wait3A_391, %dma_wait3A_392] : memref<2688x2x128xi32, #tpu.memory_space<hbm>> -> memref<1x2x128xi32, #tpu.memory_space<hbm>>
        %dma_wait3A_394 = tpu.memref_squeeze %dma_wait3A_393 : memref<1x2x128xi32, #tpu.memory_space<hbm>> -> memref<2x128xi32, #tpu.memory_space<hbm>>
        tpu.wait_dma2 semaphore(%arg29 : memref<!tpu.dma_semaphore, #tpu.memory_space<semaphore_mem>>) src(%dma_wait3A_394 : memref<2x128xi32, #tpu.memory_space<hbm>>) dst(%arg9 : memref<2x128xi32, #tpu.memory_space<vmem>>)
        %dma_start3A_395 = arith.constant 0 : i32
        %dma_start3A_396 = arith.constant 0 : i32
        %dma_start3A_397 = tpu.memref_slice %arg9[%dma_start3A_395, %dma_start3A_396] : memref<2x128xi32, #tpu.memory_space<vmem>> -> memref<1x128xi32, #tpu.memory_space<vmem>>
        %dma_start3A_398 = tpu.memref_squeeze %dma_start3A_397 : memref<1x128xi32, #tpu.memory_space<vmem>> -> memref<128xi32, #tpu.memory_space<vmem>>
        %dma_start3A_399 = arith.constant 0 : i32
        %dma_start3A_400 = arith.constant 0 : i32
        %dma_start3A_401 = tpu.memref_slice %arg3[%dma_start3A_399, %dma_start3A_400] : memref<10240x16xf32, #tpu.memory_space<hbm>> -> memref<10240x16xf32, #tpu.memory_space<hbm>>
        tpu.enqueue_indirect_dma source(%dma_start3A_401 : memref<10240x16xf32, #tpu.memory_space<hbm>>) target(%arg13 : memref<128x16xf32, #tpu.memory_space<vmem>>) offsets(%dma_start3A_398 : memref<128xi32, #tpu.memory_space<vmem>>) semaphore(%arg25 : memref<!tpu.dma_semaphore, #tpu.memory_space<semaphore_mem>>)
        %dma_start3A_402 = arith.constant 1 : i32
        %dma_start3A_403 = arith.constant 0 : i32
        %dma_start3A_404 = tpu.memref_slice %arg9[%dma_start3A_402, %dma_start3A_403] : memref<2x128xi32, #tpu.memory_space<vmem>> -> memref<1x128xi32, #tpu.memory_space<vmem>>
        %dma_start3A_405 = tpu.memref_squeeze %dma_start3A_404 : memref<1x128xi32, #tpu.memory_space<vmem>> -> memref<128xi32, #tpu.memory_space<vmem>>
        %dma_start3A_406 = arith.constant 0 : i32
        %dma_start3A_407 = arith.constant 0 : i32
        %dma_start3A_408 = tpu.memref_slice %arg4[%dma_start3A_406, %dma_start3A_407] : memref<10240x16xf32, #tpu.memory_space<hbm>> -> memref<10240x16xf32, #tpu.memory_space<hbm>>
        tpu.enqueue_indirect_dma source(%dma_start3A_408 : memref<10240x16xf32, #tpu.memory_space<hbm>>) target(%arg15 : memref<128x16xf32, #tpu.memory_space<vmem>>) offsets(%dma_start3A_405 : memref<128xi32, #tpu.memory_space<vmem>>) semaphore(%arg25 : memref<!tpu.dma_semaphore, #tpu.memory_space<semaphore_mem>>)
        %dma_start3A_409 = arith.constant 0 : i32
        %dma_start3A_410 = arith.constant 0 : i32
        %dma_start3A_411 = tpu.memref_slice %arg9[%dma_start3A_409, %dma_start3A_410] : memref<2x128xi32, #tpu.memory_space<vmem>> -> memref<1x128xi32, #tpu.memory_space<vmem>>
        %dma_start3A_412 = tpu.memref_squeeze %dma_start3A_411 : memref<1x128xi32, #tpu.memory_space<vmem>> -> memref<128xi32, #tpu.memory_space<vmem>>
        %dma_start3A_413 = arith.constant 0 : i32
        %dma_start3A_414 = arith.constant 0 : i32
        %dma_start3A_415 = tpu.memref_slice %arg2[%dma_start3A_413, %dma_start3A_414] : memref<10240x64xf32, #tpu.memory_space<hbm>> -> memref<10240x64xf32, #tpu.memory_space<hbm>>
        tpu.enqueue_indirect_dma source(%dma_start3A_415 : memref<10240x64xf32, #tpu.memory_space<hbm>>) target(%arg17 : memref<128x64xf32, #tpu.memory_space<vmem>>) offsets(%dma_start3A_412 : memref<128xi32, #tpu.memory_space<vmem>>) semaphore(%arg25 : memref<!tpu.dma_semaphore, #tpu.memory_space<semaphore_mem>>)
      } else {
      }
      %scan3A_200 = arith.constant 0 : i32
      %scan3A_201 = arith.constant 0 : i32
      %scan3A_202 = arith.constant 128 : i32
      %scan3A_203 = arith.addi %scan3A_201, %scan3A_202 : i32
      %scan3A_204 = arith.constant 1 : i32
      scf.for %scan3A_376 = %scan3A_201 to %scan3A_203 step %scan3A_204  : i32 {
        %get3A = arith.index_cast %scan3A_376 : i32 to index
        %get3A_377 = arith.constant 0 : index
        %get3A_378 = tpu.vector_load %arg12[%get3A, %get3A_377] {strides = array<i32>} : memref<128x16xf32, #tpu.memory_space<vmem>>, vector<1x16xf32>,
        %get3A_379 = vector.shape_cast %get3A_378 : vector<1x16xf32> to vector<16xf32>
        %get3A_380 = arith.index_cast %scan3A_376 : i32 to index
        %get3A_381 = arith.constant 0 : index
        %get3A_382 = tpu.vector_load %arg14[%get3A_380, %get3A_381] {strides = array<i32>} : memref<128x16xf32, #tpu.memory_space<vmem>>, vector<1x16xf32>,
        %get3A_383 = vector.shape_cast %get3A_382 : vector<1x16xf32> to vector<16xf32>
        %add3A_384 = arith.addf %get3A_379, %get3A_383 : vector<16xf32>
        %ge3A = arith.constant 0.000000e+00 : f32
        %ge3A_385 = vector.broadcast %ge3A : f32 to vector<16xf32>
        %ge3A_386 = arith.cmpf oge, %add3A_384, %ge3A_385 : vector<16xf32>
        %mul3A_387 = arith.constant 2.000000e-01 : f32
        %mul3A_388 = vector.broadcast %mul3A_387 : f32 to vector<16xf32>
        %mul3A_389 = arith.mulf %mul3A_388, %add3A_384 : vector<16xf32>
        %select_n3A = arith.select %ge3A_386, %add3A_384, %mul3A_389 : vector<16xi1>, vector<16xf32>
        %exp3A = math.exp %select_n3A : vector<16xf32>
        %swap3A = arith.index_cast %scan3A_376 : i32 to index
        %swap3A_390 = arith.constant 0 : index
        %swap3A_391 = tpu.vector_load %arg18[%swap3A, %swap3A_390] {strides = array<i32>} : memref<128x16xf32, #tpu.memory_space<vmem>>, vector<1x16xf32>,
        %swap3A_392 = vector.shape_cast %swap3A_391 : vector<1x16xf32> to vector<16xf32>
        %swap3A_393 = vector.shape_cast %exp3A : vector<16xf32> to vector<1x16xf32>
        tpu.vector_store %arg18[%swap3A, %swap3A_390], %swap3A_393 {strides = array<i32>} : memref<128x16xf32, #tpu.memory_space<vmem>>, vector<1x16xf32>,
        %slice3A = vector.extract_strided_slice %exp3A {offsets = [0], sizes = [1], strides = [1]} : vector<16xf32> to vector<1xf32>
        %squeeze3A = vector.extract %slice3A[0] : f32 from vector<1xf32>
        %get3A_394 = arith.index_cast %scan3A_376 : i32 to index
        %get3A_395 = arith.constant 0 : index
        %get3A_396 = tpu.vector_load %arg16[%get3A_394, %get3A_395] {strides = array<i32>} : memref<128x64xf32, #tpu.memory_space<vmem>>, vector<1x16xf32>,
        %get3A_397 = vector.shape_cast %get3A_396 : vector<1x16xf32> to vector<16xf32>
        %mul3A_398 = vector.broadcast %squeeze3A : f32 to vector<16xf32>
        %mul3A_399 = arith.mulf %get3A_397, %mul3A_398 : vector<16xf32>
        %swap3A_400 = arith.index_cast %scan3A_376 : i32 to index
        %swap3A_401 = arith.constant 0 : index
        %swap3A_402 = tpu.vector_load %arg16[%swap3A_400, %swap3A_401] {strides = array<i32>} : memref<128x64xf32, #tpu.memory_space<vmem>>, vector<1x16xf32>,
        %swap3A_403 = vector.shape_cast %swap3A_402 : vector<1x16xf32> to vector<16xf32>
        %swap3A_404 = vector.shape_cast %mul3A_399 : vector<16xf32> to vector<1x16xf32>
        tpu.vector_store %arg16[%swap3A_400, %swap3A_401], %swap3A_404 {strides = array<i32>} : memref<128x64xf32, #tpu.memory_space<vmem>>, vector<1x16xf32>,
        %get3A_405 = arith.index_cast %scan3A_376 : i32 to index
        %get3A_406 = arith.constant 16 : index
        %get3A_407 = tpu.vector_load %arg16[%get3A_405, %get3A_406] {strides = array<i32>} : memref<128x64xf32, #tpu.memory_space<vmem>>, vector<1x16xf32>,
        %get3A_408 = vector.shape_cast %get3A_407 : vector<1x16xf32> to vector<16xf32>
        %mul3A_409 = vector.broadcast %squeeze3A : f32 to vector<16xf32>
        %mul3A_410 = arith.mulf %get3A_408, %mul3A_409 : vector<16xf32>
        %swap3A_411 = arith.index_cast %scan3A_376 : i32 to index
        %swap3A_412 = arith.constant 16 : index
        %swap3A_413 = tpu.vector_load %arg16[%swap3A_411, %swap3A_412] {strides = array<i32>} : memref<128x64xf32, #tpu.memory_space<vmem>>, vector<1x16xf32>,
        %swap3A_414 = vector.shape_cast %swap3A_413 : vector<1x16xf32> to vector<16xf32>
        %swap3A_415 = vector.shape_cast %mul3A_410 : vector<16xf32> to vector<1x16xf32>
        tpu.vector_store %arg16[%swap3A_411, %swap3A_412], %swap3A_415 {strides = array<i32>} : memref<128x64xf32, #tpu.memory_space<vmem>>, vector<1x16xf32>,
        %slice3A_416 = vector.extract_strided_slice %exp3A {offsets = [1], sizes = [1], strides = [1]} : vector<16xf32> to vector<1xf32>
        %squeeze3A_417 = vector.extract %slice3A_416[0] : f32 from vector<1xf32>
        %get3A_418 = arith.index_cast %scan3A_376 : i32 to index
        %get3A_419 = arith.constant 32 : index
        %get3A_420 = tpu.vector_load %arg16[%get3A_418, %get3A_419] {strides = array<i32>} : memref<128x64xf32, #tpu.memory_space<vmem>>, vector<1x16xf32>,
        %get3A_421 = vector.shape_cast %get3A_420 : vector<1x16xf32> to vector<16xf32>
        %mul3A_422 = vector.broadcast %squeeze3A_417 : f32 to vector<16xf32>
        %mul3A_423 = arith.mulf %get3A_421, %mul3A_422 : vector<16xf32>
        %swap3A_424 = arith.index_cast %scan3A_376 : i32 to index
        %swap3A_425 = arith.constant 32 : index
        %swap3A_426 = tpu.vector_load %arg16[%swap3A_424, %swap3A_425] {strides = array<i32>} : memref<128x64xf32, #tpu.memory_space<vmem>>, vector<1x16xf32>,
        %swap3A_427 = vector.shape_cast %swap3A_426 : vector<1x16xf32> to vector<16xf32>
        %swap3A_428 = vector.shape_cast %mul3A_423 : vector<16xf32> to vector<1x16xf32>
        tpu.vector_store %arg16[%swap3A_424, %swap3A_425], %swap3A_428 {strides = array<i32>} : memref<128x64xf32, #tpu.memory_space<vmem>>, vector<1x16xf32>,
        %get3A_429 = arith.index_cast %scan3A_376 : i32 to index
        %get3A_430 = arith.constant 48 : index
        %get3A_431 = tpu.vector_load %arg16[%get3A_429, %get3A_430] {strides = array<i32>} : memref<128x64xf32, #tpu.memory_space<vmem>>, vector<1x16xf32>,
        %get3A_432 = vector.shape_cast %get3A_431 : vector<1x16xf32> to vector<16xf32>
        %mul3A_433 = vector.broadcast %squeeze3A_417 : f32 to vector<16xf32>
        %mul3A_434 = arith.mulf %get3A_432, %mul3A_433 : vector<16xf32>
        %swap3A_435 = arith.index_cast %scan3A_376 : i32 to index
        %swap3A_436 = arith.constant 48 : index
        %swap3A_437 = tpu.vector_load %arg16[%swap3A_435, %swap3A_436] {strides = array<i32>} : memref<128x64xf32, #tpu.memory_space<vmem>>, vector<1x16xf32>,
        %swap3A_438 = vector.shape_cast %swap3A_437 : vector<1x16xf32> to vector<16xf32>
        %swap3A_439 = vector.shape_cast %mul3A_434 : vector<16xf32> to vector<1x16xf32>
        tpu.vector_store %arg16[%swap3A_435, %swap3A_436], %swap3A_439 {strides = array<i32>} : memref<128x64xf32, #tpu.memory_space<vmem>>, vector<1x16xf32>,
      }
      %scan3A_205 = arith.constant 128 : i32
      %dma_start3A_206 = arith.constant 1 : i32
      %dma_start3A_207 = arith.constant 0 : i32
      %dma_start3A_208 = tpu.memref_slice %arg8[%dma_start3A_206, %dma_start3A_207] : memref<2x128xi32, #tpu.memory_space<vmem>> -> memref<1x128xi32, #tpu.memory_space<vmem>>
      %dma_start3A_209 = tpu.memref_squeeze %dma_start3A_208 : memref<1x128xi32, #tpu.memory_space<vmem>> -> memref<128xi32, #tpu.memory_space<vmem>>
      %dma_start3A_210 = arith.constant 0 : i32
      %dma_start3A_211 = arith.constant 0 : i32
      %dma_start3A_212 = tpu.memref_slice %arg22[%dma_start3A_210, %dma_start3A_211] : memref<10240x64xf32, #tpu.memory_space<vmem_shared>> -> memref<10240x64xf32, #tpu.memory_space<vmem_shared>>
      tpu.enqueue_indirect_dma source(%arg16 : memref<128x64xf32, #tpu.memory_space<vmem>>) target(%dma_start3A_212 : memref<10240x64xf32, #tpu.memory_space<vmem_shared>>) offsets(%dma_start3A_209 : memref<128xi32, #tpu.memory_space<vmem>>) semaphore(%arg26 : memref<!tpu.dma_semaphore, #tpu.memory_space<semaphore_mem>>) {add = true}
      %dma_start3A_213 = arith.constant 1 : i32
      %dma_start3A_214 = arith.constant 0 : i32
      %dma_start3A_215 = tpu.memref_slice %arg8[%dma_start3A_213, %dma_start3A_214] : memref<2x128xi32, #tpu.memory_space<vmem>> -> memref<1x128xi32, #tpu.memory_space<vmem>>
      %dma_start3A_216 = tpu.memref_squeeze %dma_start3A_215 : memref<1x128xi32, #tpu.memory_space<vmem>> -> memref<128xi32, #tpu.memory_space<vmem>>
      %dma_start3A_217 = arith.constant 0 : i32
      %dma_start3A_218 = arith.constant 0 : i32
      %dma_start3A_219 = tpu.memref_slice %arg23[%dma_start3A_217, %dma_start3A_218] : memref<10240x16xf32, #tpu.memory_space<vmem_shared>> -> memref<10240x16xf32, #tpu.memory_space<vmem_shared>>
      tpu.enqueue_indirect_dma source(%arg18 : memref<128x16xf32, #tpu.memory_space<vmem>>) target(%dma_start3A_219 : memref<10240x16xf32, #tpu.memory_space<vmem_shared>>) offsets(%dma_start3A_216 : memref<128xi32, #tpu.memory_space<vmem>>) semaphore(%arg26 : memref<!tpu.dma_semaphore, #tpu.memory_space<semaphore_mem>>) {add = true}
      %mul3A_220 = arith.constant 4 : i32
      %mul3A_221 = arith.muli %scan3A_170, %mul3A_220 : i32
      %add3A_222 = arith.constant 1 : i32
      %add3A_223 = arith.addi %mul3A_221, %add3A_222 : i32
      %dma_wait3A_224 = arith.constant 0 : i32
      %dma_wait3A_225 = arith.constant 0 : i32
      %dma_wait3A_226 = tpu.memref_slice %arg9[%dma_wait3A_224, %dma_wait3A_225] : memref<2x128xi32, #tpu.memory_space<vmem>> -> memref<1x128xi32, #tpu.memory_space<vmem>>
      %dma_wait3A_227 = tpu.memref_squeeze %dma_wait3A_226 : memref<1x128xi32, #tpu.memory_space<vmem>> -> memref<128xi32, #tpu.memory_space<vmem>>
      %dma_wait3A_228 = arith.constant 0 : i32
      %dma_wait3A_229 = arith.constant 0 : i32
      %dma_wait3A_230 = tpu.memref_slice %arg3[%dma_wait3A_228, %dma_wait3A_229] : memref<10240x16xf32, #tpu.memory_space<hbm>> -> memref<10240x16xf32, #tpu.memory_space<hbm>>
      tpu.wait_indirect_dma semaphore(%arg25 : memref<!tpu.dma_semaphore, #tpu.memory_space<semaphore_mem>>) src(%dma_wait3A_230 : memref<10240x16xf32, #tpu.memory_space<hbm>>) dst(%arg13 : memref<128x16xf32, #tpu.memory_space<vmem>>)
      %dma_wait3A_231 = arith.constant 1 : i32
      %dma_wait3A_232 = arith.constant 0 : i32
      %dma_wait3A_233 = tpu.memref_slice %arg9[%dma_wait3A_231, %dma_wait3A_232] : memref<2x128xi32, #tpu.memory_space<vmem>> -> memref<1x128xi32, #tpu.memory_space<vmem>>
      %dma_wait3A_234 = tpu.memref_squeeze %dma_wait3A_233 : memref<1x128xi32, #tpu.memory_space<vmem>> -> memref<128xi32, #tpu.memory_space<vmem>>
      %dma_wait3A_235 = arith.constant 0 : i32
      %dma_wait3A_236 = arith.constant 0 : i32
      %dma_wait3A_237 = tpu.memref_slice %arg4[%dma_wait3A_235, %dma_wait3A_236] : memref<10240x16xf32, #tpu.memory_space<hbm>> -> memref<10240x16xf32, #tpu.memory_space<hbm>>
      tpu.wait_indirect_dma semaphore(%arg25 : memref<!tpu.dma_semaphore, #tpu.memory_space<semaphore_mem>>) src(%dma_wait3A_237 : memref<10240x16xf32, #tpu.memory_space<hbm>>) dst(%arg15 : memref<128x16xf32, #tpu.memory_space<vmem>>)
      %dma_wait3A_238 = arith.constant 0 : i32
      %dma_wait3A_239 = arith.constant 0 : i32
      %dma_wait3A_240 = tpu.memref_slice %arg9[%dma_wait3A_238, %dma_wait3A_239] : memref<2x128xi32, #tpu.memory_space<vmem>> -> memref<1x128xi32, #tpu.memory_space<vmem>>
      %dma_wait3A_241 = tpu.memref_squeeze %dma_wait3A_240 : memref<1x128xi32, #tpu.memory_space<vmem>> -> memref<128xi32, #tpu.memory_space<vmem>>
      %dma_wait3A_242 = arith.constant 0 : i32
      %dma_wait3A_243 = arith.constant 0 : i32
      %dma_wait3A_244 = tpu.memref_slice %arg2[%dma_wait3A_242, %dma_wait3A_243] : memref<10240x64xf32, #tpu.memory_space<hbm>> -> memref<10240x64xf32, #tpu.memory_space<hbm>>
      tpu.wait_indirect_dma semaphore(%arg25 : memref<!tpu.dma_semaphore, #tpu.memory_space<semaphore_mem>>) src(%dma_wait3A_244 : memref<10240x64xf32, #tpu.memory_space<hbm>>) dst(%arg17 : memref<128x64xf32, #tpu.memory_space<vmem>>)
      %add3A_245 = arith.constant 1 : i32
      %add3A_246 = arith.addi %add3A_223, %add3A_245 : i32
      %lt3A_247 = arith.constant 84 : i32
      %lt3A_248 = arith.cmpi slt, %add3A_246, %lt3A_247 : i32
      %convert_element_type3A_249 = arith.extui %lt3A_248 : i1 to i32
      %cond3A_250 = arith.constant 0 : i32
      %cond3A_251 = arith.cmpi ne, %convert_element_type3A_249, %cond3A_250 : i32
      scf.if %cond3A_251 {
        %ge3A = arith.constant 1 : i32
        %ge3A_376 = arith.cmpi sge, %add3A_223, %ge3A : i32
        %convert_element_type3A_377 = arith.extui %ge3A_376 : i1 to i32
        %cond3A_378 = arith.constant 0 : i32
        %cond3A_379 = arith.cmpi ne, %convert_element_type3A_377, %cond3A_378 : i32
        scf.if %cond3A_379 {
          %dma_wait3A_416 = arith.constant 1 : i32
          %dma_wait3A_417 = arith.constant 0 : i32
          %dma_wait3A_418 = tpu.memref_slice %arg8[%dma_wait3A_416, %dma_wait3A_417] : memref<2x128xi32, #tpu.memory_space<vmem>> -> memref<1x128xi32, #tpu.memory_space<vmem>>
          %dma_wait3A_419 = tpu.memref_squeeze %dma_wait3A_418 : memref<1x128xi32, #tpu.memory_space<vmem>> -> memref<128xi32, #tpu.memory_space<vmem>>
          %dma_wait3A_420 = arith.constant 0 : i32
          %dma_wait3A_421 = arith.constant 0 : i32
          %dma_wait3A_422 = tpu.memref_slice %arg22[%dma_wait3A_420, %dma_wait3A_421] : memref<10240x64xf32, #tpu.memory_space<vmem_shared>> -> memref<10240x64xf32, #tpu.memory_space<vmem_shared>>
          tpu.wait_indirect_dma semaphore(%arg26 : memref<!tpu.dma_semaphore, #tpu.memory_space<semaphore_mem>>) src(%arg16 : memref<128x64xf32, #tpu.memory_space<vmem>>) dst(%dma_wait3A_422 : memref<10240x64xf32, #tpu.memory_space<vmem_shared>>)
          %dma_wait3A_423 = arith.constant 1 : i32
          %dma_wait3A_424 = arith.constant 0 : i32
          %dma_wait3A_425 = tpu.memref_slice %arg8[%dma_wait3A_423, %dma_wait3A_424] : memref<2x128xi32, #tpu.memory_space<vmem>> -> memref<1x128xi32, #tpu.memory_space<vmem>>
          %dma_wait3A_426 = tpu.memref_squeeze %dma_wait3A_425 : memref<1x128xi32, #tpu.memory_space<vmem>> -> memref<128xi32, #tpu.memory_space<vmem>>
          %dma_wait3A_427 = arith.constant 0 : i32
          %dma_wait3A_428 = arith.constant 0 : i32
          %dma_wait3A_429 = tpu.memref_slice %arg23[%dma_wait3A_427, %dma_wait3A_428] : memref<10240x16xf32, #tpu.memory_space<vmem_shared>> -> memref<10240x16xf32, #tpu.memory_space<vmem_shared>>
          tpu.wait_indirect_dma semaphore(%arg26 : memref<!tpu.dma_semaphore, #tpu.memory_space<semaphore_mem>>) src(%arg18 : memref<128x16xf32, #tpu.memory_space<vmem>>) dst(%dma_wait3A_429 : memref<10240x16xf32, #tpu.memory_space<vmem_shared>>)
        } else {
        }
        %add3A_380 = arith.constant 2 : i32
        %add3A_381 = arith.addi %add3A_223, %add3A_380 : i32
        %lt3A_382 = arith.constant 84 : i32
        %lt3A_383 = arith.cmpi slt, %add3A_381, %lt3A_382 : i32
        %convert_element_type3A_384 = arith.extui %lt3A_383 : i1 to i32
        %cond3A_385 = arith.constant 0 : i32
        %cond3A_386 = arith.cmpi ne, %convert_element_type3A_384, %cond3A_385 : i32
        scf.if %cond3A_386 {
          %add3A_416 = arith.constant 2 : i32
          %add3A_417 = arith.addi %add3A_223, %add3A_416 : i32
          %add3A_418 = arith.addi %mul3A_2, %add3A_417 : i32
          %dma_start3A_419 = arith.constant 0 : i32
          %dma_start3A_420 = arith.constant 0 : i32
          %dma_start3A_421 = tpu.memref_slice %arg5[%add3A_418, %dma_start3A_419, %dma_start3A_420] : memref<2688x2x128xi32, #tpu.memory_space<hbm>> -> memref<1x2x128xi32, #tpu.memory_space<hbm>>
          %dma_start3A_422 = tpu.memref_squeeze %dma_start3A_421 : memref<1x2x128xi32, #tpu.memory_space<hbm>> -> memref<2x128xi32, #tpu.memory_space<hbm>>
          %dma_start3A_423 = arith.constant 0 : i32
          %dma_start3A_424 = arith.constant 0 : i32
          %dma_start3A_425 = tpu.memref_slice %arg5[%add3A_418, %dma_start3A_423, %dma_start3A_424] : memref<2688x2x128xi32, #tpu.memory_space<hbm>> -> memref<1x2x128xi32, #tpu.memory_space<hbm>>
          %dma_start3A_426 = tpu.memref_squeeze %dma_start3A_425 : memref<1x2x128xi32, #tpu.memory_space<hbm>> -> memref<2x128xi32, #tpu.memory_space<hbm>>
          tpu.enqueue_dma source(%dma_start3A_426 : memref<2x128xi32, #tpu.memory_space<hbm>>) target(%arg11 : memref<2x128xi32, #tpu.memory_space<vmem>>) target_semaphore(%arg31 : memref<!tpu.dma_semaphore, #tpu.memory_space<semaphore_mem>>)
        } else {
        }
        %dma_wait3A_387 = arith.constant 0 : i32
        %dma_wait3A_388 = arith.constant 0 : i32
        %dma_wait3A_389 = tpu.memref_slice %arg5[%mul3A_2, %dma_wait3A_387, %dma_wait3A_388] : memref<2688x2x128xi32, #tpu.memory_space<hbm>> -> memref<1x2x128xi32, #tpu.memory_space<hbm>>
        %dma_wait3A_390 = tpu.memref_squeeze %dma_wait3A_389 : memref<1x2x128xi32, #tpu.memory_space<hbm>> -> memref<2x128xi32, #tpu.memory_space<hbm>>
        %dma_wait3A_391 = arith.constant 0 : i32
        %dma_wait3A_392 = arith.constant 0 : i32
        %dma_wait3A_393 = tpu.memref_slice %arg5[%mul3A_2, %dma_wait3A_391, %dma_wait3A_392] : memref<2688x2x128xi32, #tpu.memory_space<hbm>> -> memref<1x2x128xi32, #tpu.memory_space<hbm>>
        %dma_wait3A_394 = tpu.memref_squeeze %dma_wait3A_393 : memref<1x2x128xi32, #tpu.memory_space<hbm>> -> memref<2x128xi32, #tpu.memory_space<hbm>>
        tpu.wait_dma2 semaphore(%arg30 : memref<!tpu.dma_semaphore, #tpu.memory_space<semaphore_mem>>) src(%dma_wait3A_394 : memref<2x128xi32, #tpu.memory_space<hbm>>) dst(%arg10 : memref<2x128xi32, #tpu.memory_space<vmem>>)
        %dma_start3A_395 = arith.constant 0 : i32
        %dma_start3A_396 = arith.constant 0 : i32
        %dma_start3A_397 = tpu.memref_slice %arg10[%dma_start3A_395, %dma_start3A_396] : memref<2x128xi32, #tpu.memory_space<vmem>> -> memref<1x128xi32, #tpu.memory_space<vmem>>
        %dma_start3A_398 = tpu.memref_squeeze %dma_start3A_397 : memref<1x128xi32, #tpu.memory_space<vmem>> -> memref<128xi32, #tpu.memory_space<vmem>>
        %dma_start3A_399 = arith.constant 0 : i32
        %dma_start3A_400 = arith.constant 0 : i32
        %dma_start3A_401 = tpu.memref_slice %arg3[%dma_start3A_399, %dma_start3A_400] : memref<10240x16xf32, #tpu.memory_space<hbm>> -> memref<10240x16xf32, #tpu.memory_space<hbm>>
        tpu.enqueue_indirect_dma source(%dma_start3A_401 : memref<10240x16xf32, #tpu.memory_space<hbm>>) target(%arg12 : memref<128x16xf32, #tpu.memory_space<vmem>>) offsets(%dma_start3A_398 : memref<128xi32, #tpu.memory_space<vmem>>) semaphore(%arg24 : memref<!tpu.dma_semaphore, #tpu.memory_space<semaphore_mem>>)
        %dma_start3A_402 = arith.constant 1 : i32
        %dma_start3A_403 = arith.constant 0 : i32
        %dma_start3A_404 = tpu.memref_slice %arg10[%dma_start3A_402, %dma_start3A_403] : memref<2x128xi32, #tpu.memory_space<vmem>> -> memref<1x128xi32, #tpu.memory_space<vmem>>
        %dma_start3A_405 = tpu.memref_squeeze %dma_start3A_404 : memref<1x128xi32, #tpu.memory_space<vmem>> -> memref<128xi32, #tpu.memory_space<vmem>>
        %dma_start3A_406 = arith.constant 0 : i32
        %dma_start3A_407 = arith.constant 0 : i32
        %dma_start3A_408 = tpu.memref_slice %arg4[%dma_start3A_406, %dma_start3A_407] : memref<10240x16xf32, #tpu.memory_space<hbm>> -> memref<10240x16xf32, #tpu.memory_space<hbm>>
        tpu.enqueue_indirect_dma source(%dma_start3A_408 : memref<10240x16xf32, #tpu.memory_space<hbm>>) target(%arg14 : memref<128x16xf32, #tpu.memory_space<vmem>>) offsets(%dma_start3A_405 : memref<128xi32, #tpu.memory_space<vmem>>) semaphore(%arg24 : memref<!tpu.dma_semaphore, #tpu.memory_space<semaphore_mem>>)
        %dma_start3A_409 = arith.constant 0 : i32
        %dma_start3A_410 = arith.constant 0 : i32
        %dma_start3A_411 = tpu.memref_slice %arg10[%dma_start3A_409, %dma_start3A_410] : memref<2x128xi32, #tpu.memory_space<vmem>> -> memref<1x128xi32, #tpu.memory_space<vmem>>
        %dma_start3A_412 = tpu.memref_squeeze %dma_start3A_411 : memref<1x128xi32, #tpu.memory_space<vmem>> -> memref<128xi32, #tpu.memory_space<vmem>>
        %dma_start3A_413 = arith.constant 0 : i32
        %dma_start3A_414 = arith.constant 0 : i32
        %dma_start3A_415 = tpu.memref_slice %arg2[%dma_start3A_413, %dma_start3A_414] : memref<10240x64xf32, #tpu.memory_space<hbm>> -> memref<10240x64xf32, #tpu.memory_space<hbm>>
        tpu.enqueue_indirect_dma source(%dma_start3A_415 : memref<10240x64xf32, #tpu.memory_space<hbm>>) target(%arg16 : memref<128x64xf32, #tpu.memory_space<vmem>>) offsets(%dma_start3A_412 : memref<128xi32, #tpu.memory_space<vmem>>) semaphore(%arg24 : memref<!tpu.dma_semaphore, #tpu.memory_space<semaphore_mem>>)
      } else {
      }
      %scan3A_252 = arith.constant 0 : i32
      %scan3A_253 = arith.constant 0 : i32
      %scan3A_254 = arith.constant 128 : i32
      %scan3A_255 = arith.addi %scan3A_253, %scan3A_254 : i32
      %scan3A_256 = arith.constant 1 : i32
      scf.for %scan3A_376 = %scan3A_253 to %scan3A_255 step %scan3A_256  : i32 {
        %get3A = arith.index_cast %scan3A_376 : i32 to index
        %get3A_377 = arith.constant 0 : index
        %get3A_378 = tpu.vector_load %arg13[%get3A, %get3A_377] {strides = array<i32>} : memref<128x16xf32, #tpu.memory_space<vmem>>, vector<1x16xf32>,
        %get3A_379 = vector.shape_cast %get3A_378 : vector<1x16xf32> to vector<16xf32>
        %get3A_380 = arith.index_cast %scan3A_376 : i32 to index
        %get3A_381 = arith.constant 0 : index
        %get3A_382 = tpu.vector_load %arg15[%get3A_380, %get3A_381] {strides = array<i32>} : memref<128x16xf32, #tpu.memory_space<vmem>>, vector<1x16xf32>,
        %get3A_383 = vector.shape_cast %get3A_382 : vector<1x16xf32> to vector<16xf32>
        %add3A_384 = arith.addf %get3A_379, %get3A_383 : vector<16xf32>
        %ge3A = arith.constant 0.000000e+00 : f32
        %ge3A_385 = vector.broadcast %ge3A : f32 to vector<16xf32>
        %ge3A_386 = arith.cmpf oge, %add3A_384, %ge3A_385 : vector<16xf32>
        %mul3A_387 = arith.constant 2.000000e-01 : f32
        %mul3A_388 = vector.broadcast %mul3A_387 : f32 to vector<16xf32>
        %mul3A_389 = arith.mulf %mul3A_388, %add3A_384 : vector<16xf32>
        %select_n3A = arith.select %ge3A_386, %add3A_384, %mul3A_389 : vector<16xi1>, vector<16xf32>
        %exp3A = math.exp %select_n3A : vector<16xf32>
        %swap3A = arith.index_cast %scan3A_376 : i32 to index
        %swap3A_390 = arith.constant 0 : index
        %swap3A_391 = tpu.vector_load %arg19[%swap3A, %swap3A_390] {strides = array<i32>} : memref<128x16xf32, #tpu.memory_space<vmem>>, vector<1x16xf32>,
        %swap3A_392 = vector.shape_cast %swap3A_391 : vector<1x16xf32> to vector<16xf32>
        %swap3A_393 = vector.shape_cast %exp3A : vector<16xf32> to vector<1x16xf32>
        tpu.vector_store %arg19[%swap3A, %swap3A_390], %swap3A_393 {strides = array<i32>} : memref<128x16xf32, #tpu.memory_space<vmem>>, vector<1x16xf32>,
        %slice3A = vector.extract_strided_slice %exp3A {offsets = [0], sizes = [1], strides = [1]} : vector<16xf32> to vector<1xf32>
        %squeeze3A = vector.extract %slice3A[0] : f32 from vector<1xf32>
        %get3A_394 = arith.index_cast %scan3A_376 : i32 to index
        %get3A_395 = arith.constant 0 : index
        %get3A_396 = tpu.vector_load %arg17[%get3A_394, %get3A_395] {strides = array<i32>} : memref<128x64xf32, #tpu.memory_space<vmem>>, vector<1x16xf32>,
        %get3A_397 = vector.shape_cast %get3A_396 : vector<1x16xf32> to vector<16xf32>
        %mul3A_398 = vector.broadcast %squeeze3A : f32 to vector<16xf32>
        %mul3A_399 = arith.mulf %get3A_397, %mul3A_398 : vector<16xf32>
        %swap3A_400 = arith.index_cast %scan3A_376 : i32 to index
        %swap3A_401 = arith.constant 0 : index
        %swap3A_402 = tpu.vector_load %arg17[%swap3A_400, %swap3A_401] {strides = array<i32>} : memref<128x64xf32, #tpu.memory_space<vmem>>, vector<1x16xf32>,
        %swap3A_403 = vector.shape_cast %swap3A_402 : vector<1x16xf32> to vector<16xf32>
        %swap3A_404 = vector.shape_cast %mul3A_399 : vector<16xf32> to vector<1x16xf32>
        tpu.vector_store %arg17[%swap3A_400, %swap3A_401], %swap3A_404 {strides = array<i32>} : memref<128x64xf32, #tpu.memory_space<vmem>>, vector<1x16xf32>,
        %get3A_405 = arith.index_cast %scan3A_376 : i32 to index
        %get3A_406 = arith.constant 16 : index
        %get3A_407 = tpu.vector_load %arg17[%get3A_405, %get3A_406] {strides = array<i32>} : memref<128x64xf32, #tpu.memory_space<vmem>>, vector<1x16xf32>,
        %get3A_408 = vector.shape_cast %get3A_407 : vector<1x16xf32> to vector<16xf32>
        %mul3A_409 = vector.broadcast %squeeze3A : f32 to vector<16xf32>
        %mul3A_410 = arith.mulf %get3A_408, %mul3A_409 : vector<16xf32>
        %swap3A_411 = arith.index_cast %scan3A_376 : i32 to index
        %swap3A_412 = arith.constant 16 : index
        %swap3A_413 = tpu.vector_load %arg17[%swap3A_411, %swap3A_412] {strides = array<i32>} : memref<128x64xf32, #tpu.memory_space<vmem>>, vector<1x16xf32>,
        %swap3A_414 = vector.shape_cast %swap3A_413 : vector<1x16xf32> to vector<16xf32>
        %swap3A_415 = vector.shape_cast %mul3A_410 : vector<16xf32> to vector<1x16xf32>
        tpu.vector_store %arg17[%swap3A_411, %swap3A_412], %swap3A_415 {strides = array<i32>} : memref<128x64xf32, #tpu.memory_space<vmem>>, vector<1x16xf32>,
        %slice3A_416 = vector.extract_strided_slice %exp3A {offsets = [1], sizes = [1], strides = [1]} : vector<16xf32> to vector<1xf32>
        %squeeze3A_417 = vector.extract %slice3A_416[0] : f32 from vector<1xf32>
        %get3A_418 = arith.index_cast %scan3A_376 : i32 to index
        %get3A_419 = arith.constant 32 : index
        %get3A_420 = tpu.vector_load %arg17[%get3A_418, %get3A_419] {strides = array<i32>} : memref<128x64xf32, #tpu.memory_space<vmem>>, vector<1x16xf32>,
        %get3A_421 = vector.shape_cast %get3A_420 : vector<1x16xf32> to vector<16xf32>
        %mul3A_422 = vector.broadcast %squeeze3A_417 : f32 to vector<16xf32>
        %mul3A_423 = arith.mulf %get3A_421, %mul3A_422 : vector<16xf32>
        %swap3A_424 = arith.index_cast %scan3A_376 : i32 to index
        %swap3A_425 = arith.constant 32 : index
        %swap3A_426 = tpu.vector_load %arg17[%swap3A_424, %swap3A_425] {strides = array<i32>} : memref<128x64xf32, #tpu.memory_space<vmem>>, vector<1x16xf32>,
        %swap3A_427 = vector.shape_cast %swap3A_426 : vector<1x16xf32> to vector<16xf32>
        %swap3A_428 = vector.shape_cast %mul3A_423 : vector<16xf32> to vector<1x16xf32>
        tpu.vector_store %arg17[%swap3A_424, %swap3A_425], %swap3A_428 {strides = array<i32>} : memref<128x64xf32, #tpu.memory_space<vmem>>, vector<1x16xf32>,
        %get3A_429 = arith.index_cast %scan3A_376 : i32 to index
        %get3A_430 = arith.constant 48 : index
        %get3A_431 = tpu.vector_load %arg17[%get3A_429, %get3A_430] {strides = array<i32>} : memref<128x64xf32, #tpu.memory_space<vmem>>, vector<1x16xf32>,
        %get3A_432 = vector.shape_cast %get3A_431 : vector<1x16xf32> to vector<16xf32>
        %mul3A_433 = vector.broadcast %squeeze3A_417 : f32 to vector<16xf32>
        %mul3A_434 = arith.mulf %get3A_432, %mul3A_433 : vector<16xf32>
        %swap3A_435 = arith.index_cast %scan3A_376 : i32 to index
        %swap3A_436 = arith.constant 48 : index
        %swap3A_437 = tpu.vector_load %arg17[%swap3A_435, %swap3A_436] {strides = array<i32>} : memref<128x64xf32, #tpu.memory_space<vmem>>, vector<1x16xf32>,
        %swap3A_438 = vector.shape_cast %swap3A_437 : vector<1x16xf32> to vector<16xf32>
        %swap3A_439 = vector.shape_cast %mul3A_434 : vector<16xf32> to vector<1x16xf32>
        tpu.vector_store %arg17[%swap3A_435, %swap3A_436], %swap3A_439 {strides = array<i32>} : memref<128x64xf32, #tpu.memory_space<vmem>>, vector<1x16xf32>,
      }
      %scan3A_257 = arith.constant 128 : i32
      %dma_start3A_258 = arith.constant 1 : i32
      %dma_start3A_259 = arith.constant 0 : i32
      %dma_start3A_260 = tpu.memref_slice %arg9[%dma_start3A_258, %dma_start3A_259] : memref<2x128xi32, #tpu.memory_space<vmem>> -> memref<1x128xi32, #tpu.memory_space<vmem>>
      %dma_start3A_261 = tpu.memref_squeeze %dma_start3A_260 : memref<1x128xi32, #tpu.memory_space<vmem>> -> memref<128xi32, #tpu.memory_space<vmem>>
      %dma_start3A_262 = arith.constant 0 : i32
      %dma_start3A_263 = arith.constant 0 : i32
      %dma_start3A_264 = tpu.memref_slice %arg22[%dma_start3A_262, %dma_start3A_263] : memref<10240x64xf32, #tpu.memory_space<vmem_shared>> -> memref<10240x64xf32, #tpu.memory_space<vmem_shared>>
      tpu.enqueue_indirect_dma source(%arg17 : memref<128x64xf32, #tpu.memory_space<vmem>>) target(%dma_start3A_264 : memref<10240x64xf32, #tpu.memory_space<vmem_shared>>) offsets(%dma_start3A_261 : memref<128xi32, #tpu.memory_space<vmem>>) semaphore(%arg27 : memref<!tpu.dma_semaphore, #tpu.memory_space<semaphore_mem>>) {add = true}
      %dma_start3A_265 = arith.constant 1 : i32
      %dma_start3A_266 = arith.constant 0 : i32
      %dma_start3A_267 = tpu.memref_slice %arg9[%dma_start3A_265, %dma_start3A_266] : memref<2x128xi32, #tpu.memory_space<vmem>> -> memref<1x128xi32, #tpu.memory_space<vmem>>
      %dma_start3A_268 = tpu.memref_squeeze %dma_start3A_267 : memref<1x128xi32, #tpu.memory_space<vmem>> -> memref<128xi32, #tpu.memory_space<vmem>>
      %dma_start3A_269 = arith.constant 0 : i32
      %dma_start3A_270 = arith.constant 0 : i32
      %dma_start3A_271 = tpu.memref_slice %arg23[%dma_start3A_269, %dma_start3A_270] : memref<10240x16xf32, #tpu.memory_space<vmem_shared>> -> memref<10240x16xf32, #tpu.memory_space<vmem_shared>>
      tpu.enqueue_indirect_dma source(%arg19 : memref<128x16xf32, #tpu.memory_space<vmem>>) target(%dma_start3A_271 : memref<10240x16xf32, #tpu.memory_space<vmem_shared>>) offsets(%dma_start3A_268 : memref<128xi32, #tpu.memory_space<vmem>>) semaphore(%arg27 : memref<!tpu.dma_semaphore, #tpu.memory_space<semaphore_mem>>) {add = true}
      %mul3A_272 = arith.constant 4 : i32
      %mul3A_273 = arith.muli %scan3A_170, %mul3A_272 : i32
      %add3A_274 = arith.constant 2 : i32
      %add3A_275 = arith.addi %mul3A_273, %add3A_274 : i32
      %dma_wait3A_276 = arith.constant 0 : i32
      %dma_wait3A_277 = arith.constant 0 : i32
      %dma_wait3A_278 = tpu.memref_slice %arg10[%dma_wait3A_276, %dma_wait3A_277] : memref<2x128xi32, #tpu.memory_space<vmem>> -> memref<1x128xi32, #tpu.memory_space<vmem>>
      %dma_wait3A_279 = tpu.memref_squeeze %dma_wait3A_278 : memref<1x128xi32, #tpu.memory_space<vmem>> -> memref<128xi32, #tpu.memory_space<vmem>>
      %dma_wait3A_280 = arith.constant 0 : i32
      %dma_wait3A_281 = arith.constant 0 : i32
      %dma_wait3A_282 = tpu.memref_slice %arg3[%dma_wait3A_280, %dma_wait3A_281] : memref<10240x16xf32, #tpu.memory_space<hbm>> -> memref<10240x16xf32, #tpu.memory_space<hbm>>
      tpu.wait_indirect_dma semaphore(%arg24 : memref<!tpu.dma_semaphore, #tpu.memory_space<semaphore_mem>>) src(%dma_wait3A_282 : memref<10240x16xf32, #tpu.memory_space<hbm>>) dst(%arg12 : memref<128x16xf32, #tpu.memory_space<vmem>>)
      %dma_wait3A_283 = arith.constant 1 : i32
      %dma_wait3A_284 = arith.constant 0 : i32
      %dma_wait3A_285 = tpu.memref_slice %arg10[%dma_wait3A_283, %dma_wait3A_284] : memref<2x128xi32, #tpu.memory_space<vmem>> -> memref<1x128xi32, #tpu.memory_space<vmem>>
      %dma_wait3A_286 = tpu.memref_squeeze %dma_wait3A_285 : memref<1x128xi32, #tpu.memory_space<vmem>> -> memref<128xi32, #tpu.memory_space<vmem>>
      %dma_wait3A_287 = arith.constant 0 : i32
      %dma_wait3A_288 = arith.constant 0 : i32
      %dma_wait3A_289 = tpu.memref_slice %arg4[%dma_wait3A_287, %dma_wait3A_288] : memref<10240x16xf32, #tpu.memory_space<hbm>> -> memref<10240x16xf32, #tpu.memory_space<hbm>>
      tpu.wait_indirect_dma semaphore(%arg24 : memref<!tpu.dma_semaphore, #tpu.memory_space<semaphore_mem>>) src(%dma_wait3A_289 : memref<10240x16xf32, #tpu.memory_space<hbm>>) dst(%arg14 : memref<128x16xf32, #tpu.memory_space<vmem>>)
      %dma_wait3A_290 = arith.constant 0 : i32
      %dma_wait3A_291 = arith.constant 0 : i32
      %dma_wait3A_292 = tpu.memref_slice %arg10[%dma_wait3A_290, %dma_wait3A_291] : memref<2x128xi32, #tpu.memory_space<vmem>> -> memref<1x128xi32, #tpu.memory_space<vmem>>
      %dma_wait3A_293 = tpu.memref_squeeze %dma_wait3A_292 : memref<1x128xi32, #tpu.memory_space<vmem>> -> memref<128xi32, #tpu.memory_space<vmem>>
      %dma_wait3A_294 = arith.constant 0 : i32
      %dma_wait3A_295 = arith.constant 0 : i32
      %dma_wait3A_296 = tpu.memref_slice %arg2[%dma_wait3A_294, %dma_wait3A_295] : memref<10240x64xf32, #tpu.memory_space<hbm>> -> memref<10240x64xf32, #tpu.memory_space<hbm>>
      tpu.wait_indirect_dma semaphore(%arg24 : memref<!tpu.dma_semaphore, #tpu.memory_space<semaphore_mem>>) src(%dma_wait3A_296 : memref<10240x64xf32, #tpu.memory_space<hbm>>) dst(%arg16 : memref<128x64xf32, #tpu.memory_space<vmem>>)
      %add3A_297 = arith.constant 1 : i32
      %add3A_298 = arith.addi %add3A_275, %add3A_297 : i32
      %lt3A_299 = arith.constant 84 : i32
      %lt3A_300 = arith.cmpi slt, %add3A_298, %lt3A_299 : i32
      %convert_element_type3A_301 = arith.extui %lt3A_300 : i1 to i32
      %cond3A_302 = arith.constant 0 : i32
      %cond3A_303 = arith.cmpi ne, %convert_element_type3A_301, %cond3A_302 : i32
      scf.if %cond3A_303 {
        %ge3A = arith.constant 1 : i32
        %ge3A_376 = arith.cmpi sge, %add3A_275, %ge3A : i32
        %convert_element_type3A_377 = arith.extui %ge3A_376 : i1 to i32
        %cond3A_378 = arith.constant 0 : i32
        %cond3A_379 = arith.cmpi ne, %convert_element_type3A_377, %cond3A_378 : i32
        scf.if %cond3A_379 {
          %dma_wait3A_416 = arith.constant 1 : i32
          %dma_wait3A_417 = arith.constant 0 : i32
          %dma_wait3A_418 = tpu.memref_slice %arg9[%dma_wait3A_416, %dma_wait3A_417] : memref<2x128xi32, #tpu.memory_space<vmem>> -> memref<1x128xi32, #tpu.memory_space<vmem>>
          %dma_wait3A_419 = tpu.memref_squeeze %dma_wait3A_418 : memref<1x128xi32, #tpu.memory_space<vmem>> -> memref<128xi32, #tpu.memory_space<vmem>>
          %dma_wait3A_420 = arith.constant 0 : i32
          %dma_wait3A_421 = arith.constant 0 : i32
          %dma_wait3A_422 = tpu.memref_slice %arg22[%dma_wait3A_420, %dma_wait3A_421] : memref<10240x64xf32, #tpu.memory_space<vmem_shared>> -> memref<10240x64xf32, #tpu.memory_space<vmem_shared>>
          tpu.wait_indirect_dma semaphore(%arg27 : memref<!tpu.dma_semaphore, #tpu.memory_space<semaphore_mem>>) src(%arg17 : memref<128x64xf32, #tpu.memory_space<vmem>>) dst(%dma_wait3A_422 : memref<10240x64xf32, #tpu.memory_space<vmem_shared>>)
          %dma_wait3A_423 = arith.constant 1 : i32
          %dma_wait3A_424 = arith.constant 0 : i32
          %dma_wait3A_425 = tpu.memref_slice %arg9[%dma_wait3A_423, %dma_wait3A_424] : memref<2x128xi32, #tpu.memory_space<vmem>> -> memref<1x128xi32, #tpu.memory_space<vmem>>
          %dma_wait3A_426 = tpu.memref_squeeze %dma_wait3A_425 : memref<1x128xi32, #tpu.memory_space<vmem>> -> memref<128xi32, #tpu.memory_space<vmem>>
          %dma_wait3A_427 = arith.constant 0 : i32
          %dma_wait3A_428 = arith.constant 0 : i32
          %dma_wait3A_429 = tpu.memref_slice %arg23[%dma_wait3A_427, %dma_wait3A_428] : memref<10240x16xf32, #tpu.memory_space<vmem_shared>> -> memref<10240x16xf32, #tpu.memory_space<vmem_shared>>
          tpu.wait_indirect_dma semaphore(%arg27 : memref<!tpu.dma_semaphore, #tpu.memory_space<semaphore_mem>>) src(%arg19 : memref<128x16xf32, #tpu.memory_space<vmem>>) dst(%dma_wait3A_429 : memref<10240x16xf32, #tpu.memory_space<vmem_shared>>)
        } else {
        }
        %add3A_380 = arith.constant 2 : i32
        %add3A_381 = arith.addi %add3A_275, %add3A_380 : i32
        %lt3A_382 = arith.constant 84 : i32
        %lt3A_383 = arith.cmpi slt, %add3A_381, %lt3A_382 : i32
        %convert_element_type3A_384 = arith.extui %lt3A_383 : i1 to i32
        %cond3A_385 = arith.constant 0 : i32
        %cond3A_386 = arith.cmpi ne, %convert_element_type3A_384, %cond3A_385 : i32
        scf.if %cond3A_386 {
          %add3A_416 = arith.constant 2 : i32
          %add3A_417 = arith.addi %add3A_275, %add3A_416 : i32
          %add3A_418 = arith.addi %mul3A_2, %add3A_417 : i32
          %dma_start3A_419 = arith.constant 0 : i32
          %dma_start3A_420 = arith.constant 0 : i32
          %dma_start3A_421 = tpu.memref_slice %arg5[%add3A_418, %dma_start3A_419, %dma_start3A_420] : memref<2688x2x128xi32, #tpu.memory_space<hbm>> -> memref<1x2x128xi32, #tpu.memory_space<hbm>>
          %dma_start3A_422 = tpu.memref_squeeze %dma_start3A_421 : memref<1x2x128xi32, #tpu.memory_space<hbm>> -> memref<2x128xi32, #tpu.memory_space<hbm>>
          %dma_start3A_423 = arith.constant 0 : i32
          %dma_start3A_424 = arith.constant 0 : i32
          %dma_start3A_425 = tpu.memref_slice %arg5[%add3A_418, %dma_start3A_423, %dma_start3A_424] : memref<2688x2x128xi32, #tpu.memory_space<hbm>> -> memref<1x2x128xi32, #tpu.memory_space<hbm>>
          %dma_start3A_426 = tpu.memref_squeeze %dma_start3A_425 : memref<1x2x128xi32, #tpu.memory_space<hbm>> -> memref<2x128xi32, #tpu.memory_space<hbm>>
          tpu.enqueue_dma source(%dma_start3A_426 : memref<2x128xi32, #tpu.memory_space<hbm>>) target(%arg8 : memref<2x128xi32, #tpu.memory_space<vmem>>) target_semaphore(%arg28 : memref<!tpu.dma_semaphore, #tpu.memory_space<semaphore_mem>>)
        } else {
        }
        %dma_wait3A_387 = arith.constant 0 : i32
        %dma_wait3A_388 = arith.constant 0 : i32
        %dma_wait3A_389 = tpu.memref_slice %arg5[%mul3A_2, %dma_wait3A_387, %dma_wait3A_388] : memref<2688x2x128xi32, #tpu.memory_space<hbm>> -> memref<1x2x128xi32, #tpu.memory_space<hbm>>
        %dma_wait3A_390 = tpu.memref_squeeze %dma_wait3A_389 : memref<1x2x128xi32, #tpu.memory_space<hbm>> -> memref<2x128xi32, #tpu.memory_space<hbm>>
        %dma_wait3A_391 = arith.constant 0 : i32
        %dma_wait3A_392 = arith.constant 0 : i32
        %dma_wait3A_393 = tpu.memref_slice %arg5[%mul3A_2, %dma_wait3A_391, %dma_wait3A_392] : memref<2688x2x128xi32, #tpu.memory_space<hbm>> -> memref<1x2x128xi32, #tpu.memory_space<hbm>>
        %dma_wait3A_394 = tpu.memref_squeeze %dma_wait3A_393 : memref<1x2x128xi32, #tpu.memory_space<hbm>> -> memref<2x128xi32, #tpu.memory_space<hbm>>
        tpu.wait_dma2 semaphore(%arg31 : memref<!tpu.dma_semaphore, #tpu.memory_space<semaphore_mem>>) src(%dma_wait3A_394 : memref<2x128xi32, #tpu.memory_space<hbm>>) dst(%arg11 : memref<2x128xi32, #tpu.memory_space<vmem>>)
        %dma_start3A_395 = arith.constant 0 : i32
        %dma_start3A_396 = arith.constant 0 : i32
        %dma_start3A_397 = tpu.memref_slice %arg11[%dma_start3A_395, %dma_start3A_396] : memref<2x128xi32, #tpu.memory_space<vmem>> -> memref<1x128xi32, #tpu.memory_space<vmem>>
        %dma_start3A_398 = tpu.memref_squeeze %dma_start3A_397 : memref<1x128xi32, #tpu.memory_space<vmem>> -> memref<128xi32, #tpu.memory_space<vmem>>
        %dma_start3A_399 = arith.constant 0 : i32
        %dma_start3A_400 = arith.constant 0 : i32
        %dma_start3A_401 = tpu.memref_slice %arg3[%dma_start3A_399, %dma_start3A_400] : memref<10240x16xf32, #tpu.memory_space<hbm>> -> memref<10240x16xf32, #tpu.memory_space<hbm>>
        tpu.enqueue_indirect_dma source(%dma_start3A_401 : memref<10240x16xf32, #tpu.memory_space<hbm>>) target(%arg13 : memref<128x16xf32, #tpu.memory_space<vmem>>) offsets(%dma_start3A_398 : memref<128xi32, #tpu.memory_space<vmem>>) semaphore(%arg25 : memref<!tpu.dma_semaphore, #tpu.memory_space<semaphore_mem>>)
        %dma_start3A_402 = arith.constant 1 : i32
        %dma_start3A_403 = arith.constant 0 : i32
        %dma_start3A_404 = tpu.memref_slice %arg11[%dma_start3A_402, %dma_start3A_403] : memref<2x128xi32, #tpu.memory_space<vmem>> -> memref<1x128xi32, #tpu.memory_space<vmem>>
        %dma_start3A_405 = tpu.memref_squeeze %dma_start3A_404 : memref<1x128xi32, #tpu.memory_space<vmem>> -> memref<128xi32, #tpu.memory_space<vmem>>
        %dma_start3A_406 = arith.constant 0 : i32
        %dma_start3A_407 = arith.constant 0 : i32
        %dma_start3A_408 = tpu.memref_slice %arg4[%dma_start3A_406, %dma_start3A_407] : memref<10240x16xf32, #tpu.memory_space<hbm>> -> memref<10240x16xf32, #tpu.memory_space<hbm>>
        tpu.enqueue_indirect_dma source(%dma_start3A_408 : memref<10240x16xf32, #tpu.memory_space<hbm>>) target(%arg15 : memref<128x16xf32, #tpu.memory_space<vmem>>) offsets(%dma_start3A_405 : memref<128xi32, #tpu.memory_space<vmem>>) semaphore(%arg25 : memref<!tpu.dma_semaphore, #tpu.memory_space<semaphore_mem>>)
        %dma_start3A_409 = arith.constant 0 : i32
        %dma_start3A_410 = arith.constant 0 : i32
        %dma_start3A_411 = tpu.memref_slice %arg11[%dma_start3A_409, %dma_start3A_410] : memref<2x128xi32, #tpu.memory_space<vmem>> -> memref<1x128xi32, #tpu.memory_space<vmem>>
        %dma_start3A_412 = tpu.memref_squeeze %dma_start3A_411 : memref<1x128xi32, #tpu.memory_space<vmem>> -> memref<128xi32, #tpu.memory_space<vmem>>
        %dma_start3A_413 = arith.constant 0 : i32
        %dma_start3A_414 = arith.constant 0 : i32
        %dma_start3A_415 = tpu.memref_slice %arg2[%dma_start3A_413, %dma_start3A_414] : memref<10240x64xf32, #tpu.memory_space<hbm>> -> memref<10240x64xf32, #tpu.memory_space<hbm>>
        tpu.enqueue_indirect_dma source(%dma_start3A_415 : memref<10240x64xf32, #tpu.memory_space<hbm>>) target(%arg17 : memref<128x64xf32, #tpu.memory_space<vmem>>) offsets(%dma_start3A_412 : memref<128xi32, #tpu.memory_space<vmem>>) semaphore(%arg25 : memref<!tpu.dma_semaphore, #tpu.memory_space<semaphore_mem>>)
      } else {
      }
      %scan3A_304 = arith.constant 0 : i32
      %scan3A_305 = arith.constant 0 : i32
      %scan3A_306 = arith.constant 128 : i32
      %scan3A_307 = arith.addi %scan3A_305, %scan3A_306 : i32
      %scan3A_308 = arith.constant 1 : i32
      scf.for %scan3A_376 = %scan3A_305 to %scan3A_307 step %scan3A_308  : i32 {
        %get3A = arith.index_cast %scan3A_376 : i32 to index
        %get3A_377 = arith.constant 0 : index
        %get3A_378 = tpu.vector_load %arg12[%get3A, %get3A_377] {strides = array<i32>} : memref<128x16xf32, #tpu.memory_space<vmem>>, vector<1x16xf32>,
        %get3A_379 = vector.shape_cast %get3A_378 : vector<1x16xf32> to vector<16xf32>
        %get3A_380 = arith.index_cast %scan3A_376 : i32 to index
        %get3A_381 = arith.constant 0 : index
        %get3A_382 = tpu.vector_load %arg14[%get3A_380, %get3A_381] {strides = array<i32>} : memref<128x16xf32, #tpu.memory_space<vmem>>, vector<1x16xf32>,
        %get3A_383 = vector.shape_cast %get3A_382 : vector<1x16xf32> to vector<16xf32>
        %add3A_384 = arith.addf %get3A_379, %get3A_383 : vector<16xf32>
        %ge3A = arith.constant 0.000000e+00 : f32
        %ge3A_385 = vector.broadcast %ge3A : f32 to vector<16xf32>
        %ge3A_386 = arith.cmpf oge, %add3A_384, %ge3A_385 : vector<16xf32>
        %mul3A_387 = arith.constant 2.000000e-01 : f32
        %mul3A_388 = vector.broadcast %mul3A_387 : f32 to vector<16xf32>
        %mul3A_389 = arith.mulf %mul3A_388, %add3A_384 : vector<16xf32>
        %select_n3A = arith.select %ge3A_386, %add3A_384, %mul3A_389 : vector<16xi1>, vector<16xf32>
        %exp3A = math.exp %select_n3A : vector<16xf32>
        %swap3A = arith.index_cast %scan3A_376 : i32 to index
        %swap3A_390 = arith.constant 0 : index
        %swap3A_391 = tpu.vector_load %arg18[%swap3A, %swap3A_390] {strides = array<i32>} : memref<128x16xf32, #tpu.memory_space<vmem>>, vector<1x16xf32>,
        %swap3A_392 = vector.shape_cast %swap3A_391 : vector<1x16xf32> to vector<16xf32>
        %swap3A_393 = vector.shape_cast %exp3A : vector<16xf32> to vector<1x16xf32>
        tpu.vector_store %arg18[%swap3A, %swap3A_390], %swap3A_393 {strides = array<i32>} : memref<128x16xf32, #tpu.memory_space<vmem>>, vector<1x16xf32>,
        %slice3A = vector.extract_strided_slice %exp3A {offsets = [0], sizes = [1], strides = [1]} : vector<16xf32> to vector<1xf32>
        %squeeze3A = vector.extract %slice3A[0] : f32 from vector<1xf32>
        %get3A_394 = arith.index_cast %scan3A_376 : i32 to index
        %get3A_395 = arith.constant 0 : index
        %get3A_396 = tpu.vector_load %arg16[%get3A_394, %get3A_395] {strides = array<i32>} : memref<128x64xf32, #tpu.memory_space<vmem>>, vector<1x16xf32>,
        %get3A_397 = vector.shape_cast %get3A_396 : vector<1x16xf32> to vector<16xf32>
        %mul3A_398 = vector.broadcast %squeeze3A : f32 to vector<16xf32>
        %mul3A_399 = arith.mulf %get3A_397, %mul3A_398 : vector<16xf32>
        %swap3A_400 = arith.index_cast %scan3A_376 : i32 to index
        %swap3A_401 = arith.constant 0 : index
        %swap3A_402 = tpu.vector_load %arg16[%swap3A_400, %swap3A_401] {strides = array<i32>} : memref<128x64xf32, #tpu.memory_space<vmem>>, vector<1x16xf32>,
        %swap3A_403 = vector.shape_cast %swap3A_402 : vector<1x16xf32> to vector<16xf32>
        %swap3A_404 = vector.shape_cast %mul3A_399 : vector<16xf32> to vector<1x16xf32>
        tpu.vector_store %arg16[%swap3A_400, %swap3A_401], %swap3A_404 {strides = array<i32>} : memref<128x64xf32, #tpu.memory_space<vmem>>, vector<1x16xf32>,
        %get3A_405 = arith.index_cast %scan3A_376 : i32 to index
        %get3A_406 = arith.constant 16 : index
        %get3A_407 = tpu.vector_load %arg16[%get3A_405, %get3A_406] {strides = array<i32>} : memref<128x64xf32, #tpu.memory_space<vmem>>, vector<1x16xf32>,
        %get3A_408 = vector.shape_cast %get3A_407 : vector<1x16xf32> to vector<16xf32>
        %mul3A_409 = vector.broadcast %squeeze3A : f32 to vector<16xf32>
        %mul3A_410 = arith.mulf %get3A_408, %mul3A_409 : vector<16xf32>
        %swap3A_411 = arith.index_cast %scan3A_376 : i32 to index
        %swap3A_412 = arith.constant 16 : index
        %swap3A_413 = tpu.vector_load %arg16[%swap3A_411, %swap3A_412] {strides = array<i32>} : memref<128x64xf32, #tpu.memory_space<vmem>>, vector<1x16xf32>,
        %swap3A_414 = vector.shape_cast %swap3A_413 : vector<1x16xf32> to vector<16xf32>
        %swap3A_415 = vector.shape_cast %mul3A_410 : vector<16xf32> to vector<1x16xf32>
        tpu.vector_store %arg16[%swap3A_411, %swap3A_412], %swap3A_415 {strides = array<i32>} : memref<128x64xf32, #tpu.memory_space<vmem>>, vector<1x16xf32>,
        %slice3A_416 = vector.extract_strided_slice %exp3A {offsets = [1], sizes = [1], strides = [1]} : vector<16xf32> to vector<1xf32>
        %squeeze3A_417 = vector.extract %slice3A_416[0] : f32 from vector<1xf32>
        %get3A_418 = arith.index_cast %scan3A_376 : i32 to index
        %get3A_419 = arith.constant 32 : index
        %get3A_420 = tpu.vector_load %arg16[%get3A_418, %get3A_419] {strides = array<i32>} : memref<128x64xf32, #tpu.memory_space<vmem>>, vector<1x16xf32>,
        %get3A_421 = vector.shape_cast %get3A_420 : vector<1x16xf32> to vector<16xf32>
        %mul3A_422 = vector.broadcast %squeeze3A_417 : f32 to vector<16xf32>
        %mul3A_423 = arith.mulf %get3A_421, %mul3A_422 : vector<16xf32>
        %swap3A_424 = arith.index_cast %scan3A_376 : i32 to index
        %swap3A_425 = arith.constant 32 : index
        %swap3A_426 = tpu.vector_load %arg16[%swap3A_424, %swap3A_425] {strides = array<i32>} : memref<128x64xf32, #tpu.memory_space<vmem>>, vector<1x16xf32>,
        %swap3A_427 = vector.shape_cast %swap3A_426 : vector<1x16xf32> to vector<16xf32>
        %swap3A_428 = vector.shape_cast %mul3A_423 : vector<16xf32> to vector<1x16xf32>
        tpu.vector_store %arg16[%swap3A_424, %swap3A_425], %swap3A_428 {strides = array<i32>} : memref<128x64xf32, #tpu.memory_space<vmem>>, vector<1x16xf32>,
        %get3A_429 = arith.index_cast %scan3A_376 : i32 to index
        %get3A_430 = arith.constant 48 : index
        %get3A_431 = tpu.vector_load %arg16[%get3A_429, %get3A_430] {strides = array<i32>} : memref<128x64xf32, #tpu.memory_space<vmem>>, vector<1x16xf32>,
        %get3A_432 = vector.shape_cast %get3A_431 : vector<1x16xf32> to vector<16xf32>
        %mul3A_433 = vector.broadcast %squeeze3A_417 : f32 to vector<16xf32>
        %mul3A_434 = arith.mulf %get3A_432, %mul3A_433 : vector<16xf32>
        %swap3A_435 = arith.index_cast %scan3A_376 : i32 to index
        %swap3A_436 = arith.constant 48 : index
        %swap3A_437 = tpu.vector_load %arg16[%swap3A_435, %swap3A_436] {strides = array<i32>} : memref<128x64xf32, #tpu.memory_space<vmem>>, vector<1x16xf32>,
        %swap3A_438 = vector.shape_cast %swap3A_437 : vector<1x16xf32> to vector<16xf32>
        %swap3A_439 = vector.shape_cast %mul3A_434 : vector<16xf32> to vector<1x16xf32>
        tpu.vector_store %arg16[%swap3A_435, %swap3A_436], %swap3A_439 {strides = array<i32>} : memref<128x64xf32, #tpu.memory_space<vmem>>, vector<1x16xf32>,
      }
      %scan3A_309 = arith.constant 128 : i32
      %dma_start3A_310 = arith.constant 1 : i32
      %dma_start3A_311 = arith.constant 0 : i32
      %dma_start3A_312 = tpu.memref_slice %arg10[%dma_start3A_310, %dma_start3A_311] : memref<2x128xi32, #tpu.memory_space<vmem>> -> memref<1x128xi32, #tpu.memory_space<vmem>>
      %dma_start3A_313 = tpu.memref_squeeze %dma_start3A_312 : memref<1x128xi32, #tpu.memory_space<vmem>> -> memref<128xi32, #tpu.memory_space<vmem>>
      %dma_start3A_314 = arith.constant 0 : i32
      %dma_start3A_315 = arith.constant 0 : i32
      %dma_start3A_316 = tpu.memref_slice %arg22[%dma_start3A_314, %dma_start3A_315] : memref<10240x64xf32, #tpu.memory_space<vmem_shared>> -> memref<10240x64xf32, #tpu.memory_space<vmem_shared>>
      tpu.enqueue_indirect_dma source(%arg16 : memref<128x64xf32, #tpu.memory_space<vmem>>) target(%dma_start3A_316 : memref<10240x64xf32, #tpu.memory_space<vmem_shared>>) offsets(%dma_start3A_313 : memref<128xi32, #tpu.memory_space<vmem>>) semaphore(%arg26 : memref<!tpu.dma_semaphore, #tpu.memory_space<semaphore_mem>>) {add = true}
      %dma_start3A_317 = arith.constant 1 : i32
      %dma_start3A_318 = arith.constant 0 : i32
      %dma_start3A_319 = tpu.memref_slice %arg10[%dma_start3A_317, %dma_start3A_318] : memref<2x128xi32, #tpu.memory_space<vmem>> -> memref<1x128xi32, #tpu.memory_space<vmem>>
      %dma_start3A_320 = tpu.memref_squeeze %dma_start3A_319 : memref<1x128xi32, #tpu.memory_space<vmem>> -> memref<128xi32, #tpu.memory_space<vmem>>
      %dma_start3A_321 = arith.constant 0 : i32
      %dma_start3A_322 = arith.constant 0 : i32
      %dma_start3A_323 = tpu.memref_slice %arg23[%dma_start3A_321, %dma_start3A_322] : memref<10240x16xf32, #tpu.memory_space<vmem_shared>> -> memref<10240x16xf32, #tpu.memory_space<vmem_shared>>
      tpu.enqueue_indirect_dma source(%arg18 : memref<128x16xf32, #tpu.memory_space<vmem>>) target(%dma_start3A_323 : memref<10240x16xf32, #tpu.memory_space<vmem_shared>>) offsets(%dma_start3A_320 : memref<128xi32, #tpu.memory_space<vmem>>) semaphore(%arg26 : memref<!tpu.dma_semaphore, #tpu.memory_space<semaphore_mem>>) {add = true}
      %mul3A_324 = arith.constant 4 : i32
      %mul3A_325 = arith.muli %scan3A_170, %mul3A_324 : i32
      %add3A_326 = arith.constant 3 : i32
      %add3A_327 = arith.addi %mul3A_325, %add3A_326 : i32
      %dma_wait3A_328 = arith.constant 0 : i32
      %dma_wait3A_329 = arith.constant 0 : i32
      %dma_wait3A_330 = tpu.memref_slice %arg11[%dma_wait3A_328, %dma_wait3A_329] : memref<2x128xi32, #tpu.memory_space<vmem>> -> memref<1x128xi32, #tpu.memory_space<vmem>>
      %dma_wait3A_331 = tpu.memref_squeeze %dma_wait3A_330 : memref<1x128xi32, #tpu.memory_space<vmem>> -> memref<128xi32, #tpu.memory_space<vmem>>
      %dma_wait3A_332 = arith.constant 0 : i32
      %dma_wait3A_333 = arith.constant 0 : i32
      %dma_wait3A_334 = tpu.memref_slice %arg3[%dma_wait3A_332, %dma_wait3A_333] : memref<10240x16xf32, #tpu.memory_space<hbm>> -> memref<10240x16xf32, #tpu.memory_space<hbm>>
      tpu.wait_indirect_dma semaphore(%arg25 : memref<!tpu.dma_semaphore, #tpu.memory_space<semaphore_mem>>) src(%dma_wait3A_334 : memref<10240x16xf32, #tpu.memory_space<hbm>>) dst(%arg13 : memref<128x16xf32, #tpu.memory_space<vmem>>)
      %dma_wait3A_335 = arith.constant 1 : i32
      %dma_wait3A_336 = arith.constant 0 : i32
      %dma_wait3A_337 = tpu.memref_slice %arg11[%dma_wait3A_335, %dma_wait3A_336] : memref<2x128xi32, #tpu.memory_space<vmem>> -> memref<1x128xi32, #tpu.memory_space<vmem>>
      %dma_wait3A_338 = tpu.memref_squeeze %dma_wait3A_337 : memref<1x128xi32, #tpu.memory_space<vmem>> -> memref<128xi32, #tpu.memory_space<vmem>>
      %dma_wait3A_339 = arith.constant 0 : i32
      %dma_wait3A_340 = arith.constant 0 : i32
      %dma_wait3A_341 = tpu.memref_slice %arg4[%dma_wait3A_339, %dma_wait3A_340] : memref<10240x16xf32, #tpu.memory_space<hbm>> -> memref<10240x16xf32, #tpu.memory_space<hbm>>
      tpu.wait_indirect_dma semaphore(%arg25 : memref<!tpu.dma_semaphore, #tpu.memory_space<semaphore_mem>>) src(%dma_wait3A_341 : memref<10240x16xf32, #tpu.memory_space<hbm>>) dst(%arg15 : memref<128x16xf32, #tpu.memory_space<vmem>>)
      %dma_wait3A_342 = arith.constant 0 : i32
      %dma_wait3A_343 = arith.constant 0 : i32
      %dma_wait3A_344 = tpu.memref_slice %arg11[%dma_wait3A_342, %dma_wait3A_343] : memref<2x128xi32, #tpu.memory_space<vmem>> -> memref<1x128xi32, #tpu.memory_space<vmem>>
      %dma_wait3A_345 = tpu.memref_squeeze %dma_wait3A_344 : memref<1x128xi32, #tpu.memory_space<vmem>> -> memref<128xi32, #tpu.memory_space<vmem>>
      %dma_wait3A_346 = arith.constant 0 : i32
      %dma_wait3A_347 = arith.constant 0 : i32
      %dma_wait3A_348 = tpu.memref_slice %arg2[%dma_wait3A_346, %dma_wait3A_347] : memref<10240x64xf32, #tpu.memory_space<hbm>> -> memref<10240x64xf32, #tpu.memory_space<hbm>>
      tpu.wait_indirect_dma semaphore(%arg25 : memref<!tpu.dma_semaphore, #tpu.memory_space<semaphore_mem>>) src(%dma_wait3A_348 : memref<10240x64xf32, #tpu.memory_space<hbm>>) dst(%arg17 : memref<128x64xf32, #tpu.memory_space<vmem>>)
      %add3A_349 = arith.constant 1 : i32
      %add3A_350 = arith.addi %add3A_327, %add3A_349 : i32
      %lt3A_351 = arith.constant 84 : i32
      %lt3A_352 = arith.cmpi slt, %add3A_350, %lt3A_351 : i32
      %convert_element_type3A_353 = arith.extui %lt3A_352 : i1 to i32
      %cond3A_354 = arith.constant 0 : i32
      %cond3A_355 = arith.cmpi ne, %convert_element_type3A_353, %cond3A_354 : i32
      scf.if %cond3A_355 {
        %ge3A = arith.constant 1 : i32
        %ge3A_376 = arith.cmpi sge, %add3A_327, %ge3A : i32
        %convert_element_type3A_377 = arith.extui %ge3A_376 : i1 to i32
        %cond3A_378 = arith.constant 0 : i32
        %cond3A_379 = arith.cmpi ne, %convert_element_type3A_377, %cond3A_378 : i32
        scf.if %cond3A_379 {
          %dma_wait3A_416 = arith.constant 1 : i32
          %dma_wait3A_417 = arith.constant 0 : i32
          %dma_wait3A_418 = tpu.memref_slice %arg10[%dma_wait3A_416, %dma_wait3A_417] : memref<2x128xi32, #tpu.memory_space<vmem>> -> memref<1x128xi32, #tpu.memory_space<vmem>>
          %dma_wait3A_419 = tpu.memref_squeeze %dma_wait3A_418 : memref<1x128xi32, #tpu.memory_space<vmem>> -> memref<128xi32, #tpu.memory_space<vmem>>
          %dma_wait3A_420 = arith.constant 0 : i32
          %dma_wait3A_421 = arith.constant 0 : i32
          %dma_wait3A_422 = tpu.memref_slice %arg22[%dma_wait3A_420, %dma_wait3A_421] : memref<10240x64xf32, #tpu.memory_space<vmem_shared>> -> memref<10240x64xf32, #tpu.memory_space<vmem_shared>>
          tpu.wait_indirect_dma semaphore(%arg26 : memref<!tpu.dma_semaphore, #tpu.memory_space<semaphore_mem>>) src(%arg16 : memref<128x64xf32, #tpu.memory_space<vmem>>) dst(%dma_wait3A_422 : memref<10240x64xf32, #tpu.memory_space<vmem_shared>>)
          %dma_wait3A_423 = arith.constant 1 : i32
          %dma_wait3A_424 = arith.constant 0 : i32
          %dma_wait3A_425 = tpu.memref_slice %arg10[%dma_wait3A_423, %dma_wait3A_424] : memref<2x128xi32, #tpu.memory_space<vmem>> -> memref<1x128xi32, #tpu.memory_space<vmem>>
          %dma_wait3A_426 = tpu.memref_squeeze %dma_wait3A_425 : memref<1x128xi32, #tpu.memory_space<vmem>> -> memref<128xi32, #tpu.memory_space<vmem>>
          %dma_wait3A_427 = arith.constant 0 : i32
          %dma_wait3A_428 = arith.constant 0 : i32
          %dma_wait3A_429 = tpu.memref_slice %arg23[%dma_wait3A_427, %dma_wait3A_428] : memref<10240x16xf32, #tpu.memory_space<vmem_shared>> -> memref<10240x16xf32, #tpu.memory_space<vmem_shared>>
          tpu.wait_indirect_dma semaphore(%arg26 : memref<!tpu.dma_semaphore, #tpu.memory_space<semaphore_mem>>) src(%arg18 : memref<128x16xf32, #tpu.memory_space<vmem>>) dst(%dma_wait3A_429 : memref<10240x16xf32, #tpu.memory_space<vmem_shared>>)
        } else {
        }
        %add3A_380 = arith.constant 2 : i32
        %add3A_381 = arith.addi %add3A_327, %add3A_380 : i32
        %lt3A_382 = arith.constant 84 : i32
        %lt3A_383 = arith.cmpi slt, %add3A_381, %lt3A_382 : i32
        %convert_element_type3A_384 = arith.extui %lt3A_383 : i1 to i32
        %cond3A_385 = arith.constant 0 : i32
        %cond3A_386 = arith.cmpi ne, %convert_element_type3A_384, %cond3A_385 : i32
        scf.if %cond3A_386 {
          %add3A_416 = arith.constant 2 : i32
          %add3A_417 = arith.addi %add3A_327, %add3A_416 : i32
          %add3A_418 = arith.addi %mul3A_2, %add3A_417 : i32
          %dma_start3A_419 = arith.constant 0 : i32
          %dma_start3A_420 = arith.constant 0 : i32
          %dma_start3A_421 = tpu.memref_slice %arg5[%add3A_418, %dma_start3A_419, %dma_start3A_420] : memref<2688x2x128xi32, #tpu.memory_space<hbm>> -> memref<1x2x128xi32, #tpu.memory_space<hbm>>
          %dma_start3A_422 = tpu.memref_squeeze %dma_start3A_421 : memref<1x2x128xi32, #tpu.memory_space<hbm>> -> memref<2x128xi32, #tpu.memory_space<hbm>>
          %dma_start3A_423 = arith.constant 0 : i32
          %dma_start3A_424 = arith.constant 0 : i32
          %dma_start3A_425 = tpu.memref_slice %arg5[%add3A_418, %dma_start3A_423, %dma_start3A_424] : memref<2688x2x128xi32, #tpu.memory_space<hbm>> -> memref<1x2x128xi32, #tpu.memory_space<hbm>>
          %dma_start3A_426 = tpu.memref_squeeze %dma_start3A_425 : memref<1x2x128xi32, #tpu.memory_space<hbm>> -> memref<2x128xi32, #tpu.memory_space<hbm>>
          tpu.enqueue_dma source(%dma_start3A_426 : memref<2x128xi32, #tpu.memory_space<hbm>>) target(%arg9 : memref<2x128xi32, #tpu.memory_space<vmem>>) target_semaphore(%arg29 : memref<!tpu.dma_semaphore, #tpu.memory_space<semaphore_mem>>)
        } else {
        }
        %dma_wait3A_387 = arith.constant 0 : i32
        %dma_wait3A_388 = arith.constant 0 : i32
        %dma_wait3A_389 = tpu.memref_slice %arg5[%mul3A_2, %dma_wait3A_387, %dma_wait3A_388] : memref<2688x2x128xi32, #tpu.memory_space<hbm>> -> memref<1x2x128xi32, #tpu.memory_space<hbm>>
        %dma_wait3A_390 = tpu.memref_squeeze %dma_wait3A_389 : memref<1x2x128xi32, #tpu.memory_space<hbm>> -> memref<2x128xi32, #tpu.memory_space<hbm>>
        %dma_wait3A_391 = arith.constant 0 : i32
        %dma_wait3A_392 = arith.constant 0 : i32
        %dma_wait3A_393 = tpu.memref_slice %arg5[%mul3A_2, %dma_wait3A_391, %dma_wait3A_392] : memref<2688x2x128xi32, #tpu.memory_space<hbm>> -> memref<1x2x128xi32, #tpu.memory_space<hbm>>
        %dma_wait3A_394 = tpu.memref_squeeze %dma_wait3A_393 : memref<1x2x128xi32, #tpu.memory_space<hbm>> -> memref<2x128xi32, #tpu.memory_space<hbm>>
        tpu.wait_dma2 semaphore(%arg28 : memref<!tpu.dma_semaphore, #tpu.memory_space<semaphore_mem>>) src(%dma_wait3A_394 : memref<2x128xi32, #tpu.memory_space<hbm>>) dst(%arg8 : memref<2x128xi32, #tpu.memory_space<vmem>>)
        %dma_start3A_395 = arith.constant 0 : i32
        %dma_start3A_396 = arith.constant 0 : i32
        %dma_start3A_397 = tpu.memref_slice %arg8[%dma_start3A_395, %dma_start3A_396] : memref<2x128xi32, #tpu.memory_space<vmem>> -> memref<1x128xi32, #tpu.memory_space<vmem>>
        %dma_start3A_398 = tpu.memref_squeeze %dma_start3A_397 : memref<1x128xi32, #tpu.memory_space<vmem>> -> memref<128xi32, #tpu.memory_space<vmem>>
        %dma_start3A_399 = arith.constant 0 : i32
        %dma_start3A_400 = arith.constant 0 : i32
        %dma_start3A_401 = tpu.memref_slice %arg3[%dma_start3A_399, %dma_start3A_400] : memref<10240x16xf32, #tpu.memory_space<hbm>> -> memref<10240x16xf32, #tpu.memory_space<hbm>>
        tpu.enqueue_indirect_dma source(%dma_start3A_401 : memref<10240x16xf32, #tpu.memory_space<hbm>>) target(%arg12 : memref<128x16xf32, #tpu.memory_space<vmem>>) offsets(%dma_start3A_398 : memref<128xi32, #tpu.memory_space<vmem>>) semaphore(%arg24 : memref<!tpu.dma_semaphore, #tpu.memory_space<semaphore_mem>>)
        %dma_start3A_402 = arith.constant 1 : i32
        %dma_start3A_403 = arith.constant 0 : i32
        %dma_start3A_404 = tpu.memref_slice %arg8[%dma_start3A_402, %dma_start3A_403] : memref<2x128xi32, #tpu.memory_space<vmem>> -> memref<1x128xi32, #tpu.memory_space<vmem>>
        %dma_start3A_405 = tpu.memref_squeeze %dma_start3A_404 : memref<1x128xi32, #tpu.memory_space<vmem>> -> memref<128xi32, #tpu.memory_space<vmem>>
        %dma_start3A_406 = arith.constant 0 : i32
        %dma_start3A_407 = arith.constant 0 : i32
        %dma_start3A_408 = tpu.memref_slice %arg4[%dma_start3A_406, %dma_start3A_407] : memref<10240x16xf32, #tpu.memory_space<hbm>> -> memref<10240x16xf32, #tpu.memory_space<hbm>>
        tpu.enqueue_indirect_dma source(%dma_start3A_408 : memref<10240x16xf32, #tpu.memory_space<hbm>>) target(%arg14 : memref<128x16xf32, #tpu.memory_space<vmem>>) offsets(%dma_start3A_405 : memref<128xi32, #tpu.memory_space<vmem>>) semaphore(%arg24 : memref<!tpu.dma_semaphore, #tpu.memory_space<semaphore_mem>>)
        %dma_start3A_409 = arith.constant 0 : i32
        %dma_start3A_410 = arith.constant 0 : i32
        %dma_start3A_411 = tpu.memref_slice %arg8[%dma_start3A_409, %dma_start3A_410] : memref<2x128xi32, #tpu.memory_space<vmem>> -> memref<1x128xi32, #tpu.memory_space<vmem>>
        %dma_start3A_412 = tpu.memref_squeeze %dma_start3A_411 : memref<1x128xi32, #tpu.memory_space<vmem>> -> memref<128xi32, #tpu.memory_space<vmem>>
        %dma_start3A_413 = arith.constant 0 : i32
        %dma_start3A_414 = arith.constant 0 : i32
        %dma_start3A_415 = tpu.memref_slice %arg2[%dma_start3A_413, %dma_start3A_414] : memref<10240x64xf32, #tpu.memory_space<hbm>> -> memref<10240x64xf32, #tpu.memory_space<hbm>>
        tpu.enqueue_indirect_dma source(%dma_start3A_415 : memref<10240x64xf32, #tpu.memory_space<hbm>>) target(%arg16 : memref<128x64xf32, #tpu.memory_space<vmem>>) offsets(%dma_start3A_412 : memref<128xi32, #tpu.memory_space<vmem>>) semaphore(%arg24 : memref<!tpu.dma_semaphore, #tpu.memory_space<semaphore_mem>>)
      } else {
      }
      %scan3A_356 = arith.constant 0 : i32
      %scan3A_357 = arith.constant 0 : i32
      %scan3A_358 = arith.constant 128 : i32
      %scan3A_359 = arith.addi %scan3A_357, %scan3A_358 : i32
      %scan3A_360 = arith.constant 1 : i32
      scf.for %scan3A_376 = %scan3A_357 to %scan3A_359 step %scan3A_360  : i32 {
        %get3A = arith.index_cast %scan3A_376 : i32 to index
        %get3A_377 = arith.constant 0 : index
        %get3A_378 = tpu.vector_load %arg13[%get3A, %get3A_377] {strides = array<i32>} : memref<128x16xf32, #tpu.memory_space<vmem>>, vector<1x16xf32>,
        %get3A_379 = vector.shape_cast %get3A_378 : vector<1x16xf32> to vector<16xf32>
        %get3A_380 = arith.index_cast %scan3A_376 : i32 to index
        %get3A_381 = arith.constant 0 : index
        %get3A_382 = tpu.vector_load %arg15[%get3A_380, %get3A_381] {strides = array<i32>} : memref<128x16xf32, #tpu.memory_space<vmem>>, vector<1x16xf32>,
        %get3A_383 = vector.shape_cast %get3A_382 : vector<1x16xf32> to vector<16xf32>
        %add3A_384 = arith.addf %get3A_379, %get3A_383 : vector<16xf32>
        %ge3A = arith.constant 0.000000e+00 : f32
        %ge3A_385 = vector.broadcast %ge3A : f32 to vector<16xf32>
        %ge3A_386 = arith.cmpf oge, %add3A_384, %ge3A_385 : vector<16xf32>
        %mul3A_387 = arith.constant 2.000000e-01 : f32
        %mul3A_388 = vector.broadcast %mul3A_387 : f32 to vector<16xf32>
        %mul3A_389 = arith.mulf %mul3A_388, %add3A_384 : vector<16xf32>
        %select_n3A = arith.select %ge3A_386, %add3A_384, %mul3A_389 : vector<16xi1>, vector<16xf32>
        %exp3A = math.exp %select_n3A : vector<16xf32>
        %swap3A = arith.index_cast %scan3A_376 : i32 to index
        %swap3A_390 = arith.constant 0 : index
        %swap3A_391 = tpu.vector_load %arg19[%swap3A, %swap3A_390] {strides = array<i32>} : memref<128x16xf32, #tpu.memory_space<vmem>>, vector<1x16xf32>,
        %swap3A_392 = vector.shape_cast %swap3A_391 : vector<1x16xf32> to vector<16xf32>
        %swap3A_393 = vector.shape_cast %exp3A : vector<16xf32> to vector<1x16xf32>
        tpu.vector_store %arg19[%swap3A, %swap3A_390], %swap3A_393 {strides = array<i32>} : memref<128x16xf32, #tpu.memory_space<vmem>>, vector<1x16xf32>,
        %slice3A = vector.extract_strided_slice %exp3A {offsets = [0], sizes = [1], strides = [1]} : vector<16xf32> to vector<1xf32>
        %squeeze3A = vector.extract %slice3A[0] : f32 from vector<1xf32>
        %get3A_394 = arith.index_cast %scan3A_376 : i32 to index
        %get3A_395 = arith.constant 0 : index
        %get3A_396 = tpu.vector_load %arg17[%get3A_394, %get3A_395] {strides = array<i32>} : memref<128x64xf32, #tpu.memory_space<vmem>>, vector<1x16xf32>,
        %get3A_397 = vector.shape_cast %get3A_396 : vector<1x16xf32> to vector<16xf32>
        %mul3A_398 = vector.broadcast %squeeze3A : f32 to vector<16xf32>
        %mul3A_399 = arith.mulf %get3A_397, %mul3A_398 : vector<16xf32>
        %swap3A_400 = arith.index_cast %scan3A_376 : i32 to index
        %swap3A_401 = arith.constant 0 : index
        %swap3A_402 = tpu.vector_load %arg17[%swap3A_400, %swap3A_401] {strides = array<i32>} : memref<128x64xf32, #tpu.memory_space<vmem>>, vector<1x16xf32>,
        %swap3A_403 = vector.shape_cast %swap3A_402 : vector<1x16xf32> to vector<16xf32>
        %swap3A_404 = vector.shape_cast %mul3A_399 : vector<16xf32> to vector<1x16xf32>
        tpu.vector_store %arg17[%swap3A_400, %swap3A_401], %swap3A_404 {strides = array<i32>} : memref<128x64xf32, #tpu.memory_space<vmem>>, vector<1x16xf32>,
        %get3A_405 = arith.index_cast %scan3A_376 : i32 to index
        %get3A_406 = arith.constant 16 : index
        %get3A_407 = tpu.vector_load %arg17[%get3A_405, %get3A_406] {strides = array<i32>} : memref<128x64xf32, #tpu.memory_space<vmem>>, vector<1x16xf32>,
        %get3A_408 = vector.shape_cast %get3A_407 : vector<1x16xf32> to vector<16xf32>
        %mul3A_409 = vector.broadcast %squeeze3A : f32 to vector<16xf32>
        %mul3A_410 = arith.mulf %get3A_408, %mul3A_409 : vector<16xf32>
        %swap3A_411 = arith.index_cast %scan3A_376 : i32 to index
        %swap3A_412 = arith.constant 16 : index
        %swap3A_413 = tpu.vector_load %arg17[%swap3A_411, %swap3A_412] {strides = array<i32>} : memref<128x64xf32, #tpu.memory_space<vmem>>, vector<1x16xf32>,
        %swap3A_414 = vector.shape_cast %swap3A_413 : vector<1x16xf32> to vector<16xf32>
        %swap3A_415 = vector.shape_cast %mul3A_410 : vector<16xf32> to vector<1x16xf32>
        tpu.vector_store %arg17[%swap3A_411, %swap3A_412], %swap3A_415 {strides = array<i32>} : memref<128x64xf32, #tpu.memory_space<vmem>>, vector<1x16xf32>,
        %slice3A_416 = vector.extract_strided_slice %exp3A {offsets = [1], sizes = [1], strides = [1]} : vector<16xf32> to vector<1xf32>
        %squeeze3A_417 = vector.extract %slice3A_416[0] : f32 from vector<1xf32>
        %get3A_418 = arith.index_cast %scan3A_376 : i32 to index
        %get3A_419 = arith.constant 32 : index
        %get3A_420 = tpu.vector_load %arg17[%get3A_418, %get3A_419] {strides = array<i32>} : memref<128x64xf32, #tpu.memory_space<vmem>>, vector<1x16xf32>,
        %get3A_421 = vector.shape_cast %get3A_420 : vector<1x16xf32> to vector<16xf32>
        %mul3A_422 = vector.broadcast %squeeze3A_417 : f32 to vector<16xf32>
        %mul3A_423 = arith.mulf %get3A_421, %mul3A_422 : vector<16xf32>
        %swap3A_424 = arith.index_cast %scan3A_376 : i32 to index
        %swap3A_425 = arith.constant 32 : index
        %swap3A_426 = tpu.vector_load %arg17[%swap3A_424, %swap3A_425] {strides = array<i32>} : memref<128x64xf32, #tpu.memory_space<vmem>>, vector<1x16xf32>,
        %swap3A_427 = vector.shape_cast %swap3A_426 : vector<1x16xf32> to vector<16xf32>
        %swap3A_428 = vector.shape_cast %mul3A_423 : vector<16xf32> to vector<1x16xf32>
        tpu.vector_store %arg17[%swap3A_424, %swap3A_425], %swap3A_428 {strides = array<i32>} : memref<128x64xf32, #tpu.memory_space<vmem>>, vector<1x16xf32>,
        %get3A_429 = arith.index_cast %scan3A_376 : i32 to index
        %get3A_430 = arith.constant 48 : index
        %get3A_431 = tpu.vector_load %arg17[%get3A_429, %get3A_430] {strides = array<i32>} : memref<128x64xf32, #tpu.memory_space<vmem>>, vector<1x16xf32>,
        %get3A_432 = vector.shape_cast %get3A_431 : vector<1x16xf32> to vector<16xf32>
        %mul3A_433 = vector.broadcast %squeeze3A_417 : f32 to vector<16xf32>
        %mul3A_434 = arith.mulf %get3A_432, %mul3A_433 : vector<16xf32>
        %swap3A_435 = arith.index_cast %scan3A_376 : i32 to index
        %swap3A_436 = arith.constant 48 : index
        %swap3A_437 = tpu.vector_load %arg17[%swap3A_435, %swap3A_436] {strides = array<i32>} : memref<128x64xf32, #tpu.memory_space<vmem>>, vector<1x16xf32>,
        %swap3A_438 = vector.shape_cast %swap3A_437 : vector<1x16xf32> to vector<16xf32>
        %swap3A_439 = vector.shape_cast %mul3A_434 : vector<16xf32> to vector<1x16xf32>
        tpu.vector_store %arg17[%swap3A_435, %swap3A_436], %swap3A_439 {strides = array<i32>} : memref<128x64xf32, #tpu.memory_space<vmem>>, vector<1x16xf32>,
      }
      %scan3A_361 = arith.constant 128 : i32
      %dma_start3A_362 = arith.constant 1 : i32
      %dma_start3A_363 = arith.constant 0 : i32
      %dma_start3A_364 = tpu.memref_slice %arg11[%dma_start3A_362, %dma_start3A_363] : memref<2x128xi32, #tpu.memory_space<vmem>> -> memref<1x128xi32, #tpu.memory_space<vmem>>
      %dma_start3A_365 = tpu.memref_squeeze %dma_start3A_364 : memref<1x128xi32, #tpu.memory_space<vmem>> -> memref<128xi32, #tpu.memory_space<vmem>>
      %dma_start3A_366 = arith.constant 0 : i32
      %dma_start3A_367 = arith.constant 0 : i32
      %dma_start3A_368 = tpu.memref_slice %arg22[%dma_start3A_366, %dma_start3A_367] : memref<10240x64xf32, #tpu.memory_space<vmem_shared>> -> memref<10240x64xf32, #tpu.memory_space<vmem_shared>>
      tpu.enqueue_indirect_dma source(%arg17 : memref<128x64xf32, #tpu.memory_space<vmem>>) target(%dma_start3A_368 : memref<10240x64xf32, #tpu.memory_space<vmem_shared>>) offsets(%dma_start3A_365 : memref<128xi32, #tpu.memory_space<vmem>>) semaphore(%arg27 : memref<!tpu.dma_semaphore, #tpu.memory_space<semaphore_mem>>) {add = true}
      %dma_start3A_369 = arith.constant 1 : i32
      %dma_start3A_370 = arith.constant 0 : i32
      %dma_start3A_371 = tpu.memref_slice %arg11[%dma_start3A_369, %dma_start3A_370] : memref<2x128xi32, #tpu.memory_space<vmem>> -> memref<1x128xi32, #tpu.memory_space<vmem>>
      %dma_start3A_372 = tpu.memref_squeeze %dma_start3A_371 : memref<1x128xi32, #tpu.memory_space<vmem>> -> memref<128xi32, #tpu.memory_space<vmem>>
      %dma_start3A_373 = arith.constant 0 : i32
      %dma_start3A_374 = arith.constant 0 : i32
      %dma_start3A_375 = tpu.memref_slice %arg23[%dma_start3A_373, %dma_start3A_374] : memref<10240x16xf32, #tpu.memory_space<vmem_shared>> -> memref<10240x16xf32, #tpu.memory_space<vmem_shared>>
      tpu.enqueue_indirect_dma source(%arg19 : memref<128x16xf32, #tpu.memory_space<vmem>>) target(%dma_start3A_375 : memref<10240x16xf32, #tpu.memory_space<vmem_shared>>) offsets(%dma_start3A_372 : memref<128xi32, #tpu.memory_space<vmem>>) semaphore(%arg27 : memref<!tpu.dma_semaphore, #tpu.memory_space<semaphore_mem>>) {add = true}
    }
    %scan3A_100 = arith.constant 21 : i32
    %dma_wait3A_101 = arith.constant 1 : i32
    %dma_wait3A_102 = arith.constant 0 : i32
    %dma_wait3A_103 = tpu.memref_slice %arg10[%dma_wait3A_101, %dma_wait3A_102] : memref<2x128xi32, #tpu.memory_space<vmem>> -> memref<1x128xi32, #tpu.memory_space<vmem>>
    %dma_wait3A_104 = tpu.memref_squeeze %dma_wait3A_103 : memref<1x128xi32, #tpu.memory_space<vmem>> -> memref<128xi32, #tpu.memory_space<vmem>>
    %dma_wait3A_105 = arith.constant 0 : i32
    %dma_wait3A_106 = arith.constant 0 : i32
    %dma_wait3A_107 = tpu.memref_slice %arg22[%dma_wait3A_105, %dma_wait3A_106] : memref<10240x64xf32, #tpu.memory_space<vmem_shared>> -> memref<10240x64xf32, #tpu.memory_space<vmem_shared>>
    tpu.wait_indirect_dma semaphore(%arg26 : memref<!tpu.dma_semaphore, #tpu.memory_space<semaphore_mem>>) src(%arg16 : memref<128x64xf32, #tpu.memory_space<vmem>>) dst(%dma_wait3A_107 : memref<10240x64xf32, #tpu.memory_space<vmem_shared>>)
    %dma_wait3A_108 = arith.constant 1 : i32
    %dma_wait3A_109 = arith.constant 0 : i32
    %dma_wait3A_110 = tpu.memref_slice %arg10[%dma_wait3A_108, %dma_wait3A_109] : memref<2x128xi32, #tpu.memory_space<vmem>> -> memref<1x128xi32, #tpu.memory_space<vmem>>
    %dma_wait3A_111 = tpu.memref_squeeze %dma_wait3A_110 : memref<1x128xi32, #tpu.memory_space<vmem>> -> memref<128xi32, #tpu.memory_space<vmem>>
    %dma_wait3A_112 = arith.constant 0 : i32
    %dma_wait3A_113 = arith.constant 0 : i32
    %dma_wait3A_114 = tpu.memref_slice %arg23[%dma_wait3A_112, %dma_wait3A_113] : memref<10240x16xf32, #tpu.memory_space<vmem_shared>> -> memref<10240x16xf32, #tpu.memory_space<vmem_shared>>
    tpu.wait_indirect_dma semaphore(%arg26 : memref<!tpu.dma_semaphore, #tpu.memory_space<semaphore_mem>>) src(%arg18 : memref<128x16xf32, #tpu.memory_space<vmem>>) dst(%dma_wait3A_114 : memref<10240x16xf32, #tpu.memory_space<vmem_shared>>)
    %dma_wait3A_115 = arith.constant 1 : i32
    %dma_wait3A_116 = arith.constant 0 : i32
    %dma_wait3A_117 = tpu.memref_slice %arg11[%dma_wait3A_115, %dma_wait3A_116] : memref<2x128xi32, #tpu.memory_space<vmem>> -> memref<1x128xi32, #tpu.memory_space<vmem>>
    %dma_wait3A_118 = tpu.memref_squeeze %dma_wait3A_117 : memref<1x128xi32, #tpu.memory_space<vmem>> -> memref<128xi32, #tpu.memory_space<vmem>>
    %dma_wait3A_119 = arith.constant 0 : i32
    %dma_wait3A_120 = arith.constant 0 : i32
    %dma_wait3A_121 = tpu.memref_slice %arg22[%dma_wait3A_119, %dma_wait3A_120] : memref<10240x64xf32, #tpu.memory_space<vmem_shared>> -> memref<10240x64xf32, #tpu.memory_space<vmem_shared>>
    tpu.wait_indirect_dma semaphore(%arg27 : memref<!tpu.dma_semaphore, #tpu.memory_space<semaphore_mem>>) src(%arg17 : memref<128x64xf32, #tpu.memory_space<vmem>>) dst(%dma_wait3A_121 : memref<10240x64xf32, #tpu.memory_space<vmem_shared>>)
    %dma_wait3A_122 = arith.constant 1 : i32
    %dma_wait3A_123 = arith.constant 0 : i32
    %dma_wait3A_124 = tpu.memref_slice %arg11[%dma_wait3A_122, %dma_wait3A_123] : memref<2x128xi32, #tpu.memory_space<vmem>> -> memref<1x128xi32, #tpu.memory_space<vmem>>
    %dma_wait3A_125 = tpu.memref_squeeze %dma_wait3A_124 : memref<1x128xi32, #tpu.memory_space<vmem>> -> memref<128xi32, #tpu.memory_space<vmem>>
    %dma_wait3A_126 = arith.constant 0 : i32
    %dma_wait3A_127 = arith.constant 0 : i32
    %dma_wait3A_128 = tpu.memref_slice %arg23[%dma_wait3A_126, %dma_wait3A_127] : memref<10240x16xf32, #tpu.memory_space<vmem_shared>> -> memref<10240x16xf32, #tpu.memory_space<vmem_shared>>
    tpu.wait_indirect_dma semaphore(%arg27 : memref<!tpu.dma_semaphore, #tpu.memory_space<semaphore_mem>>) src(%arg19 : memref<128x16xf32, #tpu.memory_space<vmem>>) dst(%dma_wait3A_128 : memref<10240x16xf32, #tpu.memory_space<vmem_shared>>)
    %barrier3A_129 = arith.constant 0 : index
    tpu.barrier barrier_id(%barrier3A_129)
    %mul3A_130 = arith.constant 640 : i32
    %mul3A_131 = arith.muli %arg1, %mul3A_130 : i32
    %add3A_132 = arith.constant 0 : i32
    %add3A_133 = arith.addi %mul3A_131, %add3A_132 : i32
    "tpu.region"() ({
      %run_scoped3A = tpu.sem_alloc : memref<!tpu.dma_semaphore, #tpu.memory_space<semaphore_mem>>
      %dma_start3A_170 = arith.constant 0 : i32
      %dma_start3A_171 = tpu.memref_slice %arg6[%arg0, %add3A_133, %dma_start3A_170] : memref<2x10240x64xf32, #tpu.memory_space<hbm>> -> memref<1x64x64xf32, #tpu.memory_space<hbm>>
      %dma_start3A_172 = tpu.memref_squeeze %dma_start3A_171 : memref<1x64x64xf32, #tpu.memory_space<hbm>> -> memref<64x64xf32, #tpu.memory_space<hbm>>
      %dma_start3A_173 = arith.constant 0 : i32
      %dma_start3A_174 = tpu.memref_slice %arg22[%add3A_133, %dma_start3A_173] : memref<10240x64xf32, #tpu.memory_space<vmem_shared>> -> memref<64x64xf32, #tpu.memory_space<vmem_shared>>
      tpu.enqueue_dma source(%dma_start3A_174 : memref<64x64xf32, #tpu.memory_space<vmem_shared>>) target(%dma_start3A_172 : memref<64x64xf32, #tpu.memory_space<hbm>>) target_semaphore(%run_scoped3A : memref<!tpu.dma_semaphore, #tpu.memory_space<semaphore_mem>>)
      %dma_wait3A_175 = arith.constant 0 : i32
      %dma_wait3A_176 = tpu.memref_slice %arg6[%arg0, %add3A_133, %dma_wait3A_175] : memref<2x10240x64xf32, #tpu.memory_space<hbm>> -> memref<1x64x64xf32, #tpu.memory_space<hbm>>
      %dma_wait3A_177 = tpu.memref_squeeze %dma_wait3A_176 : memref<1x64x64xf32, #tpu.memory_space<hbm>> -> memref<64x64xf32, #tpu.memory_space<hbm>>
      %dma_wait3A_178 = arith.constant 0 : i32
      %dma_wait3A_179 = tpu.memref_slice %arg22[%add3A_133, %dma_wait3A_178] : memref<10240x64xf32, #tpu.memory_space<vmem_shared>> -> memref<64x64xf32, #tpu.memory_space<vmem_shared>>
      tpu.wait_dma2 semaphore(%run_scoped3A : memref<!tpu.dma_semaphore, #tpu.memory_space<semaphore_mem>>) src(%dma_wait3A_179 : memref<64x64xf32, #tpu.memory_space<vmem_shared>>) dst(%dma_wait3A_177 : memref<64x64xf32, #tpu.memory_space<hbm>>)
      tpu.yield
    }) : () -> ()
    "tpu.region"() ({
      %run_scoped3A = tpu.sem_alloc : memref<!tpu.dma_semaphore, #tpu.memory_space<semaphore_mem>>
      %dma_start3A_170 = arith.constant 0 : i32
      %dma_start3A_171 = tpu.memref_slice %arg7[%arg0, %add3A_133, %dma_start3A_170] : memref<2x10240x16xf32, #tpu.memory_space<hbm>> -> memref<1x64x16xf32, #tpu.memory_space<hbm>>
      %dma_start3A_172 = tpu.memref_squeeze %dma_start3A_171 : memref<1x64x16xf32, #tpu.memory_space<hbm>> -> memref<64x16xf32, #tpu.memory_space<hbm>>
      %dma_start3A_173 = arith.constant 0 : i32
      %dma_start3A_174 = tpu.memref_slice %arg23[%add3A_133, %dma_start3A_173] : memref<10240x16xf32, #tpu.memory_space<vmem_shared>> -> memref<64x16xf32, #tpu.memory_space<vmem_shared>>
      tpu.enqueue_dma source(%dma_start3A_174 : memref<64x16xf32, #tpu.memory_space<vmem_shared>>) target(%dma_start3A_172 : memref<64x16xf32, #tpu.memory_space<hbm>>) target_semaphore(%run_scoped3A : memref<!tpu.dma_semaphore, #tpu.memory_space<semaphore_mem>>)
      %dma_wait3A_175 = arith.constant 0 : i32
      %dma_wait3A_176 = tpu.memref_slice %arg7[%arg0, %add3A_133, %dma_wait3A_175] : memref<2x10240x16xf32, #tpu.memory_space<hbm>> -> memref<1x64x16xf32, #tpu.memory_space<hbm>>
      %dma_wait3A_177 = tpu.memref_squeeze %dma_wait3A_176 : memref<1x64x16xf32, #tpu.memory_space<hbm>> -> memref<64x16xf32, #tpu.memory_space<hbm>>
      %dma_wait3A_178 = arith.constant 0 : i32
      %dma_wait3A_179 = tpu.memref_slice %arg23[%add3A_133, %dma_wait3A_178] : memref<10240x16xf32, #tpu.memory_space<vmem_shared>> -> memref<64x16xf32, #tpu.memory_space<vmem_shared>>
      tpu.wait_dma2 semaphore(%run_scoped3A : memref<!tpu.dma_semaphore, #tpu.memory_space<semaphore_mem>>) src(%dma_wait3A_179 : memref<64x16xf32, #tpu.memory_space<vmem_shared>>) dst(%dma_wait3A_177 : memref<64x16xf32, #tpu.memory_space<hbm>>)
      tpu.yield
    }) : () -> ()
    %mul3A_134 = arith.constant 640 : i32
    %mul3A_135 = arith.muli %arg1, %mul3A_134 : i32
    %add3A_136 = arith.constant 64 : i32
    %add3A_137 = arith.addi %mul3A_135, %add3A_136 : i32
    "tpu.region"() ({
      %run_scoped3A = tpu.sem_alloc : memref<!tpu.dma_semaphore, #tpu.memory_space<semaphore_mem>>
      %dma_start3A_170 = arith.constant 0 : i32
      %dma_start3A_171 = tpu.memref_slice %arg6[%arg0, %add3A_137, %dma_start3A_170] : memref<2x10240x64xf32, #tpu.memory_space<hbm>> -> memref<1x64x64xf32, #tpu.memory_space<hbm>>
      %dma_start3A_172 = tpu.memref_squeeze %dma_start3A_171 : memref<1x64x64xf32, #tpu.memory_space<hbm>> -> memref<64x64xf32, #tpu.memory_space<hbm>>
      %dma_start3A_173 = arith.constant 0 : i32
      %dma_start3A_174 = tpu.memref_slice %arg22[%add3A_137, %dma_start3A_173] : memref<10240x64xf32, #tpu.memory_space<vmem_shared>> -> memref<64x64xf32, #tpu.memory_space<vmem_shared>>
      tpu.enqueue_dma source(%dma_start3A_174 : memref<64x64xf32, #tpu.memory_space<vmem_shared>>) target(%dma_start3A_172 : memref<64x64xf32, #tpu.memory_space<hbm>>) target_semaphore(%run_scoped3A : memref<!tpu.dma_semaphore, #tpu.memory_space<semaphore_mem>>)
      %dma_wait3A_175 = arith.constant 0 : i32
      %dma_wait3A_176 = tpu.memref_slice %arg6[%arg0, %add3A_137, %dma_wait3A_175] : memref<2x10240x64xf32, #tpu.memory_space<hbm>> -> memref<1x64x64xf32, #tpu.memory_space<hbm>>
      %dma_wait3A_177 = tpu.memref_squeeze %dma_wait3A_176 : memref<1x64x64xf32, #tpu.memory_space<hbm>> -> memref<64x64xf32, #tpu.memory_space<hbm>>
      %dma_wait3A_178 = arith.constant 0 : i32
      %dma_wait3A_179 = tpu.memref_slice %arg22[%add3A_137, %dma_wait3A_178] : memref<10240x64xf32, #tpu.memory_space<vmem_shared>> -> memref<64x64xf32, #tpu.memory_space<vmem_shared>>
      tpu.wait_dma2 semaphore(%run_scoped3A : memref<!tpu.dma_semaphore, #tpu.memory_space<semaphore_mem>>) src(%dma_wait3A_179 : memref<64x64xf32, #tpu.memory_space<vmem_shared>>) dst(%dma_wait3A_177 : memref<64x64xf32, #tpu.memory_space<hbm>>)
      tpu.yield
    }) : () -> ()
    "tpu.region"() ({
      %run_scoped3A = tpu.sem_alloc : memref<!tpu.dma_semaphore, #tpu.memory_space<semaphore_mem>>
      %dma_start3A_170 = arith.constant 0 : i32
      %dma_start3A_171 = tpu.memref_slice %arg7[%arg0, %add3A_137, %dma_start3A_170] : memref<2x10240x16xf32, #tpu.memory_space<hbm>> -> memref<1x64x16xf32, #tpu.memory_space<hbm>>
      %dma_start3A_172 = tpu.memref_squeeze %dma_start3A_171 : memref<1x64x16xf32, #tpu.memory_space<hbm>> -> memref<64x16xf32, #tpu.memory_space<hbm>>
      %dma_start3A_173 = arith.constant 0 : i32
      %dma_start3A_174 = tpu.memref_slice %arg23[%add3A_137, %dma_start3A_173] : memref<10240x16xf32, #tpu.memory_space<vmem_shared>> -> memref<64x16xf32, #tpu.memory_space<vmem_shared>>
      tpu.enqueue_dma source(%dma_start3A_174 : memref<64x16xf32, #tpu.memory_space<vmem_shared>>) target(%dma_start3A_172 : memref<64x16xf32, #tpu.memory_space<hbm>>) target_semaphore(%run_scoped3A : memref<!tpu.dma_semaphore, #tpu.memory_space<semaphore_mem>>)
      %dma_wait3A_175 = arith.constant 0 : i32
      %dma_wait3A_176 = tpu.memref_slice %arg7[%arg0, %add3A_137, %dma_wait3A_175] : memref<2x10240x16xf32, #tpu.memory_space<hbm>> -> memref<1x64x16xf32, #tpu.memory_space<hbm>>
      %dma_wait3A_177 = tpu.memref_squeeze %dma_wait3A_176 : memref<1x64x16xf32, #tpu.memory_space<hbm>> -> memref<64x16xf32, #tpu.memory_space<hbm>>
      %dma_wait3A_178 = arith.constant 0 : i32
      %dma_wait3A_179 = tpu.memref_slice %arg23[%add3A_137, %dma_wait3A_178] : memref<10240x16xf32, #tpu.memory_space<vmem_shared>> -> memref<64x16xf32, #tpu.memory_space<vmem_shared>>
      tpu.wait_dma2 semaphore(%run_scoped3A : memref<!tpu.dma_semaphore, #tpu.memory_space<semaphore_mem>>) src(%dma_wait3A_179 : memref<64x16xf32, #tpu.memory_space<vmem_shared>>) dst(%dma_wait3A_177 : memref<64x16xf32, #tpu.memory_space<hbm>>)
      tpu.yield
    }) : () -> ()
    %mul3A_138 = arith.constant 640 : i32
    %mul3A_139 = arith.muli %arg1, %mul3A_138 : i32
    %add3A_140 = arith.constant 128 : i32
    %add3A_141 = arith.addi %mul3A_139, %add3A_140 : i32
    "tpu.region"() ({
      %run_scoped3A = tpu.sem_alloc : memref<!tpu.dma_semaphore, #tpu.memory_space<semaphore_mem>>
      %dma_start3A_170 = arith.constant 0 : i32
      %dma_start3A_171 = tpu.memref_slice %arg6[%arg0, %add3A_141, %dma_start3A_170] : memref<2x10240x64xf32, #tpu.memory_space<hbm>> -> memref<1x64x64xf32, #tpu.memory_space<hbm>>
      %dma_start3A_172 = tpu.memref_squeeze %dma_start3A_171 : memref<1x64x64xf32, #tpu.memory_space<hbm>> -> memref<64x64xf32, #tpu.memory_space<hbm>>
      %dma_start3A_173 = arith.constant 0 : i32
      %dma_start3A_174 = tpu.memref_slice %arg22[%add3A_141, %dma_start3A_173] : memref<10240x64xf32, #tpu.memory_space<vmem_shared>> -> memref<64x64xf32, #tpu.memory_space<vmem_shared>>
      tpu.enqueue_dma source(%dma_start3A_174 : memref<64x64xf32, #tpu.memory_space<vmem_shared>>) target(%dma_start3A_172 : memref<64x64xf32, #tpu.memory_space<hbm>>) target_semaphore(%run_scoped3A : memref<!tpu.dma_semaphore, #tpu.memory_space<semaphore_mem>>)
      %dma_wait3A_175 = arith.constant 0 : i32
      %dma_wait3A_176 = tpu.memref_slice %arg6[%arg0, %add3A_141, %dma_wait3A_175] : memref<2x10240x64xf32, #tpu.memory_space<hbm>> -> memref<1x64x64xf32, #tpu.memory_space<hbm>>
      %dma_wait3A_177 = tpu.memref_squeeze %dma_wait3A_176 : memref<1x64x64xf32, #tpu.memory_space<hbm>> -> memref<64x64xf32, #tpu.memory_space<hbm>>
      %dma_wait3A_178 = arith.constant 0 : i32
      %dma_wait3A_179 = tpu.memref_slice %arg22[%add3A_141, %dma_wait3A_178] : memref<10240x64xf32, #tpu.memory_space<vmem_shared>> -> memref<64x64xf32, #tpu.memory_space<vmem_shared>>
      tpu.wait_dma2 semaphore(%run_scoped3A : memref<!tpu.dma_semaphore, #tpu.memory_space<semaphore_mem>>) src(%dma_wait3A_179 : memref<64x64xf32, #tpu.memory_space<vmem_shared>>) dst(%dma_wait3A_177 : memref<64x64xf32, #tpu.memory_space<hbm>>)
      tpu.yield
    }) : () -> ()
    "tpu.region"() ({
      %run_scoped3A = tpu.sem_alloc : memref<!tpu.dma_semaphore, #tpu.memory_space<semaphore_mem>>
      %dma_start3A_170 = arith.constant 0 : i32
      %dma_start3A_171 = tpu.memref_slice %arg7[%arg0, %add3A_141, %dma_start3A_170] : memref<2x10240x16xf32, #tpu.memory_space<hbm>> -> memref<1x64x16xf32, #tpu.memory_space<hbm>>
      %dma_start3A_172 = tpu.memref_squeeze %dma_start3A_171 : memref<1x64x16xf32, #tpu.memory_space<hbm>> -> memref<64x16xf32, #tpu.memory_space<hbm>>
      %dma_start3A_173 = arith.constant 0 : i32
      %dma_start3A_174 = tpu.memref_slice %arg23[%add3A_141, %dma_start3A_173] : memref<10240x16xf32, #tpu.memory_space<vmem_shared>> -> memref<64x16xf32, #tpu.memory_space<vmem_shared>>
      tpu.enqueue_dma source(%dma_start3A_174 : memref<64x16xf32, #tpu.memory_space<vmem_shared>>) target(%dma_start3A_172 : memref<64x16xf32, #tpu.memory_space<hbm>>) target_semaphore(%run_scoped3A : memref<!tpu.dma_semaphore, #tpu.memory_space<semaphore_mem>>)
      %dma_wait3A_175 = arith.constant 0 : i32
      %dma_wait3A_176 = tpu.memref_slice %arg7[%arg0, %add3A_141, %dma_wait3A_175] : memref<2x10240x16xf32, #tpu.memory_space<hbm>> -> memref<1x64x16xf32, #tpu.memory_space<hbm>>
      %dma_wait3A_177 = tpu.memref_squeeze %dma_wait3A_176 : memref<1x64x16xf32, #tpu.memory_space<hbm>> -> memref<64x16xf32, #tpu.memory_space<hbm>>
      %dma_wait3A_178 = arith.constant 0 : i32
      %dma_wait3A_179 = tpu.memref_slice %arg23[%add3A_141, %dma_wait3A_178] : memref<10240x16xf32, #tpu.memory_space<vmem_shared>> -> memref<64x16xf32, #tpu.memory_space<vmem_shared>>
      tpu.wait_dma2 semaphore(%run_scoped3A : memref<!tpu.dma_semaphore, #tpu.memory_space<semaphore_mem>>) src(%dma_wait3A_179 : memref<64x16xf32, #tpu.memory_space<vmem_shared>>) dst(%dma_wait3A_177 : memref<64x16xf32, #tpu.memory_space<hbm>>)
      tpu.yield
    }) : () -> ()
    %mul3A_142 = arith.constant 640 : i32
    %mul3A_143 = arith.muli %arg1, %mul3A_142 : i32
    %add3A_144 = arith.constant 192 : i32
    %add3A_145 = arith.addi %mul3A_143, %add3A_144 : i32
    "tpu.region"() ({
      %run_scoped3A = tpu.sem_alloc : memref<!tpu.dma_semaphore, #tpu.memory_space<semaphore_mem>>
      %dma_start3A_170 = arith.constant 0 : i32
      %dma_start3A_171 = tpu.memref_slice %arg6[%arg0, %add3A_145, %dma_start3A_170] : memref<2x10240x64xf32, #tpu.memory_space<hbm>> -> memref<1x64x64xf32, #tpu.memory_space<hbm>>
      %dma_start3A_172 = tpu.memref_squeeze %dma_start3A_171 : memref<1x64x64xf32, #tpu.memory_space<hbm>> -> memref<64x64xf32, #tpu.memory_space<hbm>>
      %dma_start3A_173 = arith.constant 0 : i32
      %dma_start3A_174 = tpu.memref_slice %arg22[%add3A_145, %dma_start3A_173] : memref<10240x64xf32, #tpu.memory_space<vmem_shared>> -> memref<64x64xf32, #tpu.memory_space<vmem_shared>>
      tpu.enqueue_dma source(%dma_start3A_174 : memref<64x64xf32, #tpu.memory_space<vmem_shared>>) target(%dma_start3A_172 : memref<64x64xf32, #tpu.memory_space<hbm>>) target_semaphore(%run_scoped3A : memref<!tpu.dma_semaphore, #tpu.memory_space<semaphore_mem>>)
      %dma_wait3A_175 = arith.constant 0 : i32
      %dma_wait3A_176 = tpu.memref_slice %arg6[%arg0, %add3A_145, %dma_wait3A_175] : memref<2x10240x64xf32, #tpu.memory_space<hbm>> -> memref<1x64x64xf32, #tpu.memory_space<hbm>>
      %dma_wait3A_177 = tpu.memref_squeeze %dma_wait3A_176 : memref<1x64x64xf32, #tpu.memory_space<hbm>> -> memref<64x64xf32, #tpu.memory_space<hbm>>
      %dma_wait3A_178 = arith.constant 0 : i32
      %dma_wait3A_179 = tpu.memref_slice %arg22[%add3A_145, %dma_wait3A_178] : memref<10240x64xf32, #tpu.memory_space<vmem_shared>> -> memref<64x64xf32, #tpu.memory_space<vmem_shared>>
      tpu.wait_dma2 semaphore(%run_scoped3A : memref<!tpu.dma_semaphore, #tpu.memory_space<semaphore_mem>>) src(%dma_wait3A_179 : memref<64x64xf32, #tpu.memory_space<vmem_shared>>) dst(%dma_wait3A_177 : memref<64x64xf32, #tpu.memory_space<hbm>>)
      tpu.yield
    }) : () -> ()
    "tpu.region"() ({
      %run_scoped3A = tpu.sem_alloc : memref<!tpu.dma_semaphore, #tpu.memory_space<semaphore_mem>>
      %dma_start3A_170 = arith.constant 0 : i32
      %dma_start3A_171 = tpu.memref_slice %arg7[%arg0, %add3A_145, %dma_start3A_170] : memref<2x10240x16xf32, #tpu.memory_space<hbm>> -> memref<1x64x16xf32, #tpu.memory_space<hbm>>
      %dma_start3A_172 = tpu.memref_squeeze %dma_start3A_171 : memref<1x64x16xf32, #tpu.memory_space<hbm>> -> memref<64x16xf32, #tpu.memory_space<hbm>>
      %dma_start3A_173 = arith.constant 0 : i32
      %dma_start3A_174 = tpu.memref_slice %arg23[%add3A_145, %dma_start3A_173] : memref<10240x16xf32, #tpu.memory_space<vmem_shared>> -> memref<64x16xf32, #tpu.memory_space<vmem_shared>>
      tpu.enqueue_dma source(%dma_start3A_174 : memref<64x16xf32, #tpu.memory_space<vmem_shared>>) target(%dma_start3A_172 : memref<64x16xf32, #tpu.memory_space<hbm>>) target_semaphore(%run_scoped3A : memref<!tpu.dma_semaphore, #tpu.memory_space<semaphore_mem>>)
      %dma_wait3A_175 = arith.constant 0 : i32
      %dma_wait3A_176 = tpu.memref_slice %arg7[%arg0, %add3A_145, %dma_wait3A_175] : memref<2x10240x16xf32, #tpu.memory_space<hbm>> -> memref<1x64x16xf32, #tpu.memory_space<hbm>>
      %dma_wait3A_177 = tpu.memref_squeeze %dma_wait3A_176 : memref<1x64x16xf32, #tpu.memory_space<hbm>> -> memref<64x16xf32, #tpu.memory_space<hbm>>
      %dma_wait3A_178 = arith.constant 0 : i32
      %dma_wait3A_179 = tpu.memref_slice %arg23[%add3A_145, %dma_wait3A_178] : memref<10240x16xf32, #tpu.memory_space<vmem_shared>> -> memref<64x16xf32, #tpu.memory_space<vmem_shared>>
      tpu.wait_dma2 semaphore(%run_scoped3A : memref<!tpu.dma_semaphore, #tpu.memory_space<semaphore_mem>>) src(%dma_wait3A_179 : memref<64x16xf32, #tpu.memory_space<vmem_shared>>) dst(%dma_wait3A_177 : memref<64x16xf32, #tpu.memory_space<hbm>>)
      tpu.yield
    }) : () -> ()
    %mul3A_146 = arith.constant 640 : i32
    %mul3A_147 = arith.muli %arg1, %mul3A_146 : i32
    %add3A_148 = arith.constant 256 : i32
    %add3A_149 = arith.addi %mul3A_147, %add3A_148 : i32
    "tpu.region"() ({
      %run_scoped3A = tpu.sem_alloc : memref<!tpu.dma_semaphore, #tpu.memory_space<semaphore_mem>>
      %dma_start3A_170 = arith.constant 0 : i32
      %dma_start3A_171 = tpu.memref_slice %arg6[%arg0, %add3A_149, %dma_start3A_170] : memref<2x10240x64xf32, #tpu.memory_space<hbm>> -> memref<1x64x64xf32, #tpu.memory_space<hbm>>
      %dma_start3A_172 = tpu.memref_squeeze %dma_start3A_171 : memref<1x64x64xf32, #tpu.memory_space<hbm>> -> memref<64x64xf32, #tpu.memory_space<hbm>>
      %dma_start3A_173 = arith.constant 0 : i32
      %dma_start3A_174 = tpu.memref_slice %arg22[%add3A_149, %dma_start3A_173] : memref<10240x64xf32, #tpu.memory_space<vmem_shared>> -> memref<64x64xf32, #tpu.memory_space<vmem_shared>>
      tpu.enqueue_dma source(%dma_start3A_174 : memref<64x64xf32, #tpu.memory_space<vmem_shared>>) target(%dma_start3A_172 : memref<64x64xf32, #tpu.memory_space<hbm>>) target_semaphore(%run_scoped3A : memref<!tpu.dma_semaphore, #tpu.memory_space<semaphore_mem>>)
      %dma_wait3A_175 = arith.constant 0 : i32
      %dma_wait3A_176 = tpu.memref_slice %arg6[%arg0, %add3A_149, %dma_wait3A_175] : memref<2x10240x64xf32, #tpu.memory_space<hbm>> -> memref<1x64x64xf32, #tpu.memory_space<hbm>>
      %dma_wait3A_177 = tpu.memref_squeeze %dma_wait3A_176 : memref<1x64x64xf32, #tpu.memory_space<hbm>> -> memref<64x64xf32, #tpu.memory_space<hbm>>
      %dma_wait3A_178 = arith.constant 0 : i32
      %dma_wait3A_179 = tpu.memref_slice %arg22[%add3A_149, %dma_wait3A_178] : memref<10240x64xf32, #tpu.memory_space<vmem_shared>> -> memref<64x64xf32, #tpu.memory_space<vmem_shared>>
      tpu.wait_dma2 semaphore(%run_scoped3A : memref<!tpu.dma_semaphore, #tpu.memory_space<semaphore_mem>>) src(%dma_wait3A_179 : memref<64x64xf32, #tpu.memory_space<vmem_shared>>) dst(%dma_wait3A_177 : memref<64x64xf32, #tpu.memory_space<hbm>>)
      tpu.yield
    }) : () -> ()
    "tpu.region"() ({
      %run_scoped3A = tpu.sem_alloc : memref<!tpu.dma_semaphore, #tpu.memory_space<semaphore_mem>>
      %dma_start3A_170 = arith.constant 0 : i32
      %dma_start3A_171 = tpu.memref_slice %arg7[%arg0, %add3A_149, %dma_start3A_170] : memref<2x10240x16xf32, #tpu.memory_space<hbm>> -> memref<1x64x16xf32, #tpu.memory_space<hbm>>
      %dma_start3A_172 = tpu.memref_squeeze %dma_start3A_171 : memref<1x64x16xf32, #tpu.memory_space<hbm>> -> memref<64x16xf32, #tpu.memory_space<hbm>>
      %dma_start3A_173 = arith.constant 0 : i32
      %dma_start3A_174 = tpu.memref_slice %arg23[%add3A_149, %dma_start3A_173] : memref<10240x16xf32, #tpu.memory_space<vmem_shared>> -> memref<64x16xf32, #tpu.memory_space<vmem_shared>>
      tpu.enqueue_dma source(%dma_start3A_174 : memref<64x16xf32, #tpu.memory_space<vmem_shared>>) target(%dma_start3A_172 : memref<64x16xf32, #tpu.memory_space<hbm>>) target_semaphore(%run_scoped3A : memref<!tpu.dma_semaphore, #tpu.memory_space<semaphore_mem>>)
      %dma_wait3A_175 = arith.constant 0 : i32
      %dma_wait3A_176 = tpu.memref_slice %arg7[%arg0, %add3A_149, %dma_wait3A_175] : memref<2x10240x16xf32, #tpu.memory_space<hbm>> -> memref<1x64x16xf32, #tpu.memory_space<hbm>>
      %dma_wait3A_177 = tpu.memref_squeeze %dma_wait3A_176 : memref<1x64x16xf32, #tpu.memory_space<hbm>> -> memref<64x16xf32, #tpu.memory_space<hbm>>
      %dma_wait3A_178 = arith.constant 0 : i32
      %dma_wait3A_179 = tpu.memref_slice %arg23[%add3A_149, %dma_wait3A_178] : memref<10240x16xf32, #tpu.memory_space<vmem_shared>> -> memref<64x16xf32, #tpu.memory_space<vmem_shared>>
      tpu.wait_dma2 semaphore(%run_scoped3A : memref<!tpu.dma_semaphore, #tpu.memory_space<semaphore_mem>>) src(%dma_wait3A_179 : memref<64x16xf32, #tpu.memory_space<vmem_shared>>) dst(%dma_wait3A_177 : memref<64x16xf32, #tpu.memory_space<hbm>>)
      tpu.yield
    }) : () -> ()
    %mul3A_150 = arith.constant 640 : i32
    %mul3A_151 = arith.muli %arg1, %mul3A_150 : i32
    %add3A_152 = arith.constant 320 : i32
    %add3A_153 = arith.addi %mul3A_151, %add3A_152 : i32
    "tpu.region"() ({
      %run_scoped3A = tpu.sem_alloc : memref<!tpu.dma_semaphore, #tpu.memory_space<semaphore_mem>>
      %dma_start3A_170 = arith.constant 0 : i32
      %dma_start3A_171 = tpu.memref_slice %arg6[%arg0, %add3A_153, %dma_start3A_170] : memref<2x10240x64xf32, #tpu.memory_space<hbm>> -> memref<1x64x64xf32, #tpu.memory_space<hbm>>
      %dma_start3A_172 = tpu.memref_squeeze %dma_start3A_171 : memref<1x64x64xf32, #tpu.memory_space<hbm>> -> memref<64x64xf32, #tpu.memory_space<hbm>>
      %dma_start3A_173 = arith.constant 0 : i32
      %dma_start3A_174 = tpu.memref_slice %arg22[%add3A_153, %dma_start3A_173] : memref<10240x64xf32, #tpu.memory_space<vmem_shared>> -> memref<64x64xf32, #tpu.memory_space<vmem_shared>>
      tpu.enqueue_dma source(%dma_start3A_174 : memref<64x64xf32, #tpu.memory_space<vmem_shared>>) target(%dma_start3A_172 : memref<64x64xf32, #tpu.memory_space<hbm>>) target_semaphore(%run_scoped3A : memref<!tpu.dma_semaphore, #tpu.memory_space<semaphore_mem>>)
      %dma_wait3A_175 = arith.constant 0 : i32
      %dma_wait3A_176 = tpu.memref_slice %arg6[%arg0, %add3A_153, %dma_wait3A_175] : memref<2x10240x64xf32, #tpu.memory_space<hbm>> -> memref<1x64x64xf32, #tpu.memory_space<hbm>>
      %dma_wait3A_177 = tpu.memref_squeeze %dma_wait3A_176 : memref<1x64x64xf32, #tpu.memory_space<hbm>> -> memref<64x64xf32, #tpu.memory_space<hbm>>
      %dma_wait3A_178 = arith.constant 0 : i32
      %dma_wait3A_179 = tpu.memref_slice %arg22[%add3A_153, %dma_wait3A_178] : memref<10240x64xf32, #tpu.memory_space<vmem_shared>> -> memref<64x64xf32, #tpu.memory_space<vmem_shared>>
      tpu.wait_dma2 semaphore(%run_scoped3A : memref<!tpu.dma_semaphore, #tpu.memory_space<semaphore_mem>>) src(%dma_wait3A_179 : memref<64x64xf32, #tpu.memory_space<vmem_shared>>) dst(%dma_wait3A_177 : memref<64x64xf32, #tpu.memory_space<hbm>>)
      tpu.yield
    }) : () -> ()
    "tpu.region"() ({
      %run_scoped3A = tpu.sem_alloc : memref<!tpu.dma_semaphore, #tpu.memory_space<semaphore_mem>>
      %dma_start3A_170 = arith.constant 0 : i32
      %dma_start3A_171 = tpu.memref_slice %arg7[%arg0, %add3A_153, %dma_start3A_170] : memref<2x10240x16xf32, #tpu.memory_space<hbm>> -> memref<1x64x16xf32, #tpu.memory_space<hbm>>
      %dma_start3A_172 = tpu.memref_squeeze %dma_start3A_171 : memref<1x64x16xf32, #tpu.memory_space<hbm>> -> memref<64x16xf32, #tpu.memory_space<hbm>>
      %dma_start3A_173 = arith.constant 0 : i32
      %dma_start3A_174 = tpu.memref_slice %arg23[%add3A_153, %dma_start3A_173] : memref<10240x16xf32, #tpu.memory_space<vmem_shared>> -> memref<64x16xf32, #tpu.memory_space<vmem_shared>>
      tpu.enqueue_dma source(%dma_start3A_174 : memref<64x16xf32, #tpu.memory_space<vmem_shared>>) target(%dma_start3A_172 : memref<64x16xf32, #tpu.memory_space<hbm>>) target_semaphore(%run_scoped3A : memref<!tpu.dma_semaphore, #tpu.memory_space<semaphore_mem>>)
      %dma_wait3A_175 = arith.constant 0 : i32
      %dma_wait3A_176 = tpu.memref_slice %arg7[%arg0, %add3A_153, %dma_wait3A_175] : memref<2x10240x16xf32, #tpu.memory_space<hbm>> -> memref<1x64x16xf32, #tpu.memory_space<hbm>>
      %dma_wait3A_177 = tpu.memref_squeeze %dma_wait3A_176 : memref<1x64x16xf32, #tpu.memory_space<hbm>> -> memref<64x16xf32, #tpu.memory_space<hbm>>
      %dma_wait3A_178 = arith.constant 0 : i32
      %dma_wait3A_179 = tpu.memref_slice %arg23[%add3A_153, %dma_wait3A_178] : memref<10240x16xf32, #tpu.memory_space<vmem_shared>> -> memref<64x16xf32, #tpu.memory_space<vmem_shared>>
      tpu.wait_dma2 semaphore(%run_scoped3A : memref<!tpu.dma_semaphore, #tpu.memory_space<semaphore_mem>>) src(%dma_wait3A_179 : memref<64x16xf32, #tpu.memory_space<vmem_shared>>) dst(%dma_wait3A_177 : memref<64x16xf32, #tpu.memory_space<hbm>>)
      tpu.yield
    }) : () -> ()
    %mul3A_154 = arith.constant 640 : i32
    %mul3A_155 = arith.muli %arg1, %mul3A_154 : i32
    %add3A_156 = arith.constant 384 : i32
    %add3A_157 = arith.addi %mul3A_155, %add3A_156 : i32
    "tpu.region"() ({
      %run_scoped3A = tpu.sem_alloc : memref<!tpu.dma_semaphore, #tpu.memory_space<semaphore_mem>>
      %dma_start3A_170 = arith.constant 0 : i32
      %dma_start3A_171 = tpu.memref_slice %arg6[%arg0, %add3A_157, %dma_start3A_170] : memref<2x10240x64xf32, #tpu.memory_space<hbm>> -> memref<1x64x64xf32, #tpu.memory_space<hbm>>
      %dma_start3A_172 = tpu.memref_squeeze %dma_start3A_171 : memref<1x64x64xf32, #tpu.memory_space<hbm>> -> memref<64x64xf32, #tpu.memory_space<hbm>>
      %dma_start3A_173 = arith.constant 0 : i32
      %dma_start3A_174 = tpu.memref_slice %arg22[%add3A_157, %dma_start3A_173] : memref<10240x64xf32, #tpu.memory_space<vmem_shared>> -> memref<64x64xf32, #tpu.memory_space<vmem_shared>>
      tpu.enqueue_dma source(%dma_start3A_174 : memref<64x64xf32, #tpu.memory_space<vmem_shared>>) target(%dma_start3A_172 : memref<64x64xf32, #tpu.memory_space<hbm>>) target_semaphore(%run_scoped3A : memref<!tpu.dma_semaphore, #tpu.memory_space<semaphore_mem>>)
      %dma_wait3A_175 = arith.constant 0 : i32
      %dma_wait3A_176 = tpu.memref_slice %arg6[%arg0, %add3A_157, %dma_wait3A_175] : memref<2x10240x64xf32, #tpu.memory_space<hbm>> -> memref<1x64x64xf32, #tpu.memory_space<hbm>>
      %dma_wait3A_177 = tpu.memref_squeeze %dma_wait3A_176 : memref<1x64x64xf32, #tpu.memory_space<hbm>> -> memref<64x64xf32, #tpu.memory_space<hbm>>
      %dma_wait3A_178 = arith.constant 0 : i32
      %dma_wait3A_179 = tpu.memref_slice %arg22[%add3A_157, %dma_wait3A_178] : memref<10240x64xf32, #tpu.memory_space<vmem_shared>> -> memref<64x64xf32, #tpu.memory_space<vmem_shared>>
      tpu.wait_dma2 semaphore(%run_scoped3A : memref<!tpu.dma_semaphore, #tpu.memory_space<semaphore_mem>>) src(%dma_wait3A_179 : memref<64x64xf32, #tpu.memory_space<vmem_shared>>) dst(%dma_wait3A_177 : memref<64x64xf32, #tpu.memory_space<hbm>>)
      tpu.yield
    }) : () -> ()
    "tpu.region"() ({
      %run_scoped3A = tpu.sem_alloc : memref<!tpu.dma_semaphore, #tpu.memory_space<semaphore_mem>>
      %dma_start3A_170 = arith.constant 0 : i32
      %dma_start3A_171 = tpu.memref_slice %arg7[%arg0, %add3A_157, %dma_start3A_170] : memref<2x10240x16xf32, #tpu.memory_space<hbm>> -> memref<1x64x16xf32, #tpu.memory_space<hbm>>
      %dma_start3A_172 = tpu.memref_squeeze %dma_start3A_171 : memref<1x64x16xf32, #tpu.memory_space<hbm>> -> memref<64x16xf32, #tpu.memory_space<hbm>>
      %dma_start3A_173 = arith.constant 0 : i32
      %dma_start3A_174 = tpu.memref_slice %arg23[%add3A_157, %dma_start3A_173] : memref<10240x16xf32, #tpu.memory_space<vmem_shared>> -> memref<64x16xf32, #tpu.memory_space<vmem_shared>>
      tpu.enqueue_dma source(%dma_start3A_174 : memref<64x16xf32, #tpu.memory_space<vmem_shared>>) target(%dma_start3A_172 : memref<64x16xf32, #tpu.memory_space<hbm>>) target_semaphore(%run_scoped3A : memref<!tpu.dma_semaphore, #tpu.memory_space<semaphore_mem>>)
      %dma_wait3A_175 = arith.constant 0 : i32
      %dma_wait3A_176 = tpu.memref_slice %arg7[%arg0, %add3A_157, %dma_wait3A_175] : memref<2x10240x16xf32, #tpu.memory_space<hbm>> -> memref<1x64x16xf32, #tpu.memory_space<hbm>>
      %dma_wait3A_177 = tpu.memref_squeeze %dma_wait3A_176 : memref<1x64x16xf32, #tpu.memory_space<hbm>> -> memref<64x16xf32, #tpu.memory_space<hbm>>
      %dma_wait3A_178 = arith.constant 0 : i32
      %dma_wait3A_179 = tpu.memref_slice %arg23[%add3A_157, %dma_wait3A_178] : memref<10240x16xf32, #tpu.memory_space<vmem_shared>> -> memref<64x16xf32, #tpu.memory_space<vmem_shared>>
      tpu.wait_dma2 semaphore(%run_scoped3A : memref<!tpu.dma_semaphore, #tpu.memory_space<semaphore_mem>>) src(%dma_wait3A_179 : memref<64x16xf32, #tpu.memory_space<vmem_shared>>) dst(%dma_wait3A_177 : memref<64x16xf32, #tpu.memory_space<hbm>>)
      tpu.yield
    }) : () -> ()
    %mul3A_158 = arith.constant 640 : i32
    %mul3A_159 = arith.muli %arg1, %mul3A_158 : i32
    %add3A_160 = arith.constant 448 : i32
    %add3A_161 = arith.addi %mul3A_159, %add3A_160 : i32
    "tpu.region"() ({
      %run_scoped3A = tpu.sem_alloc : memref<!tpu.dma_semaphore, #tpu.memory_space<semaphore_mem>>
      %dma_start3A_170 = arith.constant 0 : i32
      %dma_start3A_171 = tpu.memref_slice %arg6[%arg0, %add3A_161, %dma_start3A_170] : memref<2x10240x64xf32, #tpu.memory_space<hbm>> -> memref<1x64x64xf32, #tpu.memory_space<hbm>>
      %dma_start3A_172 = tpu.memref_squeeze %dma_start3A_171 : memref<1x64x64xf32, #tpu.memory_space<hbm>> -> memref<64x64xf32, #tpu.memory_space<hbm>>
      %dma_start3A_173 = arith.constant 0 : i32
      %dma_start3A_174 = tpu.memref_slice %arg22[%add3A_161, %dma_start3A_173] : memref<10240x64xf32, #tpu.memory_space<vmem_shared>> -> memref<64x64xf32, #tpu.memory_space<vmem_shared>>
      tpu.enqueue_dma source(%dma_start3A_174 : memref<64x64xf32, #tpu.memory_space<vmem_shared>>) target(%dma_start3A_172 : memref<64x64xf32, #tpu.memory_space<hbm>>) target_semaphore(%run_scoped3A : memref<!tpu.dma_semaphore, #tpu.memory_space<semaphore_mem>>)
      %dma_wait3A_175 = arith.constant 0 : i32
      %dma_wait3A_176 = tpu.memref_slice %arg6[%arg0, %add3A_161, %dma_wait3A_175] : memref<2x10240x64xf32, #tpu.memory_space<hbm>> -> memref<1x64x64xf32, #tpu.memory_space<hbm>>
      %dma_wait3A_177 = tpu.memref_squeeze %dma_wait3A_176 : memref<1x64x64xf32, #tpu.memory_space<hbm>> -> memref<64x64xf32, #tpu.memory_space<hbm>>
      %dma_wait3A_178 = arith.constant 0 : i32
      %dma_wait3A_179 = tpu.memref_slice %arg22[%add3A_161, %dma_wait3A_178] : memref<10240x64xf32, #tpu.memory_space<vmem_shared>> -> memref<64x64xf32, #tpu.memory_space<vmem_shared>>
      tpu.wait_dma2 semaphore(%run_scoped3A : memref<!tpu.dma_semaphore, #tpu.memory_space<semaphore_mem>>) src(%dma_wait3A_179 : memref<64x64xf32, #tpu.memory_space<vmem_shared>>) dst(%dma_wait3A_177 : memref<64x64xf32, #tpu.memory_space<hbm>>)
      tpu.yield
    }) : () -> ()
    "tpu.region"() ({
      %run_scoped3A = tpu.sem_alloc : memref<!tpu.dma_semaphore, #tpu.memory_space<semaphore_mem>>
      %dma_start3A_170 = arith.constant 0 : i32
      %dma_start3A_171 = tpu.memref_slice %arg7[%arg0, %add3A_161, %dma_start3A_170] : memref<2x10240x16xf32, #tpu.memory_space<hbm>> -> memref<1x64x16xf32, #tpu.memory_space<hbm>>
      %dma_start3A_172 = tpu.memref_squeeze %dma_start3A_171 : memref<1x64x16xf32, #tpu.memory_space<hbm>> -> memref<64x16xf32, #tpu.memory_space<hbm>>
      %dma_start3A_173 = arith.constant 0 : i32
      %dma_start3A_174 = tpu.memref_slice %arg23[%add3A_161, %dma_start3A_173] : memref<10240x16xf32, #tpu.memory_space<vmem_shared>> -> memref<64x16xf32, #tpu.memory_space<vmem_shared>>
      tpu.enqueue_dma source(%dma_start3A_174 : memref<64x16xf32, #tpu.memory_space<vmem_shared>>) target(%dma_start3A_172 : memref<64x16xf32, #tpu.memory_space<hbm>>) target_semaphore(%run_scoped3A : memref<!tpu.dma_semaphore, #tpu.memory_space<semaphore_mem>>)
      %dma_wait3A_175 = arith.constant 0 : i32
      %dma_wait3A_176 = tpu.memref_slice %arg7[%arg0, %add3A_161, %dma_wait3A_175] : memref<2x10240x16xf32, #tpu.memory_space<hbm>> -> memref<1x64x16xf32, #tpu.memory_space<hbm>>
      %dma_wait3A_177 = tpu.memref_squeeze %dma_wait3A_176 : memref<1x64x16xf32, #tpu.memory_space<hbm>> -> memref<64x16xf32, #tpu.memory_space<hbm>>
      %dma_wait3A_178 = arith.constant 0 : i32
      %dma_wait3A_179 = tpu.memref_slice %arg23[%add3A_161, %dma_wait3A_178] : memref<10240x16xf32, #tpu.memory_space<vmem_shared>> -> memref<64x16xf32, #tpu.memory_space<vmem_shared>>
      tpu.wait_dma2 semaphore(%run_scoped3A : memref<!tpu.dma_semaphore, #tpu.memory_space<semaphore_mem>>) src(%dma_wait3A_179 : memref<64x16xf32, #tpu.memory_space<vmem_shared>>) dst(%dma_wait3A_177 : memref<64x16xf32, #tpu.memory_space<hbm>>)
      tpu.yield
    }) : () -> ()
    %mul3A_162 = arith.constant 640 : i32
    %mul3A_163 = arith.muli %arg1, %mul3A_162 : i32
    %add3A_164 = arith.constant 512 : i32
    %add3A_165 = arith.addi %mul3A_163, %add3A_164 : i32
    "tpu.region"() ({
      %run_scoped3A = tpu.sem_alloc : memref<!tpu.dma_semaphore, #tpu.memory_space<semaphore_mem>>
      %dma_start3A_170 = arith.constant 0 : i32
      %dma_start3A_171 = tpu.memref_slice %arg6[%arg0, %add3A_165, %dma_start3A_170] : memref<2x10240x64xf32, #tpu.memory_space<hbm>> -> memref<1x64x64xf32, #tpu.memory_space<hbm>>
      %dma_start3A_172 = tpu.memref_squeeze %dma_start3A_171 : memref<1x64x64xf32, #tpu.memory_space<hbm>> -> memref<64x64xf32, #tpu.memory_space<hbm>>
      %dma_start3A_173 = arith.constant 0 : i32
      %dma_start3A_174 = tpu.memref_slice %arg22[%add3A_165, %dma_start3A_173] : memref<10240x64xf32, #tpu.memory_space<vmem_shared>> -> memref<64x64xf32, #tpu.memory_space<vmem_shared>>
      tpu.enqueue_dma source(%dma_start3A_174 : memref<64x64xf32, #tpu.memory_space<vmem_shared>>) target(%dma_start3A_172 : memref<64x64xf32, #tpu.memory_space<hbm>>) target_semaphore(%run_scoped3A : memref<!tpu.dma_semaphore, #tpu.memory_space<semaphore_mem>>)
      %dma_wait3A_175 = arith.constant 0 : i32
      %dma_wait3A_176 = tpu.memref_slice %arg6[%arg0, %add3A_165, %dma_wait3A_175] : memref<2x10240x64xf32, #tpu.memory_space<hbm>> -> memref<1x64x64xf32, #tpu.memory_space<hbm>>
      %dma_wait3A_177 = tpu.memref_squeeze %dma_wait3A_176 : memref<1x64x64xf32, #tpu.memory_space<hbm>> -> memref<64x64xf32, #tpu.memory_space<hbm>>
      %dma_wait3A_178 = arith.constant 0 : i32
      %dma_wait3A_179 = tpu.memref_slice %arg22[%add3A_165, %dma_wait3A_178] : memref<10240x64xf32, #tpu.memory_space<vmem_shared>> -> memref<64x64xf32, #tpu.memory_space<vmem_shared>>
      tpu.wait_dma2 semaphore(%run_scoped3A : memref<!tpu.dma_semaphore, #tpu.memory_space<semaphore_mem>>) src(%dma_wait3A_179 : memref<64x64xf32, #tpu.memory_space<vmem_shared>>) dst(%dma_wait3A_177 : memref<64x64xf32, #tpu.memory_space<hbm>>)
      tpu.yield
    }) : () -> ()
    "tpu.region"() ({
      %run_scoped3A = tpu.sem_alloc : memref<!tpu.dma_semaphore, #tpu.memory_space<semaphore_mem>>
      %dma_start3A_170 = arith.constant 0 : i32
      %dma_start3A_171 = tpu.memref_slice %arg7[%arg0, %add3A_165, %dma_start3A_170] : memref<2x10240x16xf32, #tpu.memory_space<hbm>> -> memref<1x64x16xf32, #tpu.memory_space<hbm>>
      %dma_start3A_172 = tpu.memref_squeeze %dma_start3A_171 : memref<1x64x16xf32, #tpu.memory_space<hbm>> -> memref<64x16xf32, #tpu.memory_space<hbm>>
      %dma_start3A_173 = arith.constant 0 : i32
      %dma_start3A_174 = tpu.memref_slice %arg23[%add3A_165, %dma_start3A_173] : memref<10240x16xf32, #tpu.memory_space<vmem_shared>> -> memref<64x16xf32, #tpu.memory_space<vmem_shared>>
      tpu.enqueue_dma source(%dma_start3A_174 : memref<64x16xf32, #tpu.memory_space<vmem_shared>>) target(%dma_start3A_172 : memref<64x16xf32, #tpu.memory_space<hbm>>) target_semaphore(%run_scoped3A : memref<!tpu.dma_semaphore, #tpu.memory_space<semaphore_mem>>)
      %dma_wait3A_175 = arith.constant 0 : i32
      %dma_wait3A_176 = tpu.memref_slice %arg7[%arg0, %add3A_165, %dma_wait3A_175] : memref<2x10240x16xf32, #tpu.memory_space<hbm>> -> memref<1x64x16xf32, #tpu.memory_space<hbm>>
      %dma_wait3A_177 = tpu.memref_squeeze %dma_wait3A_176 : memref<1x64x16xf32, #tpu.memory_space<hbm>> -> memref<64x16xf32, #tpu.memory_space<hbm>>
      %dma_wait3A_178 = arith.constant 0 : i32
      %dma_wait3A_179 = tpu.memref_slice %arg23[%add3A_165, %dma_wait3A_178] : memref<10240x16xf32, #tpu.memory_space<vmem_shared>> -> memref<64x16xf32, #tpu.memory_space<vmem_shared>>
      tpu.wait_dma2 semaphore(%run_scoped3A : memref<!tpu.dma_semaphore, #tpu.memory_space<semaphore_mem>>) src(%dma_wait3A_179 : memref<64x16xf32, #tpu.memory_space<vmem_shared>>) dst(%dma_wait3A_177 : memref<64x16xf32, #tpu.memory_space<hbm>>)
      tpu.yield
    }) : () -> ()
    %mul3A_166 = arith.constant 640 : i32
    %mul3A_167 = arith.muli %arg1, %mul3A_166 : i32
    %add3A_168 = arith.constant 576 : i32
    %add3A_169 = arith.addi %mul3A_167, %add3A_168 : i32
    "tpu.region"() ({
      %run_scoped3A = tpu.sem_alloc : memref<!tpu.dma_semaphore, #tpu.memory_space<semaphore_mem>>
      %dma_start3A_170 = arith.constant 0 : i32
      %dma_start3A_171 = tpu.memref_slice %arg6[%arg0, %add3A_169, %dma_start3A_170] : memref<2x10240x64xf32, #tpu.memory_space<hbm>> -> memref<1x64x64xf32, #tpu.memory_space<hbm>>
      %dma_start3A_172 = tpu.memref_squeeze %dma_start3A_171 : memref<1x64x64xf32, #tpu.memory_space<hbm>> -> memref<64x64xf32, #tpu.memory_space<hbm>>
      %dma_start3A_173 = arith.constant 0 : i32
      %dma_start3A_174 = tpu.memref_slice %arg22[%add3A_169, %dma_start3A_173] : memref<10240x64xf32, #tpu.memory_space<vmem_shared>> -> memref<64x64xf32, #tpu.memory_space<vmem_shared>>
      tpu.enqueue_dma source(%dma_start3A_174 : memref<64x64xf32, #tpu.memory_space<vmem_shared>>) target(%dma_start3A_172 : memref<64x64xf32, #tpu.memory_space<hbm>>) target_semaphore(%run_scoped3A : memref<!tpu.dma_semaphore, #tpu.memory_space<semaphore_mem>>)
      %dma_wait3A_175 = arith.constant 0 : i32
      %dma_wait3A_176 = tpu.memref_slice %arg6[%arg0, %add3A_169, %dma_wait3A_175] : memref<2x10240x64xf32, #tpu.memory_space<hbm>> -> memref<1x64x64xf32, #tpu.memory_space<hbm>>
      %dma_wait3A_177 = tpu.memref_squeeze %dma_wait3A_176 : memref<1x64x64xf32, #tpu.memory_space<hbm>> -> memref<64x64xf32, #tpu.memory_space<hbm>>
      %dma_wait3A_178 = arith.constant 0 : i32
      %dma_wait3A_179 = tpu.memref_slice %arg22[%add3A_169, %dma_wait3A_178] : memref<10240x64xf32, #tpu.memory_space<vmem_shared>> -> memref<64x64xf32, #tpu.memory_space<vmem_shared>>
      tpu.wait_dma2 semaphore(%run_scoped3A : memref<!tpu.dma_semaphore, #tpu.memory_space<semaphore_mem>>) src(%dma_wait3A_179 : memref<64x64xf32, #tpu.memory_space<vmem_shared>>) dst(%dma_wait3A_177 : memref<64x64xf32, #tpu.memory_space<hbm>>)
      tpu.yield
    }) : () -> ()
    "tpu.region"() ({
      %run_scoped3A = tpu.sem_alloc : memref<!tpu.dma_semaphore, #tpu.memory_space<semaphore_mem>>
      %dma_start3A_170 = arith.constant 0 : i32
      %dma_start3A_171 = tpu.memref_slice %arg7[%arg0, %add3A_169, %dma_start3A_170] : memref<2x10240x16xf32, #tpu.memory_space<hbm>> -> memref<1x64x16xf32, #tpu.memory_space<hbm>>
      %dma_start3A_172 = tpu.memref_squeeze %dma_start3A_171 : memref<1x64x16xf32, #tpu.memory_space<hbm>> -> memref<64x16xf32, #tpu.memory_space<hbm>>
      %dma_start3A_173 = arith.constant 0 : i32
      %dma_start3A_174 = tpu.memref_slice %arg23[%add3A_169, %dma_start3A_173] : memref<10240x16xf32, #tpu.memory_space<vmem_shared>> -> memref<64x16xf32, #tpu.memory_space<vmem_shared>>
      tpu.enqueue_dma source(%dma_start3A_174 : memref<64x16xf32, #tpu.memory_space<vmem_shared>>) target(%dma_start3A_172 : memref<64x16xf32, #tpu.memory_space<hbm>>) target_semaphore(%run_scoped3A : memref<!tpu.dma_semaphore, #tpu.memory_space<semaphore_mem>>)
      %dma_wait3A_175 = arith.constant 0 : i32
      %dma_wait3A_176 = tpu.memref_slice %arg7[%arg0, %add3A_169, %dma_wait3A_175] : memref<2x10240x16xf32, #tpu.memory_space<hbm>> -> memref<1x64x16xf32, #tpu.memory_space<hbm>>
      %dma_wait3A_177 = tpu.memref_squeeze %dma_wait3A_176 : memref<1x64x16xf32, #tpu.memory_space<hbm>> -> memref<64x16xf32, #tpu.memory_space<hbm>>
      %dma_wait3A_178 = arith.constant 0 : i32
      %dma_wait3A_179 = tpu.memref_slice %arg23[%add3A_169, %dma_wait3A_178] : memref<10240x16xf32, #tpu.memory_space<vmem_shared>> -> memref<64x16xf32, #tpu.memory_space<vmem_shared>>
      tpu.wait_dma2 semaphore(%run_scoped3A : memref<!tpu.dma_semaphore, #tpu.memory_space<semaphore_mem>>) src(%dma_wait3A_179 : memref<64x16xf32, #tpu.memory_space<vmem_shared>>) dst(%dma_wait3A_177 : memref<64x16xf32, #tpu.memory_space<hbm>>)
      tpu.yield
    }) : () -> ()
    return
  }
}

#map = affine_map<(d0, d1) -> (0, 0)>
#map1 = affine_map<(d0, d1) -> (0, 0, 0)>
module attributes {stable_mosaic.version = 14 : i64} {
  func.func @body(%arg0: i32, %arg1: i32, %arg2: memref<10240x128xf32, #tpu.memory_space<hbm>>, %arg3: memref<10240x16xf32, #tpu.memory_space<hbm>>, %arg4: memref<10240x16xf32, #tpu.memory_space<hbm>>, %arg5: memref<5376x2x64xi32, #tpu.memory_space<hbm>>, %arg6: memref<2x10240x128xf32, #tpu.memory_space<hbm>>, %arg7: memref<2x10240x16xf32, #tpu.memory_space<hbm>>, %arg8: memref<2x64xi32, #tpu.memory_space<vmem>>, %arg9: memref<2x64xi32, #tpu.memory_space<vmem>>, %arg10: memref<2x64xi32, #tpu.memory_space<vmem>>, %arg11: memref<2x64xi32, #tpu.memory_space<vmem>>, %arg12: memref<64x16xf32, #tpu.memory_space<vmem>>, %arg13: memref<64x16xf32, #tpu.memory_space<vmem>>, %arg14: memref<64x16xf32, #tpu.memory_space<vmem>>, %arg15: memref<64x16xf32, #tpu.memory_space<vmem>>, %arg16: memref<64x128xf32, #tpu.memory_space<vmem>>, %arg17: memref<64x128xf32, #tpu.memory_space<vmem>>, %arg18: memref<64x16xf32, #tpu.memory_space<vmem>>, %arg19: memref<64x16xf32, #tpu.memory_space<vmem>>, %arg20: memref<64x128xf32, #tpu.memory_space<vmem>>, %arg21: memref<64x16xf32, #tpu.memory_space<vmem>>, %arg22: memref<10240x128xf32, #tpu.memory_space<vmem_shared>>, %arg23: memref<10240x16xf32, #tpu.memory_space<vmem_shared>>, %arg24: memref<!tpu.dma_semaphore, #tpu.memory_space<semaphore_mem>>, %arg25: memref<!tpu.dma_semaphore, #tpu.memory_space<semaphore_mem>>, %arg26: memref<!tpu.dma_semaphore, #tpu.memory_space<semaphore_mem>>, %arg27: memref<!tpu.dma_semaphore, #tpu.memory_space<semaphore_mem>>, %arg28: memref<!tpu.dma_semaphore, #tpu.memory_space<semaphore_mem>>, %arg29: memref<!tpu.dma_semaphore, #tpu.memory_space<semaphore_mem>>, %arg30: memref<!tpu.dma_semaphore, #tpu.memory_space<semaphore_mem>>, %arg31: memref<!tpu.dma_semaphore, #tpu.memory_space<semaphore_mem>>) attributes {dimension_semantics = [#tpu.dimension_semantics<core_parallel>, #tpu.dimension_semantics<subcore_parallel>], iteration_bounds = array<i64: 2, 16>, scalar_prefetch = 0 : i64, scratch_operands = 24 : i64, tpu.core_type = #tpu.core_type<sc_vector_subcore>, window_params = [{transform_indices = #map}, {transform_indices = #map}, {transform_indices = #map}, {transform_indices = #map1}, {transform_indices = #map1}, {transform_indices = #map1}]} {
    %mul3A = arith.constant 16 : i32
    %mul3A_0 = arith.muli %arg0, %mul3A : i32
    %add3A = arith.addi %mul3A_0, %arg1 : i32
    %mul3A_1 = arith.constant 168 : i32
    %mul3A_2 = arith.muli %add3A, %mul3A_1 : i32
    %scan3A = arith.constant 0 : i32
    %scan3A_3 = arith.constant 0 : i32
    %scan3A_4 = arith.constant 64 : i32
    %scan3A_5 = arith.addi %scan3A_3, %scan3A_4 : i32
    %scan3A_6 = arith.constant 1 : i32
    scf.for %scan3A_170 = %scan3A_3 to %scan3A_5 step %scan3A_6  : i32 {
      %broadcast_in_dim3A = arith.constant 0.000000e+00 : f32
      %broadcast_in_dim3A_171 = vector.broadcast %broadcast_in_dim3A : f32 to vector<16xf32>
      %swap3A = arith.index_cast %scan3A_170 : i32 to index
      %swap3A_172 = arith.constant 0 : index
      %swap3A_173 = tpu.vector_load %arg20[%swap3A, %swap3A_172] {strides = array<i32>} : memref<64x128xf32, #tpu.memory_space<vmem>>, vector<1x16xf32>,
      %swap3A_174 = vector.shape_cast %swap3A_173 : vector<1x16xf32> to vector<16xf32>
      %swap3A_175 = vector.shape_cast %broadcast_in_dim3A_171 : vector<16xf32> to vector<1x16xf32>
      tpu.vector_store %arg20[%swap3A, %swap3A_172], %swap3A_175 {strides = array<i32>} : memref<64x128xf32, #tpu.memory_space<vmem>>, vector<1x16xf32>,
      %broadcast_in_dim3A_176 = arith.constant 0.000000e+00 : f32
      %broadcast_in_dim3A_177 = vector.broadcast %broadcast_in_dim3A_176 : f32 to vector<16xf32>
      %swap3A_178 = arith.index_cast %scan3A_170 : i32 to index
      %swap3A_179 = arith.constant 16 : index
      %swap3A_180 = tpu.vector_load %arg20[%swap3A_178, %swap3A_179] {strides = array<i32>} : memref<64x128xf32, #tpu.memory_space<vmem>>, vector<1x16xf32>,
      %swap3A_181 = vector.shape_cast %swap3A_180 : vector<1x16xf32> to vector<16xf32>
      %swap3A_182 = vector.shape_cast %broadcast_in_dim3A_177 : vector<16xf32> to vector<1x16xf32>
      tpu.vector_store %arg20[%swap3A_178, %swap3A_179], %swap3A_182 {strides = array<i32>} : memref<64x128xf32, #tpu.memory_space<vmem>>, vector<1x16xf32>,
      %broadcast_in_dim3A_183 = arith.constant 0.000000e+00 : f32
      %broadcast_in_dim3A_184 = vector.broadcast %broadcast_in_dim3A_183 : f32 to vector<16xf32>
      %swap3A_185 = arith.index_cast %scan3A_170 : i32 to index
      %swap3A_186 = arith.constant 32 : index
      %swap3A_187 = tpu.vector_load %arg20[%swap3A_185, %swap3A_186] {strides = array<i32>} : memref<64x128xf32, #tpu.memory_space<vmem>>, vector<1x16xf32>,
      %swap3A_188 = vector.shape_cast %swap3A_187 : vector<1x16xf32> to vector<16xf32>
      %swap3A_189 = vector.shape_cast %broadcast_in_dim3A_184 : vector<16xf32> to vector<1x16xf32>
      tpu.vector_store %arg20[%swap3A_185, %swap3A_186], %swap3A_189 {strides = array<i32>} : memref<64x128xf32, #tpu.memory_space<vmem>>, vector<1x16xf32>,
      %broadcast_in_dim3A_190 = arith.constant 0.000000e+00 : f32
      %broadcast_in_dim3A_191 = vector.broadcast %broadcast_in_dim3A_190 : f32 to vector<16xf32>
      %swap3A_192 = arith.index_cast %scan3A_170 : i32 to index
      %swap3A_193 = arith.constant 48 : index
      %swap3A_194 = tpu.vector_load %arg20[%swap3A_192, %swap3A_193] {strides = array<i32>} : memref<64x128xf32, #tpu.memory_space<vmem>>, vector<1x16xf32>,
      %swap3A_195 = vector.shape_cast %swap3A_194 : vector<1x16xf32> to vector<16xf32>
      %swap3A_196 = vector.shape_cast %broadcast_in_dim3A_191 : vector<16xf32> to vector<1x16xf32>
      tpu.vector_store %arg20[%swap3A_192, %swap3A_193], %swap3A_196 {strides = array<i32>} : memref<64x128xf32, #tpu.memory_space<vmem>>, vector<1x16xf32>,
      %broadcast_in_dim3A_197 = arith.constant 0.000000e+00 : f32
      %broadcast_in_dim3A_198 = vector.broadcast %broadcast_in_dim3A_197 : f32 to vector<16xf32>
      %swap3A_199 = arith.index_cast %scan3A_170 : i32 to index
      %swap3A_200 = arith.constant 64 : index
      %swap3A_201 = tpu.vector_load %arg20[%swap3A_199, %swap3A_200] {strides = array<i32>} : memref<64x128xf32, #tpu.memory_space<vmem>>, vector<1x16xf32>,
      %swap3A_202 = vector.shape_cast %swap3A_201 : vector<1x16xf32> to vector<16xf32>
      %swap3A_203 = vector.shape_cast %broadcast_in_dim3A_198 : vector<16xf32> to vector<1x16xf32>
      tpu.vector_store %arg20[%swap3A_199, %swap3A_200], %swap3A_203 {strides = array<i32>} : memref<64x128xf32, #tpu.memory_space<vmem>>, vector<1x16xf32>,
      %broadcast_in_dim3A_204 = arith.constant 0.000000e+00 : f32
      %broadcast_in_dim3A_205 = vector.broadcast %broadcast_in_dim3A_204 : f32 to vector<16xf32>
      %swap3A_206 = arith.index_cast %scan3A_170 : i32 to index
      %swap3A_207 = arith.constant 80 : index
      %swap3A_208 = tpu.vector_load %arg20[%swap3A_206, %swap3A_207] {strides = array<i32>} : memref<64x128xf32, #tpu.memory_space<vmem>>, vector<1x16xf32>,
      %swap3A_209 = vector.shape_cast %swap3A_208 : vector<1x16xf32> to vector<16xf32>
      %swap3A_210 = vector.shape_cast %broadcast_in_dim3A_205 : vector<16xf32> to vector<1x16xf32>
      tpu.vector_store %arg20[%swap3A_206, %swap3A_207], %swap3A_210 {strides = array<i32>} : memref<64x128xf32, #tpu.memory_space<vmem>>, vector<1x16xf32>,
      %broadcast_in_dim3A_211 = arith.constant 0.000000e+00 : f32
      %broadcast_in_dim3A_212 = vector.broadcast %broadcast_in_dim3A_211 : f32 to vector<16xf32>
      %swap3A_213 = arith.index_cast %scan3A_170 : i32 to index
      %swap3A_214 = arith.constant 96 : index
      %swap3A_215 = tpu.vector_load %arg20[%swap3A_213, %swap3A_214] {strides = array<i32>} : memref<64x128xf32, #tpu.memory_space<vmem>>, vector<1x16xf32>,
      %swap3A_216 = vector.shape_cast %swap3A_215 : vector<1x16xf32> to vector<16xf32>
      %swap3A_217 = vector.shape_cast %broadcast_in_dim3A_212 : vector<16xf32> to vector<1x16xf32>
      tpu.vector_store %arg20[%swap3A_213, %swap3A_214], %swap3A_217 {strides = array<i32>} : memref<64x128xf32, #tpu.memory_space<vmem>>, vector<1x16xf32>,
      %broadcast_in_dim3A_218 = arith.constant 0.000000e+00 : f32
      %broadcast_in_dim3A_219 = vector.broadcast %broadcast_in_dim3A_218 : f32 to vector<16xf32>
      %swap3A_220 = arith.index_cast %scan3A_170 : i32 to index
      %swap3A_221 = arith.constant 112 : index
      %swap3A_222 = tpu.vector_load %arg20[%swap3A_220, %swap3A_221] {strides = array<i32>} : memref<64x128xf32, #tpu.memory_space<vmem>>, vector<1x16xf32>,
      %swap3A_223 = vector.shape_cast %swap3A_222 : vector<1x16xf32> to vector<16xf32>
      %swap3A_224 = vector.shape_cast %broadcast_in_dim3A_219 : vector<16xf32> to vector<1x16xf32>
      tpu.vector_store %arg20[%swap3A_220, %swap3A_221], %swap3A_224 {strides = array<i32>} : memref<64x128xf32, #tpu.memory_space<vmem>>, vector<1x16xf32>,
      %broadcast_in_dim3A_225 = arith.constant 0.000000e+00 : f32
      %broadcast_in_dim3A_226 = vector.broadcast %broadcast_in_dim3A_225 : f32 to vector<16xf32>
      %swap3A_227 = arith.index_cast %scan3A_170 : i32 to index
      %swap3A_228 = arith.constant 0 : index
      %swap3A_229 = tpu.vector_load %arg21[%swap3A_227, %swap3A_228] {strides = array<i32>} : memref<64x16xf32, #tpu.memory_space<vmem>>, vector<1x16xf32>,
      %swap3A_230 = vector.shape_cast %swap3A_229 : vector<1x16xf32> to vector<16xf32>
      %swap3A_231 = vector.shape_cast %broadcast_in_dim3A_226 : vector<16xf32> to vector<1x16xf32>
      tpu.vector_store %arg21[%swap3A_227, %swap3A_228], %swap3A_231 {strides = array<i32>} : memref<64x16xf32, #tpu.memory_space<vmem>>, vector<1x16xf32>,
    }
    %scan3A_7 = arith.constant 64 : i32
    %mul3A_8 = arith.constant 640 : i32
    %mul3A_9 = arith.muli %arg1, %mul3A_8 : i32
    %add3A_10 = arith.constant 0 : i32
    %add3A_11 = arith.addi %mul3A_9, %add3A_10 : i32
    "tpu.region"() ({
      %run_scoped3A = tpu.sem_alloc : memref<!tpu.dma_semaphore, #tpu.memory_space<semaphore_mem>>
      %dma_start3A_170 = arith.constant 0 : i32
      %dma_start3A_171 = tpu.memref_slice %arg22[%add3A_11, %dma_start3A_170] : memref<10240x128xf32, #tpu.memory_space<vmem_shared>> -> memref<64x128xf32, #tpu.memory_space<vmem_shared>>
      %dma_start3A_172 = arith.constant 0 : i32
      %dma_start3A_173 = tpu.memref_slice %arg22[%add3A_11, %dma_start3A_172] : memref<10240x128xf32, #tpu.memory_space<vmem_shared>> -> memref<64x128xf32, #tpu.memory_space<vmem_shared>>
      tpu.enqueue_dma source(%arg20 : memref<64x128xf32, #tpu.memory_space<vmem>>) target(%dma_start3A_173 : memref<64x128xf32, #tpu.memory_space<vmem_shared>>) target_semaphore(%run_scoped3A : memref<!tpu.dma_semaphore, #tpu.memory_space<semaphore_mem>>)
      %dma_wait3A_174 = arith.constant 0 : i32
      %dma_wait3A_175 = tpu.memref_slice %arg22[%add3A_11, %dma_wait3A_174] : memref<10240x128xf32, #tpu.memory_space<vmem_shared>> -> memref<64x128xf32, #tpu.memory_space<vmem_shared>>
      %dma_wait3A_176 = arith.constant 0 : i32
      %dma_wait3A_177 = tpu.memref_slice %arg22[%add3A_11, %dma_wait3A_176] : memref<10240x128xf32, #tpu.memory_space<vmem_shared>> -> memref<64x128xf32, #tpu.memory_space<vmem_shared>>
      tpu.wait_dma2 semaphore(%run_scoped3A : memref<!tpu.dma_semaphore, #tpu.memory_space<semaphore_mem>>) src(%arg20 : memref<64x128xf32, #tpu.memory_space<vmem>>) dst(%dma_wait3A_177 : memref<64x128xf32, #tpu.memory_space<vmem_shared>>)
      tpu.yield
    }) : () -> ()
    "tpu.region"() ({
      %run_scoped3A = tpu.sem_alloc : memref<!tpu.dma_semaphore, #tpu.memory_space<semaphore_mem>>
      %dma_start3A_170 = arith.constant 0 : i32
      %dma_start3A_171 = tpu.memref_slice %arg23[%add3A_11, %dma_start3A_170] : memref<10240x16xf32, #tpu.memory_space<vmem_shared>> -> memref<64x16xf32, #tpu.memory_space<vmem_shared>>
      %dma_start3A_172 = arith.constant 0 : i32
      %dma_start3A_173 = tpu.memref_slice %arg23[%add3A_11, %dma_start3A_172] : memref<10240x16xf32, #tpu.memory_space<vmem_shared>> -> memref<64x16xf32, #tpu.memory_space<vmem_shared>>
      tpu.enqueue_dma source(%arg21 : memref<64x16xf32, #tpu.memory_space<vmem>>) target(%dma_start3A_173 : memref<64x16xf32, #tpu.memory_space<vmem_shared>>) target_semaphore(%run_scoped3A : memref<!tpu.dma_semaphore, #tpu.memory_space<semaphore_mem>>)
      %dma_wait3A_174 = arith.constant 0 : i32
      %dma_wait3A_175 = tpu.memref_slice %arg23[%add3A_11, %dma_wait3A_174] : memref<10240x16xf32, #tpu.memory_space<vmem_shared>> -> memref<64x16xf32, #tpu.memory_space<vmem_shared>>
      %dma_wait3A_176 = arith.constant 0 : i32
      %dma_wait3A_177 = tpu.memref_slice %arg23[%add3A_11, %dma_wait3A_176] : memref<10240x16xf32, #tpu.memory_space<vmem_shared>> -> memref<64x16xf32, #tpu.memory_space<vmem_shared>>
      tpu.wait_dma2 semaphore(%run_scoped3A : memref<!tpu.dma_semaphore, #tpu.memory_space<semaphore_mem>>) src(%arg21 : memref<64x16xf32, #tpu.memory_space<vmem>>) dst(%dma_wait3A_177 : memref<64x16xf32, #tpu.memory_space<vmem_shared>>)
      tpu.yield
    }) : () -> ()
    %mul3A_12 = arith.constant 640 : i32
    %mul3A_13 = arith.muli %arg1, %mul3A_12 : i32
    %add3A_14 = arith.constant 64 : i32
    %add3A_15 = arith.addi %mul3A_13, %add3A_14 : i32
    "tpu.region"() ({
      %run_scoped3A = tpu.sem_alloc : memref<!tpu.dma_semaphore, #tpu.memory_space<semaphore_mem>>
      %dma_start3A_170 = arith.constant 0 : i32
      %dma_start3A_171 = tpu.memref_slice %arg22[%add3A_15, %dma_start3A_170] : memref<10240x128xf32, #tpu.memory_space<vmem_shared>> -> memref<64x128xf32, #tpu.memory_space<vmem_shared>>
      %dma_start3A_172 = arith.constant 0 : i32
      %dma_start3A_173 = tpu.memref_slice %arg22[%add3A_15, %dma_start3A_172] : memref<10240x128xf32, #tpu.memory_space<vmem_shared>> -> memref<64x128xf32, #tpu.memory_space<vmem_shared>>
      tpu.enqueue_dma source(%arg20 : memref<64x128xf32, #tpu.memory_space<vmem>>) target(%dma_start3A_173 : memref<64x128xf32, #tpu.memory_space<vmem_shared>>) target_semaphore(%run_scoped3A : memref<!tpu.dma_semaphore, #tpu.memory_space<semaphore_mem>>)
      %dma_wait3A_174 = arith.constant 0 : i32
      %dma_wait3A_175 = tpu.memref_slice %arg22[%add3A_15, %dma_wait3A_174] : memref<10240x128xf32, #tpu.memory_space<vmem_shared>> -> memref<64x128xf32, #tpu.memory_space<vmem_shared>>
      %dma_wait3A_176 = arith.constant 0 : i32
      %dma_wait3A_177 = tpu.memref_slice %arg22[%add3A_15, %dma_wait3A_176] : memref<10240x128xf32, #tpu.memory_space<vmem_shared>> -> memref<64x128xf32, #tpu.memory_space<vmem_shared>>
      tpu.wait_dma2 semaphore(%run_scoped3A : memref<!tpu.dma_semaphore, #tpu.memory_space<semaphore_mem>>) src(%arg20 : memref<64x128xf32, #tpu.memory_space<vmem>>) dst(%dma_wait3A_177 : memref<64x128xf32, #tpu.memory_space<vmem_shared>>)
      tpu.yield
    }) : () -> ()
    "tpu.region"() ({
      %run_scoped3A = tpu.sem_alloc : memref<!tpu.dma_semaphore, #tpu.memory_space<semaphore_mem>>
      %dma_start3A_170 = arith.constant 0 : i32
      %dma_start3A_171 = tpu.memref_slice %arg23[%add3A_15, %dma_start3A_170] : memref<10240x16xf32, #tpu.memory_space<vmem_shared>> -> memref<64x16xf32, #tpu.memory_space<vmem_shared>>
      %dma_start3A_172 = arith.constant 0 : i32
      %dma_start3A_173 = tpu.memref_slice %arg23[%add3A_15, %dma_start3A_172] : memref<10240x16xf32, #tpu.memory_space<vmem_shared>> -> memref<64x16xf32, #tpu.memory_space<vmem_shared>>
      tpu.enqueue_dma source(%arg21 : memref<64x16xf32, #tpu.memory_space<vmem>>) target(%dma_start3A_173 : memref<64x16xf32, #tpu.memory_space<vmem_shared>>) target_semaphore(%run_scoped3A : memref<!tpu.dma_semaphore, #tpu.memory_space<semaphore_mem>>)
      %dma_wait3A_174 = arith.constant 0 : i32
      %dma_wait3A_175 = tpu.memref_slice %arg23[%add3A_15, %dma_wait3A_174] : memref<10240x16xf32, #tpu.memory_space<vmem_shared>> -> memref<64x16xf32, #tpu.memory_space<vmem_shared>>
      %dma_wait3A_176 = arith.constant 0 : i32
      %dma_wait3A_177 = tpu.memref_slice %arg23[%add3A_15, %dma_wait3A_176] : memref<10240x16xf32, #tpu.memory_space<vmem_shared>> -> memref<64x16xf32, #tpu.memory_space<vmem_shared>>
      tpu.wait_dma2 semaphore(%run_scoped3A : memref<!tpu.dma_semaphore, #tpu.memory_space<semaphore_mem>>) src(%arg21 : memref<64x16xf32, #tpu.memory_space<vmem>>) dst(%dma_wait3A_177 : memref<64x16xf32, #tpu.memory_space<vmem_shared>>)
      tpu.yield
    }) : () -> ()
    %mul3A_16 = arith.constant 640 : i32
    %mul3A_17 = arith.muli %arg1, %mul3A_16 : i32
    %add3A_18 = arith.constant 128 : i32
    %add3A_19 = arith.addi %mul3A_17, %add3A_18 : i32
    "tpu.region"() ({
      %run_scoped3A = tpu.sem_alloc : memref<!tpu.dma_semaphore, #tpu.memory_space<semaphore_mem>>
      %dma_start3A_170 = arith.constant 0 : i32
      %dma_start3A_171 = tpu.memref_slice %arg22[%add3A_19, %dma_start3A_170] : memref<10240x128xf32, #tpu.memory_space<vmem_shared>> -> memref<64x128xf32, #tpu.memory_space<vmem_shared>>
      %dma_start3A_172 = arith.constant 0 : i32
      %dma_start3A_173 = tpu.memref_slice %arg22[%add3A_19, %dma_start3A_172] : memref<10240x128xf32, #tpu.memory_space<vmem_shared>> -> memref<64x128xf32, #tpu.memory_space<vmem_shared>>
      tpu.enqueue_dma source(%arg20 : memref<64x128xf32, #tpu.memory_space<vmem>>) target(%dma_start3A_173 : memref<64x128xf32, #tpu.memory_space<vmem_shared>>) target_semaphore(%run_scoped3A : memref<!tpu.dma_semaphore, #tpu.memory_space<semaphore_mem>>)
      %dma_wait3A_174 = arith.constant 0 : i32
      %dma_wait3A_175 = tpu.memref_slice %arg22[%add3A_19, %dma_wait3A_174] : memref<10240x128xf32, #tpu.memory_space<vmem_shared>> -> memref<64x128xf32, #tpu.memory_space<vmem_shared>>
      %dma_wait3A_176 = arith.constant 0 : i32
      %dma_wait3A_177 = tpu.memref_slice %arg22[%add3A_19, %dma_wait3A_176] : memref<10240x128xf32, #tpu.memory_space<vmem_shared>> -> memref<64x128xf32, #tpu.memory_space<vmem_shared>>
      tpu.wait_dma2 semaphore(%run_scoped3A : memref<!tpu.dma_semaphore, #tpu.memory_space<semaphore_mem>>) src(%arg20 : memref<64x128xf32, #tpu.memory_space<vmem>>) dst(%dma_wait3A_177 : memref<64x128xf32, #tpu.memory_space<vmem_shared>>)
      tpu.yield
    }) : () -> ()
    "tpu.region"() ({
      %run_scoped3A = tpu.sem_alloc : memref<!tpu.dma_semaphore, #tpu.memory_space<semaphore_mem>>
      %dma_start3A_170 = arith.constant 0 : i32
      %dma_start3A_171 = tpu.memref_slice %arg23[%add3A_19, %dma_start3A_170] : memref<10240x16xf32, #tpu.memory_space<vmem_shared>> -> memref<64x16xf32, #tpu.memory_space<vmem_shared>>
      %dma_start3A_172 = arith.constant 0 : i32
      %dma_start3A_173 = tpu.memref_slice %arg23[%add3A_19, %dma_start3A_172] : memref<10240x16xf32, #tpu.memory_space<vmem_shared>> -> memref<64x16xf32, #tpu.memory_space<vmem_shared>>
      tpu.enqueue_dma source(%arg21 : memref<64x16xf32, #tpu.memory_space<vmem>>) target(%dma_start3A_173 : memref<64x16xf32, #tpu.memory_space<vmem_shared>>) target_semaphore(%run_scoped3A : memref<!tpu.dma_semaphore, #tpu.memory_space<semaphore_mem>>)
      %dma_wait3A_174 = arith.constant 0 : i32
      %dma_wait3A_175 = tpu.memref_slice %arg23[%add3A_19, %dma_wait3A_174] : memref<10240x16xf32, #tpu.memory_space<vmem_shared>> -> memref<64x16xf32, #tpu.memory_space<vmem_shared>>
      %dma_wait3A_176 = arith.constant 0 : i32
      %dma_wait3A_177 = tpu.memref_slice %arg23[%add3A_19, %dma_wait3A_176] : memref<10240x16xf32, #tpu.memory_space<vmem_shared>> -> memref<64x16xf32, #tpu.memory_space<vmem_shared>>
      tpu.wait_dma2 semaphore(%run_scoped3A : memref<!tpu.dma_semaphore, #tpu.memory_space<semaphore_mem>>) src(%arg21 : memref<64x16xf32, #tpu.memory_space<vmem>>) dst(%dma_wait3A_177 : memref<64x16xf32, #tpu.memory_space<vmem_shared>>)
      tpu.yield
    }) : () -> ()
    %mul3A_20 = arith.constant 640 : i32
    %mul3A_21 = arith.muli %arg1, %mul3A_20 : i32
    %add3A_22 = arith.constant 192 : i32
    %add3A_23 = arith.addi %mul3A_21, %add3A_22 : i32
    "tpu.region"() ({
      %run_scoped3A = tpu.sem_alloc : memref<!tpu.dma_semaphore, #tpu.memory_space<semaphore_mem>>
      %dma_start3A_170 = arith.constant 0 : i32
      %dma_start3A_171 = tpu.memref_slice %arg22[%add3A_23, %dma_start3A_170] : memref<10240x128xf32, #tpu.memory_space<vmem_shared>> -> memref<64x128xf32, #tpu.memory_space<vmem_shared>>
      %dma_start3A_172 = arith.constant 0 : i32
      %dma_start3A_173 = tpu.memref_slice %arg22[%add3A_23, %dma_start3A_172] : memref<10240x128xf32, #tpu.memory_space<vmem_shared>> -> memref<64x128xf32, #tpu.memory_space<vmem_shared>>
      tpu.enqueue_dma source(%arg20 : memref<64x128xf32, #tpu.memory_space<vmem>>) target(%dma_start3A_173 : memref<64x128xf32, #tpu.memory_space<vmem_shared>>) target_semaphore(%run_scoped3A : memref<!tpu.dma_semaphore, #tpu.memory_space<semaphore_mem>>)
      %dma_wait3A_174 = arith.constant 0 : i32
      %dma_wait3A_175 = tpu.memref_slice %arg22[%add3A_23, %dma_wait3A_174] : memref<10240x128xf32, #tpu.memory_space<vmem_shared>> -> memref<64x128xf32, #tpu.memory_space<vmem_shared>>
      %dma_wait3A_176 = arith.constant 0 : i32
      %dma_wait3A_177 = tpu.memref_slice %arg22[%add3A_23, %dma_wait3A_176] : memref<10240x128xf32, #tpu.memory_space<vmem_shared>> -> memref<64x128xf32, #tpu.memory_space<vmem_shared>>
      tpu.wait_dma2 semaphore(%run_scoped3A : memref<!tpu.dma_semaphore, #tpu.memory_space<semaphore_mem>>) src(%arg20 : memref<64x128xf32, #tpu.memory_space<vmem>>) dst(%dma_wait3A_177 : memref<64x128xf32, #tpu.memory_space<vmem_shared>>)
      tpu.yield
    }) : () -> ()
    "tpu.region"() ({
      %run_scoped3A = tpu.sem_alloc : memref<!tpu.dma_semaphore, #tpu.memory_space<semaphore_mem>>
      %dma_start3A_170 = arith.constant 0 : i32
      %dma_start3A_171 = tpu.memref_slice %arg23[%add3A_23, %dma_start3A_170] : memref<10240x16xf32, #tpu.memory_space<vmem_shared>> -> memref<64x16xf32, #tpu.memory_space<vmem_shared>>
      %dma_start3A_172 = arith.constant 0 : i32
      %dma_start3A_173 = tpu.memref_slice %arg23[%add3A_23, %dma_start3A_172] : memref<10240x16xf32, #tpu.memory_space<vmem_shared>> -> memref<64x16xf32, #tpu.memory_space<vmem_shared>>
      tpu.enqueue_dma source(%arg21 : memref<64x16xf32, #tpu.memory_space<vmem>>) target(%dma_start3A_173 : memref<64x16xf32, #tpu.memory_space<vmem_shared>>) target_semaphore(%run_scoped3A : memref<!tpu.dma_semaphore, #tpu.memory_space<semaphore_mem>>)
      %dma_wait3A_174 = arith.constant 0 : i32
      %dma_wait3A_175 = tpu.memref_slice %arg23[%add3A_23, %dma_wait3A_174] : memref<10240x16xf32, #tpu.memory_space<vmem_shared>> -> memref<64x16xf32, #tpu.memory_space<vmem_shared>>
      %dma_wait3A_176 = arith.constant 0 : i32
      %dma_wait3A_177 = tpu.memref_slice %arg23[%add3A_23, %dma_wait3A_176] : memref<10240x16xf32, #tpu.memory_space<vmem_shared>> -> memref<64x16xf32, #tpu.memory_space<vmem_shared>>
      tpu.wait_dma2 semaphore(%run_scoped3A : memref<!tpu.dma_semaphore, #tpu.memory_space<semaphore_mem>>) src(%arg21 : memref<64x16xf32, #tpu.memory_space<vmem>>) dst(%dma_wait3A_177 : memref<64x16xf32, #tpu.memory_space<vmem_shared>>)
      tpu.yield
    }) : () -> ()
    %mul3A_24 = arith.constant 640 : i32
    %mul3A_25 = arith.muli %arg1, %mul3A_24 : i32
    %add3A_26 = arith.constant 256 : i32
    %add3A_27 = arith.addi %mul3A_25, %add3A_26 : i32
    "tpu.region"() ({
      %run_scoped3A = tpu.sem_alloc : memref<!tpu.dma_semaphore, #tpu.memory_space<semaphore_mem>>
      %dma_start3A_170 = arith.constant 0 : i32
      %dma_start3A_171 = tpu.memref_slice %arg22[%add3A_27, %dma_start3A_170] : memref<10240x128xf32, #tpu.memory_space<vmem_shared>> -> memref<64x128xf32, #tpu.memory_space<vmem_shared>>
      %dma_start3A_172 = arith.constant 0 : i32
      %dma_start3A_173 = tpu.memref_slice %arg22[%add3A_27, %dma_start3A_172] : memref<10240x128xf32, #tpu.memory_space<vmem_shared>> -> memref<64x128xf32, #tpu.memory_space<vmem_shared>>
      tpu.enqueue_dma source(%arg20 : memref<64x128xf32, #tpu.memory_space<vmem>>) target(%dma_start3A_173 : memref<64x128xf32, #tpu.memory_space<vmem_shared>>) target_semaphore(%run_scoped3A : memref<!tpu.dma_semaphore, #tpu.memory_space<semaphore_mem>>)
      %dma_wait3A_174 = arith.constant 0 : i32
      %dma_wait3A_175 = tpu.memref_slice %arg22[%add3A_27, %dma_wait3A_174] : memref<10240x128xf32, #tpu.memory_space<vmem_shared>> -> memref<64x128xf32, #tpu.memory_space<vmem_shared>>
      %dma_wait3A_176 = arith.constant 0 : i32
      %dma_wait3A_177 = tpu.memref_slice %arg22[%add3A_27, %dma_wait3A_176] : memref<10240x128xf32, #tpu.memory_space<vmem_shared>> -> memref<64x128xf32, #tpu.memory_space<vmem_shared>>
      tpu.wait_dma2 semaphore(%run_scoped3A : memref<!tpu.dma_semaphore, #tpu.memory_space<semaphore_mem>>) src(%arg20 : memref<64x128xf32, #tpu.memory_space<vmem>>) dst(%dma_wait3A_177 : memref<64x128xf32, #tpu.memory_space<vmem_shared>>)
      tpu.yield
    }) : () -> ()
    "tpu.region"() ({
      %run_scoped3A = tpu.sem_alloc : memref<!tpu.dma_semaphore, #tpu.memory_space<semaphore_mem>>
      %dma_start3A_170 = arith.constant 0 : i32
      %dma_start3A_171 = tpu.memref_slice %arg23[%add3A_27, %dma_start3A_170] : memref<10240x16xf32, #tpu.memory_space<vmem_shared>> -> memref<64x16xf32, #tpu.memory_space<vmem_shared>>
      %dma_start3A_172 = arith.constant 0 : i32
      %dma_start3A_173 = tpu.memref_slice %arg23[%add3A_27, %dma_start3A_172] : memref<10240x16xf32, #tpu.memory_space<vmem_shared>> -> memref<64x16xf32, #tpu.memory_space<vmem_shared>>
      tpu.enqueue_dma source(%arg21 : memref<64x16xf32, #tpu.memory_space<vmem>>) target(%dma_start3A_173 : memref<64x16xf32, #tpu.memory_space<vmem_shared>>) target_semaphore(%run_scoped3A : memref<!tpu.dma_semaphore, #tpu.memory_space<semaphore_mem>>)
      %dma_wait3A_174 = arith.constant 0 : i32
      %dma_wait3A_175 = tpu.memref_slice %arg23[%add3A_27, %dma_wait3A_174] : memref<10240x16xf32, #tpu.memory_space<vmem_shared>> -> memref<64x16xf32, #tpu.memory_space<vmem_shared>>
      %dma_wait3A_176 = arith.constant 0 : i32
      %dma_wait3A_177 = tpu.memref_slice %arg23[%add3A_27, %dma_wait3A_176] : memref<10240x16xf32, #tpu.memory_space<vmem_shared>> -> memref<64x16xf32, #tpu.memory_space<vmem_shared>>
      tpu.wait_dma2 semaphore(%run_scoped3A : memref<!tpu.dma_semaphore, #tpu.memory_space<semaphore_mem>>) src(%arg21 : memref<64x16xf32, #tpu.memory_space<vmem>>) dst(%dma_wait3A_177 : memref<64x16xf32, #tpu.memory_space<vmem_shared>>)
      tpu.yield
    }) : () -> ()
    %mul3A_28 = arith.constant 640 : i32
    %mul3A_29 = arith.muli %arg1, %mul3A_28 : i32
    %add3A_30 = arith.constant 320 : i32
    %add3A_31 = arith.addi %mul3A_29, %add3A_30 : i32
    "tpu.region"() ({
      %run_scoped3A = tpu.sem_alloc : memref<!tpu.dma_semaphore, #tpu.memory_space<semaphore_mem>>
      %dma_start3A_170 = arith.constant 0 : i32
      %dma_start3A_171 = tpu.memref_slice %arg22[%add3A_31, %dma_start3A_170] : memref<10240x128xf32, #tpu.memory_space<vmem_shared>> -> memref<64x128xf32, #tpu.memory_space<vmem_shared>>
      %dma_start3A_172 = arith.constant 0 : i32
      %dma_start3A_173 = tpu.memref_slice %arg22[%add3A_31, %dma_start3A_172] : memref<10240x128xf32, #tpu.memory_space<vmem_shared>> -> memref<64x128xf32, #tpu.memory_space<vmem_shared>>
      tpu.enqueue_dma source(%arg20 : memref<64x128xf32, #tpu.memory_space<vmem>>) target(%dma_start3A_173 : memref<64x128xf32, #tpu.memory_space<vmem_shared>>) target_semaphore(%run_scoped3A : memref<!tpu.dma_semaphore, #tpu.memory_space<semaphore_mem>>)
      %dma_wait3A_174 = arith.constant 0 : i32
      %dma_wait3A_175 = tpu.memref_slice %arg22[%add3A_31, %dma_wait3A_174] : memref<10240x128xf32, #tpu.memory_space<vmem_shared>> -> memref<64x128xf32, #tpu.memory_space<vmem_shared>>
      %dma_wait3A_176 = arith.constant 0 : i32
      %dma_wait3A_177 = tpu.memref_slice %arg22[%add3A_31, %dma_wait3A_176] : memref<10240x128xf32, #tpu.memory_space<vmem_shared>> -> memref<64x128xf32, #tpu.memory_space<vmem_shared>>
      tpu.wait_dma2 semaphore(%run_scoped3A : memref<!tpu.dma_semaphore, #tpu.memory_space<semaphore_mem>>) src(%arg20 : memref<64x128xf32, #tpu.memory_space<vmem>>) dst(%dma_wait3A_177 : memref<64x128xf32, #tpu.memory_space<vmem_shared>>)
      tpu.yield
    }) : () -> ()
    "tpu.region"() ({
      %run_scoped3A = tpu.sem_alloc : memref<!tpu.dma_semaphore, #tpu.memory_space<semaphore_mem>>
      %dma_start3A_170 = arith.constant 0 : i32
      %dma_start3A_171 = tpu.memref_slice %arg23[%add3A_31, %dma_start3A_170] : memref<10240x16xf32, #tpu.memory_space<vmem_shared>> -> memref<64x16xf32, #tpu.memory_space<vmem_shared>>
      %dma_start3A_172 = arith.constant 0 : i32
      %dma_start3A_173 = tpu.memref_slice %arg23[%add3A_31, %dma_start3A_172] : memref<10240x16xf32, #tpu.memory_space<vmem_shared>> -> memref<64x16xf32, #tpu.memory_space<vmem_shared>>
      tpu.enqueue_dma source(%arg21 : memref<64x16xf32, #tpu.memory_space<vmem>>) target(%dma_start3A_173 : memref<64x16xf32, #tpu.memory_space<vmem_shared>>) target_semaphore(%run_scoped3A : memref<!tpu.dma_semaphore, #tpu.memory_space<semaphore_mem>>)
      %dma_wait3A_174 = arith.constant 0 : i32
      %dma_wait3A_175 = tpu.memref_slice %arg23[%add3A_31, %dma_wait3A_174] : memref<10240x16xf32, #tpu.memory_space<vmem_shared>> -> memref<64x16xf32, #tpu.memory_space<vmem_shared>>
      %dma_wait3A_176 = arith.constant 0 : i32
      %dma_wait3A_177 = tpu.memref_slice %arg23[%add3A_31, %dma_wait3A_176] : memref<10240x16xf32, #tpu.memory_space<vmem_shared>> -> memref<64x16xf32, #tpu.memory_space<vmem_shared>>
      tpu.wait_dma2 semaphore(%run_scoped3A : memref<!tpu.dma_semaphore, #tpu.memory_space<semaphore_mem>>) src(%arg21 : memref<64x16xf32, #tpu.memory_space<vmem>>) dst(%dma_wait3A_177 : memref<64x16xf32, #tpu.memory_space<vmem_shared>>)
      tpu.yield
    }) : () -> ()
    %mul3A_32 = arith.constant 640 : i32
    %mul3A_33 = arith.muli %arg1, %mul3A_32 : i32
    %add3A_34 = arith.constant 384 : i32
    %add3A_35 = arith.addi %mul3A_33, %add3A_34 : i32
    "tpu.region"() ({
      %run_scoped3A = tpu.sem_alloc : memref<!tpu.dma_semaphore, #tpu.memory_space<semaphore_mem>>
      %dma_start3A_170 = arith.constant 0 : i32
      %dma_start3A_171 = tpu.memref_slice %arg22[%add3A_35, %dma_start3A_170] : memref<10240x128xf32, #tpu.memory_space<vmem_shared>> -> memref<64x128xf32, #tpu.memory_space<vmem_shared>>
      %dma_start3A_172 = arith.constant 0 : i32
      %dma_start3A_173 = tpu.memref_slice %arg22[%add3A_35, %dma_start3A_172] : memref<10240x128xf32, #tpu.memory_space<vmem_shared>> -> memref<64x128xf32, #tpu.memory_space<vmem_shared>>
      tpu.enqueue_dma source(%arg20 : memref<64x128xf32, #tpu.memory_space<vmem>>) target(%dma_start3A_173 : memref<64x128xf32, #tpu.memory_space<vmem_shared>>) target_semaphore(%run_scoped3A : memref<!tpu.dma_semaphore, #tpu.memory_space<semaphore_mem>>)
      %dma_wait3A_174 = arith.constant 0 : i32
      %dma_wait3A_175 = tpu.memref_slice %arg22[%add3A_35, %dma_wait3A_174] : memref<10240x128xf32, #tpu.memory_space<vmem_shared>> -> memref<64x128xf32, #tpu.memory_space<vmem_shared>>
      %dma_wait3A_176 = arith.constant 0 : i32
      %dma_wait3A_177 = tpu.memref_slice %arg22[%add3A_35, %dma_wait3A_176] : memref<10240x128xf32, #tpu.memory_space<vmem_shared>> -> memref<64x128xf32, #tpu.memory_space<vmem_shared>>
      tpu.wait_dma2 semaphore(%run_scoped3A : memref<!tpu.dma_semaphore, #tpu.memory_space<semaphore_mem>>) src(%arg20 : memref<64x128xf32, #tpu.memory_space<vmem>>) dst(%dma_wait3A_177 : memref<64x128xf32, #tpu.memory_space<vmem_shared>>)
      tpu.yield
    }) : () -> ()
    "tpu.region"() ({
      %run_scoped3A = tpu.sem_alloc : memref<!tpu.dma_semaphore, #tpu.memory_space<semaphore_mem>>
      %dma_start3A_170 = arith.constant 0 : i32
      %dma_start3A_171 = tpu.memref_slice %arg23[%add3A_35, %dma_start3A_170] : memref<10240x16xf32, #tpu.memory_space<vmem_shared>> -> memref<64x16xf32, #tpu.memory_space<vmem_shared>>
      %dma_start3A_172 = arith.constant 0 : i32
      %dma_start3A_173 = tpu.memref_slice %arg23[%add3A_35, %dma_start3A_172] : memref<10240x16xf32, #tpu.memory_space<vmem_shared>> -> memref<64x16xf32, #tpu.memory_space<vmem_shared>>
      tpu.enqueue_dma source(%arg21 : memref<64x16xf32, #tpu.memory_space<vmem>>) target(%dma_start3A_173 : memref<64x16xf32, #tpu.memory_space<vmem_shared>>) target_semaphore(%run_scoped3A : memref<!tpu.dma_semaphore, #tpu.memory_space<semaphore_mem>>)
      %dma_wait3A_174 = arith.constant 0 : i32
      %dma_wait3A_175 = tpu.memref_slice %arg23[%add3A_35, %dma_wait3A_174] : memref<10240x16xf32, #tpu.memory_space<vmem_shared>> -> memref<64x16xf32, #tpu.memory_space<vmem_shared>>
      %dma_wait3A_176 = arith.constant 0 : i32
      %dma_wait3A_177 = tpu.memref_slice %arg23[%add3A_35, %dma_wait3A_176] : memref<10240x16xf32, #tpu.memory_space<vmem_shared>> -> memref<64x16xf32, #tpu.memory_space<vmem_shared>>
      tpu.wait_dma2 semaphore(%run_scoped3A : memref<!tpu.dma_semaphore, #tpu.memory_space<semaphore_mem>>) src(%arg21 : memref<64x16xf32, #tpu.memory_space<vmem>>) dst(%dma_wait3A_177 : memref<64x16xf32, #tpu.memory_space<vmem_shared>>)
      tpu.yield
    }) : () -> ()
    %mul3A_36 = arith.constant 640 : i32
    %mul3A_37 = arith.muli %arg1, %mul3A_36 : i32
    %add3A_38 = arith.constant 448 : i32
    %add3A_39 = arith.addi %mul3A_37, %add3A_38 : i32
    "tpu.region"() ({
      %run_scoped3A = tpu.sem_alloc : memref<!tpu.dma_semaphore, #tpu.memory_space<semaphore_mem>>
      %dma_start3A_170 = arith.constant 0 : i32
      %dma_start3A_171 = tpu.memref_slice %arg22[%add3A_39, %dma_start3A_170] : memref<10240x128xf32, #tpu.memory_space<vmem_shared>> -> memref<64x128xf32, #tpu.memory_space<vmem_shared>>
      %dma_start3A_172 = arith.constant 0 : i32
      %dma_start3A_173 = tpu.memref_slice %arg22[%add3A_39, %dma_start3A_172] : memref<10240x128xf32, #tpu.memory_space<vmem_shared>> -> memref<64x128xf32, #tpu.memory_space<vmem_shared>>
      tpu.enqueue_dma source(%arg20 : memref<64x128xf32, #tpu.memory_space<vmem>>) target(%dma_start3A_173 : memref<64x128xf32, #tpu.memory_space<vmem_shared>>) target_semaphore(%run_scoped3A : memref<!tpu.dma_semaphore, #tpu.memory_space<semaphore_mem>>)
      %dma_wait3A_174 = arith.constant 0 : i32
      %dma_wait3A_175 = tpu.memref_slice %arg22[%add3A_39, %dma_wait3A_174] : memref<10240x128xf32, #tpu.memory_space<vmem_shared>> -> memref<64x128xf32, #tpu.memory_space<vmem_shared>>
      %dma_wait3A_176 = arith.constant 0 : i32
      %dma_wait3A_177 = tpu.memref_slice %arg22[%add3A_39, %dma_wait3A_176] : memref<10240x128xf32, #tpu.memory_space<vmem_shared>> -> memref<64x128xf32, #tpu.memory_space<vmem_shared>>
      tpu.wait_dma2 semaphore(%run_scoped3A : memref<!tpu.dma_semaphore, #tpu.memory_space<semaphore_mem>>) src(%arg20 : memref<64x128xf32, #tpu.memory_space<vmem>>) dst(%dma_wait3A_177 : memref<64x128xf32, #tpu.memory_space<vmem_shared>>)
      tpu.yield
    }) : () -> ()
    "tpu.region"() ({
      %run_scoped3A = tpu.sem_alloc : memref<!tpu.dma_semaphore, #tpu.memory_space<semaphore_mem>>
      %dma_start3A_170 = arith.constant 0 : i32
      %dma_start3A_171 = tpu.memref_slice %arg23[%add3A_39, %dma_start3A_170] : memref<10240x16xf32, #tpu.memory_space<vmem_shared>> -> memref<64x16xf32, #tpu.memory_space<vmem_shared>>
      %dma_start3A_172 = arith.constant 0 : i32
      %dma_start3A_173 = tpu.memref_slice %arg23[%add3A_39, %dma_start3A_172] : memref<10240x16xf32, #tpu.memory_space<vmem_shared>> -> memref<64x16xf32, #tpu.memory_space<vmem_shared>>
      tpu.enqueue_dma source(%arg21 : memref<64x16xf32, #tpu.memory_space<vmem>>) target(%dma_start3A_173 : memref<64x16xf32, #tpu.memory_space<vmem_shared>>) target_semaphore(%run_scoped3A : memref<!tpu.dma_semaphore, #tpu.memory_space<semaphore_mem>>)
      %dma_wait3A_174 = arith.constant 0 : i32
      %dma_wait3A_175 = tpu.memref_slice %arg23[%add3A_39, %dma_wait3A_174] : memref<10240x16xf32, #tpu.memory_space<vmem_shared>> -> memref<64x16xf32, #tpu.memory_space<vmem_shared>>
      %dma_wait3A_176 = arith.constant 0 : i32
      %dma_wait3A_177 = tpu.memref_slice %arg23[%add3A_39, %dma_wait3A_176] : memref<10240x16xf32, #tpu.memory_space<vmem_shared>> -> memref<64x16xf32, #tpu.memory_space<vmem_shared>>
      tpu.wait_dma2 semaphore(%run_scoped3A : memref<!tpu.dma_semaphore, #tpu.memory_space<semaphore_mem>>) src(%arg21 : memref<64x16xf32, #tpu.memory_space<vmem>>) dst(%dma_wait3A_177 : memref<64x16xf32, #tpu.memory_space<vmem_shared>>)
      tpu.yield
    }) : () -> ()
    %mul3A_40 = arith.constant 640 : i32
    %mul3A_41 = arith.muli %arg1, %mul3A_40 : i32
    %add3A_42 = arith.constant 512 : i32
    %add3A_43 = arith.addi %mul3A_41, %add3A_42 : i32
    "tpu.region"() ({
      %run_scoped3A = tpu.sem_alloc : memref<!tpu.dma_semaphore, #tpu.memory_space<semaphore_mem>>
      %dma_start3A_170 = arith.constant 0 : i32
      %dma_start3A_171 = tpu.memref_slice %arg22[%add3A_43, %dma_start3A_170] : memref<10240x128xf32, #tpu.memory_space<vmem_shared>> -> memref<64x128xf32, #tpu.memory_space<vmem_shared>>
      %dma_start3A_172 = arith.constant 0 : i32
      %dma_start3A_173 = tpu.memref_slice %arg22[%add3A_43, %dma_start3A_172] : memref<10240x128xf32, #tpu.memory_space<vmem_shared>> -> memref<64x128xf32, #tpu.memory_space<vmem_shared>>
      tpu.enqueue_dma source(%arg20 : memref<64x128xf32, #tpu.memory_space<vmem>>) target(%dma_start3A_173 : memref<64x128xf32, #tpu.memory_space<vmem_shared>>) target_semaphore(%run_scoped3A : memref<!tpu.dma_semaphore, #tpu.memory_space<semaphore_mem>>)
      %dma_wait3A_174 = arith.constant 0 : i32
      %dma_wait3A_175 = tpu.memref_slice %arg22[%add3A_43, %dma_wait3A_174] : memref<10240x128xf32, #tpu.memory_space<vmem_shared>> -> memref<64x128xf32, #tpu.memory_space<vmem_shared>>
      %dma_wait3A_176 = arith.constant 0 : i32
      %dma_wait3A_177 = tpu.memref_slice %arg22[%add3A_43, %dma_wait3A_176] : memref<10240x128xf32, #tpu.memory_space<vmem_shared>> -> memref<64x128xf32, #tpu.memory_space<vmem_shared>>
      tpu.wait_dma2 semaphore(%run_scoped3A : memref<!tpu.dma_semaphore, #tpu.memory_space<semaphore_mem>>) src(%arg20 : memref<64x128xf32, #tpu.memory_space<vmem>>) dst(%dma_wait3A_177 : memref<64x128xf32, #tpu.memory_space<vmem_shared>>)
      tpu.yield
    }) : () -> ()
    "tpu.region"() ({
      %run_scoped3A = tpu.sem_alloc : memref<!tpu.dma_semaphore, #tpu.memory_space<semaphore_mem>>
      %dma_start3A_170 = arith.constant 0 : i32
      %dma_start3A_171 = tpu.memref_slice %arg23[%add3A_43, %dma_start3A_170] : memref<10240x16xf32, #tpu.memory_space<vmem_shared>> -> memref<64x16xf32, #tpu.memory_space<vmem_shared>>
      %dma_start3A_172 = arith.constant 0 : i32
      %dma_start3A_173 = tpu.memref_slice %arg23[%add3A_43, %dma_start3A_172] : memref<10240x16xf32, #tpu.memory_space<vmem_shared>> -> memref<64x16xf32, #tpu.memory_space<vmem_shared>>
      tpu.enqueue_dma source(%arg21 : memref<64x16xf32, #tpu.memory_space<vmem>>) target(%dma_start3A_173 : memref<64x16xf32, #tpu.memory_space<vmem_shared>>) target_semaphore(%run_scoped3A : memref<!tpu.dma_semaphore, #tpu.memory_space<semaphore_mem>>)
      %dma_wait3A_174 = arith.constant 0 : i32
      %dma_wait3A_175 = tpu.memref_slice %arg23[%add3A_43, %dma_wait3A_174] : memref<10240x16xf32, #tpu.memory_space<vmem_shared>> -> memref<64x16xf32, #tpu.memory_space<vmem_shared>>
      %dma_wait3A_176 = arith.constant 0 : i32
      %dma_wait3A_177 = tpu.memref_slice %arg23[%add3A_43, %dma_wait3A_176] : memref<10240x16xf32, #tpu.memory_space<vmem_shared>> -> memref<64x16xf32, #tpu.memory_space<vmem_shared>>
      tpu.wait_dma2 semaphore(%run_scoped3A : memref<!tpu.dma_semaphore, #tpu.memory_space<semaphore_mem>>) src(%arg21 : memref<64x16xf32, #tpu.memory_space<vmem>>) dst(%dma_wait3A_177 : memref<64x16xf32, #tpu.memory_space<vmem_shared>>)
      tpu.yield
    }) : () -> ()
    %mul3A_44 = arith.constant 640 : i32
    %mul3A_45 = arith.muli %arg1, %mul3A_44 : i32
    %add3A_46 = arith.constant 576 : i32
    %add3A_47 = arith.addi %mul3A_45, %add3A_46 : i32
    "tpu.region"() ({
      %run_scoped3A = tpu.sem_alloc : memref<!tpu.dma_semaphore, #tpu.memory_space<semaphore_mem>>
      %dma_start3A_170 = arith.constant 0 : i32
      %dma_start3A_171 = tpu.memref_slice %arg22[%add3A_47, %dma_start3A_170] : memref<10240x128xf32, #tpu.memory_space<vmem_shared>> -> memref<64x128xf32, #tpu.memory_space<vmem_shared>>
      %dma_start3A_172 = arith.constant 0 : i32
      %dma_start3A_173 = tpu.memref_slice %arg22[%add3A_47, %dma_start3A_172] : memref<10240x128xf32, #tpu.memory_space<vmem_shared>> -> memref<64x128xf32, #tpu.memory_space<vmem_shared>>
      tpu.enqueue_dma source(%arg20 : memref<64x128xf32, #tpu.memory_space<vmem>>) target(%dma_start3A_173 : memref<64x128xf32, #tpu.memory_space<vmem_shared>>) target_semaphore(%run_scoped3A : memref<!tpu.dma_semaphore, #tpu.memory_space<semaphore_mem>>)
      %dma_wait3A_174 = arith.constant 0 : i32
      %dma_wait3A_175 = tpu.memref_slice %arg22[%add3A_47, %dma_wait3A_174] : memref<10240x128xf32, #tpu.memory_space<vmem_shared>> -> memref<64x128xf32, #tpu.memory_space<vmem_shared>>
      %dma_wait3A_176 = arith.constant 0 : i32
      %dma_wait3A_177 = tpu.memref_slice %arg22[%add3A_47, %dma_wait3A_176] : memref<10240x128xf32, #tpu.memory_space<vmem_shared>> -> memref<64x128xf32, #tpu.memory_space<vmem_shared>>
      tpu.wait_dma2 semaphore(%run_scoped3A : memref<!tpu.dma_semaphore, #tpu.memory_space<semaphore_mem>>) src(%arg20 : memref<64x128xf32, #tpu.memory_space<vmem>>) dst(%dma_wait3A_177 : memref<64x128xf32, #tpu.memory_space<vmem_shared>>)
      tpu.yield
    }) : () -> ()
    "tpu.region"() ({
      %run_scoped3A = tpu.sem_alloc : memref<!tpu.dma_semaphore, #tpu.memory_space<semaphore_mem>>
      %dma_start3A_170 = arith.constant 0 : i32
      %dma_start3A_171 = tpu.memref_slice %arg23[%add3A_47, %dma_start3A_170] : memref<10240x16xf32, #tpu.memory_space<vmem_shared>> -> memref<64x16xf32, #tpu.memory_space<vmem_shared>>
      %dma_start3A_172 = arith.constant 0 : i32
      %dma_start3A_173 = tpu.memref_slice %arg23[%add3A_47, %dma_start3A_172] : memref<10240x16xf32, #tpu.memory_space<vmem_shared>> -> memref<64x16xf32, #tpu.memory_space<vmem_shared>>
      tpu.enqueue_dma source(%arg21 : memref<64x16xf32, #tpu.memory_space<vmem>>) target(%dma_start3A_173 : memref<64x16xf32, #tpu.memory_space<vmem_shared>>) target_semaphore(%run_scoped3A : memref<!tpu.dma_semaphore, #tpu.memory_space<semaphore_mem>>)
      %dma_wait3A_174 = arith.constant 0 : i32
      %dma_wait3A_175 = tpu.memref_slice %arg23[%add3A_47, %dma_wait3A_174] : memref<10240x16xf32, #tpu.memory_space<vmem_shared>> -> memref<64x16xf32, #tpu.memory_space<vmem_shared>>
      %dma_wait3A_176 = arith.constant 0 : i32
      %dma_wait3A_177 = tpu.memref_slice %arg23[%add3A_47, %dma_wait3A_176] : memref<10240x16xf32, #tpu.memory_space<vmem_shared>> -> memref<64x16xf32, #tpu.memory_space<vmem_shared>>
      tpu.wait_dma2 semaphore(%run_scoped3A : memref<!tpu.dma_semaphore, #tpu.memory_space<semaphore_mem>>) src(%arg21 : memref<64x16xf32, #tpu.memory_space<vmem>>) dst(%dma_wait3A_177 : memref<64x16xf32, #tpu.memory_space<vmem_shared>>)
      tpu.yield
    }) : () -> ()
    %barrier3A = arith.constant 0 : index
    tpu.barrier barrier_id(%barrier3A)
    %add3A_48 = arith.constant 0 : i32
    %add3A_49 = arith.addi %mul3A_2, %add3A_48 : i32
    %dma_start3A = arith.constant 0 : i32
    %dma_start3A_50 = arith.constant 0 : i32
    %dma_start3A_51 = tpu.memref_slice %arg5[%add3A_49, %dma_start3A, %dma_start3A_50] : memref<5376x2x64xi32, #tpu.memory_space<hbm>> -> memref<1x2x64xi32, #tpu.memory_space<hbm>>
    %dma_start3A_52 = tpu.memref_squeeze %dma_start3A_51 : memref<1x2x64xi32, #tpu.memory_space<hbm>> -> memref<2x64xi32, #tpu.memory_space<hbm>>
    %dma_start3A_53 = arith.constant 0 : i32
    %dma_start3A_54 = arith.constant 0 : i32
    %dma_start3A_55 = tpu.memref_slice %arg5[%add3A_49, %dma_start3A_53, %dma_start3A_54] : memref<5376x2x64xi32, #tpu.memory_space<hbm>> -> memref<1x2x64xi32, #tpu.memory_space<hbm>>
    %dma_start3A_56 = tpu.memref_squeeze %dma_start3A_55 : memref<1x2x64xi32, #tpu.memory_space<hbm>> -> memref<2x64xi32, #tpu.memory_space<hbm>>
    tpu.enqueue_dma source(%dma_start3A_56 : memref<2x64xi32, #tpu.memory_space<hbm>>) target(%arg8 : memref<2x64xi32, #tpu.memory_space<vmem>>) target_semaphore(%arg28 : memref<!tpu.dma_semaphore, #tpu.memory_space<semaphore_mem>>)
    %add3A_57 = arith.constant 1 : i32
    %add3A_58 = arith.addi %mul3A_2, %add3A_57 : i32
    %dma_start3A_59 = arith.constant 0 : i32
    %dma_start3A_60 = arith.constant 0 : i32
    %dma_start3A_61 = tpu.memref_slice %arg5[%add3A_58, %dma_start3A_59, %dma_start3A_60] : memref<5376x2x64xi32, #tpu.memory_space<hbm>> -> memref<1x2x64xi32, #tpu.memory_space<hbm>>
    %dma_start3A_62 = tpu.memref_squeeze %dma_start3A_61 : memref<1x2x64xi32, #tpu.memory_space<hbm>> -> memref<2x64xi32, #tpu.memory_space<hbm>>
    %dma_start3A_63 = arith.constant 0 : i32
    %dma_start3A_64 = arith.constant 0 : i32
    %dma_start3A_65 = tpu.memref_slice %arg5[%add3A_58, %dma_start3A_63, %dma_start3A_64] : memref<5376x2x64xi32, #tpu.memory_space<hbm>> -> memref<1x2x64xi32, #tpu.memory_space<hbm>>
    %dma_start3A_66 = tpu.memref_squeeze %dma_start3A_65 : memref<1x2x64xi32, #tpu.memory_space<hbm>> -> memref<2x64xi32, #tpu.memory_space<hbm>>
    tpu.enqueue_dma source(%dma_start3A_66 : memref<2x64xi32, #tpu.memory_space<hbm>>) target(%arg9 : memref<2x64xi32, #tpu.memory_space<vmem>>) target_semaphore(%arg29 : memref<!tpu.dma_semaphore, #tpu.memory_space<semaphore_mem>>)
    %dma_wait3A = arith.constant 0 : i32
    %dma_wait3A_67 = arith.constant 0 : i32
    %dma_wait3A_68 = tpu.memref_slice %arg5[%mul3A_2, %dma_wait3A, %dma_wait3A_67] : memref<5376x2x64xi32, #tpu.memory_space<hbm>> -> memref<1x2x64xi32, #tpu.memory_space<hbm>>
    %dma_wait3A_69 = tpu.memref_squeeze %dma_wait3A_68 : memref<1x2x64xi32, #tpu.memory_space<hbm>> -> memref<2x64xi32, #tpu.memory_space<hbm>>
    %dma_wait3A_70 = arith.constant 0 : i32
    %dma_wait3A_71 = arith.constant 0 : i32
    %dma_wait3A_72 = tpu.memref_slice %arg5[%mul3A_2, %dma_wait3A_70, %dma_wait3A_71] : memref<5376x2x64xi32, #tpu.memory_space<hbm>> -> memref<1x2x64xi32, #tpu.memory_space<hbm>>
    %dma_wait3A_73 = tpu.memref_squeeze %dma_wait3A_72 : memref<1x2x64xi32, #tpu.memory_space<hbm>> -> memref<2x64xi32, #tpu.memory_space<hbm>>
    tpu.wait_dma2 semaphore(%arg28 : memref<!tpu.dma_semaphore, #tpu.memory_space<semaphore_mem>>) src(%dma_wait3A_73 : memref<2x64xi32, #tpu.memory_space<hbm>>) dst(%arg8 : memref<2x64xi32, #tpu.memory_space<vmem>>)
    %dma_start3A_74 = arith.constant 0 : i32
    %dma_start3A_75 = arith.constant 0 : i32
    %dma_start3A_76 = tpu.memref_slice %arg8[%dma_start3A_74, %dma_start3A_75] : memref<2x64xi32, #tpu.memory_space<vmem>> -> memref<1x64xi32, #tpu.memory_space<vmem>>
    %dma_start3A_77 = tpu.memref_squeeze %dma_start3A_76 : memref<1x64xi32, #tpu.memory_space<vmem>> -> memref<64xi32, #tpu.memory_space<vmem>>
    %dma_start3A_78 = arith.constant 0 : i32
    %dma_start3A_79 = arith.constant 0 : i32
    %dma_start3A_80 = tpu.memref_slice %arg3[%dma_start3A_78, %dma_start3A_79] : memref<10240x16xf32, #tpu.memory_space<hbm>> -> memref<10240x16xf32, #tpu.memory_space<hbm>>
    tpu.enqueue_indirect_dma source(%dma_start3A_80 : memref<10240x16xf32, #tpu.memory_space<hbm>>) target(%arg12 : memref<64x16xf32, #tpu.memory_space<vmem>>) offsets(%dma_start3A_77 : memref<64xi32, #tpu.memory_space<vmem>>) semaphore(%arg24 : memref<!tpu.dma_semaphore, #tpu.memory_space<semaphore_mem>>)
    %dma_start3A_81 = arith.constant 1 : i32
    %dma_start3A_82 = arith.constant 0 : i32
    %dma_start3A_83 = tpu.memref_slice %arg8[%dma_start3A_81, %dma_start3A_82] : memref<2x64xi32, #tpu.memory_space<vmem>> -> memref<1x64xi32, #tpu.memory_space<vmem>>
    %dma_start3A_84 = tpu.memref_squeeze %dma_start3A_83 : memref<1x64xi32, #tpu.memory_space<vmem>> -> memref<64xi32, #tpu.memory_space<vmem>>
    %dma_start3A_85 = arith.constant 0 : i32
    %dma_start3A_86 = arith.constant 0 : i32
    %dma_start3A_87 = tpu.memref_slice %arg4[%dma_start3A_85, %dma_start3A_86] : memref<10240x16xf32, #tpu.memory_space<hbm>> -> memref<10240x16xf32, #tpu.memory_space<hbm>>
    tpu.enqueue_indirect_dma source(%dma_start3A_87 : memref<10240x16xf32, #tpu.memory_space<hbm>>) target(%arg14 : memref<64x16xf32, #tpu.memory_space<vmem>>) offsets(%dma_start3A_84 : memref<64xi32, #tpu.memory_space<vmem>>) semaphore(%arg24 : memref<!tpu.dma_semaphore, #tpu.memory_space<semaphore_mem>>)
    %dma_start3A_88 = arith.constant 0 : i32
    %dma_start3A_89 = arith.constant 0 : i32
    %dma_start3A_90 = tpu.memref_slice %arg8[%dma_start3A_88, %dma_start3A_89] : memref<2x64xi32, #tpu.memory_space<vmem>> -> memref<1x64xi32, #tpu.memory_space<vmem>>
    %dma_start3A_91 = tpu.memref_squeeze %dma_start3A_90 : memref<1x64xi32, #tpu.memory_space<vmem>> -> memref<64xi32, #tpu.memory_space<vmem>>
    %dma_start3A_92 = arith.constant 0 : i32
    %dma_start3A_93 = arith.constant 0 : i32
    %dma_start3A_94 = tpu.memref_slice %arg2[%dma_start3A_92, %dma_start3A_93] : memref<10240x128xf32, #tpu.memory_space<hbm>> -> memref<10240x128xf32, #tpu.memory_space<hbm>>
    tpu.enqueue_indirect_dma source(%dma_start3A_94 : memref<10240x128xf32, #tpu.memory_space<hbm>>) target(%arg16 : memref<64x128xf32, #tpu.memory_space<vmem>>) offsets(%dma_start3A_91 : memref<64xi32, #tpu.memory_space<vmem>>) semaphore(%arg24 : memref<!tpu.dma_semaphore, #tpu.memory_space<semaphore_mem>>)
    %scan3A_95 = arith.constant 0 : i32
    %scan3A_96 = arith.constant 0 : i32
    %scan3A_97 = arith.constant 42 : i32
    %scan3A_98 = arith.addi %scan3A_96, %scan3A_97 : i32
    %scan3A_99 = arith.constant 1 : i32
    scf.for %scan3A_170 = %scan3A_96 to %scan3A_98 step %scan3A_99  : i32 {
      %mul3A_171 = arith.constant 4 : i32
      %mul3A_172 = arith.muli %scan3A_170, %mul3A_171 : i32
      %add3A_173 = arith.constant 0 : i32
      %add3A_174 = arith.addi %mul3A_172, %add3A_173 : i32
      %dma_wait3A_175 = arith.constant 0 : i32
      %dma_wait3A_176 = arith.constant 0 : i32
      %dma_wait3A_177 = tpu.memref_slice %arg8[%dma_wait3A_175, %dma_wait3A_176] : memref<2x64xi32, #tpu.memory_space<vmem>> -> memref<1x64xi32, #tpu.memory_space<vmem>>
      %dma_wait3A_178 = tpu.memref_squeeze %dma_wait3A_177 : memref<1x64xi32, #tpu.memory_space<vmem>> -> memref<64xi32, #tpu.memory_space<vmem>>
      %dma_wait3A_179 = arith.constant 0 : i32
      %dma_wait3A_180 = arith.constant 0 : i32
      %dma_wait3A_181 = tpu.memref_slice %arg3[%dma_wait3A_179, %dma_wait3A_180] : memref<10240x16xf32, #tpu.memory_space<hbm>> -> memref<10240x16xf32, #tpu.memory_space<hbm>>
      tpu.wait_indirect_dma semaphore(%arg24 : memref<!tpu.dma_semaphore, #tpu.memory_space<semaphore_mem>>) src(%dma_wait3A_181 : memref<10240x16xf32, #tpu.memory_space<hbm>>) dst(%arg12 : memref<64x16xf32, #tpu.memory_space<vmem>>)
      %dma_wait3A_182 = arith.constant 1 : i32
      %dma_wait3A_183 = arith.constant 0 : i32
      %dma_wait3A_184 = tpu.memref_slice %arg8[%dma_wait3A_182, %dma_wait3A_183] : memref<2x64xi32, #tpu.memory_space<vmem>> -> memref<1x64xi32, #tpu.memory_space<vmem>>
      %dma_wait3A_185 = tpu.memref_squeeze %dma_wait3A_184 : memref<1x64xi32, #tpu.memory_space<vmem>> -> memref<64xi32, #tpu.memory_space<vmem>>
      %dma_wait3A_186 = arith.constant 0 : i32
      %dma_wait3A_187 = arith.constant 0 : i32
      %dma_wait3A_188 = tpu.memref_slice %arg4[%dma_wait3A_186, %dma_wait3A_187] : memref<10240x16xf32, #tpu.memory_space<hbm>> -> memref<10240x16xf32, #tpu.memory_space<hbm>>
      tpu.wait_indirect_dma semaphore(%arg24 : memref<!tpu.dma_semaphore, #tpu.memory_space<semaphore_mem>>) src(%dma_wait3A_188 : memref<10240x16xf32, #tpu.memory_space<hbm>>) dst(%arg14 : memref<64x16xf32, #tpu.memory_space<vmem>>)
      %dma_wait3A_189 = arith.constant 0 : i32
      %dma_wait3A_190 = arith.constant 0 : i32
      %dma_wait3A_191 = tpu.memref_slice %arg8[%dma_wait3A_189, %dma_wait3A_190] : memref<2x64xi32, #tpu.memory_space<vmem>> -> memref<1x64xi32, #tpu.memory_space<vmem>>
      %dma_wait3A_192 = tpu.memref_squeeze %dma_wait3A_191 : memref<1x64xi32, #tpu.memory_space<vmem>> -> memref<64xi32, #tpu.memory_space<vmem>>
      %dma_wait3A_193 = arith.constant 0 : i32
      %dma_wait3A_194 = arith.constant 0 : i32
      %dma_wait3A_195 = tpu.memref_slice %arg2[%dma_wait3A_193, %dma_wait3A_194] : memref<10240x128xf32, #tpu.memory_space<hbm>> -> memref<10240x128xf32, #tpu.memory_space<hbm>>
      tpu.wait_indirect_dma semaphore(%arg24 : memref<!tpu.dma_semaphore, #tpu.memory_space<semaphore_mem>>) src(%dma_wait3A_195 : memref<10240x128xf32, #tpu.memory_space<hbm>>) dst(%arg16 : memref<64x128xf32, #tpu.memory_space<vmem>>)
      %add3A_196 = arith.constant 1 : i32
      %add3A_197 = arith.addi %add3A_174, %add3A_196 : i32
      %lt3A = arith.constant 168 : i32
      %lt3A_198 = arith.cmpi slt, %add3A_197, %lt3A : i32
      %convert_element_type3A = arith.extui %lt3A_198 : i1 to i32
      %cond3A = arith.constant 0 : i32
      %cond3A_199 = arith.cmpi ne, %convert_element_type3A, %cond3A : i32
      scf.if %cond3A_199 {
        %ge3A = arith.constant 1 : i32
        %ge3A_376 = arith.cmpi sge, %add3A_174, %ge3A : i32
        %convert_element_type3A_377 = arith.extui %ge3A_376 : i1 to i32
        %cond3A_378 = arith.constant 0 : i32
        %cond3A_379 = arith.cmpi ne, %convert_element_type3A_377, %cond3A_378 : i32
        scf.if %cond3A_379 {
          %dma_wait3A_416 = arith.constant 1 : i32
          %dma_wait3A_417 = arith.constant 0 : i32
          %dma_wait3A_418 = tpu.memref_slice %arg11[%dma_wait3A_416, %dma_wait3A_417] : memref<2x64xi32, #tpu.memory_space<vmem>> -> memref<1x64xi32, #tpu.memory_space<vmem>>
          %dma_wait3A_419 = tpu.memref_squeeze %dma_wait3A_418 : memref<1x64xi32, #tpu.memory_space<vmem>> -> memref<64xi32, #tpu.memory_space<vmem>>
          %dma_wait3A_420 = arith.constant 0 : i32
          %dma_wait3A_421 = arith.constant 0 : i32
          %dma_wait3A_422 = tpu.memref_slice %arg22[%dma_wait3A_420, %dma_wait3A_421] : memref<10240x128xf32, #tpu.memory_space<vmem_shared>> -> memref<10240x128xf32, #tpu.memory_space<vmem_shared>>
          tpu.wait_indirect_dma semaphore(%arg27 : memref<!tpu.dma_semaphore, #tpu.memory_space<semaphore_mem>>) src(%arg17 : memref<64x128xf32, #tpu.memory_space<vmem>>) dst(%dma_wait3A_422 : memref<10240x128xf32, #tpu.memory_space<vmem_shared>>)
          %dma_wait3A_423 = arith.constant 1 : i32
          %dma_wait3A_424 = arith.constant 0 : i32
          %dma_wait3A_425 = tpu.memref_slice %arg11[%dma_wait3A_423, %dma_wait3A_424] : memref<2x64xi32, #tpu.memory_space<vmem>> -> memref<1x64xi32, #tpu.memory_space<vmem>>
          %dma_wait3A_426 = tpu.memref_squeeze %dma_wait3A_425 : memref<1x64xi32, #tpu.memory_space<vmem>> -> memref<64xi32, #tpu.memory_space<vmem>>
          %dma_wait3A_427 = arith.constant 0 : i32
          %dma_wait3A_428 = arith.constant 0 : i32
          %dma_wait3A_429 = tpu.memref_slice %arg23[%dma_wait3A_427, %dma_wait3A_428] : memref<10240x16xf32, #tpu.memory_space<vmem_shared>> -> memref<10240x16xf32, #tpu.memory_space<vmem_shared>>
          tpu.wait_indirect_dma semaphore(%arg27 : memref<!tpu.dma_semaphore, #tpu.memory_space<semaphore_mem>>) src(%arg19 : memref<64x16xf32, #tpu.memory_space<vmem>>) dst(%dma_wait3A_429 : memref<10240x16xf32, #tpu.memory_space<vmem_shared>>)
        } else {
        }
        %add3A_380 = arith.constant 2 : i32
        %add3A_381 = arith.addi %add3A_174, %add3A_380 : i32
        %lt3A_382 = arith.constant 168 : i32
        %lt3A_383 = arith.cmpi slt, %add3A_381, %lt3A_382 : i32
        %convert_element_type3A_384 = arith.extui %lt3A_383 : i1 to i32
        %cond3A_385 = arith.constant 0 : i32
        %cond3A_386 = arith.cmpi ne, %convert_element_type3A_384, %cond3A_385 : i32
        scf.if %cond3A_386 {
          %add3A_416 = arith.constant 2 : i32
          %add3A_417 = arith.addi %add3A_174, %add3A_416 : i32
          %add3A_418 = arith.addi %mul3A_2, %add3A_417 : i32
          %dma_start3A_419 = arith.constant 0 : i32
          %dma_start3A_420 = arith.constant 0 : i32
          %dma_start3A_421 = tpu.memref_slice %arg5[%add3A_418, %dma_start3A_419, %dma_start3A_420] : memref<5376x2x64xi32, #tpu.memory_space<hbm>> -> memref<1x2x64xi32, #tpu.memory_space<hbm>>
          %dma_start3A_422 = tpu.memref_squeeze %dma_start3A_421 : memref<1x2x64xi32, #tpu.memory_space<hbm>> -> memref<2x64xi32, #tpu.memory_space<hbm>>
          %dma_start3A_423 = arith.constant 0 : i32
          %dma_start3A_424 = arith.constant 0 : i32
          %dma_start3A_425 = tpu.memref_slice %arg5[%add3A_418, %dma_start3A_423, %dma_start3A_424] : memref<5376x2x64xi32, #tpu.memory_space<hbm>> -> memref<1x2x64xi32, #tpu.memory_space<hbm>>
          %dma_start3A_426 = tpu.memref_squeeze %dma_start3A_425 : memref<1x2x64xi32, #tpu.memory_space<hbm>> -> memref<2x64xi32, #tpu.memory_space<hbm>>
          tpu.enqueue_dma source(%dma_start3A_426 : memref<2x64xi32, #tpu.memory_space<hbm>>) target(%arg10 : memref<2x64xi32, #tpu.memory_space<vmem>>) target_semaphore(%arg30 : memref<!tpu.dma_semaphore, #tpu.memory_space<semaphore_mem>>)
        } else {
        }
        %dma_wait3A_387 = arith.constant 0 : i32
        %dma_wait3A_388 = arith.constant 0 : i32
        %dma_wait3A_389 = tpu.memref_slice %arg5[%mul3A_2, %dma_wait3A_387, %dma_wait3A_388] : memref<5376x2x64xi32, #tpu.memory_space<hbm>> -> memref<1x2x64xi32, #tpu.memory_space<hbm>>
        %dma_wait3A_390 = tpu.memref_squeeze %dma_wait3A_389 : memref<1x2x64xi32, #tpu.memory_space<hbm>> -> memref<2x64xi32, #tpu.memory_space<hbm>>
        %dma_wait3A_391 = arith.constant 0 : i32
        %dma_wait3A_392 = arith.constant 0 : i32
        %dma_wait3A_393 = tpu.memref_slice %arg5[%mul3A_2, %dma_wait3A_391, %dma_wait3A_392] : memref<5376x2x64xi32, #tpu.memory_space<hbm>> -> memref<1x2x64xi32, #tpu.memory_space<hbm>>
        %dma_wait3A_394 = tpu.memref_squeeze %dma_wait3A_393 : memref<1x2x64xi32, #tpu.memory_space<hbm>> -> memref<2x64xi32, #tpu.memory_space<hbm>>
        tpu.wait_dma2 semaphore(%arg29 : memref<!tpu.dma_semaphore, #tpu.memory_space<semaphore_mem>>) src(%dma_wait3A_394 : memref<2x64xi32, #tpu.memory_space<hbm>>) dst(%arg9 : memref<2x64xi32, #tpu.memory_space<vmem>>)
        %dma_start3A_395 = arith.constant 0 : i32
        %dma_start3A_396 = arith.constant 0 : i32
        %dma_start3A_397 = tpu.memref_slice %arg9[%dma_start3A_395, %dma_start3A_396] : memref<2x64xi32, #tpu.memory_space<vmem>> -> memref<1x64xi32, #tpu.memory_space<vmem>>
        %dma_start3A_398 = tpu.memref_squeeze %dma_start3A_397 : memref<1x64xi32, #tpu.memory_space<vmem>> -> memref<64xi32, #tpu.memory_space<vmem>>
        %dma_start3A_399 = arith.constant 0 : i32
        %dma_start3A_400 = arith.constant 0 : i32
        %dma_start3A_401 = tpu.memref_slice %arg3[%dma_start3A_399, %dma_start3A_400] : memref<10240x16xf32, #tpu.memory_space<hbm>> -> memref<10240x16xf32, #tpu.memory_space<hbm>>
        tpu.enqueue_indirect_dma source(%dma_start3A_401 : memref<10240x16xf32, #tpu.memory_space<hbm>>) target(%arg13 : memref<64x16xf32, #tpu.memory_space<vmem>>) offsets(%dma_start3A_398 : memref<64xi32, #tpu.memory_space<vmem>>) semaphore(%arg25 : memref<!tpu.dma_semaphore, #tpu.memory_space<semaphore_mem>>)
        %dma_start3A_402 = arith.constant 1 : i32
        %dma_start3A_403 = arith.constant 0 : i32
        %dma_start3A_404 = tpu.memref_slice %arg9[%dma_start3A_402, %dma_start3A_403] : memref<2x64xi32, #tpu.memory_space<vmem>> -> memref<1x64xi32, #tpu.memory_space<vmem>>
        %dma_start3A_405 = tpu.memref_squeeze %dma_start3A_404 : memref<1x64xi32, #tpu.memory_space<vmem>> -> memref<64xi32, #tpu.memory_space<vmem>>
        %dma_start3A_406 = arith.constant 0 : i32
        %dma_start3A_407 = arith.constant 0 : i32
        %dma_start3A_408 = tpu.memref_slice %arg4[%dma_start3A_406, %dma_start3A_407] : memref<10240x16xf32, #tpu.memory_space<hbm>> -> memref<10240x16xf32, #tpu.memory_space<hbm>>
        tpu.enqueue_indirect_dma source(%dma_start3A_408 : memref<10240x16xf32, #tpu.memory_space<hbm>>) target(%arg15 : memref<64x16xf32, #tpu.memory_space<vmem>>) offsets(%dma_start3A_405 : memref<64xi32, #tpu.memory_space<vmem>>) semaphore(%arg25 : memref<!tpu.dma_semaphore, #tpu.memory_space<semaphore_mem>>)
        %dma_start3A_409 = arith.constant 0 : i32
        %dma_start3A_410 = arith.constant 0 : i32
        %dma_start3A_411 = tpu.memref_slice %arg9[%dma_start3A_409, %dma_start3A_410] : memref<2x64xi32, #tpu.memory_space<vmem>> -> memref<1x64xi32, #tpu.memory_space<vmem>>
        %dma_start3A_412 = tpu.memref_squeeze %dma_start3A_411 : memref<1x64xi32, #tpu.memory_space<vmem>> -> memref<64xi32, #tpu.memory_space<vmem>>
        %dma_start3A_413 = arith.constant 0 : i32
        %dma_start3A_414 = arith.constant 0 : i32
        %dma_start3A_415 = tpu.memref_slice %arg2[%dma_start3A_413, %dma_start3A_414] : memref<10240x128xf32, #tpu.memory_space<hbm>> -> memref<10240x128xf32, #tpu.memory_space<hbm>>
        tpu.enqueue_indirect_dma source(%dma_start3A_415 : memref<10240x128xf32, #tpu.memory_space<hbm>>) target(%arg17 : memref<64x128xf32, #tpu.memory_space<vmem>>) offsets(%dma_start3A_412 : memref<64xi32, #tpu.memory_space<vmem>>) semaphore(%arg25 : memref<!tpu.dma_semaphore, #tpu.memory_space<semaphore_mem>>)
      } else {
      }
      %scan3A_200 = arith.constant 0 : i32
      %scan3A_201 = arith.constant 0 : i32
      %scan3A_202 = arith.constant 64 : i32
      %scan3A_203 = arith.addi %scan3A_201, %scan3A_202 : i32
      %scan3A_204 = arith.constant 1 : i32
      scf.for %scan3A_376 = %scan3A_201 to %scan3A_203 step %scan3A_204  : i32 {
        %get3A = arith.index_cast %scan3A_376 : i32 to index
        %get3A_377 = arith.constant 0 : index
        %get3A_378 = tpu.vector_load %arg12[%get3A, %get3A_377] {strides = array<i32>} : memref<64x16xf32, #tpu.memory_space<vmem>>, vector<1x16xf32>,
        %get3A_379 = vector.shape_cast %get3A_378 : vector<1x16xf32> to vector<16xf32>
        %get3A_380 = arith.index_cast %scan3A_376 : i32 to index
        %get3A_381 = arith.constant 0 : index
        %get3A_382 = tpu.vector_load %arg14[%get3A_380, %get3A_381] {strides = array<i32>} : memref<64x16xf32, #tpu.memory_space<vmem>>, vector<1x16xf32>,
        %get3A_383 = vector.shape_cast %get3A_382 : vector<1x16xf32> to vector<16xf32>
        %add3A_384 = arith.addf %get3A_379, %get3A_383 : vector<16xf32>
        %ge3A = arith.constant 0.000000e+00 : f32
        %ge3A_385 = vector.broadcast %ge3A : f32 to vector<16xf32>
        %ge3A_386 = arith.cmpf oge, %add3A_384, %ge3A_385 : vector<16xf32>
        %mul3A_387 = arith.constant 2.000000e-01 : f32
        %mul3A_388 = vector.broadcast %mul3A_387 : f32 to vector<16xf32>
        %mul3A_389 = arith.mulf %mul3A_388, %add3A_384 : vector<16xf32>
        %select_n3A = arith.select %ge3A_386, %add3A_384, %mul3A_389 : vector<16xi1>, vector<16xf32>
        %exp3A = math.exp %select_n3A : vector<16xf32>
        %swap3A = arith.index_cast %scan3A_376 : i32 to index
        %swap3A_390 = arith.constant 0 : index
        %swap3A_391 = tpu.vector_load %arg18[%swap3A, %swap3A_390] {strides = array<i32>} : memref<64x16xf32, #tpu.memory_space<vmem>>, vector<1x16xf32>,
        %swap3A_392 = vector.shape_cast %swap3A_391 : vector<1x16xf32> to vector<16xf32>
        %swap3A_393 = vector.shape_cast %exp3A : vector<16xf32> to vector<1x16xf32>
        tpu.vector_store %arg18[%swap3A, %swap3A_390], %swap3A_393 {strides = array<i32>} : memref<64x16xf32, #tpu.memory_space<vmem>>, vector<1x16xf32>,
        %slice3A = vector.extract_strided_slice %exp3A {offsets = [0], sizes = [1], strides = [1]} : vector<16xf32> to vector<1xf32>
        %squeeze3A = vector.extract %slice3A[0] : f32 from vector<1xf32>
        %get3A_394 = arith.index_cast %scan3A_376 : i32 to index
        %get3A_395 = arith.constant 0 : index
        %get3A_396 = tpu.vector_load %arg16[%get3A_394, %get3A_395] {strides = array<i32>} : memref<64x128xf32, #tpu.memory_space<vmem>>, vector<1x16xf32>,
        %get3A_397 = vector.shape_cast %get3A_396 : vector<1x16xf32> to vector<16xf32>
        %mul3A_398 = vector.broadcast %squeeze3A : f32 to vector<16xf32>
        %mul3A_399 = arith.mulf %get3A_397, %mul3A_398 : vector<16xf32>
        %swap3A_400 = arith.index_cast %scan3A_376 : i32 to index
        %swap3A_401 = arith.constant 0 : index
        %swap3A_402 = tpu.vector_load %arg16[%swap3A_400, %swap3A_401] {strides = array<i32>} : memref<64x128xf32, #tpu.memory_space<vmem>>, vector<1x16xf32>,
        %swap3A_403 = vector.shape_cast %swap3A_402 : vector<1x16xf32> to vector<16xf32>
        %swap3A_404 = vector.shape_cast %mul3A_399 : vector<16xf32> to vector<1x16xf32>
        tpu.vector_store %arg16[%swap3A_400, %swap3A_401], %swap3A_404 {strides = array<i32>} : memref<64x128xf32, #tpu.memory_space<vmem>>, vector<1x16xf32>,
        %get3A_405 = arith.index_cast %scan3A_376 : i32 to index
        %get3A_406 = arith.constant 16 : index
        %get3A_407 = tpu.vector_load %arg16[%get3A_405, %get3A_406] {strides = array<i32>} : memref<64x128xf32, #tpu.memory_space<vmem>>, vector<1x16xf32>,
        %get3A_408 = vector.shape_cast %get3A_407 : vector<1x16xf32> to vector<16xf32>
        %mul3A_409 = vector.broadcast %squeeze3A : f32 to vector<16xf32>
        %mul3A_410 = arith.mulf %get3A_408, %mul3A_409 : vector<16xf32>
        %swap3A_411 = arith.index_cast %scan3A_376 : i32 to index
        %swap3A_412 = arith.constant 16 : index
        %swap3A_413 = tpu.vector_load %arg16[%swap3A_411, %swap3A_412] {strides = array<i32>} : memref<64x128xf32, #tpu.memory_space<vmem>>, vector<1x16xf32>,
        %swap3A_414 = vector.shape_cast %swap3A_413 : vector<1x16xf32> to vector<16xf32>
        %swap3A_415 = vector.shape_cast %mul3A_410 : vector<16xf32> to vector<1x16xf32>
        tpu.vector_store %arg16[%swap3A_411, %swap3A_412], %swap3A_415 {strides = array<i32>} : memref<64x128xf32, #tpu.memory_space<vmem>>, vector<1x16xf32>,
        %slice3A_416 = vector.extract_strided_slice %exp3A {offsets = [1], sizes = [1], strides = [1]} : vector<16xf32> to vector<1xf32>
        %squeeze3A_417 = vector.extract %slice3A_416[0] : f32 from vector<1xf32>
        %get3A_418 = arith.index_cast %scan3A_376 : i32 to index
        %get3A_419 = arith.constant 32 : index
        %get3A_420 = tpu.vector_load %arg16[%get3A_418, %get3A_419] {strides = array<i32>} : memref<64x128xf32, #tpu.memory_space<vmem>>, vector<1x16xf32>,
        %get3A_421 = vector.shape_cast %get3A_420 : vector<1x16xf32> to vector<16xf32>
        %mul3A_422 = vector.broadcast %squeeze3A_417 : f32 to vector<16xf32>
        %mul3A_423 = arith.mulf %get3A_421, %mul3A_422 : vector<16xf32>
        %swap3A_424 = arith.index_cast %scan3A_376 : i32 to index
        %swap3A_425 = arith.constant 32 : index
        %swap3A_426 = tpu.vector_load %arg16[%swap3A_424, %swap3A_425] {strides = array<i32>} : memref<64x128xf32, #tpu.memory_space<vmem>>, vector<1x16xf32>,
        %swap3A_427 = vector.shape_cast %swap3A_426 : vector<1x16xf32> to vector<16xf32>
        %swap3A_428 = vector.shape_cast %mul3A_423 : vector<16xf32> to vector<1x16xf32>
        tpu.vector_store %arg16[%swap3A_424, %swap3A_425], %swap3A_428 {strides = array<i32>} : memref<64x128xf32, #tpu.memory_space<vmem>>, vector<1x16xf32>,
        %get3A_429 = arith.index_cast %scan3A_376 : i32 to index
        %get3A_430 = arith.constant 48 : index
        %get3A_431 = tpu.vector_load %arg16[%get3A_429, %get3A_430] {strides = array<i32>} : memref<64x128xf32, #tpu.memory_space<vmem>>, vector<1x16xf32>,
        %get3A_432 = vector.shape_cast %get3A_431 : vector<1x16xf32> to vector<16xf32>
        %mul3A_433 = vector.broadcast %squeeze3A_417 : f32 to vector<16xf32>
        %mul3A_434 = arith.mulf %get3A_432, %mul3A_433 : vector<16xf32>
        %swap3A_435 = arith.index_cast %scan3A_376 : i32 to index
        %swap3A_436 = arith.constant 48 : index
        %swap3A_437 = tpu.vector_load %arg16[%swap3A_435, %swap3A_436] {strides = array<i32>} : memref<64x128xf32, #tpu.memory_space<vmem>>, vector<1x16xf32>,
        %swap3A_438 = vector.shape_cast %swap3A_437 : vector<1x16xf32> to vector<16xf32>
        %swap3A_439 = vector.shape_cast %mul3A_434 : vector<16xf32> to vector<1x16xf32>
        tpu.vector_store %arg16[%swap3A_435, %swap3A_436], %swap3A_439 {strides = array<i32>} : memref<64x128xf32, #tpu.memory_space<vmem>>, vector<1x16xf32>,
        %slice3A_440 = vector.extract_strided_slice %exp3A {offsets = [2], sizes = [1], strides = [1]} : vector<16xf32> to vector<1xf32>
        %squeeze3A_441 = vector.extract %slice3A_440[0] : f32 from vector<1xf32>
        %get3A_442 = arith.index_cast %scan3A_376 : i32 to index
        %get3A_443 = arith.constant 64 : index
        %get3A_444 = tpu.vector_load %arg16[%get3A_442, %get3A_443] {strides = array<i32>} : memref<64x128xf32, #tpu.memory_space<vmem>>, vector<1x16xf32>,
        %get3A_445 = vector.shape_cast %get3A_444 : vector<1x16xf32> to vector<16xf32>
        %mul3A_446 = vector.broadcast %squeeze3A_441 : f32 to vector<16xf32>
        %mul3A_447 = arith.mulf %get3A_445, %mul3A_446 : vector<16xf32>
        %swap3A_448 = arith.index_cast %scan3A_376 : i32 to index
        %swap3A_449 = arith.constant 64 : index
        %swap3A_450 = tpu.vector_load %arg16[%swap3A_448, %swap3A_449] {strides = array<i32>} : memref<64x128xf32, #tpu.memory_space<vmem>>, vector<1x16xf32>,
        %swap3A_451 = vector.shape_cast %swap3A_450 : vector<1x16xf32> to vector<16xf32>
        %swap3A_452 = vector.shape_cast %mul3A_447 : vector<16xf32> to vector<1x16xf32>
        tpu.vector_store %arg16[%swap3A_448, %swap3A_449], %swap3A_452 {strides = array<i32>} : memref<64x128xf32, #tpu.memory_space<vmem>>, vector<1x16xf32>,
        %get3A_453 = arith.index_cast %scan3A_376 : i32 to index
        %get3A_454 = arith.constant 80 : index
        %get3A_455 = tpu.vector_load %arg16[%get3A_453, %get3A_454] {strides = array<i32>} : memref<64x128xf32, #tpu.memory_space<vmem>>, vector<1x16xf32>,
        %get3A_456 = vector.shape_cast %get3A_455 : vector<1x16xf32> to vector<16xf32>
        %mul3A_457 = vector.broadcast %squeeze3A_441 : f32 to vector<16xf32>
        %mul3A_458 = arith.mulf %get3A_456, %mul3A_457 : vector<16xf32>
        %swap3A_459 = arith.index_cast %scan3A_376 : i32 to index
        %swap3A_460 = arith.constant 80 : index
        %swap3A_461 = tpu.vector_load %arg16[%swap3A_459, %swap3A_460] {strides = array<i32>} : memref<64x128xf32, #tpu.memory_space<vmem>>, vector<1x16xf32>,
        %swap3A_462 = vector.shape_cast %swap3A_461 : vector<1x16xf32> to vector<16xf32>
        %swap3A_463 = vector.shape_cast %mul3A_458 : vector<16xf32> to vector<1x16xf32>
        tpu.vector_store %arg16[%swap3A_459, %swap3A_460], %swap3A_463 {strides = array<i32>} : memref<64x128xf32, #tpu.memory_space<vmem>>, vector<1x16xf32>,
        %slice3A_464 = vector.extract_strided_slice %exp3A {offsets = [3], sizes = [1], strides = [1]} : vector<16xf32> to vector<1xf32>
        %squeeze3A_465 = vector.extract %slice3A_464[0] : f32 from vector<1xf32>
        %get3A_466 = arith.index_cast %scan3A_376 : i32 to index
        %get3A_467 = arith.constant 96 : index
        %get3A_468 = tpu.vector_load %arg16[%get3A_466, %get3A_467] {strides = array<i32>} : memref<64x128xf32, #tpu.memory_space<vmem>>, vector<1x16xf32>,
        %get3A_469 = vector.shape_cast %get3A_468 : vector<1x16xf32> to vector<16xf32>
        %mul3A_470 = vector.broadcast %squeeze3A_465 : f32 to vector<16xf32>
        %mul3A_471 = arith.mulf %get3A_469, %mul3A_470 : vector<16xf32>
        %swap3A_472 = arith.index_cast %scan3A_376 : i32 to index
        %swap3A_473 = arith.constant 96 : index
        %swap3A_474 = tpu.vector_load %arg16[%swap3A_472, %swap3A_473] {strides = array<i32>} : memref<64x128xf32, #tpu.memory_space<vmem>>, vector<1x16xf32>,
        %swap3A_475 = vector.shape_cast %swap3A_474 : vector<1x16xf32> to vector<16xf32>
        %swap3A_476 = vector.shape_cast %mul3A_471 : vector<16xf32> to vector<1x16xf32>
        tpu.vector_store %arg16[%swap3A_472, %swap3A_473], %swap3A_476 {strides = array<i32>} : memref<64x128xf32, #tpu.memory_space<vmem>>, vector<1x16xf32>,
        %get3A_477 = arith.index_cast %scan3A_376 : i32 to index
        %get3A_478 = arith.constant 112 : index
        %get3A_479 = tpu.vector_load %arg16[%get3A_477, %get3A_478] {strides = array<i32>} : memref<64x128xf32, #tpu.memory_space<vmem>>, vector<1x16xf32>,
        %get3A_480 = vector.shape_cast %get3A_479 : vector<1x16xf32> to vector<16xf32>
        %mul3A_481 = vector.broadcast %squeeze3A_465 : f32 to vector<16xf32>
        %mul3A_482 = arith.mulf %get3A_480, %mul3A_481 : vector<16xf32>
        %swap3A_483 = arith.index_cast %scan3A_376 : i32 to index
        %swap3A_484 = arith.constant 112 : index
        %swap3A_485 = tpu.vector_load %arg16[%swap3A_483, %swap3A_484] {strides = array<i32>} : memref<64x128xf32, #tpu.memory_space<vmem>>, vector<1x16xf32>,
        %swap3A_486 = vector.shape_cast %swap3A_485 : vector<1x16xf32> to vector<16xf32>
        %swap3A_487 = vector.shape_cast %mul3A_482 : vector<16xf32> to vector<1x16xf32>
        tpu.vector_store %arg16[%swap3A_483, %swap3A_484], %swap3A_487 {strides = array<i32>} : memref<64x128xf32, #tpu.memory_space<vmem>>, vector<1x16xf32>,
      }
      %scan3A_205 = arith.constant 64 : i32
      %dma_start3A_206 = arith.constant 1 : i32
      %dma_start3A_207 = arith.constant 0 : i32
      %dma_start3A_208 = tpu.memref_slice %arg8[%dma_start3A_206, %dma_start3A_207] : memref<2x64xi32, #tpu.memory_space<vmem>> -> memref<1x64xi32, #tpu.memory_space<vmem>>
      %dma_start3A_209 = tpu.memref_squeeze %dma_start3A_208 : memref<1x64xi32, #tpu.memory_space<vmem>> -> memref<64xi32, #tpu.memory_space<vmem>>
      %dma_start3A_210 = arith.constant 0 : i32
      %dma_start3A_211 = arith.constant 0 : i32
      %dma_start3A_212 = tpu.memref_slice %arg22[%dma_start3A_210, %dma_start3A_211] : memref<10240x128xf32, #tpu.memory_space<vmem_shared>> -> memref<10240x128xf32, #tpu.memory_space<vmem_shared>>
      tpu.enqueue_indirect_dma source(%arg16 : memref<64x128xf32, #tpu.memory_space<vmem>>) target(%dma_start3A_212 : memref<10240x128xf32, #tpu.memory_space<vmem_shared>>) offsets(%dma_start3A_209 : memref<64xi32, #tpu.memory_space<vmem>>) semaphore(%arg26 : memref<!tpu.dma_semaphore, #tpu.memory_space<semaphore_mem>>) {add = true}
      %dma_start3A_213 = arith.constant 1 : i32
      %dma_start3A_214 = arith.constant 0 : i32
      %dma_start3A_215 = tpu.memref_slice %arg8[%dma_start3A_213, %dma_start3A_214] : memref<2x64xi32, #tpu.memory_space<vmem>> -> memref<1x64xi32, #tpu.memory_space<vmem>>
      %dma_start3A_216 = tpu.memref_squeeze %dma_start3A_215 : memref<1x64xi32, #tpu.memory_space<vmem>> -> memref<64xi32, #tpu.memory_space<vmem>>
      %dma_start3A_217 = arith.constant 0 : i32
      %dma_start3A_218 = arith.constant 0 : i32
      %dma_start3A_219 = tpu.memref_slice %arg23[%dma_start3A_217, %dma_start3A_218] : memref<10240x16xf32, #tpu.memory_space<vmem_shared>> -> memref<10240x16xf32, #tpu.memory_space<vmem_shared>>
      tpu.enqueue_indirect_dma source(%arg18 : memref<64x16xf32, #tpu.memory_space<vmem>>) target(%dma_start3A_219 : memref<10240x16xf32, #tpu.memory_space<vmem_shared>>) offsets(%dma_start3A_216 : memref<64xi32, #tpu.memory_space<vmem>>) semaphore(%arg26 : memref<!tpu.dma_semaphore, #tpu.memory_space<semaphore_mem>>) {add = true}
      %mul3A_220 = arith.constant 4 : i32
      %mul3A_221 = arith.muli %scan3A_170, %mul3A_220 : i32
      %add3A_222 = arith.constant 1 : i32
      %add3A_223 = arith.addi %mul3A_221, %add3A_222 : i32
      %dma_wait3A_224 = arith.constant 0 : i32
      %dma_wait3A_225 = arith.constant 0 : i32
      %dma_wait3A_226 = tpu.memref_slice %arg9[%dma_wait3A_224, %dma_wait3A_225] : memref<2x64xi32, #tpu.memory_space<vmem>> -> memref<1x64xi32, #tpu.memory_space<vmem>>
      %dma_wait3A_227 = tpu.memref_squeeze %dma_wait3A_226 : memref<1x64xi32, #tpu.memory_space<vmem>> -> memref<64xi32, #tpu.memory_space<vmem>>
      %dma_wait3A_228 = arith.constant 0 : i32
      %dma_wait3A_229 = arith.constant 0 : i32
      %dma_wait3A_230 = tpu.memref_slice %arg3[%dma_wait3A_228, %dma_wait3A_229] : memref<10240x16xf32, #tpu.memory_space<hbm>> -> memref<10240x16xf32, #tpu.memory_space<hbm>>
      tpu.wait_indirect_dma semaphore(%arg25 : memref<!tpu.dma_semaphore, #tpu.memory_space<semaphore_mem>>) src(%dma_wait3A_230 : memref<10240x16xf32, #tpu.memory_space<hbm>>) dst(%arg13 : memref<64x16xf32, #tpu.memory_space<vmem>>)
      %dma_wait3A_231 = arith.constant 1 : i32
      %dma_wait3A_232 = arith.constant 0 : i32
      %dma_wait3A_233 = tpu.memref_slice %arg9[%dma_wait3A_231, %dma_wait3A_232] : memref<2x64xi32, #tpu.memory_space<vmem>> -> memref<1x64xi32, #tpu.memory_space<vmem>>
      %dma_wait3A_234 = tpu.memref_squeeze %dma_wait3A_233 : memref<1x64xi32, #tpu.memory_space<vmem>> -> memref<64xi32, #tpu.memory_space<vmem>>
      %dma_wait3A_235 = arith.constant 0 : i32
      %dma_wait3A_236 = arith.constant 0 : i32
      %dma_wait3A_237 = tpu.memref_slice %arg4[%dma_wait3A_235, %dma_wait3A_236] : memref<10240x16xf32, #tpu.memory_space<hbm>> -> memref<10240x16xf32, #tpu.memory_space<hbm>>
      tpu.wait_indirect_dma semaphore(%arg25 : memref<!tpu.dma_semaphore, #tpu.memory_space<semaphore_mem>>) src(%dma_wait3A_237 : memref<10240x16xf32, #tpu.memory_space<hbm>>) dst(%arg15 : memref<64x16xf32, #tpu.memory_space<vmem>>)
      %dma_wait3A_238 = arith.constant 0 : i32
      %dma_wait3A_239 = arith.constant 0 : i32
      %dma_wait3A_240 = tpu.memref_slice %arg9[%dma_wait3A_238, %dma_wait3A_239] : memref<2x64xi32, #tpu.memory_space<vmem>> -> memref<1x64xi32, #tpu.memory_space<vmem>>
      %dma_wait3A_241 = tpu.memref_squeeze %dma_wait3A_240 : memref<1x64xi32, #tpu.memory_space<vmem>> -> memref<64xi32, #tpu.memory_space<vmem>>
      %dma_wait3A_242 = arith.constant 0 : i32
      %dma_wait3A_243 = arith.constant 0 : i32
      %dma_wait3A_244 = tpu.memref_slice %arg2[%dma_wait3A_242, %dma_wait3A_243] : memref<10240x128xf32, #tpu.memory_space<hbm>> -> memref<10240x128xf32, #tpu.memory_space<hbm>>
      tpu.wait_indirect_dma semaphore(%arg25 : memref<!tpu.dma_semaphore, #tpu.memory_space<semaphore_mem>>) src(%dma_wait3A_244 : memref<10240x128xf32, #tpu.memory_space<hbm>>) dst(%arg17 : memref<64x128xf32, #tpu.memory_space<vmem>>)
      %add3A_245 = arith.constant 1 : i32
      %add3A_246 = arith.addi %add3A_223, %add3A_245 : i32
      %lt3A_247 = arith.constant 168 : i32
      %lt3A_248 = arith.cmpi slt, %add3A_246, %lt3A_247 : i32
      %convert_element_type3A_249 = arith.extui %lt3A_248 : i1 to i32
      %cond3A_250 = arith.constant 0 : i32
      %cond3A_251 = arith.cmpi ne, %convert_element_type3A_249, %cond3A_250 : i32
      scf.if %cond3A_251 {
        %ge3A = arith.constant 1 : i32
        %ge3A_376 = arith.cmpi sge, %add3A_223, %ge3A : i32
        %convert_element_type3A_377 = arith.extui %ge3A_376 : i1 to i32
        %cond3A_378 = arith.constant 0 : i32
        %cond3A_379 = arith.cmpi ne, %convert_element_type3A_377, %cond3A_378 : i32
        scf.if %cond3A_379 {
          %dma_wait3A_416 = arith.constant 1 : i32
          %dma_wait3A_417 = arith.constant 0 : i32
          %dma_wait3A_418 = tpu.memref_slice %arg8[%dma_wait3A_416, %dma_wait3A_417] : memref<2x64xi32, #tpu.memory_space<vmem>> -> memref<1x64xi32, #tpu.memory_space<vmem>>
          %dma_wait3A_419 = tpu.memref_squeeze %dma_wait3A_418 : memref<1x64xi32, #tpu.memory_space<vmem>> -> memref<64xi32, #tpu.memory_space<vmem>>
          %dma_wait3A_420 = arith.constant 0 : i32
          %dma_wait3A_421 = arith.constant 0 : i32
          %dma_wait3A_422 = tpu.memref_slice %arg22[%dma_wait3A_420, %dma_wait3A_421] : memref<10240x128xf32, #tpu.memory_space<vmem_shared>> -> memref<10240x128xf32, #tpu.memory_space<vmem_shared>>
          tpu.wait_indirect_dma semaphore(%arg26 : memref<!tpu.dma_semaphore, #tpu.memory_space<semaphore_mem>>) src(%arg16 : memref<64x128xf32, #tpu.memory_space<vmem>>) dst(%dma_wait3A_422 : memref<10240x128xf32, #tpu.memory_space<vmem_shared>>)
          %dma_wait3A_423 = arith.constant 1 : i32
          %dma_wait3A_424 = arith.constant 0 : i32
          %dma_wait3A_425 = tpu.memref_slice %arg8[%dma_wait3A_423, %dma_wait3A_424] : memref<2x64xi32, #tpu.memory_space<vmem>> -> memref<1x64xi32, #tpu.memory_space<vmem>>
          %dma_wait3A_426 = tpu.memref_squeeze %dma_wait3A_425 : memref<1x64xi32, #tpu.memory_space<vmem>> -> memref<64xi32, #tpu.memory_space<vmem>>
          %dma_wait3A_427 = arith.constant 0 : i32
          %dma_wait3A_428 = arith.constant 0 : i32
          %dma_wait3A_429 = tpu.memref_slice %arg23[%dma_wait3A_427, %dma_wait3A_428] : memref<10240x16xf32, #tpu.memory_space<vmem_shared>> -> memref<10240x16xf32, #tpu.memory_space<vmem_shared>>
          tpu.wait_indirect_dma semaphore(%arg26 : memref<!tpu.dma_semaphore, #tpu.memory_space<semaphore_mem>>) src(%arg18 : memref<64x16xf32, #tpu.memory_space<vmem>>) dst(%dma_wait3A_429 : memref<10240x16xf32, #tpu.memory_space<vmem_shared>>)
        } else {
        }
        %add3A_380 = arith.constant 2 : i32
        %add3A_381 = arith.addi %add3A_223, %add3A_380 : i32
        %lt3A_382 = arith.constant 168 : i32
        %lt3A_383 = arith.cmpi slt, %add3A_381, %lt3A_382 : i32
        %convert_element_type3A_384 = arith.extui %lt3A_383 : i1 to i32
        %cond3A_385 = arith.constant 0 : i32
        %cond3A_386 = arith.cmpi ne, %convert_element_type3A_384, %cond3A_385 : i32
        scf.if %cond3A_386 {
          %add3A_416 = arith.constant 2 : i32
          %add3A_417 = arith.addi %add3A_223, %add3A_416 : i32
          %add3A_418 = arith.addi %mul3A_2, %add3A_417 : i32
          %dma_start3A_419 = arith.constant 0 : i32
          %dma_start3A_420 = arith.constant 0 : i32
          %dma_start3A_421 = tpu.memref_slice %arg5[%add3A_418, %dma_start3A_419, %dma_start3A_420] : memref<5376x2x64xi32, #tpu.memory_space<hbm>> -> memref<1x2x64xi32, #tpu.memory_space<hbm>>
          %dma_start3A_422 = tpu.memref_squeeze %dma_start3A_421 : memref<1x2x64xi32, #tpu.memory_space<hbm>> -> memref<2x64xi32, #tpu.memory_space<hbm>>
          %dma_start3A_423 = arith.constant 0 : i32
          %dma_start3A_424 = arith.constant 0 : i32
          %dma_start3A_425 = tpu.memref_slice %arg5[%add3A_418, %dma_start3A_423, %dma_start3A_424] : memref<5376x2x64xi32, #tpu.memory_space<hbm>> -> memref<1x2x64xi32, #tpu.memory_space<hbm>>
          %dma_start3A_426 = tpu.memref_squeeze %dma_start3A_425 : memref<1x2x64xi32, #tpu.memory_space<hbm>> -> memref<2x64xi32, #tpu.memory_space<hbm>>
          tpu.enqueue_dma source(%dma_start3A_426 : memref<2x64xi32, #tpu.memory_space<hbm>>) target(%arg11 : memref<2x64xi32, #tpu.memory_space<vmem>>) target_semaphore(%arg31 : memref<!tpu.dma_semaphore, #tpu.memory_space<semaphore_mem>>)
        } else {
        }
        %dma_wait3A_387 = arith.constant 0 : i32
        %dma_wait3A_388 = arith.constant 0 : i32
        %dma_wait3A_389 = tpu.memref_slice %arg5[%mul3A_2, %dma_wait3A_387, %dma_wait3A_388] : memref<5376x2x64xi32, #tpu.memory_space<hbm>> -> memref<1x2x64xi32, #tpu.memory_space<hbm>>
        %dma_wait3A_390 = tpu.memref_squeeze %dma_wait3A_389 : memref<1x2x64xi32, #tpu.memory_space<hbm>> -> memref<2x64xi32, #tpu.memory_space<hbm>>
        %dma_wait3A_391 = arith.constant 0 : i32
        %dma_wait3A_392 = arith.constant 0 : i32
        %dma_wait3A_393 = tpu.memref_slice %arg5[%mul3A_2, %dma_wait3A_391, %dma_wait3A_392] : memref<5376x2x64xi32, #tpu.memory_space<hbm>> -> memref<1x2x64xi32, #tpu.memory_space<hbm>>
        %dma_wait3A_394 = tpu.memref_squeeze %dma_wait3A_393 : memref<1x2x64xi32, #tpu.memory_space<hbm>> -> memref<2x64xi32, #tpu.memory_space<hbm>>
        tpu.wait_dma2 semaphore(%arg30 : memref<!tpu.dma_semaphore, #tpu.memory_space<semaphore_mem>>) src(%dma_wait3A_394 : memref<2x64xi32, #tpu.memory_space<hbm>>) dst(%arg10 : memref<2x64xi32, #tpu.memory_space<vmem>>)
        %dma_start3A_395 = arith.constant 0 : i32
        %dma_start3A_396 = arith.constant 0 : i32
        %dma_start3A_397 = tpu.memref_slice %arg10[%dma_start3A_395, %dma_start3A_396] : memref<2x64xi32, #tpu.memory_space<vmem>> -> memref<1x64xi32, #tpu.memory_space<vmem>>
        %dma_start3A_398 = tpu.memref_squeeze %dma_start3A_397 : memref<1x64xi32, #tpu.memory_space<vmem>> -> memref<64xi32, #tpu.memory_space<vmem>>
        %dma_start3A_399 = arith.constant 0 : i32
        %dma_start3A_400 = arith.constant 0 : i32
        %dma_start3A_401 = tpu.memref_slice %arg3[%dma_start3A_399, %dma_start3A_400] : memref<10240x16xf32, #tpu.memory_space<hbm>> -> memref<10240x16xf32, #tpu.memory_space<hbm>>
        tpu.enqueue_indirect_dma source(%dma_start3A_401 : memref<10240x16xf32, #tpu.memory_space<hbm>>) target(%arg12 : memref<64x16xf32, #tpu.memory_space<vmem>>) offsets(%dma_start3A_398 : memref<64xi32, #tpu.memory_space<vmem>>) semaphore(%arg24 : memref<!tpu.dma_semaphore, #tpu.memory_space<semaphore_mem>>)
        %dma_start3A_402 = arith.constant 1 : i32
        %dma_start3A_403 = arith.constant 0 : i32
        %dma_start3A_404 = tpu.memref_slice %arg10[%dma_start3A_402, %dma_start3A_403] : memref<2x64xi32, #tpu.memory_space<vmem>> -> memref<1x64xi32, #tpu.memory_space<vmem>>
        %dma_start3A_405 = tpu.memref_squeeze %dma_start3A_404 : memref<1x64xi32, #tpu.memory_space<vmem>> -> memref<64xi32, #tpu.memory_space<vmem>>
        %dma_start3A_406 = arith.constant 0 : i32
        %dma_start3A_407 = arith.constant 0 : i32
        %dma_start3A_408 = tpu.memref_slice %arg4[%dma_start3A_406, %dma_start3A_407] : memref<10240x16xf32, #tpu.memory_space<hbm>> -> memref<10240x16xf32, #tpu.memory_space<hbm>>
        tpu.enqueue_indirect_dma source(%dma_start3A_408 : memref<10240x16xf32, #tpu.memory_space<hbm>>) target(%arg14 : memref<64x16xf32, #tpu.memory_space<vmem>>) offsets(%dma_start3A_405 : memref<64xi32, #tpu.memory_space<vmem>>) semaphore(%arg24 : memref<!tpu.dma_semaphore, #tpu.memory_space<semaphore_mem>>)
        %dma_start3A_409 = arith.constant 0 : i32
        %dma_start3A_410 = arith.constant 0 : i32
        %dma_start3A_411 = tpu.memref_slice %arg10[%dma_start3A_409, %dma_start3A_410] : memref<2x64xi32, #tpu.memory_space<vmem>> -> memref<1x64xi32, #tpu.memory_space<vmem>>
        %dma_start3A_412 = tpu.memref_squeeze %dma_start3A_411 : memref<1x64xi32, #tpu.memory_space<vmem>> -> memref<64xi32, #tpu.memory_space<vmem>>
        %dma_start3A_413 = arith.constant 0 : i32
        %dma_start3A_414 = arith.constant 0 : i32
        %dma_start3A_415 = tpu.memref_slice %arg2[%dma_start3A_413, %dma_start3A_414] : memref<10240x128xf32, #tpu.memory_space<hbm>> -> memref<10240x128xf32, #tpu.memory_space<hbm>>
        tpu.enqueue_indirect_dma source(%dma_start3A_415 : memref<10240x128xf32, #tpu.memory_space<hbm>>) target(%arg16 : memref<64x128xf32, #tpu.memory_space<vmem>>) offsets(%dma_start3A_412 : memref<64xi32, #tpu.memory_space<vmem>>) semaphore(%arg24 : memref<!tpu.dma_semaphore, #tpu.memory_space<semaphore_mem>>)
      } else {
      }
      %scan3A_252 = arith.constant 0 : i32
      %scan3A_253 = arith.constant 0 : i32
      %scan3A_254 = arith.constant 64 : i32
      %scan3A_255 = arith.addi %scan3A_253, %scan3A_254 : i32
      %scan3A_256 = arith.constant 1 : i32
      scf.for %scan3A_376 = %scan3A_253 to %scan3A_255 step %scan3A_256  : i32 {
        %get3A = arith.index_cast %scan3A_376 : i32 to index
        %get3A_377 = arith.constant 0 : index
        %get3A_378 = tpu.vector_load %arg13[%get3A, %get3A_377] {strides = array<i32>} : memref<64x16xf32, #tpu.memory_space<vmem>>, vector<1x16xf32>,
        %get3A_379 = vector.shape_cast %get3A_378 : vector<1x16xf32> to vector<16xf32>
        %get3A_380 = arith.index_cast %scan3A_376 : i32 to index
        %get3A_381 = arith.constant 0 : index
        %get3A_382 = tpu.vector_load %arg15[%get3A_380, %get3A_381] {strides = array<i32>} : memref<64x16xf32, #tpu.memory_space<vmem>>, vector<1x16xf32>,
        %get3A_383 = vector.shape_cast %get3A_382 : vector<1x16xf32> to vector<16xf32>
        %add3A_384 = arith.addf %get3A_379, %get3A_383 : vector<16xf32>
        %ge3A = arith.constant 0.000000e+00 : f32
        %ge3A_385 = vector.broadcast %ge3A : f32 to vector<16xf32>
        %ge3A_386 = arith.cmpf oge, %add3A_384, %ge3A_385 : vector<16xf32>
        %mul3A_387 = arith.constant 2.000000e-01 : f32
        %mul3A_388 = vector.broadcast %mul3A_387 : f32 to vector<16xf32>
        %mul3A_389 = arith.mulf %mul3A_388, %add3A_384 : vector<16xf32>
        %select_n3A = arith.select %ge3A_386, %add3A_384, %mul3A_389 : vector<16xi1>, vector<16xf32>
        %exp3A = math.exp %select_n3A : vector<16xf32>
        %swap3A = arith.index_cast %scan3A_376 : i32 to index
        %swap3A_390 = arith.constant 0 : index
        %swap3A_391 = tpu.vector_load %arg19[%swap3A, %swap3A_390] {strides = array<i32>} : memref<64x16xf32, #tpu.memory_space<vmem>>, vector<1x16xf32>,
        %swap3A_392 = vector.shape_cast %swap3A_391 : vector<1x16xf32> to vector<16xf32>
        %swap3A_393 = vector.shape_cast %exp3A : vector<16xf32> to vector<1x16xf32>
        tpu.vector_store %arg19[%swap3A, %swap3A_390], %swap3A_393 {strides = array<i32>} : memref<64x16xf32, #tpu.memory_space<vmem>>, vector<1x16xf32>,
        %slice3A = vector.extract_strided_slice %exp3A {offsets = [0], sizes = [1], strides = [1]} : vector<16xf32> to vector<1xf32>
        %squeeze3A = vector.extract %slice3A[0] : f32 from vector<1xf32>
        %get3A_394 = arith.index_cast %scan3A_376 : i32 to index
        %get3A_395 = arith.constant 0 : index
        %get3A_396 = tpu.vector_load %arg17[%get3A_394, %get3A_395] {strides = array<i32>} : memref<64x128xf32, #tpu.memory_space<vmem>>, vector<1x16xf32>,
        %get3A_397 = vector.shape_cast %get3A_396 : vector<1x16xf32> to vector<16xf32>
        %mul3A_398 = vector.broadcast %squeeze3A : f32 to vector<16xf32>
        %mul3A_399 = arith.mulf %get3A_397, %mul3A_398 : vector<16xf32>
        %swap3A_400 = arith.index_cast %scan3A_376 : i32 to index
        %swap3A_401 = arith.constant 0 : index
        %swap3A_402 = tpu.vector_load %arg17[%swap3A_400, %swap3A_401] {strides = array<i32>} : memref<64x128xf32, #tpu.memory_space<vmem>>, vector<1x16xf32>,
        %swap3A_403 = vector.shape_cast %swap3A_402 : vector<1x16xf32> to vector<16xf32>
        %swap3A_404 = vector.shape_cast %mul3A_399 : vector<16xf32> to vector<1x16xf32>
        tpu.vector_store %arg17[%swap3A_400, %swap3A_401], %swap3A_404 {strides = array<i32>} : memref<64x128xf32, #tpu.memory_space<vmem>>, vector<1x16xf32>,
        %get3A_405 = arith.index_cast %scan3A_376 : i32 to index
        %get3A_406 = arith.constant 16 : index
        %get3A_407 = tpu.vector_load %arg17[%get3A_405, %get3A_406] {strides = array<i32>} : memref<64x128xf32, #tpu.memory_space<vmem>>, vector<1x16xf32>,
        %get3A_408 = vector.shape_cast %get3A_407 : vector<1x16xf32> to vector<16xf32>
        %mul3A_409 = vector.broadcast %squeeze3A : f32 to vector<16xf32>
        %mul3A_410 = arith.mulf %get3A_408, %mul3A_409 : vector<16xf32>
        %swap3A_411 = arith.index_cast %scan3A_376 : i32 to index
        %swap3A_412 = arith.constant 16 : index
        %swap3A_413 = tpu.vector_load %arg17[%swap3A_411, %swap3A_412] {strides = array<i32>} : memref<64x128xf32, #tpu.memory_space<vmem>>, vector<1x16xf32>,
        %swap3A_414 = vector.shape_cast %swap3A_413 : vector<1x16xf32> to vector<16xf32>
        %swap3A_415 = vector.shape_cast %mul3A_410 : vector<16xf32> to vector<1x16xf32>
        tpu.vector_store %arg17[%swap3A_411, %swap3A_412], %swap3A_415 {strides = array<i32>} : memref<64x128xf32, #tpu.memory_space<vmem>>, vector<1x16xf32>,
        %slice3A_416 = vector.extract_strided_slice %exp3A {offsets = [1], sizes = [1], strides = [1]} : vector<16xf32> to vector<1xf32>
        %squeeze3A_417 = vector.extract %slice3A_416[0] : f32 from vector<1xf32>
        %get3A_418 = arith.index_cast %scan3A_376 : i32 to index
        %get3A_419 = arith.constant 32 : index
        %get3A_420 = tpu.vector_load %arg17[%get3A_418, %get3A_419] {strides = array<i32>} : memref<64x128xf32, #tpu.memory_space<vmem>>, vector<1x16xf32>,
        %get3A_421 = vector.shape_cast %get3A_420 : vector<1x16xf32> to vector<16xf32>
        %mul3A_422 = vector.broadcast %squeeze3A_417 : f32 to vector<16xf32>
        %mul3A_423 = arith.mulf %get3A_421, %mul3A_422 : vector<16xf32>
        %swap3A_424 = arith.index_cast %scan3A_376 : i32 to index
        %swap3A_425 = arith.constant 32 : index
        %swap3A_426 = tpu.vector_load %arg17[%swap3A_424, %swap3A_425] {strides = array<i32>} : memref<64x128xf32, #tpu.memory_space<vmem>>, vector<1x16xf32>,
        %swap3A_427 = vector.shape_cast %swap3A_426 : vector<1x16xf32> to vector<16xf32>
        %swap3A_428 = vector.shape_cast %mul3A_423 : vector<16xf32> to vector<1x16xf32>
        tpu.vector_store %arg17[%swap3A_424, %swap3A_425], %swap3A_428 {strides = array<i32>} : memref<64x128xf32, #tpu.memory_space<vmem>>, vector<1x16xf32>,
        %get3A_429 = arith.index_cast %scan3A_376 : i32 to index
        %get3A_430 = arith.constant 48 : index
        %get3A_431 = tpu.vector_load %arg17[%get3A_429, %get3A_430] {strides = array<i32>} : memref<64x128xf32, #tpu.memory_space<vmem>>, vector<1x16xf32>,
        %get3A_432 = vector.shape_cast %get3A_431 : vector<1x16xf32> to vector<16xf32>
        %mul3A_433 = vector.broadcast %squeeze3A_417 : f32 to vector<16xf32>
        %mul3A_434 = arith.mulf %get3A_432, %mul3A_433 : vector<16xf32>
        %swap3A_435 = arith.index_cast %scan3A_376 : i32 to index
        %swap3A_436 = arith.constant 48 : index
        %swap3A_437 = tpu.vector_load %arg17[%swap3A_435, %swap3A_436] {strides = array<i32>} : memref<64x128xf32, #tpu.memory_space<vmem>>, vector<1x16xf32>,
        %swap3A_438 = vector.shape_cast %swap3A_437 : vector<1x16xf32> to vector<16xf32>
        %swap3A_439 = vector.shape_cast %mul3A_434 : vector<16xf32> to vector<1x16xf32>
        tpu.vector_store %arg17[%swap3A_435, %swap3A_436], %swap3A_439 {strides = array<i32>} : memref<64x128xf32, #tpu.memory_space<vmem>>, vector<1x16xf32>,
        %slice3A_440 = vector.extract_strided_slice %exp3A {offsets = [2], sizes = [1], strides = [1]} : vector<16xf32> to vector<1xf32>
        %squeeze3A_441 = vector.extract %slice3A_440[0] : f32 from vector<1xf32>
        %get3A_442 = arith.index_cast %scan3A_376 : i32 to index
        %get3A_443 = arith.constant 64 : index
        %get3A_444 = tpu.vector_load %arg17[%get3A_442, %get3A_443] {strides = array<i32>} : memref<64x128xf32, #tpu.memory_space<vmem>>, vector<1x16xf32>,
        %get3A_445 = vector.shape_cast %get3A_444 : vector<1x16xf32> to vector<16xf32>
        %mul3A_446 = vector.broadcast %squeeze3A_441 : f32 to vector<16xf32>
        %mul3A_447 = arith.mulf %get3A_445, %mul3A_446 : vector<16xf32>
        %swap3A_448 = arith.index_cast %scan3A_376 : i32 to index
        %swap3A_449 = arith.constant 64 : index
        %swap3A_450 = tpu.vector_load %arg17[%swap3A_448, %swap3A_449] {strides = array<i32>} : memref<64x128xf32, #tpu.memory_space<vmem>>, vector<1x16xf32>,
        %swap3A_451 = vector.shape_cast %swap3A_450 : vector<1x16xf32> to vector<16xf32>
        %swap3A_452 = vector.shape_cast %mul3A_447 : vector<16xf32> to vector<1x16xf32>
        tpu.vector_store %arg17[%swap3A_448, %swap3A_449], %swap3A_452 {strides = array<i32>} : memref<64x128xf32, #tpu.memory_space<vmem>>, vector<1x16xf32>,
        %get3A_453 = arith.index_cast %scan3A_376 : i32 to index
        %get3A_454 = arith.constant 80 : index
        %get3A_455 = tpu.vector_load %arg17[%get3A_453, %get3A_454] {strides = array<i32>} : memref<64x128xf32, #tpu.memory_space<vmem>>, vector<1x16xf32>,
        %get3A_456 = vector.shape_cast %get3A_455 : vector<1x16xf32> to vector<16xf32>
        %mul3A_457 = vector.broadcast %squeeze3A_441 : f32 to vector<16xf32>
        %mul3A_458 = arith.mulf %get3A_456, %mul3A_457 : vector<16xf32>
        %swap3A_459 = arith.index_cast %scan3A_376 : i32 to index
        %swap3A_460 = arith.constant 80 : index
        %swap3A_461 = tpu.vector_load %arg17[%swap3A_459, %swap3A_460] {strides = array<i32>} : memref<64x128xf32, #tpu.memory_space<vmem>>, vector<1x16xf32>,
        %swap3A_462 = vector.shape_cast %swap3A_461 : vector<1x16xf32> to vector<16xf32>
        %swap3A_463 = vector.shape_cast %mul3A_458 : vector<16xf32> to vector<1x16xf32>
        tpu.vector_store %arg17[%swap3A_459, %swap3A_460], %swap3A_463 {strides = array<i32>} : memref<64x128xf32, #tpu.memory_space<vmem>>, vector<1x16xf32>,
        %slice3A_464 = vector.extract_strided_slice %exp3A {offsets = [3], sizes = [1], strides = [1]} : vector<16xf32> to vector<1xf32>
        %squeeze3A_465 = vector.extract %slice3A_464[0] : f32 from vector<1xf32>
        %get3A_466 = arith.index_cast %scan3A_376 : i32 to index
        %get3A_467 = arith.constant 96 : index
        %get3A_468 = tpu.vector_load %arg17[%get3A_466, %get3A_467] {strides = array<i32>} : memref<64x128xf32, #tpu.memory_space<vmem>>, vector<1x16xf32>,
        %get3A_469 = vector.shape_cast %get3A_468 : vector<1x16xf32> to vector<16xf32>
        %mul3A_470 = vector.broadcast %squeeze3A_465 : f32 to vector<16xf32>
        %mul3A_471 = arith.mulf %get3A_469, %mul3A_470 : vector<16xf32>
        %swap3A_472 = arith.index_cast %scan3A_376 : i32 to index
        %swap3A_473 = arith.constant 96 : index
        %swap3A_474 = tpu.vector_load %arg17[%swap3A_472, %swap3A_473] {strides = array<i32>} : memref<64x128xf32, #tpu.memory_space<vmem>>, vector<1x16xf32>,
        %swap3A_475 = vector.shape_cast %swap3A_474 : vector<1x16xf32> to vector<16xf32>
        %swap3A_476 = vector.shape_cast %mul3A_471 : vector<16xf32> to vector<1x16xf32>
        tpu.vector_store %arg17[%swap3A_472, %swap3A_473], %swap3A_476 {strides = array<i32>} : memref<64x128xf32, #tpu.memory_space<vmem>>, vector<1x16xf32>,
        %get3A_477 = arith.index_cast %scan3A_376 : i32 to index
        %get3A_478 = arith.constant 112 : index
        %get3A_479 = tpu.vector_load %arg17[%get3A_477, %get3A_478] {strides = array<i32>} : memref<64x128xf32, #tpu.memory_space<vmem>>, vector<1x16xf32>,
        %get3A_480 = vector.shape_cast %get3A_479 : vector<1x16xf32> to vector<16xf32>
        %mul3A_481 = vector.broadcast %squeeze3A_465 : f32 to vector<16xf32>
        %mul3A_482 = arith.mulf %get3A_480, %mul3A_481 : vector<16xf32>
        %swap3A_483 = arith.index_cast %scan3A_376 : i32 to index
        %swap3A_484 = arith.constant 112 : index
        %swap3A_485 = tpu.vector_load %arg17[%swap3A_483, %swap3A_484] {strides = array<i32>} : memref<64x128xf32, #tpu.memory_space<vmem>>, vector<1x16xf32>,
        %swap3A_486 = vector.shape_cast %swap3A_485 : vector<1x16xf32> to vector<16xf32>
        %swap3A_487 = vector.shape_cast %mul3A_482 : vector<16xf32> to vector<1x16xf32>
        tpu.vector_store %arg17[%swap3A_483, %swap3A_484], %swap3A_487 {strides = array<i32>} : memref<64x128xf32, #tpu.memory_space<vmem>>, vector<1x16xf32>,
      }
      %scan3A_257 = arith.constant 64 : i32
      %dma_start3A_258 = arith.constant 1 : i32
      %dma_start3A_259 = arith.constant 0 : i32
      %dma_start3A_260 = tpu.memref_slice %arg9[%dma_start3A_258, %dma_start3A_259] : memref<2x64xi32, #tpu.memory_space<vmem>> -> memref<1x64xi32, #tpu.memory_space<vmem>>
      %dma_start3A_261 = tpu.memref_squeeze %dma_start3A_260 : memref<1x64xi32, #tpu.memory_space<vmem>> -> memref<64xi32, #tpu.memory_space<vmem>>
      %dma_start3A_262 = arith.constant 0 : i32
      %dma_start3A_263 = arith.constant 0 : i32
      %dma_start3A_264 = tpu.memref_slice %arg22[%dma_start3A_262, %dma_start3A_263] : memref<10240x128xf32, #tpu.memory_space<vmem_shared>> -> memref<10240x128xf32, #tpu.memory_space<vmem_shared>>
      tpu.enqueue_indirect_dma source(%arg17 : memref<64x128xf32, #tpu.memory_space<vmem>>) target(%dma_start3A_264 : memref<10240x128xf32, #tpu.memory_space<vmem_shared>>) offsets(%dma_start3A_261 : memref<64xi32, #tpu.memory_space<vmem>>) semaphore(%arg27 : memref<!tpu.dma_semaphore, #tpu.memory_space<semaphore_mem>>) {add = true}
      %dma_start3A_265 = arith.constant 1 : i32
      %dma_start3A_266 = arith.constant 0 : i32
      %dma_start3A_267 = tpu.memref_slice %arg9[%dma_start3A_265, %dma_start3A_266] : memref<2x64xi32, #tpu.memory_space<vmem>> -> memref<1x64xi32, #tpu.memory_space<vmem>>
      %dma_start3A_268 = tpu.memref_squeeze %dma_start3A_267 : memref<1x64xi32, #tpu.memory_space<vmem>> -> memref<64xi32, #tpu.memory_space<vmem>>
      %dma_start3A_269 = arith.constant 0 : i32
      %dma_start3A_270 = arith.constant 0 : i32
      %dma_start3A_271 = tpu.memref_slice %arg23[%dma_start3A_269, %dma_start3A_270] : memref<10240x16xf32, #tpu.memory_space<vmem_shared>> -> memref<10240x16xf32, #tpu.memory_space<vmem_shared>>
      tpu.enqueue_indirect_dma source(%arg19 : memref<64x16xf32, #tpu.memory_space<vmem>>) target(%dma_start3A_271 : memref<10240x16xf32, #tpu.memory_space<vmem_shared>>) offsets(%dma_start3A_268 : memref<64xi32, #tpu.memory_space<vmem>>) semaphore(%arg27 : memref<!tpu.dma_semaphore, #tpu.memory_space<semaphore_mem>>) {add = true}
      %mul3A_272 = arith.constant 4 : i32
      %mul3A_273 = arith.muli %scan3A_170, %mul3A_272 : i32
      %add3A_274 = arith.constant 2 : i32
      %add3A_275 = arith.addi %mul3A_273, %add3A_274 : i32
      %dma_wait3A_276 = arith.constant 0 : i32
      %dma_wait3A_277 = arith.constant 0 : i32
      %dma_wait3A_278 = tpu.memref_slice %arg10[%dma_wait3A_276, %dma_wait3A_277] : memref<2x64xi32, #tpu.memory_space<vmem>> -> memref<1x64xi32, #tpu.memory_space<vmem>>
      %dma_wait3A_279 = tpu.memref_squeeze %dma_wait3A_278 : memref<1x64xi32, #tpu.memory_space<vmem>> -> memref<64xi32, #tpu.memory_space<vmem>>
      %dma_wait3A_280 = arith.constant 0 : i32
      %dma_wait3A_281 = arith.constant 0 : i32
      %dma_wait3A_282 = tpu.memref_slice %arg3[%dma_wait3A_280, %dma_wait3A_281] : memref<10240x16xf32, #tpu.memory_space<hbm>> -> memref<10240x16xf32, #tpu.memory_space<hbm>>
      tpu.wait_indirect_dma semaphore(%arg24 : memref<!tpu.dma_semaphore, #tpu.memory_space<semaphore_mem>>) src(%dma_wait3A_282 : memref<10240x16xf32, #tpu.memory_space<hbm>>) dst(%arg12 : memref<64x16xf32, #tpu.memory_space<vmem>>)
      %dma_wait3A_283 = arith.constant 1 : i32
      %dma_wait3A_284 = arith.constant 0 : i32
      %dma_wait3A_285 = tpu.memref_slice %arg10[%dma_wait3A_283, %dma_wait3A_284] : memref<2x64xi32, #tpu.memory_space<vmem>> -> memref<1x64xi32, #tpu.memory_space<vmem>>
      %dma_wait3A_286 = tpu.memref_squeeze %dma_wait3A_285 : memref<1x64xi32, #tpu.memory_space<vmem>> -> memref<64xi32, #tpu.memory_space<vmem>>
      %dma_wait3A_287 = arith.constant 0 : i32
      %dma_wait3A_288 = arith.constant 0 : i32
      %dma_wait3A_289 = tpu.memref_slice %arg4[%dma_wait3A_287, %dma_wait3A_288] : memref<10240x16xf32, #tpu.memory_space<hbm>> -> memref<10240x16xf32, #tpu.memory_space<hbm>>
      tpu.wait_indirect_dma semaphore(%arg24 : memref<!tpu.dma_semaphore, #tpu.memory_space<semaphore_mem>>) src(%dma_wait3A_289 : memref<10240x16xf32, #tpu.memory_space<hbm>>) dst(%arg14 : memref<64x16xf32, #tpu.memory_space<vmem>>)
      %dma_wait3A_290 = arith.constant 0 : i32
      %dma_wait3A_291 = arith.constant 0 : i32
      %dma_wait3A_292 = tpu.memref_slice %arg10[%dma_wait3A_290, %dma_wait3A_291] : memref<2x64xi32, #tpu.memory_space<vmem>> -> memref<1x64xi32, #tpu.memory_space<vmem>>
      %dma_wait3A_293 = tpu.memref_squeeze %dma_wait3A_292 : memref<1x64xi32, #tpu.memory_space<vmem>> -> memref<64xi32, #tpu.memory_space<vmem>>
      %dma_wait3A_294 = arith.constant 0 : i32
      %dma_wait3A_295 = arith.constant 0 : i32
      %dma_wait3A_296 = tpu.memref_slice %arg2[%dma_wait3A_294, %dma_wait3A_295] : memref<10240x128xf32, #tpu.memory_space<hbm>> -> memref<10240x128xf32, #tpu.memory_space<hbm>>
      tpu.wait_indirect_dma semaphore(%arg24 : memref<!tpu.dma_semaphore, #tpu.memory_space<semaphore_mem>>) src(%dma_wait3A_296 : memref<10240x128xf32, #tpu.memory_space<hbm>>) dst(%arg16 : memref<64x128xf32, #tpu.memory_space<vmem>>)
      %add3A_297 = arith.constant 1 : i32
      %add3A_298 = arith.addi %add3A_275, %add3A_297 : i32
      %lt3A_299 = arith.constant 168 : i32
      %lt3A_300 = arith.cmpi slt, %add3A_298, %lt3A_299 : i32
      %convert_element_type3A_301 = arith.extui %lt3A_300 : i1 to i32
      %cond3A_302 = arith.constant 0 : i32
      %cond3A_303 = arith.cmpi ne, %convert_element_type3A_301, %cond3A_302 : i32
      scf.if %cond3A_303 {
        %ge3A = arith.constant 1 : i32
        %ge3A_376 = arith.cmpi sge, %add3A_275, %ge3A : i32
        %convert_element_type3A_377 = arith.extui %ge3A_376 : i1 to i32
        %cond3A_378 = arith.constant 0 : i32
        %cond3A_379 = arith.cmpi ne, %convert_element_type3A_377, %cond3A_378 : i32
        scf.if %cond3A_379 {
          %dma_wait3A_416 = arith.constant 1 : i32
          %dma_wait3A_417 = arith.constant 0 : i32
          %dma_wait3A_418 = tpu.memref_slice %arg9[%dma_wait3A_416, %dma_wait3A_417] : memref<2x64xi32, #tpu.memory_space<vmem>> -> memref<1x64xi32, #tpu.memory_space<vmem>>
          %dma_wait3A_419 = tpu.memref_squeeze %dma_wait3A_418 : memref<1x64xi32, #tpu.memory_space<vmem>> -> memref<64xi32, #tpu.memory_space<vmem>>
          %dma_wait3A_420 = arith.constant 0 : i32
          %dma_wait3A_421 = arith.constant 0 : i32
          %dma_wait3A_422 = tpu.memref_slice %arg22[%dma_wait3A_420, %dma_wait3A_421] : memref<10240x128xf32, #tpu.memory_space<vmem_shared>> -> memref<10240x128xf32, #tpu.memory_space<vmem_shared>>
          tpu.wait_indirect_dma semaphore(%arg27 : memref<!tpu.dma_semaphore, #tpu.memory_space<semaphore_mem>>) src(%arg17 : memref<64x128xf32, #tpu.memory_space<vmem>>) dst(%dma_wait3A_422 : memref<10240x128xf32, #tpu.memory_space<vmem_shared>>)
          %dma_wait3A_423 = arith.constant 1 : i32
          %dma_wait3A_424 = arith.constant 0 : i32
          %dma_wait3A_425 = tpu.memref_slice %arg9[%dma_wait3A_423, %dma_wait3A_424] : memref<2x64xi32, #tpu.memory_space<vmem>> -> memref<1x64xi32, #tpu.memory_space<vmem>>
          %dma_wait3A_426 = tpu.memref_squeeze %dma_wait3A_425 : memref<1x64xi32, #tpu.memory_space<vmem>> -> memref<64xi32, #tpu.memory_space<vmem>>
          %dma_wait3A_427 = arith.constant 0 : i32
          %dma_wait3A_428 = arith.constant 0 : i32
          %dma_wait3A_429 = tpu.memref_slice %arg23[%dma_wait3A_427, %dma_wait3A_428] : memref<10240x16xf32, #tpu.memory_space<vmem_shared>> -> memref<10240x16xf32, #tpu.memory_space<vmem_shared>>
          tpu.wait_indirect_dma semaphore(%arg27 : memref<!tpu.dma_semaphore, #tpu.memory_space<semaphore_mem>>) src(%arg19 : memref<64x16xf32, #tpu.memory_space<vmem>>) dst(%dma_wait3A_429 : memref<10240x16xf32, #tpu.memory_space<vmem_shared>>)
        } else {
        }
        %add3A_380 = arith.constant 2 : i32
        %add3A_381 = arith.addi %add3A_275, %add3A_380 : i32
        %lt3A_382 = arith.constant 168 : i32
        %lt3A_383 = arith.cmpi slt, %add3A_381, %lt3A_382 : i32
        %convert_element_type3A_384 = arith.extui %lt3A_383 : i1 to i32
        %cond3A_385 = arith.constant 0 : i32
        %cond3A_386 = arith.cmpi ne, %convert_element_type3A_384, %cond3A_385 : i32
        scf.if %cond3A_386 {
          %add3A_416 = arith.constant 2 : i32
          %add3A_417 = arith.addi %add3A_275, %add3A_416 : i32
          %add3A_418 = arith.addi %mul3A_2, %add3A_417 : i32
          %dma_start3A_419 = arith.constant 0 : i32
          %dma_start3A_420 = arith.constant 0 : i32
          %dma_start3A_421 = tpu.memref_slice %arg5[%add3A_418, %dma_start3A_419, %dma_start3A_420] : memref<5376x2x64xi32, #tpu.memory_space<hbm>> -> memref<1x2x64xi32, #tpu.memory_space<hbm>>
          %dma_start3A_422 = tpu.memref_squeeze %dma_start3A_421 : memref<1x2x64xi32, #tpu.memory_space<hbm>> -> memref<2x64xi32, #tpu.memory_space<hbm>>
          %dma_start3A_423 = arith.constant 0 : i32
          %dma_start3A_424 = arith.constant 0 : i32
          %dma_start3A_425 = tpu.memref_slice %arg5[%add3A_418, %dma_start3A_423, %dma_start3A_424] : memref<5376x2x64xi32, #tpu.memory_space<hbm>> -> memref<1x2x64xi32, #tpu.memory_space<hbm>>
          %dma_start3A_426 = tpu.memref_squeeze %dma_start3A_425 : memref<1x2x64xi32, #tpu.memory_space<hbm>> -> memref<2x64xi32, #tpu.memory_space<hbm>>
          tpu.enqueue_dma source(%dma_start3A_426 : memref<2x64xi32, #tpu.memory_space<hbm>>) target(%arg8 : memref<2x64xi32, #tpu.memory_space<vmem>>) target_semaphore(%arg28 : memref<!tpu.dma_semaphore, #tpu.memory_space<semaphore_mem>>)
        } else {
        }
        %dma_wait3A_387 = arith.constant 0 : i32
        %dma_wait3A_388 = arith.constant 0 : i32
        %dma_wait3A_389 = tpu.memref_slice %arg5[%mul3A_2, %dma_wait3A_387, %dma_wait3A_388] : memref<5376x2x64xi32, #tpu.memory_space<hbm>> -> memref<1x2x64xi32, #tpu.memory_space<hbm>>
        %dma_wait3A_390 = tpu.memref_squeeze %dma_wait3A_389 : memref<1x2x64xi32, #tpu.memory_space<hbm>> -> memref<2x64xi32, #tpu.memory_space<hbm>>
        %dma_wait3A_391 = arith.constant 0 : i32
        %dma_wait3A_392 = arith.constant 0 : i32
        %dma_wait3A_393 = tpu.memref_slice %arg5[%mul3A_2, %dma_wait3A_391, %dma_wait3A_392] : memref<5376x2x64xi32, #tpu.memory_space<hbm>> -> memref<1x2x64xi32, #tpu.memory_space<hbm>>
        %dma_wait3A_394 = tpu.memref_squeeze %dma_wait3A_393 : memref<1x2x64xi32, #tpu.memory_space<hbm>> -> memref<2x64xi32, #tpu.memory_space<hbm>>
        tpu.wait_dma2 semaphore(%arg31 : memref<!tpu.dma_semaphore, #tpu.memory_space<semaphore_mem>>) src(%dma_wait3A_394 : memref<2x64xi32, #tpu.memory_space<hbm>>) dst(%arg11 : memref<2x64xi32, #tpu.memory_space<vmem>>)
        %dma_start3A_395 = arith.constant 0 : i32
        %dma_start3A_396 = arith.constant 0 : i32
        %dma_start3A_397 = tpu.memref_slice %arg11[%dma_start3A_395, %dma_start3A_396] : memref<2x64xi32, #tpu.memory_space<vmem>> -> memref<1x64xi32, #tpu.memory_space<vmem>>
        %dma_start3A_398 = tpu.memref_squeeze %dma_start3A_397 : memref<1x64xi32, #tpu.memory_space<vmem>> -> memref<64xi32, #tpu.memory_space<vmem>>
        %dma_start3A_399 = arith.constant 0 : i32
        %dma_start3A_400 = arith.constant 0 : i32
        %dma_start3A_401 = tpu.memref_slice %arg3[%dma_start3A_399, %dma_start3A_400] : memref<10240x16xf32, #tpu.memory_space<hbm>> -> memref<10240x16xf32, #tpu.memory_space<hbm>>
        tpu.enqueue_indirect_dma source(%dma_start3A_401 : memref<10240x16xf32, #tpu.memory_space<hbm>>) target(%arg13 : memref<64x16xf32, #tpu.memory_space<vmem>>) offsets(%dma_start3A_398 : memref<64xi32, #tpu.memory_space<vmem>>) semaphore(%arg25 : memref<!tpu.dma_semaphore, #tpu.memory_space<semaphore_mem>>)
        %dma_start3A_402 = arith.constant 1 : i32
        %dma_start3A_403 = arith.constant 0 : i32
        %dma_start3A_404 = tpu.memref_slice %arg11[%dma_start3A_402, %dma_start3A_403] : memref<2x64xi32, #tpu.memory_space<vmem>> -> memref<1x64xi32, #tpu.memory_space<vmem>>
        %dma_start3A_405 = tpu.memref_squeeze %dma_start3A_404 : memref<1x64xi32, #tpu.memory_space<vmem>> -> memref<64xi32, #tpu.memory_space<vmem>>
        %dma_start3A_406 = arith.constant 0 : i32
        %dma_start3A_407 = arith.constant 0 : i32
        %dma_start3A_408 = tpu.memref_slice %arg4[%dma_start3A_406, %dma_start3A_407] : memref<10240x16xf32, #tpu.memory_space<hbm>> -> memref<10240x16xf32, #tpu.memory_space<hbm>>
        tpu.enqueue_indirect_dma source(%dma_start3A_408 : memref<10240x16xf32, #tpu.memory_space<hbm>>) target(%arg15 : memref<64x16xf32, #tpu.memory_space<vmem>>) offsets(%dma_start3A_405 : memref<64xi32, #tpu.memory_space<vmem>>) semaphore(%arg25 : memref<!tpu.dma_semaphore, #tpu.memory_space<semaphore_mem>>)
        %dma_start3A_409 = arith.constant 0 : i32
        %dma_start3A_410 = arith.constant 0 : i32
        %dma_start3A_411 = tpu.memref_slice %arg11[%dma_start3A_409, %dma_start3A_410] : memref<2x64xi32, #tpu.memory_space<vmem>> -> memref<1x64xi32, #tpu.memory_space<vmem>>
        %dma_start3A_412 = tpu.memref_squeeze %dma_start3A_411 : memref<1x64xi32, #tpu.memory_space<vmem>> -> memref<64xi32, #tpu.memory_space<vmem>>
        %dma_start3A_413 = arith.constant 0 : i32
        %dma_start3A_414 = arith.constant 0 : i32
        %dma_start3A_415 = tpu.memref_slice %arg2[%dma_start3A_413, %dma_start3A_414] : memref<10240x128xf32, #tpu.memory_space<hbm>> -> memref<10240x128xf32, #tpu.memory_space<hbm>>
        tpu.enqueue_indirect_dma source(%dma_start3A_415 : memref<10240x128xf32, #tpu.memory_space<hbm>>) target(%arg17 : memref<64x128xf32, #tpu.memory_space<vmem>>) offsets(%dma_start3A_412 : memref<64xi32, #tpu.memory_space<vmem>>) semaphore(%arg25 : memref<!tpu.dma_semaphore, #tpu.memory_space<semaphore_mem>>)
      } else {
      }
      %scan3A_304 = arith.constant 0 : i32
      %scan3A_305 = arith.constant 0 : i32
      %scan3A_306 = arith.constant 64 : i32
      %scan3A_307 = arith.addi %scan3A_305, %scan3A_306 : i32
      %scan3A_308 = arith.constant 1 : i32
      scf.for %scan3A_376 = %scan3A_305 to %scan3A_307 step %scan3A_308  : i32 {
        %get3A = arith.index_cast %scan3A_376 : i32 to index
        %get3A_377 = arith.constant 0 : index
        %get3A_378 = tpu.vector_load %arg12[%get3A, %get3A_377] {strides = array<i32>} : memref<64x16xf32, #tpu.memory_space<vmem>>, vector<1x16xf32>,
        %get3A_379 = vector.shape_cast %get3A_378 : vector<1x16xf32> to vector<16xf32>
        %get3A_380 = arith.index_cast %scan3A_376 : i32 to index
        %get3A_381 = arith.constant 0 : index
        %get3A_382 = tpu.vector_load %arg14[%get3A_380, %get3A_381] {strides = array<i32>} : memref<64x16xf32, #tpu.memory_space<vmem>>, vector<1x16xf32>,
        %get3A_383 = vector.shape_cast %get3A_382 : vector<1x16xf32> to vector<16xf32>
        %add3A_384 = arith.addf %get3A_379, %get3A_383 : vector<16xf32>
        %ge3A = arith.constant 0.000000e+00 : f32
        %ge3A_385 = vector.broadcast %ge3A : f32 to vector<16xf32>
        %ge3A_386 = arith.cmpf oge, %add3A_384, %ge3A_385 : vector<16xf32>
        %mul3A_387 = arith.constant 2.000000e-01 : f32
        %mul3A_388 = vector.broadcast %mul3A_387 : f32 to vector<16xf32>
        %mul3A_389 = arith.mulf %mul3A_388, %add3A_384 : vector<16xf32>
        %select_n3A = arith.select %ge3A_386, %add3A_384, %mul3A_389 : vector<16xi1>, vector<16xf32>
        %exp3A = math.exp %select_n3A : vector<16xf32>
        %swap3A = arith.index_cast %scan3A_376 : i32 to index
        %swap3A_390 = arith.constant 0 : index
        %swap3A_391 = tpu.vector_load %arg18[%swap3A, %swap3A_390] {strides = array<i32>} : memref<64x16xf32, #tpu.memory_space<vmem>>, vector<1x16xf32>,
        %swap3A_392 = vector.shape_cast %swap3A_391 : vector<1x16xf32> to vector<16xf32>
        %swap3A_393 = vector.shape_cast %exp3A : vector<16xf32> to vector<1x16xf32>
        tpu.vector_store %arg18[%swap3A, %swap3A_390], %swap3A_393 {strides = array<i32>} : memref<64x16xf32, #tpu.memory_space<vmem>>, vector<1x16xf32>,
        %slice3A = vector.extract_strided_slice %exp3A {offsets = [0], sizes = [1], strides = [1]} : vector<16xf32> to vector<1xf32>
        %squeeze3A = vector.extract %slice3A[0] : f32 from vector<1xf32>
        %get3A_394 = arith.index_cast %scan3A_376 : i32 to index
        %get3A_395 = arith.constant 0 : index
        %get3A_396 = tpu.vector_load %arg16[%get3A_394, %get3A_395] {strides = array<i32>} : memref<64x128xf32, #tpu.memory_space<vmem>>, vector<1x16xf32>,
        %get3A_397 = vector.shape_cast %get3A_396 : vector<1x16xf32> to vector<16xf32>
        %mul3A_398 = vector.broadcast %squeeze3A : f32 to vector<16xf32>
        %mul3A_399 = arith.mulf %get3A_397, %mul3A_398 : vector<16xf32>
        %swap3A_400 = arith.index_cast %scan3A_376 : i32 to index
        %swap3A_401 = arith.constant 0 : index
        %swap3A_402 = tpu.vector_load %arg16[%swap3A_400, %swap3A_401] {strides = array<i32>} : memref<64x128xf32, #tpu.memory_space<vmem>>, vector<1x16xf32>,
        %swap3A_403 = vector.shape_cast %swap3A_402 : vector<1x16xf32> to vector<16xf32>
        %swap3A_404 = vector.shape_cast %mul3A_399 : vector<16xf32> to vector<1x16xf32>
        tpu.vector_store %arg16[%swap3A_400, %swap3A_401], %swap3A_404 {strides = array<i32>} : memref<64x128xf32, #tpu.memory_space<vmem>>, vector<1x16xf32>,
        %get3A_405 = arith.index_cast %scan3A_376 : i32 to index
        %get3A_406 = arith.constant 16 : index
        %get3A_407 = tpu.vector_load %arg16[%get3A_405, %get3A_406] {strides = array<i32>} : memref<64x128xf32, #tpu.memory_space<vmem>>, vector<1x16xf32>,
        %get3A_408 = vector.shape_cast %get3A_407 : vector<1x16xf32> to vector<16xf32>
        %mul3A_409 = vector.broadcast %squeeze3A : f32 to vector<16xf32>
        %mul3A_410 = arith.mulf %get3A_408, %mul3A_409 : vector<16xf32>
        %swap3A_411 = arith.index_cast %scan3A_376 : i32 to index
        %swap3A_412 = arith.constant 16 : index
        %swap3A_413 = tpu.vector_load %arg16[%swap3A_411, %swap3A_412] {strides = array<i32>} : memref<64x128xf32, #tpu.memory_space<vmem>>, vector<1x16xf32>,
        %swap3A_414 = vector.shape_cast %swap3A_413 : vector<1x16xf32> to vector<16xf32>
        %swap3A_415 = vector.shape_cast %mul3A_410 : vector<16xf32> to vector<1x16xf32>
        tpu.vector_store %arg16[%swap3A_411, %swap3A_412], %swap3A_415 {strides = array<i32>} : memref<64x128xf32, #tpu.memory_space<vmem>>, vector<1x16xf32>,
        %slice3A_416 = vector.extract_strided_slice %exp3A {offsets = [1], sizes = [1], strides = [1]} : vector<16xf32> to vector<1xf32>
        %squeeze3A_417 = vector.extract %slice3A_416[0] : f32 from vector<1xf32>
        %get3A_418 = arith.index_cast %scan3A_376 : i32 to index
        %get3A_419 = arith.constant 32 : index
        %get3A_420 = tpu.vector_load %arg16[%get3A_418, %get3A_419] {strides = array<i32>} : memref<64x128xf32, #tpu.memory_space<vmem>>, vector<1x16xf32>,
        %get3A_421 = vector.shape_cast %get3A_420 : vector<1x16xf32> to vector<16xf32>
        %mul3A_422 = vector.broadcast %squeeze3A_417 : f32 to vector<16xf32>
        %mul3A_423 = arith.mulf %get3A_421, %mul3A_422 : vector<16xf32>
        %swap3A_424 = arith.index_cast %scan3A_376 : i32 to index
        %swap3A_425 = arith.constant 32 : index
        %swap3A_426 = tpu.vector_load %arg16[%swap3A_424, %swap3A_425] {strides = array<i32>} : memref<64x128xf32, #tpu.memory_space<vmem>>, vector<1x16xf32>,
        %swap3A_427 = vector.shape_cast %swap3A_426 : vector<1x16xf32> to vector<16xf32>
        %swap3A_428 = vector.shape_cast %mul3A_423 : vector<16xf32> to vector<1x16xf32>
        tpu.vector_store %arg16[%swap3A_424, %swap3A_425], %swap3A_428 {strides = array<i32>} : memref<64x128xf32, #tpu.memory_space<vmem>>, vector<1x16xf32>,
        %get3A_429 = arith.index_cast %scan3A_376 : i32 to index
        %get3A_430 = arith.constant 48 : index
        %get3A_431 = tpu.vector_load %arg16[%get3A_429, %get3A_430] {strides = array<i32>} : memref<64x128xf32, #tpu.memory_space<vmem>>, vector<1x16xf32>,
        %get3A_432 = vector.shape_cast %get3A_431 : vector<1x16xf32> to vector<16xf32>
        %mul3A_433 = vector.broadcast %squeeze3A_417 : f32 to vector<16xf32>
        %mul3A_434 = arith.mulf %get3A_432, %mul3A_433 : vector<16xf32>
        %swap3A_435 = arith.index_cast %scan3A_376 : i32 to index
        %swap3A_436 = arith.constant 48 : index
        %swap3A_437 = tpu.vector_load %arg16[%swap3A_435, %swap3A_436] {strides = array<i32>} : memref<64x128xf32, #tpu.memory_space<vmem>>, vector<1x16xf32>,
        %swap3A_438 = vector.shape_cast %swap3A_437 : vector<1x16xf32> to vector<16xf32>
        %swap3A_439 = vector.shape_cast %mul3A_434 : vector<16xf32> to vector<1x16xf32>
        tpu.vector_store %arg16[%swap3A_435, %swap3A_436], %swap3A_439 {strides = array<i32>} : memref<64x128xf32, #tpu.memory_space<vmem>>, vector<1x16xf32>,
        %slice3A_440 = vector.extract_strided_slice %exp3A {offsets = [2], sizes = [1], strides = [1]} : vector<16xf32> to vector<1xf32>
        %squeeze3A_441 = vector.extract %slice3A_440[0] : f32 from vector<1xf32>
        %get3A_442 = arith.index_cast %scan3A_376 : i32 to index
        %get3A_443 = arith.constant 64 : index
        %get3A_444 = tpu.vector_load %arg16[%get3A_442, %get3A_443] {strides = array<i32>} : memref<64x128xf32, #tpu.memory_space<vmem>>, vector<1x16xf32>,
        %get3A_445 = vector.shape_cast %get3A_444 : vector<1x16xf32> to vector<16xf32>
        %mul3A_446 = vector.broadcast %squeeze3A_441 : f32 to vector<16xf32>
        %mul3A_447 = arith.mulf %get3A_445, %mul3A_446 : vector<16xf32>
        %swap3A_448 = arith.index_cast %scan3A_376 : i32 to index
        %swap3A_449 = arith.constant 64 : index
        %swap3A_450 = tpu.vector_load %arg16[%swap3A_448, %swap3A_449] {strides = array<i32>} : memref<64x128xf32, #tpu.memory_space<vmem>>, vector<1x16xf32>,
        %swap3A_451 = vector.shape_cast %swap3A_450 : vector<1x16xf32> to vector<16xf32>
        %swap3A_452 = vector.shape_cast %mul3A_447 : vector<16xf32> to vector<1x16xf32>
        tpu.vector_store %arg16[%swap3A_448, %swap3A_449], %swap3A_452 {strides = array<i32>} : memref<64x128xf32, #tpu.memory_space<vmem>>, vector<1x16xf32>,
        %get3A_453 = arith.index_cast %scan3A_376 : i32 to index
        %get3A_454 = arith.constant 80 : index
        %get3A_455 = tpu.vector_load %arg16[%get3A_453, %get3A_454] {strides = array<i32>} : memref<64x128xf32, #tpu.memory_space<vmem>>, vector<1x16xf32>,
        %get3A_456 = vector.shape_cast %get3A_455 : vector<1x16xf32> to vector<16xf32>
        %mul3A_457 = vector.broadcast %squeeze3A_441 : f32 to vector<16xf32>
        %mul3A_458 = arith.mulf %get3A_456, %mul3A_457 : vector<16xf32>
        %swap3A_459 = arith.index_cast %scan3A_376 : i32 to index
        %swap3A_460 = arith.constant 80 : index
        %swap3A_461 = tpu.vector_load %arg16[%swap3A_459, %swap3A_460] {strides = array<i32>} : memref<64x128xf32, #tpu.memory_space<vmem>>, vector<1x16xf32>,
        %swap3A_462 = vector.shape_cast %swap3A_461 : vector<1x16xf32> to vector<16xf32>
        %swap3A_463 = vector.shape_cast %mul3A_458 : vector<16xf32> to vector<1x16xf32>
        tpu.vector_store %arg16[%swap3A_459, %swap3A_460], %swap3A_463 {strides = array<i32>} : memref<64x128xf32, #tpu.memory_space<vmem>>, vector<1x16xf32>,
        %slice3A_464 = vector.extract_strided_slice %exp3A {offsets = [3], sizes = [1], strides = [1]} : vector<16xf32> to vector<1xf32>
        %squeeze3A_465 = vector.extract %slice3A_464[0] : f32 from vector<1xf32>
        %get3A_466 = arith.index_cast %scan3A_376 : i32 to index
        %get3A_467 = arith.constant 96 : index
        %get3A_468 = tpu.vector_load %arg16[%get3A_466, %get3A_467] {strides = array<i32>} : memref<64x128xf32, #tpu.memory_space<vmem>>, vector<1x16xf32>,
        %get3A_469 = vector.shape_cast %get3A_468 : vector<1x16xf32> to vector<16xf32>
        %mul3A_470 = vector.broadcast %squeeze3A_465 : f32 to vector<16xf32>
        %mul3A_471 = arith.mulf %get3A_469, %mul3A_470 : vector<16xf32>
        %swap3A_472 = arith.index_cast %scan3A_376 : i32 to index
        %swap3A_473 = arith.constant 96 : index
        %swap3A_474 = tpu.vector_load %arg16[%swap3A_472, %swap3A_473] {strides = array<i32>} : memref<64x128xf32, #tpu.memory_space<vmem>>, vector<1x16xf32>,
        %swap3A_475 = vector.shape_cast %swap3A_474 : vector<1x16xf32> to vector<16xf32>
        %swap3A_476 = vector.shape_cast %mul3A_471 : vector<16xf32> to vector<1x16xf32>
        tpu.vector_store %arg16[%swap3A_472, %swap3A_473], %swap3A_476 {strides = array<i32>} : memref<64x128xf32, #tpu.memory_space<vmem>>, vector<1x16xf32>,
        %get3A_477 = arith.index_cast %scan3A_376 : i32 to index
        %get3A_478 = arith.constant 112 : index
        %get3A_479 = tpu.vector_load %arg16[%get3A_477, %get3A_478] {strides = array<i32>} : memref<64x128xf32, #tpu.memory_space<vmem>>, vector<1x16xf32>,
        %get3A_480 = vector.shape_cast %get3A_479 : vector<1x16xf32> to vector<16xf32>
        %mul3A_481 = vector.broadcast %squeeze3A_465 : f32 to vector<16xf32>
        %mul3A_482 = arith.mulf %get3A_480, %mul3A_481 : vector<16xf32>
        %swap3A_483 = arith.index_cast %scan3A_376 : i32 to index
        %swap3A_484 = arith.constant 112 : index
        %swap3A_485 = tpu.vector_load %arg16[%swap3A_483, %swap3A_484] {strides = array<i32>} : memref<64x128xf32, #tpu.memory_space<vmem>>, vector<1x16xf32>,
        %swap3A_486 = vector.shape_cast %swap3A_485 : vector<1x16xf32> to vector<16xf32>
        %swap3A_487 = vector.shape_cast %mul3A_482 : vector<16xf32> to vector<1x16xf32>
        tpu.vector_store %arg16[%swap3A_483, %swap3A_484], %swap3A_487 {strides = array<i32>} : memref<64x128xf32, #tpu.memory_space<vmem>>, vector<1x16xf32>,
      }
      %scan3A_309 = arith.constant 64 : i32
      %dma_start3A_310 = arith.constant 1 : i32
      %dma_start3A_311 = arith.constant 0 : i32
      %dma_start3A_312 = tpu.memref_slice %arg10[%dma_start3A_310, %dma_start3A_311] : memref<2x64xi32, #tpu.memory_space<vmem>> -> memref<1x64xi32, #tpu.memory_space<vmem>>
      %dma_start3A_313 = tpu.memref_squeeze %dma_start3A_312 : memref<1x64xi32, #tpu.memory_space<vmem>> -> memref<64xi32, #tpu.memory_space<vmem>>
      %dma_start3A_314 = arith.constant 0 : i32
      %dma_start3A_315 = arith.constant 0 : i32
      %dma_start3A_316 = tpu.memref_slice %arg22[%dma_start3A_314, %dma_start3A_315] : memref<10240x128xf32, #tpu.memory_space<vmem_shared>> -> memref<10240x128xf32, #tpu.memory_space<vmem_shared>>
      tpu.enqueue_indirect_dma source(%arg16 : memref<64x128xf32, #tpu.memory_space<vmem>>) target(%dma_start3A_316 : memref<10240x128xf32, #tpu.memory_space<vmem_shared>>) offsets(%dma_start3A_313 : memref<64xi32, #tpu.memory_space<vmem>>) semaphore(%arg26 : memref<!tpu.dma_semaphore, #tpu.memory_space<semaphore_mem>>) {add = true}
      %dma_start3A_317 = arith.constant 1 : i32
      %dma_start3A_318 = arith.constant 0 : i32
      %dma_start3A_319 = tpu.memref_slice %arg10[%dma_start3A_317, %dma_start3A_318] : memref<2x64xi32, #tpu.memory_space<vmem>> -> memref<1x64xi32, #tpu.memory_space<vmem>>
      %dma_start3A_320 = tpu.memref_squeeze %dma_start3A_319 : memref<1x64xi32, #tpu.memory_space<vmem>> -> memref<64xi32, #tpu.memory_space<vmem>>
      %dma_start3A_321 = arith.constant 0 : i32
      %dma_start3A_322 = arith.constant 0 : i32
      %dma_start3A_323 = tpu.memref_slice %arg23[%dma_start3A_321, %dma_start3A_322] : memref<10240x16xf32, #tpu.memory_space<vmem_shared>> -> memref<10240x16xf32, #tpu.memory_space<vmem_shared>>
      tpu.enqueue_indirect_dma source(%arg18 : memref<64x16xf32, #tpu.memory_space<vmem>>) target(%dma_start3A_323 : memref<10240x16xf32, #tpu.memory_space<vmem_shared>>) offsets(%dma_start3A_320 : memref<64xi32, #tpu.memory_space<vmem>>) semaphore(%arg26 : memref<!tpu.dma_semaphore, #tpu.memory_space<semaphore_mem>>) {add = true}
      %mul3A_324 = arith.constant 4 : i32
      %mul3A_325 = arith.muli %scan3A_170, %mul3A_324 : i32
      %add3A_326 = arith.constant 3 : i32
      %add3A_327 = arith.addi %mul3A_325, %add3A_326 : i32
      %dma_wait3A_328 = arith.constant 0 : i32
      %dma_wait3A_329 = arith.constant 0 : i32
      %dma_wait3A_330 = tpu.memref_slice %arg11[%dma_wait3A_328, %dma_wait3A_329] : memref<2x64xi32, #tpu.memory_space<vmem>> -> memref<1x64xi32, #tpu.memory_space<vmem>>
      %dma_wait3A_331 = tpu.memref_squeeze %dma_wait3A_330 : memref<1x64xi32, #tpu.memory_space<vmem>> -> memref<64xi32, #tpu.memory_space<vmem>>
      %dma_wait3A_332 = arith.constant 0 : i32
      %dma_wait3A_333 = arith.constant 0 : i32
      %dma_wait3A_334 = tpu.memref_slice %arg3[%dma_wait3A_332, %dma_wait3A_333] : memref<10240x16xf32, #tpu.memory_space<hbm>> -> memref<10240x16xf32, #tpu.memory_space<hbm>>
      tpu.wait_indirect_dma semaphore(%arg25 : memref<!tpu.dma_semaphore, #tpu.memory_space<semaphore_mem>>) src(%dma_wait3A_334 : memref<10240x16xf32, #tpu.memory_space<hbm>>) dst(%arg13 : memref<64x16xf32, #tpu.memory_space<vmem>>)
      %dma_wait3A_335 = arith.constant 1 : i32
      %dma_wait3A_336 = arith.constant 0 : i32
      %dma_wait3A_337 = tpu.memref_slice %arg11[%dma_wait3A_335, %dma_wait3A_336] : memref<2x64xi32, #tpu.memory_space<vmem>> -> memref<1x64xi32, #tpu.memory_space<vmem>>
      %dma_wait3A_338 = tpu.memref_squeeze %dma_wait3A_337 : memref<1x64xi32, #tpu.memory_space<vmem>> -> memref<64xi32, #tpu.memory_space<vmem>>
      %dma_wait3A_339 = arith.constant 0 : i32
      %dma_wait3A_340 = arith.constant 0 : i32
      %dma_wait3A_341 = tpu.memref_slice %arg4[%dma_wait3A_339, %dma_wait3A_340] : memref<10240x16xf32, #tpu.memory_space<hbm>> -> memref<10240x16xf32, #tpu.memory_space<hbm>>
      tpu.wait_indirect_dma semaphore(%arg25 : memref<!tpu.dma_semaphore, #tpu.memory_space<semaphore_mem>>) src(%dma_wait3A_341 : memref<10240x16xf32, #tpu.memory_space<hbm>>) dst(%arg15 : memref<64x16xf32, #tpu.memory_space<vmem>>)
      %dma_wait3A_342 = arith.constant 0 : i32
      %dma_wait3A_343 = arith.constant 0 : i32
      %dma_wait3A_344 = tpu.memref_slice %arg11[%dma_wait3A_342, %dma_wait3A_343] : memref<2x64xi32, #tpu.memory_space<vmem>> -> memref<1x64xi32, #tpu.memory_space<vmem>>
      %dma_wait3A_345 = tpu.memref_squeeze %dma_wait3A_344 : memref<1x64xi32, #tpu.memory_space<vmem>> -> memref<64xi32, #tpu.memory_space<vmem>>
      %dma_wait3A_346 = arith.constant 0 : i32
      %dma_wait3A_347 = arith.constant 0 : i32
      %dma_wait3A_348 = tpu.memref_slice %arg2[%dma_wait3A_346, %dma_wait3A_347] : memref<10240x128xf32, #tpu.memory_space<hbm>> -> memref<10240x128xf32, #tpu.memory_space<hbm>>
      tpu.wait_indirect_dma semaphore(%arg25 : memref<!tpu.dma_semaphore, #tpu.memory_space<semaphore_mem>>) src(%dma_wait3A_348 : memref<10240x128xf32, #tpu.memory_space<hbm>>) dst(%arg17 : memref<64x128xf32, #tpu.memory_space<vmem>>)
      %add3A_349 = arith.constant 1 : i32
      %add3A_350 = arith.addi %add3A_327, %add3A_349 : i32
      %lt3A_351 = arith.constant 168 : i32
      %lt3A_352 = arith.cmpi slt, %add3A_350, %lt3A_351 : i32
      %convert_element_type3A_353 = arith.extui %lt3A_352 : i1 to i32
      %cond3A_354 = arith.constant 0 : i32
      %cond3A_355 = arith.cmpi ne, %convert_element_type3A_353, %cond3A_354 : i32
      scf.if %cond3A_355 {
        %ge3A = arith.constant 1 : i32
        %ge3A_376 = arith.cmpi sge, %add3A_327, %ge3A : i32
        %convert_element_type3A_377 = arith.extui %ge3A_376 : i1 to i32
        %cond3A_378 = arith.constant 0 : i32
        %cond3A_379 = arith.cmpi ne, %convert_element_type3A_377, %cond3A_378 : i32
        scf.if %cond3A_379 {
          %dma_wait3A_416 = arith.constant 1 : i32
          %dma_wait3A_417 = arith.constant 0 : i32
          %dma_wait3A_418 = tpu.memref_slice %arg10[%dma_wait3A_416, %dma_wait3A_417] : memref<2x64xi32, #tpu.memory_space<vmem>> -> memref<1x64xi32, #tpu.memory_space<vmem>>
          %dma_wait3A_419 = tpu.memref_squeeze %dma_wait3A_418 : memref<1x64xi32, #tpu.memory_space<vmem>> -> memref<64xi32, #tpu.memory_space<vmem>>
          %dma_wait3A_420 = arith.constant 0 : i32
          %dma_wait3A_421 = arith.constant 0 : i32
          %dma_wait3A_422 = tpu.memref_slice %arg22[%dma_wait3A_420, %dma_wait3A_421] : memref<10240x128xf32, #tpu.memory_space<vmem_shared>> -> memref<10240x128xf32, #tpu.memory_space<vmem_shared>>
          tpu.wait_indirect_dma semaphore(%arg26 : memref<!tpu.dma_semaphore, #tpu.memory_space<semaphore_mem>>) src(%arg16 : memref<64x128xf32, #tpu.memory_space<vmem>>) dst(%dma_wait3A_422 : memref<10240x128xf32, #tpu.memory_space<vmem_shared>>)
          %dma_wait3A_423 = arith.constant 1 : i32
          %dma_wait3A_424 = arith.constant 0 : i32
          %dma_wait3A_425 = tpu.memref_slice %arg10[%dma_wait3A_423, %dma_wait3A_424] : memref<2x64xi32, #tpu.memory_space<vmem>> -> memref<1x64xi32, #tpu.memory_space<vmem>>
          %dma_wait3A_426 = tpu.memref_squeeze %dma_wait3A_425 : memref<1x64xi32, #tpu.memory_space<vmem>> -> memref<64xi32, #tpu.memory_space<vmem>>
          %dma_wait3A_427 = arith.constant 0 : i32
          %dma_wait3A_428 = arith.constant 0 : i32
          %dma_wait3A_429 = tpu.memref_slice %arg23[%dma_wait3A_427, %dma_wait3A_428] : memref<10240x16xf32, #tpu.memory_space<vmem_shared>> -> memref<10240x16xf32, #tpu.memory_space<vmem_shared>>
          tpu.wait_indirect_dma semaphore(%arg26 : memref<!tpu.dma_semaphore, #tpu.memory_space<semaphore_mem>>) src(%arg18 : memref<64x16xf32, #tpu.memory_space<vmem>>) dst(%dma_wait3A_429 : memref<10240x16xf32, #tpu.memory_space<vmem_shared>>)
        } else {
        }
        %add3A_380 = arith.constant 2 : i32
        %add3A_381 = arith.addi %add3A_327, %add3A_380 : i32
        %lt3A_382 = arith.constant 168 : i32
        %lt3A_383 = arith.cmpi slt, %add3A_381, %lt3A_382 : i32
        %convert_element_type3A_384 = arith.extui %lt3A_383 : i1 to i32
        %cond3A_385 = arith.constant 0 : i32
        %cond3A_386 = arith.cmpi ne, %convert_element_type3A_384, %cond3A_385 : i32
        scf.if %cond3A_386 {
          %add3A_416 = arith.constant 2 : i32
          %add3A_417 = arith.addi %add3A_327, %add3A_416 : i32
          %add3A_418 = arith.addi %mul3A_2, %add3A_417 : i32
          %dma_start3A_419 = arith.constant 0 : i32
          %dma_start3A_420 = arith.constant 0 : i32
          %dma_start3A_421 = tpu.memref_slice %arg5[%add3A_418, %dma_start3A_419, %dma_start3A_420] : memref<5376x2x64xi32, #tpu.memory_space<hbm>> -> memref<1x2x64xi32, #tpu.memory_space<hbm>>
          %dma_start3A_422 = tpu.memref_squeeze %dma_start3A_421 : memref<1x2x64xi32, #tpu.memory_space<hbm>> -> memref<2x64xi32, #tpu.memory_space<hbm>>
          %dma_start3A_423 = arith.constant 0 : i32
          %dma_start3A_424 = arith.constant 0 : i32
          %dma_start3A_425 = tpu.memref_slice %arg5[%add3A_418, %dma_start3A_423, %dma_start3A_424] : memref<5376x2x64xi32, #tpu.memory_space<hbm>> -> memref<1x2x64xi32, #tpu.memory_space<hbm>>
          %dma_start3A_426 = tpu.memref_squeeze %dma_start3A_425 : memref<1x2x64xi32, #tpu.memory_space<hbm>> -> memref<2x64xi32, #tpu.memory_space<hbm>>
          tpu.enqueue_dma source(%dma_start3A_426 : memref<2x64xi32, #tpu.memory_space<hbm>>) target(%arg9 : memref<2x64xi32, #tpu.memory_space<vmem>>) target_semaphore(%arg29 : memref<!tpu.dma_semaphore, #tpu.memory_space<semaphore_mem>>)
        } else {
        }
        %dma_wait3A_387 = arith.constant 0 : i32
        %dma_wait3A_388 = arith.constant 0 : i32
        %dma_wait3A_389 = tpu.memref_slice %arg5[%mul3A_2, %dma_wait3A_387, %dma_wait3A_388] : memref<5376x2x64xi32, #tpu.memory_space<hbm>> -> memref<1x2x64xi32, #tpu.memory_space<hbm>>
        %dma_wait3A_390 = tpu.memref_squeeze %dma_wait3A_389 : memref<1x2x64xi32, #tpu.memory_space<hbm>> -> memref<2x64xi32, #tpu.memory_space<hbm>>
        %dma_wait3A_391 = arith.constant 0 : i32
        %dma_wait3A_392 = arith.constant 0 : i32
        %dma_wait3A_393 = tpu.memref_slice %arg5[%mul3A_2, %dma_wait3A_391, %dma_wait3A_392] : memref<5376x2x64xi32, #tpu.memory_space<hbm>> -> memref<1x2x64xi32, #tpu.memory_space<hbm>>
        %dma_wait3A_394 = tpu.memref_squeeze %dma_wait3A_393 : memref<1x2x64xi32, #tpu.memory_space<hbm>> -> memref<2x64xi32, #tpu.memory_space<hbm>>
        tpu.wait_dma2 semaphore(%arg28 : memref<!tpu.dma_semaphore, #tpu.memory_space<semaphore_mem>>) src(%dma_wait3A_394 : memref<2x64xi32, #tpu.memory_space<hbm>>) dst(%arg8 : memref<2x64xi32, #tpu.memory_space<vmem>>)
        %dma_start3A_395 = arith.constant 0 : i32
        %dma_start3A_396 = arith.constant 0 : i32
        %dma_start3A_397 = tpu.memref_slice %arg8[%dma_start3A_395, %dma_start3A_396] : memref<2x64xi32, #tpu.memory_space<vmem>> -> memref<1x64xi32, #tpu.memory_space<vmem>>
        %dma_start3A_398 = tpu.memref_squeeze %dma_start3A_397 : memref<1x64xi32, #tpu.memory_space<vmem>> -> memref<64xi32, #tpu.memory_space<vmem>>
        %dma_start3A_399 = arith.constant 0 : i32
        %dma_start3A_400 = arith.constant 0 : i32
        %dma_start3A_401 = tpu.memref_slice %arg3[%dma_start3A_399, %dma_start3A_400] : memref<10240x16xf32, #tpu.memory_space<hbm>> -> memref<10240x16xf32, #tpu.memory_space<hbm>>
        tpu.enqueue_indirect_dma source(%dma_start3A_401 : memref<10240x16xf32, #tpu.memory_space<hbm>>) target(%arg12 : memref<64x16xf32, #tpu.memory_space<vmem>>) offsets(%dma_start3A_398 : memref<64xi32, #tpu.memory_space<vmem>>) semaphore(%arg24 : memref<!tpu.dma_semaphore, #tpu.memory_space<semaphore_mem>>)
        %dma_start3A_402 = arith.constant 1 : i32
        %dma_start3A_403 = arith.constant 0 : i32
        %dma_start3A_404 = tpu.memref_slice %arg8[%dma_start3A_402, %dma_start3A_403] : memref<2x64xi32, #tpu.memory_space<vmem>> -> memref<1x64xi32, #tpu.memory_space<vmem>>
        %dma_start3A_405 = tpu.memref_squeeze %dma_start3A_404 : memref<1x64xi32, #tpu.memory_space<vmem>> -> memref<64xi32, #tpu.memory_space<vmem>>
        %dma_start3A_406 = arith.constant 0 : i32
        %dma_start3A_407 = arith.constant 0 : i32
        %dma_start3A_408 = tpu.memref_slice %arg4[%dma_start3A_406, %dma_start3A_407] : memref<10240x16xf32, #tpu.memory_space<hbm>> -> memref<10240x16xf32, #tpu.memory_space<hbm>>
        tpu.enqueue_indirect_dma source(%dma_start3A_408 : memref<10240x16xf32, #tpu.memory_space<hbm>>) target(%arg14 : memref<64x16xf32, #tpu.memory_space<vmem>>) offsets(%dma_start3A_405 : memref<64xi32, #tpu.memory_space<vmem>>) semaphore(%arg24 : memref<!tpu.dma_semaphore, #tpu.memory_space<semaphore_mem>>)
        %dma_start3A_409 = arith.constant 0 : i32
        %dma_start3A_410 = arith.constant 0 : i32
        %dma_start3A_411 = tpu.memref_slice %arg8[%dma_start3A_409, %dma_start3A_410] : memref<2x64xi32, #tpu.memory_space<vmem>> -> memref<1x64xi32, #tpu.memory_space<vmem>>
        %dma_start3A_412 = tpu.memref_squeeze %dma_start3A_411 : memref<1x64xi32, #tpu.memory_space<vmem>> -> memref<64xi32, #tpu.memory_space<vmem>>
        %dma_start3A_413 = arith.constant 0 : i32
        %dma_start3A_414 = arith.constant 0 : i32
        %dma_start3A_415 = tpu.memref_slice %arg2[%dma_start3A_413, %dma_start3A_414] : memref<10240x128xf32, #tpu.memory_space<hbm>> -> memref<10240x128xf32, #tpu.memory_space<hbm>>
        tpu.enqueue_indirect_dma source(%dma_start3A_415 : memref<10240x128xf32, #tpu.memory_space<hbm>>) target(%arg16 : memref<64x128xf32, #tpu.memory_space<vmem>>) offsets(%dma_start3A_412 : memref<64xi32, #tpu.memory_space<vmem>>) semaphore(%arg24 : memref<!tpu.dma_semaphore, #tpu.memory_space<semaphore_mem>>)
      } else {
      }
      %scan3A_356 = arith.constant 0 : i32
      %scan3A_357 = arith.constant 0 : i32
      %scan3A_358 = arith.constant 64 : i32
      %scan3A_359 = arith.addi %scan3A_357, %scan3A_358 : i32
      %scan3A_360 = arith.constant 1 : i32
      scf.for %scan3A_376 = %scan3A_357 to %scan3A_359 step %scan3A_360  : i32 {
        %get3A = arith.index_cast %scan3A_376 : i32 to index
        %get3A_377 = arith.constant 0 : index
        %get3A_378 = tpu.vector_load %arg13[%get3A, %get3A_377] {strides = array<i32>} : memref<64x16xf32, #tpu.memory_space<vmem>>, vector<1x16xf32>,
        %get3A_379 = vector.shape_cast %get3A_378 : vector<1x16xf32> to vector<16xf32>
        %get3A_380 = arith.index_cast %scan3A_376 : i32 to index
        %get3A_381 = arith.constant 0 : index
        %get3A_382 = tpu.vector_load %arg15[%get3A_380, %get3A_381] {strides = array<i32>} : memref<64x16xf32, #tpu.memory_space<vmem>>, vector<1x16xf32>,
        %get3A_383 = vector.shape_cast %get3A_382 : vector<1x16xf32> to vector<16xf32>
        %add3A_384 = arith.addf %get3A_379, %get3A_383 : vector<16xf32>
        %ge3A = arith.constant 0.000000e+00 : f32
        %ge3A_385 = vector.broadcast %ge3A : f32 to vector<16xf32>
        %ge3A_386 = arith.cmpf oge, %add3A_384, %ge3A_385 : vector<16xf32>
        %mul3A_387 = arith.constant 2.000000e-01 : f32
        %mul3A_388 = vector.broadcast %mul3A_387 : f32 to vector<16xf32>
        %mul3A_389 = arith.mulf %mul3A_388, %add3A_384 : vector<16xf32>
        %select_n3A = arith.select %ge3A_386, %add3A_384, %mul3A_389 : vector<16xi1>, vector<16xf32>
        %exp3A = math.exp %select_n3A : vector<16xf32>
        %swap3A = arith.index_cast %scan3A_376 : i32 to index
        %swap3A_390 = arith.constant 0 : index
        %swap3A_391 = tpu.vector_load %arg19[%swap3A, %swap3A_390] {strides = array<i32>} : memref<64x16xf32, #tpu.memory_space<vmem>>, vector<1x16xf32>,
        %swap3A_392 = vector.shape_cast %swap3A_391 : vector<1x16xf32> to vector<16xf32>
        %swap3A_393 = vector.shape_cast %exp3A : vector<16xf32> to vector<1x16xf32>
        tpu.vector_store %arg19[%swap3A, %swap3A_390], %swap3A_393 {strides = array<i32>} : memref<64x16xf32, #tpu.memory_space<vmem>>, vector<1x16xf32>,
        %slice3A = vector.extract_strided_slice %exp3A {offsets = [0], sizes = [1], strides = [1]} : vector<16xf32> to vector<1xf32>
        %squeeze3A = vector.extract %slice3A[0] : f32 from vector<1xf32>
        %get3A_394 = arith.index_cast %scan3A_376 : i32 to index
        %get3A_395 = arith.constant 0 : index
        %get3A_396 = tpu.vector_load %arg17[%get3A_394, %get3A_395] {strides = array<i32>} : memref<64x128xf32, #tpu.memory_space<vmem>>, vector<1x16xf32>,
        %get3A_397 = vector.shape_cast %get3A_396 : vector<1x16xf32> to vector<16xf32>
        %mul3A_398 = vector.broadcast %squeeze3A : f32 to vector<16xf32>
        %mul3A_399 = arith.mulf %get3A_397, %mul3A_398 : vector<16xf32>
        %swap3A_400 = arith.index_cast %scan3A_376 : i32 to index
        %swap3A_401 = arith.constant 0 : index
        %swap3A_402 = tpu.vector_load %arg17[%swap3A_400, %swap3A_401] {strides = array<i32>} : memref<64x128xf32, #tpu.memory_space<vmem>>, vector<1x16xf32>,
        %swap3A_403 = vector.shape_cast %swap3A_402 : vector<1x16xf32> to vector<16xf32>
        %swap3A_404 = vector.shape_cast %mul3A_399 : vector<16xf32> to vector<1x16xf32>
        tpu.vector_store %arg17[%swap3A_400, %swap3A_401], %swap3A_404 {strides = array<i32>} : memref<64x128xf32, #tpu.memory_space<vmem>>, vector<1x16xf32>,
        %get3A_405 = arith.index_cast %scan3A_376 : i32 to index
        %get3A_406 = arith.constant 16 : index
        %get3A_407 = tpu.vector_load %arg17[%get3A_405, %get3A_406] {strides = array<i32>} : memref<64x128xf32, #tpu.memory_space<vmem>>, vector<1x16xf32>,
        %get3A_408 = vector.shape_cast %get3A_407 : vector<1x16xf32> to vector<16xf32>
        %mul3A_409 = vector.broadcast %squeeze3A : f32 to vector<16xf32>
        %mul3A_410 = arith.mulf %get3A_408, %mul3A_409 : vector<16xf32>
        %swap3A_411 = arith.index_cast %scan3A_376 : i32 to index
        %swap3A_412 = arith.constant 16 : index
        %swap3A_413 = tpu.vector_load %arg17[%swap3A_411, %swap3A_412] {strides = array<i32>} : memref<64x128xf32, #tpu.memory_space<vmem>>, vector<1x16xf32>,
        %swap3A_414 = vector.shape_cast %swap3A_413 : vector<1x16xf32> to vector<16xf32>
        %swap3A_415 = vector.shape_cast %mul3A_410 : vector<16xf32> to vector<1x16xf32>
        tpu.vector_store %arg17[%swap3A_411, %swap3A_412], %swap3A_415 {strides = array<i32>} : memref<64x128xf32, #tpu.memory_space<vmem>>, vector<1x16xf32>,
        %slice3A_416 = vector.extract_strided_slice %exp3A {offsets = [1], sizes = [1], strides = [1]} : vector<16xf32> to vector<1xf32>
        %squeeze3A_417 = vector.extract %slice3A_416[0] : f32 from vector<1xf32>
        %get3A_418 = arith.index_cast %scan3A_376 : i32 to index
        %get3A_419 = arith.constant 32 : index
        %get3A_420 = tpu.vector_load %arg17[%get3A_418, %get3A_419] {strides = array<i32>} : memref<64x128xf32, #tpu.memory_space<vmem>>, vector<1x16xf32>,
        %get3A_421 = vector.shape_cast %get3A_420 : vector<1x16xf32> to vector<16xf32>
        %mul3A_422 = vector.broadcast %squeeze3A_417 : f32 to vector<16xf32>
        %mul3A_423 = arith.mulf %get3A_421, %mul3A_422 : vector<16xf32>
        %swap3A_424 = arith.index_cast %scan3A_376 : i32 to index
        %swap3A_425 = arith.constant 32 : index
        %swap3A_426 = tpu.vector_load %arg17[%swap3A_424, %swap3A_425] {strides = array<i32>} : memref<64x128xf32, #tpu.memory_space<vmem>>, vector<1x16xf32>,
        %swap3A_427 = vector.shape_cast %swap3A_426 : vector<1x16xf32> to vector<16xf32>
        %swap3A_428 = vector.shape_cast %mul3A_423 : vector<16xf32> to vector<1x16xf32>
        tpu.vector_store %arg17[%swap3A_424, %swap3A_425], %swap3A_428 {strides = array<i32>} : memref<64x128xf32, #tpu.memory_space<vmem>>, vector<1x16xf32>,
        %get3A_429 = arith.index_cast %scan3A_376 : i32 to index
        %get3A_430 = arith.constant 48 : index
        %get3A_431 = tpu.vector_load %arg17[%get3A_429, %get3A_430] {strides = array<i32>} : memref<64x128xf32, #tpu.memory_space<vmem>>, vector<1x16xf32>,
        %get3A_432 = vector.shape_cast %get3A_431 : vector<1x16xf32> to vector<16xf32>
        %mul3A_433 = vector.broadcast %squeeze3A_417 : f32 to vector<16xf32>
        %mul3A_434 = arith.mulf %get3A_432, %mul3A_433 : vector<16xf32>
        %swap3A_435 = arith.index_cast %scan3A_376 : i32 to index
        %swap3A_436 = arith.constant 48 : index
        %swap3A_437 = tpu.vector_load %arg17[%swap3A_435, %swap3A_436] {strides = array<i32>} : memref<64x128xf32, #tpu.memory_space<vmem>>, vector<1x16xf32>,
        %swap3A_438 = vector.shape_cast %swap3A_437 : vector<1x16xf32> to vector<16xf32>
        %swap3A_439 = vector.shape_cast %mul3A_434 : vector<16xf32> to vector<1x16xf32>
        tpu.vector_store %arg17[%swap3A_435, %swap3A_436], %swap3A_439 {strides = array<i32>} : memref<64x128xf32, #tpu.memory_space<vmem>>, vector<1x16xf32>,
        %slice3A_440 = vector.extract_strided_slice %exp3A {offsets = [2], sizes = [1], strides = [1]} : vector<16xf32> to vector<1xf32>
        %squeeze3A_441 = vector.extract %slice3A_440[0] : f32 from vector<1xf32>
        %get3A_442 = arith.index_cast %scan3A_376 : i32 to index
        %get3A_443 = arith.constant 64 : index
        %get3A_444 = tpu.vector_load %arg17[%get3A_442, %get3A_443] {strides = array<i32>} : memref<64x128xf32, #tpu.memory_space<vmem>>, vector<1x16xf32>,
        %get3A_445 = vector.shape_cast %get3A_444 : vector<1x16xf32> to vector<16xf32>
        %mul3A_446 = vector.broadcast %squeeze3A_441 : f32 to vector<16xf32>
        %mul3A_447 = arith.mulf %get3A_445, %mul3A_446 : vector<16xf32>
        %swap3A_448 = arith.index_cast %scan3A_376 : i32 to index
        %swap3A_449 = arith.constant 64 : index
        %swap3A_450 = tpu.vector_load %arg17[%swap3A_448, %swap3A_449] {strides = array<i32>} : memref<64x128xf32, #tpu.memory_space<vmem>>, vector<1x16xf32>,
        %swap3A_451 = vector.shape_cast %swap3A_450 : vector<1x16xf32> to vector<16xf32>
        %swap3A_452 = vector.shape_cast %mul3A_447 : vector<16xf32> to vector<1x16xf32>
        tpu.vector_store %arg17[%swap3A_448, %swap3A_449], %swap3A_452 {strides = array<i32>} : memref<64x128xf32, #tpu.memory_space<vmem>>, vector<1x16xf32>,
        %get3A_453 = arith.index_cast %scan3A_376 : i32 to index
        %get3A_454 = arith.constant 80 : index
        %get3A_455 = tpu.vector_load %arg17[%get3A_453, %get3A_454] {strides = array<i32>} : memref<64x128xf32, #tpu.memory_space<vmem>>, vector<1x16xf32>,
        %get3A_456 = vector.shape_cast %get3A_455 : vector<1x16xf32> to vector<16xf32>
        %mul3A_457 = vector.broadcast %squeeze3A_441 : f32 to vector<16xf32>
        %mul3A_458 = arith.mulf %get3A_456, %mul3A_457 : vector<16xf32>
        %swap3A_459 = arith.index_cast %scan3A_376 : i32 to index
        %swap3A_460 = arith.constant 80 : index
        %swap3A_461 = tpu.vector_load %arg17[%swap3A_459, %swap3A_460] {strides = array<i32>} : memref<64x128xf32, #tpu.memory_space<vmem>>, vector<1x16xf32>,
        %swap3A_462 = vector.shape_cast %swap3A_461 : vector<1x16xf32> to vector<16xf32>
        %swap3A_463 = vector.shape_cast %mul3A_458 : vector<16xf32> to vector<1x16xf32>
        tpu.vector_store %arg17[%swap3A_459, %swap3A_460], %swap3A_463 {strides = array<i32>} : memref<64x128xf32, #tpu.memory_space<vmem>>, vector<1x16xf32>,
        %slice3A_464 = vector.extract_strided_slice %exp3A {offsets = [3], sizes = [1], strides = [1]} : vector<16xf32> to vector<1xf32>
        %squeeze3A_465 = vector.extract %slice3A_464[0] : f32 from vector<1xf32>
        %get3A_466 = arith.index_cast %scan3A_376 : i32 to index
        %get3A_467 = arith.constant 96 : index
        %get3A_468 = tpu.vector_load %arg17[%get3A_466, %get3A_467] {strides = array<i32>} : memref<64x128xf32, #tpu.memory_space<vmem>>, vector<1x16xf32>,
        %get3A_469 = vector.shape_cast %get3A_468 : vector<1x16xf32> to vector<16xf32>
        %mul3A_470 = vector.broadcast %squeeze3A_465 : f32 to vector<16xf32>
        %mul3A_471 = arith.mulf %get3A_469, %mul3A_470 : vector<16xf32>
        %swap3A_472 = arith.index_cast %scan3A_376 : i32 to index
        %swap3A_473 = arith.constant 96 : index
        %swap3A_474 = tpu.vector_load %arg17[%swap3A_472, %swap3A_473] {strides = array<i32>} : memref<64x128xf32, #tpu.memory_space<vmem>>, vector<1x16xf32>,
        %swap3A_475 = vector.shape_cast %swap3A_474 : vector<1x16xf32> to vector<16xf32>
        %swap3A_476 = vector.shape_cast %mul3A_471 : vector<16xf32> to vector<1x16xf32>
        tpu.vector_store %arg17[%swap3A_472, %swap3A_473], %swap3A_476 {strides = array<i32>} : memref<64x128xf32, #tpu.memory_space<vmem>>, vector<1x16xf32>,
        %get3A_477 = arith.index_cast %scan3A_376 : i32 to index
        %get3A_478 = arith.constant 112 : index
        %get3A_479 = tpu.vector_load %arg17[%get3A_477, %get3A_478] {strides = array<i32>} : memref<64x128xf32, #tpu.memory_space<vmem>>, vector<1x16xf32>,
        %get3A_480 = vector.shape_cast %get3A_479 : vector<1x16xf32> to vector<16xf32>
        %mul3A_481 = vector.broadcast %squeeze3A_465 : f32 to vector<16xf32>
        %mul3A_482 = arith.mulf %get3A_480, %mul3A_481 : vector<16xf32>
        %swap3A_483 = arith.index_cast %scan3A_376 : i32 to index
        %swap3A_484 = arith.constant 112 : index
        %swap3A_485 = tpu.vector_load %arg17[%swap3A_483, %swap3A_484] {strides = array<i32>} : memref<64x128xf32, #tpu.memory_space<vmem>>, vector<1x16xf32>,
        %swap3A_486 = vector.shape_cast %swap3A_485 : vector<1x16xf32> to vector<16xf32>
        %swap3A_487 = vector.shape_cast %mul3A_482 : vector<16xf32> to vector<1x16xf32>
        tpu.vector_store %arg17[%swap3A_483, %swap3A_484], %swap3A_487 {strides = array<i32>} : memref<64x128xf32, #tpu.memory_space<vmem>>, vector<1x16xf32>,
      }
      %scan3A_361 = arith.constant 64 : i32
      %dma_start3A_362 = arith.constant 1 : i32
      %dma_start3A_363 = arith.constant 0 : i32
      %dma_start3A_364 = tpu.memref_slice %arg11[%dma_start3A_362, %dma_start3A_363] : memref<2x64xi32, #tpu.memory_space<vmem>> -> memref<1x64xi32, #tpu.memory_space<vmem>>
      %dma_start3A_365 = tpu.memref_squeeze %dma_start3A_364 : memref<1x64xi32, #tpu.memory_space<vmem>> -> memref<64xi32, #tpu.memory_space<vmem>>
      %dma_start3A_366 = arith.constant 0 : i32
      %dma_start3A_367 = arith.constant 0 : i32
      %dma_start3A_368 = tpu.memref_slice %arg22[%dma_start3A_366, %dma_start3A_367] : memref<10240x128xf32, #tpu.memory_space<vmem_shared>> -> memref<10240x128xf32, #tpu.memory_space<vmem_shared>>
      tpu.enqueue_indirect_dma source(%arg17 : memref<64x128xf32, #tpu.memory_space<vmem>>) target(%dma_start3A_368 : memref<10240x128xf32, #tpu.memory_space<vmem_shared>>) offsets(%dma_start3A_365 : memref<64xi32, #tpu.memory_space<vmem>>) semaphore(%arg27 : memref<!tpu.dma_semaphore, #tpu.memory_space<semaphore_mem>>) {add = true}
      %dma_start3A_369 = arith.constant 1 : i32
      %dma_start3A_370 = arith.constant 0 : i32
      %dma_start3A_371 = tpu.memref_slice %arg11[%dma_start3A_369, %dma_start3A_370] : memref<2x64xi32, #tpu.memory_space<vmem>> -> memref<1x64xi32, #tpu.memory_space<vmem>>
      %dma_start3A_372 = tpu.memref_squeeze %dma_start3A_371 : memref<1x64xi32, #tpu.memory_space<vmem>> -> memref<64xi32, #tpu.memory_space<vmem>>
      %dma_start3A_373 = arith.constant 0 : i32
      %dma_start3A_374 = arith.constant 0 : i32
      %dma_start3A_375 = tpu.memref_slice %arg23[%dma_start3A_373, %dma_start3A_374] : memref<10240x16xf32, #tpu.memory_space<vmem_shared>> -> memref<10240x16xf32, #tpu.memory_space<vmem_shared>>
      tpu.enqueue_indirect_dma source(%arg19 : memref<64x16xf32, #tpu.memory_space<vmem>>) target(%dma_start3A_375 : memref<10240x16xf32, #tpu.memory_space<vmem_shared>>) offsets(%dma_start3A_372 : memref<64xi32, #tpu.memory_space<vmem>>) semaphore(%arg27 : memref<!tpu.dma_semaphore, #tpu.memory_space<semaphore_mem>>) {add = true}
    }
    %scan3A_100 = arith.constant 42 : i32
    %dma_wait3A_101 = arith.constant 1 : i32
    %dma_wait3A_102 = arith.constant 0 : i32
    %dma_wait3A_103 = tpu.memref_slice %arg10[%dma_wait3A_101, %dma_wait3A_102] : memref<2x64xi32, #tpu.memory_space<vmem>> -> memref<1x64xi32, #tpu.memory_space<vmem>>
    %dma_wait3A_104 = tpu.memref_squeeze %dma_wait3A_103 : memref<1x64xi32, #tpu.memory_space<vmem>> -> memref<64xi32, #tpu.memory_space<vmem>>
    %dma_wait3A_105 = arith.constant 0 : i32
    %dma_wait3A_106 = arith.constant 0 : i32
    %dma_wait3A_107 = tpu.memref_slice %arg22[%dma_wait3A_105, %dma_wait3A_106] : memref<10240x128xf32, #tpu.memory_space<vmem_shared>> -> memref<10240x128xf32, #tpu.memory_space<vmem_shared>>
    tpu.wait_indirect_dma semaphore(%arg26 : memref<!tpu.dma_semaphore, #tpu.memory_space<semaphore_mem>>) src(%arg16 : memref<64x128xf32, #tpu.memory_space<vmem>>) dst(%dma_wait3A_107 : memref<10240x128xf32, #tpu.memory_space<vmem_shared>>)
    %dma_wait3A_108 = arith.constant 1 : i32
    %dma_wait3A_109 = arith.constant 0 : i32
    %dma_wait3A_110 = tpu.memref_slice %arg10[%dma_wait3A_108, %dma_wait3A_109] : memref<2x64xi32, #tpu.memory_space<vmem>> -> memref<1x64xi32, #tpu.memory_space<vmem>>
    %dma_wait3A_111 = tpu.memref_squeeze %dma_wait3A_110 : memref<1x64xi32, #tpu.memory_space<vmem>> -> memref<64xi32, #tpu.memory_space<vmem>>
    %dma_wait3A_112 = arith.constant 0 : i32
    %dma_wait3A_113 = arith.constant 0 : i32
    %dma_wait3A_114 = tpu.memref_slice %arg23[%dma_wait3A_112, %dma_wait3A_113] : memref<10240x16xf32, #tpu.memory_space<vmem_shared>> -> memref<10240x16xf32, #tpu.memory_space<vmem_shared>>
    tpu.wait_indirect_dma semaphore(%arg26 : memref<!tpu.dma_semaphore, #tpu.memory_space<semaphore_mem>>) src(%arg18 : memref<64x16xf32, #tpu.memory_space<vmem>>) dst(%dma_wait3A_114 : memref<10240x16xf32, #tpu.memory_space<vmem_shared>>)
    %dma_wait3A_115 = arith.constant 1 : i32
    %dma_wait3A_116 = arith.constant 0 : i32
    %dma_wait3A_117 = tpu.memref_slice %arg11[%dma_wait3A_115, %dma_wait3A_116] : memref<2x64xi32, #tpu.memory_space<vmem>> -> memref<1x64xi32, #tpu.memory_space<vmem>>
    %dma_wait3A_118 = tpu.memref_squeeze %dma_wait3A_117 : memref<1x64xi32, #tpu.memory_space<vmem>> -> memref<64xi32, #tpu.memory_space<vmem>>
    %dma_wait3A_119 = arith.constant 0 : i32
    %dma_wait3A_120 = arith.constant 0 : i32
    %dma_wait3A_121 = tpu.memref_slice %arg22[%dma_wait3A_119, %dma_wait3A_120] : memref<10240x128xf32, #tpu.memory_space<vmem_shared>> -> memref<10240x128xf32, #tpu.memory_space<vmem_shared>>
    tpu.wait_indirect_dma semaphore(%arg27 : memref<!tpu.dma_semaphore, #tpu.memory_space<semaphore_mem>>) src(%arg17 : memref<64x128xf32, #tpu.memory_space<vmem>>) dst(%dma_wait3A_121 : memref<10240x128xf32, #tpu.memory_space<vmem_shared>>)
    %dma_wait3A_122 = arith.constant 1 : i32
    %dma_wait3A_123 = arith.constant 0 : i32
    %dma_wait3A_124 = tpu.memref_slice %arg11[%dma_wait3A_122, %dma_wait3A_123] : memref<2x64xi32, #tpu.memory_space<vmem>> -> memref<1x64xi32, #tpu.memory_space<vmem>>
    %dma_wait3A_125 = tpu.memref_squeeze %dma_wait3A_124 : memref<1x64xi32, #tpu.memory_space<vmem>> -> memref<64xi32, #tpu.memory_space<vmem>>
    %dma_wait3A_126 = arith.constant 0 : i32
    %dma_wait3A_127 = arith.constant 0 : i32
    %dma_wait3A_128 = tpu.memref_slice %arg23[%dma_wait3A_126, %dma_wait3A_127] : memref<10240x16xf32, #tpu.memory_space<vmem_shared>> -> memref<10240x16xf32, #tpu.memory_space<vmem_shared>>
    tpu.wait_indirect_dma semaphore(%arg27 : memref<!tpu.dma_semaphore, #tpu.memory_space<semaphore_mem>>) src(%arg19 : memref<64x16xf32, #tpu.memory_space<vmem>>) dst(%dma_wait3A_128 : memref<10240x16xf32, #tpu.memory_space<vmem_shared>>)
    %barrier3A_129 = arith.constant 0 : index
    tpu.barrier barrier_id(%barrier3A_129)
    %mul3A_130 = arith.constant 640 : i32
    %mul3A_131 = arith.muli %arg1, %mul3A_130 : i32
    %add3A_132 = arith.constant 0 : i32
    %add3A_133 = arith.addi %mul3A_131, %add3A_132 : i32
    "tpu.region"() ({
      %run_scoped3A = tpu.sem_alloc : memref<!tpu.dma_semaphore, #tpu.memory_space<semaphore_mem>>
      %dma_start3A_170 = arith.constant 0 : i32
      %dma_start3A_171 = tpu.memref_slice %arg6[%arg0, %add3A_133, %dma_start3A_170] : memref<2x10240x128xf32, #tpu.memory_space<hbm>> -> memref<1x64x128xf32, #tpu.memory_space<hbm>>
      %dma_start3A_172 = tpu.memref_squeeze %dma_start3A_171 : memref<1x64x128xf32, #tpu.memory_space<hbm>> -> memref<64x128xf32, #tpu.memory_space<hbm>>
      %dma_start3A_173 = arith.constant 0 : i32
      %dma_start3A_174 = tpu.memref_slice %arg22[%add3A_133, %dma_start3A_173] : memref<10240x128xf32, #tpu.memory_space<vmem_shared>> -> memref<64x128xf32, #tpu.memory_space<vmem_shared>>
      tpu.enqueue_dma source(%dma_start3A_174 : memref<64x128xf32, #tpu.memory_space<vmem_shared>>) target(%dma_start3A_172 : memref<64x128xf32, #tpu.memory_space<hbm>>) target_semaphore(%run_scoped3A : memref<!tpu.dma_semaphore, #tpu.memory_space<semaphore_mem>>)
      %dma_wait3A_175 = arith.constant 0 : i32
      %dma_wait3A_176 = tpu.memref_slice %arg6[%arg0, %add3A_133, %dma_wait3A_175] : memref<2x10240x128xf32, #tpu.memory_space<hbm>> -> memref<1x64x128xf32, #tpu.memory_space<hbm>>
      %dma_wait3A_177 = tpu.memref_squeeze %dma_wait3A_176 : memref<1x64x128xf32, #tpu.memory_space<hbm>> -> memref<64x128xf32, #tpu.memory_space<hbm>>
      %dma_wait3A_178 = arith.constant 0 : i32
      %dma_wait3A_179 = tpu.memref_slice %arg22[%add3A_133, %dma_wait3A_178] : memref<10240x128xf32, #tpu.memory_space<vmem_shared>> -> memref<64x128xf32, #tpu.memory_space<vmem_shared>>
      tpu.wait_dma2 semaphore(%run_scoped3A : memref<!tpu.dma_semaphore, #tpu.memory_space<semaphore_mem>>) src(%dma_wait3A_179 : memref<64x128xf32, #tpu.memory_space<vmem_shared>>) dst(%dma_wait3A_177 : memref<64x128xf32, #tpu.memory_space<hbm>>)
      tpu.yield
    }) : () -> ()
    "tpu.region"() ({
      %run_scoped3A = tpu.sem_alloc : memref<!tpu.dma_semaphore, #tpu.memory_space<semaphore_mem>>
      %dma_start3A_170 = arith.constant 0 : i32
      %dma_start3A_171 = tpu.memref_slice %arg7[%arg0, %add3A_133, %dma_start3A_170] : memref<2x10240x16xf32, #tpu.memory_space<hbm>> -> memref<1x64x16xf32, #tpu.memory_space<hbm>>
      %dma_start3A_172 = tpu.memref_squeeze %dma_start3A_171 : memref<1x64x16xf32, #tpu.memory_space<hbm>> -> memref<64x16xf32, #tpu.memory_space<hbm>>
      %dma_start3A_173 = arith.constant 0 : i32
      %dma_start3A_174 = tpu.memref_slice %arg23[%add3A_133, %dma_start3A_173] : memref<10240x16xf32, #tpu.memory_space<vmem_shared>> -> memref<64x16xf32, #tpu.memory_space<vmem_shared>>
      tpu.enqueue_dma source(%dma_start3A_174 : memref<64x16xf32, #tpu.memory_space<vmem_shared>>) target(%dma_start3A_172 : memref<64x16xf32, #tpu.memory_space<hbm>>) target_semaphore(%run_scoped3A : memref<!tpu.dma_semaphore, #tpu.memory_space<semaphore_mem>>)
      %dma_wait3A_175 = arith.constant 0 : i32
      %dma_wait3A_176 = tpu.memref_slice %arg7[%arg0, %add3A_133, %dma_wait3A_175] : memref<2x10240x16xf32, #tpu.memory_space<hbm>> -> memref<1x64x16xf32, #tpu.memory_space<hbm>>
      %dma_wait3A_177 = tpu.memref_squeeze %dma_wait3A_176 : memref<1x64x16xf32, #tpu.memory_space<hbm>> -> memref<64x16xf32, #tpu.memory_space<hbm>>
      %dma_wait3A_178 = arith.constant 0 : i32
      %dma_wait3A_179 = tpu.memref_slice %arg23[%add3A_133, %dma_wait3A_178] : memref<10240x16xf32, #tpu.memory_space<vmem_shared>> -> memref<64x16xf32, #tpu.memory_space<vmem_shared>>
      tpu.wait_dma2 semaphore(%run_scoped3A : memref<!tpu.dma_semaphore, #tpu.memory_space<semaphore_mem>>) src(%dma_wait3A_179 : memref<64x16xf32, #tpu.memory_space<vmem_shared>>) dst(%dma_wait3A_177 : memref<64x16xf32, #tpu.memory_space<hbm>>)
      tpu.yield
    }) : () -> ()
    %mul3A_134 = arith.constant 640 : i32
    %mul3A_135 = arith.muli %arg1, %mul3A_134 : i32
    %add3A_136 = arith.constant 64 : i32
    %add3A_137 = arith.addi %mul3A_135, %add3A_136 : i32
    "tpu.region"() ({
      %run_scoped3A = tpu.sem_alloc : memref<!tpu.dma_semaphore, #tpu.memory_space<semaphore_mem>>
      %dma_start3A_170 = arith.constant 0 : i32
      %dma_start3A_171 = tpu.memref_slice %arg6[%arg0, %add3A_137, %dma_start3A_170] : memref<2x10240x128xf32, #tpu.memory_space<hbm>> -> memref<1x64x128xf32, #tpu.memory_space<hbm>>
      %dma_start3A_172 = tpu.memref_squeeze %dma_start3A_171 : memref<1x64x128xf32, #tpu.memory_space<hbm>> -> memref<64x128xf32, #tpu.memory_space<hbm>>
      %dma_start3A_173 = arith.constant 0 : i32
      %dma_start3A_174 = tpu.memref_slice %arg22[%add3A_137, %dma_start3A_173] : memref<10240x128xf32, #tpu.memory_space<vmem_shared>> -> memref<64x128xf32, #tpu.memory_space<vmem_shared>>
      tpu.enqueue_dma source(%dma_start3A_174 : memref<64x128xf32, #tpu.memory_space<vmem_shared>>) target(%dma_start3A_172 : memref<64x128xf32, #tpu.memory_space<hbm>>) target_semaphore(%run_scoped3A : memref<!tpu.dma_semaphore, #tpu.memory_space<semaphore_mem>>)
      %dma_wait3A_175 = arith.constant 0 : i32
      %dma_wait3A_176 = tpu.memref_slice %arg6[%arg0, %add3A_137, %dma_wait3A_175] : memref<2x10240x128xf32, #tpu.memory_space<hbm>> -> memref<1x64x128xf32, #tpu.memory_space<hbm>>
      %dma_wait3A_177 = tpu.memref_squeeze %dma_wait3A_176 : memref<1x64x128xf32, #tpu.memory_space<hbm>> -> memref<64x128xf32, #tpu.memory_space<hbm>>
      %dma_wait3A_178 = arith.constant 0 : i32
      %dma_wait3A_179 = tpu.memref_slice %arg22[%add3A_137, %dma_wait3A_178] : memref<10240x128xf32, #tpu.memory_space<vmem_shared>> -> memref<64x128xf32, #tpu.memory_space<vmem_shared>>
      tpu.wait_dma2 semaphore(%run_scoped3A : memref<!tpu.dma_semaphore, #tpu.memory_space<semaphore_mem>>) src(%dma_wait3A_179 : memref<64x128xf32, #tpu.memory_space<vmem_shared>>) dst(%dma_wait3A_177 : memref<64x128xf32, #tpu.memory_space<hbm>>)
      tpu.yield
    }) : () -> ()
    "tpu.region"() ({
      %run_scoped3A = tpu.sem_alloc : memref<!tpu.dma_semaphore, #tpu.memory_space<semaphore_mem>>
      %dma_start3A_170 = arith.constant 0 : i32
      %dma_start3A_171 = tpu.memref_slice %arg7[%arg0, %add3A_137, %dma_start3A_170] : memref<2x10240x16xf32, #tpu.memory_space<hbm>> -> memref<1x64x16xf32, #tpu.memory_space<hbm>>
      %dma_start3A_172 = tpu.memref_squeeze %dma_start3A_171 : memref<1x64x16xf32, #tpu.memory_space<hbm>> -> memref<64x16xf32, #tpu.memory_space<hbm>>
      %dma_start3A_173 = arith.constant 0 : i32
      %dma_start3A_174 = tpu.memref_slice %arg23[%add3A_137, %dma_start3A_173] : memref<10240x16xf32, #tpu.memory_space<vmem_shared>> -> memref<64x16xf32, #tpu.memory_space<vmem_shared>>
      tpu.enqueue_dma source(%dma_start3A_174 : memref<64x16xf32, #tpu.memory_space<vmem_shared>>) target(%dma_start3A_172 : memref<64x16xf32, #tpu.memory_space<hbm>>) target_semaphore(%run_scoped3A : memref<!tpu.dma_semaphore, #tpu.memory_space<semaphore_mem>>)
      %dma_wait3A_175 = arith.constant 0 : i32
      %dma_wait3A_176 = tpu.memref_slice %arg7[%arg0, %add3A_137, %dma_wait3A_175] : memref<2x10240x16xf32, #tpu.memory_space<hbm>> -> memref<1x64x16xf32, #tpu.memory_space<hbm>>
      %dma_wait3A_177 = tpu.memref_squeeze %dma_wait3A_176 : memref<1x64x16xf32, #tpu.memory_space<hbm>> -> memref<64x16xf32, #tpu.memory_space<hbm>>
      %dma_wait3A_178 = arith.constant 0 : i32
      %dma_wait3A_179 = tpu.memref_slice %arg23[%add3A_137, %dma_wait3A_178] : memref<10240x16xf32, #tpu.memory_space<vmem_shared>> -> memref<64x16xf32, #tpu.memory_space<vmem_shared>>
      tpu.wait_dma2 semaphore(%run_scoped3A : memref<!tpu.dma_semaphore, #tpu.memory_space<semaphore_mem>>) src(%dma_wait3A_179 : memref<64x16xf32, #tpu.memory_space<vmem_shared>>) dst(%dma_wait3A_177 : memref<64x16xf32, #tpu.memory_space<hbm>>)
      tpu.yield
    }) : () -> ()
    %mul3A_138 = arith.constant 640 : i32
    %mul3A_139 = arith.muli %arg1, %mul3A_138 : i32
    %add3A_140 = arith.constant 128 : i32
    %add3A_141 = arith.addi %mul3A_139, %add3A_140 : i32
    "tpu.region"() ({
      %run_scoped3A = tpu.sem_alloc : memref<!tpu.dma_semaphore, #tpu.memory_space<semaphore_mem>>
      %dma_start3A_170 = arith.constant 0 : i32
      %dma_start3A_171 = tpu.memref_slice %arg6[%arg0, %add3A_141, %dma_start3A_170] : memref<2x10240x128xf32, #tpu.memory_space<hbm>> -> memref<1x64x128xf32, #tpu.memory_space<hbm>>
      %dma_start3A_172 = tpu.memref_squeeze %dma_start3A_171 : memref<1x64x128xf32, #tpu.memory_space<hbm>> -> memref<64x128xf32, #tpu.memory_space<hbm>>
      %dma_start3A_173 = arith.constant 0 : i32
      %dma_start3A_174 = tpu.memref_slice %arg22[%add3A_141, %dma_start3A_173] : memref<10240x128xf32, #tpu.memory_space<vmem_shared>> -> memref<64x128xf32, #tpu.memory_space<vmem_shared>>
      tpu.enqueue_dma source(%dma_start3A_174 : memref<64x128xf32, #tpu.memory_space<vmem_shared>>) target(%dma_start3A_172 : memref<64x128xf32, #tpu.memory_space<hbm>>) target_semaphore(%run_scoped3A : memref<!tpu.dma_semaphore, #tpu.memory_space<semaphore_mem>>)
      %dma_wait3A_175 = arith.constant 0 : i32
      %dma_wait3A_176 = tpu.memref_slice %arg6[%arg0, %add3A_141, %dma_wait3A_175] : memref<2x10240x128xf32, #tpu.memory_space<hbm>> -> memref<1x64x128xf32, #tpu.memory_space<hbm>>
      %dma_wait3A_177 = tpu.memref_squeeze %dma_wait3A_176 : memref<1x64x128xf32, #tpu.memory_space<hbm>> -> memref<64x128xf32, #tpu.memory_space<hbm>>
      %dma_wait3A_178 = arith.constant 0 : i32
      %dma_wait3A_179 = tpu.memref_slice %arg22[%add3A_141, %dma_wait3A_178] : memref<10240x128xf32, #tpu.memory_space<vmem_shared>> -> memref<64x128xf32, #tpu.memory_space<vmem_shared>>
      tpu.wait_dma2 semaphore(%run_scoped3A : memref<!tpu.dma_semaphore, #tpu.memory_space<semaphore_mem>>) src(%dma_wait3A_179 : memref<64x128xf32, #tpu.memory_space<vmem_shared>>) dst(%dma_wait3A_177 : memref<64x128xf32, #tpu.memory_space<hbm>>)
      tpu.yield
    }) : () -> ()
    "tpu.region"() ({
      %run_scoped3A = tpu.sem_alloc : memref<!tpu.dma_semaphore, #tpu.memory_space<semaphore_mem>>
      %dma_start3A_170 = arith.constant 0 : i32
      %dma_start3A_171 = tpu.memref_slice %arg7[%arg0, %add3A_141, %dma_start3A_170] : memref<2x10240x16xf32, #tpu.memory_space<hbm>> -> memref<1x64x16xf32, #tpu.memory_space<hbm>>
      %dma_start3A_172 = tpu.memref_squeeze %dma_start3A_171 : memref<1x64x16xf32, #tpu.memory_space<hbm>> -> memref<64x16xf32, #tpu.memory_space<hbm>>
      %dma_start3A_173 = arith.constant 0 : i32
      %dma_start3A_174 = tpu.memref_slice %arg23[%add3A_141, %dma_start3A_173] : memref<10240x16xf32, #tpu.memory_space<vmem_shared>> -> memref<64x16xf32, #tpu.memory_space<vmem_shared>>
      tpu.enqueue_dma source(%dma_start3A_174 : memref<64x16xf32, #tpu.memory_space<vmem_shared>>) target(%dma_start3A_172 : memref<64x16xf32, #tpu.memory_space<hbm>>) target_semaphore(%run_scoped3A : memref<!tpu.dma_semaphore, #tpu.memory_space<semaphore_mem>>)
      %dma_wait3A_175 = arith.constant 0 : i32
      %dma_wait3A_176 = tpu.memref_slice %arg7[%arg0, %add3A_141, %dma_wait3A_175] : memref<2x10240x16xf32, #tpu.memory_space<hbm>> -> memref<1x64x16xf32, #tpu.memory_space<hbm>>
      %dma_wait3A_177 = tpu.memref_squeeze %dma_wait3A_176 : memref<1x64x16xf32, #tpu.memory_space<hbm>> -> memref<64x16xf32, #tpu.memory_space<hbm>>
      %dma_wait3A_178 = arith.constant 0 : i32
      %dma_wait3A_179 = tpu.memref_slice %arg23[%add3A_141, %dma_wait3A_178] : memref<10240x16xf32, #tpu.memory_space<vmem_shared>> -> memref<64x16xf32, #tpu.memory_space<vmem_shared>>
      tpu.wait_dma2 semaphore(%run_scoped3A : memref<!tpu.dma_semaphore, #tpu.memory_space<semaphore_mem>>) src(%dma_wait3A_179 : memref<64x16xf32, #tpu.memory_space<vmem_shared>>) dst(%dma_wait3A_177 : memref<64x16xf32, #tpu.memory_space<hbm>>)
      tpu.yield
    }) : () -> ()
    %mul3A_142 = arith.constant 640 : i32
    %mul3A_143 = arith.muli %arg1, %mul3A_142 : i32
    %add3A_144 = arith.constant 192 : i32
    %add3A_145 = arith.addi %mul3A_143, %add3A_144 : i32
    "tpu.region"() ({
      %run_scoped3A = tpu.sem_alloc : memref<!tpu.dma_semaphore, #tpu.memory_space<semaphore_mem>>
      %dma_start3A_170 = arith.constant 0 : i32
      %dma_start3A_171 = tpu.memref_slice %arg6[%arg0, %add3A_145, %dma_start3A_170] : memref<2x10240x128xf32, #tpu.memory_space<hbm>> -> memref<1x64x128xf32, #tpu.memory_space<hbm>>
      %dma_start3A_172 = tpu.memref_squeeze %dma_start3A_171 : memref<1x64x128xf32, #tpu.memory_space<hbm>> -> memref<64x128xf32, #tpu.memory_space<hbm>>
      %dma_start3A_173 = arith.constant 0 : i32
      %dma_start3A_174 = tpu.memref_slice %arg22[%add3A_145, %dma_start3A_173] : memref<10240x128xf32, #tpu.memory_space<vmem_shared>> -> memref<64x128xf32, #tpu.memory_space<vmem_shared>>
      tpu.enqueue_dma source(%dma_start3A_174 : memref<64x128xf32, #tpu.memory_space<vmem_shared>>) target(%dma_start3A_172 : memref<64x128xf32, #tpu.memory_space<hbm>>) target_semaphore(%run_scoped3A : memref<!tpu.dma_semaphore, #tpu.memory_space<semaphore_mem>>)
      %dma_wait3A_175 = arith.constant 0 : i32
      %dma_wait3A_176 = tpu.memref_slice %arg6[%arg0, %add3A_145, %dma_wait3A_175] : memref<2x10240x128xf32, #tpu.memory_space<hbm>> -> memref<1x64x128xf32, #tpu.memory_space<hbm>>
      %dma_wait3A_177 = tpu.memref_squeeze %dma_wait3A_176 : memref<1x64x128xf32, #tpu.memory_space<hbm>> -> memref<64x128xf32, #tpu.memory_space<hbm>>
      %dma_wait3A_178 = arith.constant 0 : i32
      %dma_wait3A_179 = tpu.memref_slice %arg22[%add3A_145, %dma_wait3A_178] : memref<10240x128xf32, #tpu.memory_space<vmem_shared>> -> memref<64x128xf32, #tpu.memory_space<vmem_shared>>
      tpu.wait_dma2 semaphore(%run_scoped3A : memref<!tpu.dma_semaphore, #tpu.memory_space<semaphore_mem>>) src(%dma_wait3A_179 : memref<64x128xf32, #tpu.memory_space<vmem_shared>>) dst(%dma_wait3A_177 : memref<64x128xf32, #tpu.memory_space<hbm>>)
      tpu.yield
    }) : () -> ()
    "tpu.region"() ({
      %run_scoped3A = tpu.sem_alloc : memref<!tpu.dma_semaphore, #tpu.memory_space<semaphore_mem>>
      %dma_start3A_170 = arith.constant 0 : i32
      %dma_start3A_171 = tpu.memref_slice %arg7[%arg0, %add3A_145, %dma_start3A_170] : memref<2x10240x16xf32, #tpu.memory_space<hbm>> -> memref<1x64x16xf32, #tpu.memory_space<hbm>>
      %dma_start3A_172 = tpu.memref_squeeze %dma_start3A_171 : memref<1x64x16xf32, #tpu.memory_space<hbm>> -> memref<64x16xf32, #tpu.memory_space<hbm>>
      %dma_start3A_173 = arith.constant 0 : i32
      %dma_start3A_174 = tpu.memref_slice %arg23[%add3A_145, %dma_start3A_173] : memref<10240x16xf32, #tpu.memory_space<vmem_shared>> -> memref<64x16xf32, #tpu.memory_space<vmem_shared>>
      tpu.enqueue_dma source(%dma_start3A_174 : memref<64x16xf32, #tpu.memory_space<vmem_shared>>) target(%dma_start3A_172 : memref<64x16xf32, #tpu.memory_space<hbm>>) target_semaphore(%run_scoped3A : memref<!tpu.dma_semaphore, #tpu.memory_space<semaphore_mem>>)
      %dma_wait3A_175 = arith.constant 0 : i32
      %dma_wait3A_176 = tpu.memref_slice %arg7[%arg0, %add3A_145, %dma_wait3A_175] : memref<2x10240x16xf32, #tpu.memory_space<hbm>> -> memref<1x64x16xf32, #tpu.memory_space<hbm>>
      %dma_wait3A_177 = tpu.memref_squeeze %dma_wait3A_176 : memref<1x64x16xf32, #tpu.memory_space<hbm>> -> memref<64x16xf32, #tpu.memory_space<hbm>>
      %dma_wait3A_178 = arith.constant 0 : i32
      %dma_wait3A_179 = tpu.memref_slice %arg23[%add3A_145, %dma_wait3A_178] : memref<10240x16xf32, #tpu.memory_space<vmem_shared>> -> memref<64x16xf32, #tpu.memory_space<vmem_shared>>
      tpu.wait_dma2 semaphore(%run_scoped3A : memref<!tpu.dma_semaphore, #tpu.memory_space<semaphore_mem>>) src(%dma_wait3A_179 : memref<64x16xf32, #tpu.memory_space<vmem_shared>>) dst(%dma_wait3A_177 : memref<64x16xf32, #tpu.memory_space<hbm>>)
      tpu.yield
    }) : () -> ()
    %mul3A_146 = arith.constant 640 : i32
    %mul3A_147 = arith.muli %arg1, %mul3A_146 : i32
    %add3A_148 = arith.constant 256 : i32
    %add3A_149 = arith.addi %mul3A_147, %add3A_148 : i32
    "tpu.region"() ({
      %run_scoped3A = tpu.sem_alloc : memref<!tpu.dma_semaphore, #tpu.memory_space<semaphore_mem>>
      %dma_start3A_170 = arith.constant 0 : i32
      %dma_start3A_171 = tpu.memref_slice %arg6[%arg0, %add3A_149, %dma_start3A_170] : memref<2x10240x128xf32, #tpu.memory_space<hbm>> -> memref<1x64x128xf32, #tpu.memory_space<hbm>>
      %dma_start3A_172 = tpu.memref_squeeze %dma_start3A_171 : memref<1x64x128xf32, #tpu.memory_space<hbm>> -> memref<64x128xf32, #tpu.memory_space<hbm>>
      %dma_start3A_173 = arith.constant 0 : i32
      %dma_start3A_174 = tpu.memref_slice %arg22[%add3A_149, %dma_start3A_173] : memref<10240x128xf32, #tpu.memory_space<vmem_shared>> -> memref<64x128xf32, #tpu.memory_space<vmem_shared>>
      tpu.enqueue_dma source(%dma_start3A_174 : memref<64x128xf32, #tpu.memory_space<vmem_shared>>) target(%dma_start3A_172 : memref<64x128xf32, #tpu.memory_space<hbm>>) target_semaphore(%run_scoped3A : memref<!tpu.dma_semaphore, #tpu.memory_space<semaphore_mem>>)
      %dma_wait3A_175 = arith.constant 0 : i32
      %dma_wait3A_176 = tpu.memref_slice %arg6[%arg0, %add3A_149, %dma_wait3A_175] : memref<2x10240x128xf32, #tpu.memory_space<hbm>> -> memref<1x64x128xf32, #tpu.memory_space<hbm>>
      %dma_wait3A_177 = tpu.memref_squeeze %dma_wait3A_176 : memref<1x64x128xf32, #tpu.memory_space<hbm>> -> memref<64x128xf32, #tpu.memory_space<hbm>>
      %dma_wait3A_178 = arith.constant 0 : i32
      %dma_wait3A_179 = tpu.memref_slice %arg22[%add3A_149, %dma_wait3A_178] : memref<10240x128xf32, #tpu.memory_space<vmem_shared>> -> memref<64x128xf32, #tpu.memory_space<vmem_shared>>
      tpu.wait_dma2 semaphore(%run_scoped3A : memref<!tpu.dma_semaphore, #tpu.memory_space<semaphore_mem>>) src(%dma_wait3A_179 : memref<64x128xf32, #tpu.memory_space<vmem_shared>>) dst(%dma_wait3A_177 : memref<64x128xf32, #tpu.memory_space<hbm>>)
      tpu.yield
    }) : () -> ()
    "tpu.region"() ({
      %run_scoped3A = tpu.sem_alloc : memref<!tpu.dma_semaphore, #tpu.memory_space<semaphore_mem>>
      %dma_start3A_170 = arith.constant 0 : i32
      %dma_start3A_171 = tpu.memref_slice %arg7[%arg0, %add3A_149, %dma_start3A_170] : memref<2x10240x16xf32, #tpu.memory_space<hbm>> -> memref<1x64x16xf32, #tpu.memory_space<hbm>>
      %dma_start3A_172 = tpu.memref_squeeze %dma_start3A_171 : memref<1x64x16xf32, #tpu.memory_space<hbm>> -> memref<64x16xf32, #tpu.memory_space<hbm>>
      %dma_start3A_173 = arith.constant 0 : i32
      %dma_start3A_174 = tpu.memref_slice %arg23[%add3A_149, %dma_start3A_173] : memref<10240x16xf32, #tpu.memory_space<vmem_shared>> -> memref<64x16xf32, #tpu.memory_space<vmem_shared>>
      tpu.enqueue_dma source(%dma_start3A_174 : memref<64x16xf32, #tpu.memory_space<vmem_shared>>) target(%dma_start3A_172 : memref<64x16xf32, #tpu.memory_space<hbm>>) target_semaphore(%run_scoped3A : memref<!tpu.dma_semaphore, #tpu.memory_space<semaphore_mem>>)
      %dma_wait3A_175 = arith.constant 0 : i32
      %dma_wait3A_176 = tpu.memref_slice %arg7[%arg0, %add3A_149, %dma_wait3A_175] : memref<2x10240x16xf32, #tpu.memory_space<hbm>> -> memref<1x64x16xf32, #tpu.memory_space<hbm>>
      %dma_wait3A_177 = tpu.memref_squeeze %dma_wait3A_176 : memref<1x64x16xf32, #tpu.memory_space<hbm>> -> memref<64x16xf32, #tpu.memory_space<hbm>>
      %dma_wait3A_178 = arith.constant 0 : i32
      %dma_wait3A_179 = tpu.memref_slice %arg23[%add3A_149, %dma_wait3A_178] : memref<10240x16xf32, #tpu.memory_space<vmem_shared>> -> memref<64x16xf32, #tpu.memory_space<vmem_shared>>
      tpu.wait_dma2 semaphore(%run_scoped3A : memref<!tpu.dma_semaphore, #tpu.memory_space<semaphore_mem>>) src(%dma_wait3A_179 : memref<64x16xf32, #tpu.memory_space<vmem_shared>>) dst(%dma_wait3A_177 : memref<64x16xf32, #tpu.memory_space<hbm>>)
      tpu.yield
    }) : () -> ()
    %mul3A_150 = arith.constant 640 : i32
    %mul3A_151 = arith.muli %arg1, %mul3A_150 : i32
    %add3A_152 = arith.constant 320 : i32
    %add3A_153 = arith.addi %mul3A_151, %add3A_152 : i32
    "tpu.region"() ({
      %run_scoped3A = tpu.sem_alloc : memref<!tpu.dma_semaphore, #tpu.memory_space<semaphore_mem>>
      %dma_start3A_170 = arith.constant 0 : i32
      %dma_start3A_171 = tpu.memref_slice %arg6[%arg0, %add3A_153, %dma_start3A_170] : memref<2x10240x128xf32, #tpu.memory_space<hbm>> -> memref<1x64x128xf32, #tpu.memory_space<hbm>>
      %dma_start3A_172 = tpu.memref_squeeze %dma_start3A_171 : memref<1x64x128xf32, #tpu.memory_space<hbm>> -> memref<64x128xf32, #tpu.memory_space<hbm>>
      %dma_start3A_173 = arith.constant 0 : i32
      %dma_start3A_174 = tpu.memref_slice %arg22[%add3A_153, %dma_start3A_173] : memref<10240x128xf32, #tpu.memory_space<vmem_shared>> -> memref<64x128xf32, #tpu.memory_space<vmem_shared>>
      tpu.enqueue_dma source(%dma_start3A_174 : memref<64x128xf32, #tpu.memory_space<vmem_shared>>) target(%dma_start3A_172 : memref<64x128xf32, #tpu.memory_space<hbm>>) target_semaphore(%run_scoped3A : memref<!tpu.dma_semaphore, #tpu.memory_space<semaphore_mem>>)
      %dma_wait3A_175 = arith.constant 0 : i32
      %dma_wait3A_176 = tpu.memref_slice %arg6[%arg0, %add3A_153, %dma_wait3A_175] : memref<2x10240x128xf32, #tpu.memory_space<hbm>> -> memref<1x64x128xf32, #tpu.memory_space<hbm>>
      %dma_wait3A_177 = tpu.memref_squeeze %dma_wait3A_176 : memref<1x64x128xf32, #tpu.memory_space<hbm>> -> memref<64x128xf32, #tpu.memory_space<hbm>>
      %dma_wait3A_178 = arith.constant 0 : i32
      %dma_wait3A_179 = tpu.memref_slice %arg22[%add3A_153, %dma_wait3A_178] : memref<10240x128xf32, #tpu.memory_space<vmem_shared>> -> memref<64x128xf32, #tpu.memory_space<vmem_shared>>
      tpu.wait_dma2 semaphore(%run_scoped3A : memref<!tpu.dma_semaphore, #tpu.memory_space<semaphore_mem>>) src(%dma_wait3A_179 : memref<64x128xf32, #tpu.memory_space<vmem_shared>>) dst(%dma_wait3A_177 : memref<64x128xf32, #tpu.memory_space<hbm>>)
      tpu.yield
    }) : () -> ()
    "tpu.region"() ({
      %run_scoped3A = tpu.sem_alloc : memref<!tpu.dma_semaphore, #tpu.memory_space<semaphore_mem>>
      %dma_start3A_170 = arith.constant 0 : i32
      %dma_start3A_171 = tpu.memref_slice %arg7[%arg0, %add3A_153, %dma_start3A_170] : memref<2x10240x16xf32, #tpu.memory_space<hbm>> -> memref<1x64x16xf32, #tpu.memory_space<hbm>>
      %dma_start3A_172 = tpu.memref_squeeze %dma_start3A_171 : memref<1x64x16xf32, #tpu.memory_space<hbm>> -> memref<64x16xf32, #tpu.memory_space<hbm>>
      %dma_start3A_173 = arith.constant 0 : i32
      %dma_start3A_174 = tpu.memref_slice %arg23[%add3A_153, %dma_start3A_173] : memref<10240x16xf32, #tpu.memory_space<vmem_shared>> -> memref<64x16xf32, #tpu.memory_space<vmem_shared>>
      tpu.enqueue_dma source(%dma_start3A_174 : memref<64x16xf32, #tpu.memory_space<vmem_shared>>) target(%dma_start3A_172 : memref<64x16xf32, #tpu.memory_space<hbm>>) target_semaphore(%run_scoped3A : memref<!tpu.dma_semaphore, #tpu.memory_space<semaphore_mem>>)
      %dma_wait3A_175 = arith.constant 0 : i32
      %dma_wait3A_176 = tpu.memref_slice %arg7[%arg0, %add3A_153, %dma_wait3A_175] : memref<2x10240x16xf32, #tpu.memory_space<hbm>> -> memref<1x64x16xf32, #tpu.memory_space<hbm>>
      %dma_wait3A_177 = tpu.memref_squeeze %dma_wait3A_176 : memref<1x64x16xf32, #tpu.memory_space<hbm>> -> memref<64x16xf32, #tpu.memory_space<hbm>>
      %dma_wait3A_178 = arith.constant 0 : i32
      %dma_wait3A_179 = tpu.memref_slice %arg23[%add3A_153, %dma_wait3A_178] : memref<10240x16xf32, #tpu.memory_space<vmem_shared>> -> memref<64x16xf32, #tpu.memory_space<vmem_shared>>
      tpu.wait_dma2 semaphore(%run_scoped3A : memref<!tpu.dma_semaphore, #tpu.memory_space<semaphore_mem>>) src(%dma_wait3A_179 : memref<64x16xf32, #tpu.memory_space<vmem_shared>>) dst(%dma_wait3A_177 : memref<64x16xf32, #tpu.memory_space<hbm>>)
      tpu.yield
    }) : () -> ()
    %mul3A_154 = arith.constant 640 : i32
    %mul3A_155 = arith.muli %arg1, %mul3A_154 : i32
    %add3A_156 = arith.constant 384 : i32
    %add3A_157 = arith.addi %mul3A_155, %add3A_156 : i32
    "tpu.region"() ({
      %run_scoped3A = tpu.sem_alloc : memref<!tpu.dma_semaphore, #tpu.memory_space<semaphore_mem>>
      %dma_start3A_170 = arith.constant 0 : i32
      %dma_start3A_171 = tpu.memref_slice %arg6[%arg0, %add3A_157, %dma_start3A_170] : memref<2x10240x128xf32, #tpu.memory_space<hbm>> -> memref<1x64x128xf32, #tpu.memory_space<hbm>>
      %dma_start3A_172 = tpu.memref_squeeze %dma_start3A_171 : memref<1x64x128xf32, #tpu.memory_space<hbm>> -> memref<64x128xf32, #tpu.memory_space<hbm>>
      %dma_start3A_173 = arith.constant 0 : i32
      %dma_start3A_174 = tpu.memref_slice %arg22[%add3A_157, %dma_start3A_173] : memref<10240x128xf32, #tpu.memory_space<vmem_shared>> -> memref<64x128xf32, #tpu.memory_space<vmem_shared>>
      tpu.enqueue_dma source(%dma_start3A_174 : memref<64x128xf32, #tpu.memory_space<vmem_shared>>) target(%dma_start3A_172 : memref<64x128xf32, #tpu.memory_space<hbm>>) target_semaphore(%run_scoped3A : memref<!tpu.dma_semaphore, #tpu.memory_space<semaphore_mem>>)
      %dma_wait3A_175 = arith.constant 0 : i32
      %dma_wait3A_176 = tpu.memref_slice %arg6[%arg0, %add3A_157, %dma_wait3A_175] : memref<2x10240x128xf32, #tpu.memory_space<hbm>> -> memref<1x64x128xf32, #tpu.memory_space<hbm>>
      %dma_wait3A_177 = tpu.memref_squeeze %dma_wait3A_176 : memref<1x64x128xf32, #tpu.memory_space<hbm>> -> memref<64x128xf32, #tpu.memory_space<hbm>>
      %dma_wait3A_178 = arith.constant 0 : i32
      %dma_wait3A_179 = tpu.memref_slice %arg22[%add3A_157, %dma_wait3A_178] : memref<10240x128xf32, #tpu.memory_space<vmem_shared>> -> memref<64x128xf32, #tpu.memory_space<vmem_shared>>
      tpu.wait_dma2 semaphore(%run_scoped3A : memref<!tpu.dma_semaphore, #tpu.memory_space<semaphore_mem>>) src(%dma_wait3A_179 : memref<64x128xf32, #tpu.memory_space<vmem_shared>>) dst(%dma_wait3A_177 : memref<64x128xf32, #tpu.memory_space<hbm>>)
      tpu.yield
    }) : () -> ()
    "tpu.region"() ({
      %run_scoped3A = tpu.sem_alloc : memref<!tpu.dma_semaphore, #tpu.memory_space<semaphore_mem>>
      %dma_start3A_170 = arith.constant 0 : i32
      %dma_start3A_171 = tpu.memref_slice %arg7[%arg0, %add3A_157, %dma_start3A_170] : memref<2x10240x16xf32, #tpu.memory_space<hbm>> -> memref<1x64x16xf32, #tpu.memory_space<hbm>>
      %dma_start3A_172 = tpu.memref_squeeze %dma_start3A_171 : memref<1x64x16xf32, #tpu.memory_space<hbm>> -> memref<64x16xf32, #tpu.memory_space<hbm>>
      %dma_start3A_173 = arith.constant 0 : i32
      %dma_start3A_174 = tpu.memref_slice %arg23[%add3A_157, %dma_start3A_173] : memref<10240x16xf32, #tpu.memory_space<vmem_shared>> -> memref<64x16xf32, #tpu.memory_space<vmem_shared>>
      tpu.enqueue_dma source(%dma_start3A_174 : memref<64x16xf32, #tpu.memory_space<vmem_shared>>) target(%dma_start3A_172 : memref<64x16xf32, #tpu.memory_space<hbm>>) target_semaphore(%run_scoped3A : memref<!tpu.dma_semaphore, #tpu.memory_space<semaphore_mem>>)
      %dma_wait3A_175 = arith.constant 0 : i32
      %dma_wait3A_176 = tpu.memref_slice %arg7[%arg0, %add3A_157, %dma_wait3A_175] : memref<2x10240x16xf32, #tpu.memory_space<hbm>> -> memref<1x64x16xf32, #tpu.memory_space<hbm>>
      %dma_wait3A_177 = tpu.memref_squeeze %dma_wait3A_176 : memref<1x64x16xf32, #tpu.memory_space<hbm>> -> memref<64x16xf32, #tpu.memory_space<hbm>>
      %dma_wait3A_178 = arith.constant 0 : i32
      %dma_wait3A_179 = tpu.memref_slice %arg23[%add3A_157, %dma_wait3A_178] : memref<10240x16xf32, #tpu.memory_space<vmem_shared>> -> memref<64x16xf32, #tpu.memory_space<vmem_shared>>
      tpu.wait_dma2 semaphore(%run_scoped3A : memref<!tpu.dma_semaphore, #tpu.memory_space<semaphore_mem>>) src(%dma_wait3A_179 : memref<64x16xf32, #tpu.memory_space<vmem_shared>>) dst(%dma_wait3A_177 : memref<64x16xf32, #tpu.memory_space<hbm>>)
      tpu.yield
    }) : () -> ()
    %mul3A_158 = arith.constant 640 : i32
    %mul3A_159 = arith.muli %arg1, %mul3A_158 : i32
    %add3A_160 = arith.constant 448 : i32
    %add3A_161 = arith.addi %mul3A_159, %add3A_160 : i32
    "tpu.region"() ({
      %run_scoped3A = tpu.sem_alloc : memref<!tpu.dma_semaphore, #tpu.memory_space<semaphore_mem>>
      %dma_start3A_170 = arith.constant 0 : i32
      %dma_start3A_171 = tpu.memref_slice %arg6[%arg0, %add3A_161, %dma_start3A_170] : memref<2x10240x128xf32, #tpu.memory_space<hbm>> -> memref<1x64x128xf32, #tpu.memory_space<hbm>>
      %dma_start3A_172 = tpu.memref_squeeze %dma_start3A_171 : memref<1x64x128xf32, #tpu.memory_space<hbm>> -> memref<64x128xf32, #tpu.memory_space<hbm>>
      %dma_start3A_173 = arith.constant 0 : i32
      %dma_start3A_174 = tpu.memref_slice %arg22[%add3A_161, %dma_start3A_173] : memref<10240x128xf32, #tpu.memory_space<vmem_shared>> -> memref<64x128xf32, #tpu.memory_space<vmem_shared>>
      tpu.enqueue_dma source(%dma_start3A_174 : memref<64x128xf32, #tpu.memory_space<vmem_shared>>) target(%dma_start3A_172 : memref<64x128xf32, #tpu.memory_space<hbm>>) target_semaphore(%run_scoped3A : memref<!tpu.dma_semaphore, #tpu.memory_space<semaphore_mem>>)
      %dma_wait3A_175 = arith.constant 0 : i32
      %dma_wait3A_176 = tpu.memref_slice %arg6[%arg0, %add3A_161, %dma_wait3A_175] : memref<2x10240x128xf32, #tpu.memory_space<hbm>> -> memref<1x64x128xf32, #tpu.memory_space<hbm>>
      %dma_wait3A_177 = tpu.memref_squeeze %dma_wait3A_176 : memref<1x64x128xf32, #tpu.memory_space<hbm>> -> memref<64x128xf32, #tpu.memory_space<hbm>>
      %dma_wait3A_178 = arith.constant 0 : i32
      %dma_wait3A_179 = tpu.memref_slice %arg22[%add3A_161, %dma_wait3A_178] : memref<10240x128xf32, #tpu.memory_space<vmem_shared>> -> memref<64x128xf32, #tpu.memory_space<vmem_shared>>
      tpu.wait_dma2 semaphore(%run_scoped3A : memref<!tpu.dma_semaphore, #tpu.memory_space<semaphore_mem>>) src(%dma_wait3A_179 : memref<64x128xf32, #tpu.memory_space<vmem_shared>>) dst(%dma_wait3A_177 : memref<64x128xf32, #tpu.memory_space<hbm>>)
      tpu.yield
    }) : () -> ()
    "tpu.region"() ({
      %run_scoped3A = tpu.sem_alloc : memref<!tpu.dma_semaphore, #tpu.memory_space<semaphore_mem>>
      %dma_start3A_170 = arith.constant 0 : i32
      %dma_start3A_171 = tpu.memref_slice %arg7[%arg0, %add3A_161, %dma_start3A_170] : memref<2x10240x16xf32, #tpu.memory_space<hbm>> -> memref<1x64x16xf32, #tpu.memory_space<hbm>>
      %dma_start3A_172 = tpu.memref_squeeze %dma_start3A_171 : memref<1x64x16xf32, #tpu.memory_space<hbm>> -> memref<64x16xf32, #tpu.memory_space<hbm>>
      %dma_start3A_173 = arith.constant 0 : i32
      %dma_start3A_174 = tpu.memref_slice %arg23[%add3A_161, %dma_start3A_173] : memref<10240x16xf32, #tpu.memory_space<vmem_shared>> -> memref<64x16xf32, #tpu.memory_space<vmem_shared>>
      tpu.enqueue_dma source(%dma_start3A_174 : memref<64x16xf32, #tpu.memory_space<vmem_shared>>) target(%dma_start3A_172 : memref<64x16xf32, #tpu.memory_space<hbm>>) target_semaphore(%run_scoped3A : memref<!tpu.dma_semaphore, #tpu.memory_space<semaphore_mem>>)
      %dma_wait3A_175 = arith.constant 0 : i32
      %dma_wait3A_176 = tpu.memref_slice %arg7[%arg0, %add3A_161, %dma_wait3A_175] : memref<2x10240x16xf32, #tpu.memory_space<hbm>> -> memref<1x64x16xf32, #tpu.memory_space<hbm>>
      %dma_wait3A_177 = tpu.memref_squeeze %dma_wait3A_176 : memref<1x64x16xf32, #tpu.memory_space<hbm>> -> memref<64x16xf32, #tpu.memory_space<hbm>>
      %dma_wait3A_178 = arith.constant 0 : i32
      %dma_wait3A_179 = tpu.memref_slice %arg23[%add3A_161, %dma_wait3A_178] : memref<10240x16xf32, #tpu.memory_space<vmem_shared>> -> memref<64x16xf32, #tpu.memory_space<vmem_shared>>
      tpu.wait_dma2 semaphore(%run_scoped3A : memref<!tpu.dma_semaphore, #tpu.memory_space<semaphore_mem>>) src(%dma_wait3A_179 : memref<64x16xf32, #tpu.memory_space<vmem_shared>>) dst(%dma_wait3A_177 : memref<64x16xf32, #tpu.memory_space<hbm>>)
      tpu.yield
    }) : () -> ()
    %mul3A_162 = arith.constant 640 : i32
    %mul3A_163 = arith.muli %arg1, %mul3A_162 : i32
    %add3A_164 = arith.constant 512 : i32
    %add3A_165 = arith.addi %mul3A_163, %add3A_164 : i32
    "tpu.region"() ({
      %run_scoped3A = tpu.sem_alloc : memref<!tpu.dma_semaphore, #tpu.memory_space<semaphore_mem>>
      %dma_start3A_170 = arith.constant 0 : i32
      %dma_start3A_171 = tpu.memref_slice %arg6[%arg0, %add3A_165, %dma_start3A_170] : memref<2x10240x128xf32, #tpu.memory_space<hbm>> -> memref<1x64x128xf32, #tpu.memory_space<hbm>>
      %dma_start3A_172 = tpu.memref_squeeze %dma_start3A_171 : memref<1x64x128xf32, #tpu.memory_space<hbm>> -> memref<64x128xf32, #tpu.memory_space<hbm>>
      %dma_start3A_173 = arith.constant 0 : i32
      %dma_start3A_174 = tpu.memref_slice %arg22[%add3A_165, %dma_start3A_173] : memref<10240x128xf32, #tpu.memory_space<vmem_shared>> -> memref<64x128xf32, #tpu.memory_space<vmem_shared>>
      tpu.enqueue_dma source(%dma_start3A_174 : memref<64x128xf32, #tpu.memory_space<vmem_shared>>) target(%dma_start3A_172 : memref<64x128xf32, #tpu.memory_space<hbm>>) target_semaphore(%run_scoped3A : memref<!tpu.dma_semaphore, #tpu.memory_space<semaphore_mem>>)
      %dma_wait3A_175 = arith.constant 0 : i32
      %dma_wait3A_176 = tpu.memref_slice %arg6[%arg0, %add3A_165, %dma_wait3A_175] : memref<2x10240x128xf32, #tpu.memory_space<hbm>> -> memref<1x64x128xf32, #tpu.memory_space<hbm>>
      %dma_wait3A_177 = tpu.memref_squeeze %dma_wait3A_176 : memref<1x64x128xf32, #tpu.memory_space<hbm>> -> memref<64x128xf32, #tpu.memory_space<hbm>>
      %dma_wait3A_178 = arith.constant 0 : i32
      %dma_wait3A_179 = tpu.memref_slice %arg22[%add3A_165, %dma_wait3A_178] : memref<10240x128xf32, #tpu.memory_space<vmem_shared>> -> memref<64x128xf32, #tpu.memory_space<vmem_shared>>
      tpu.wait_dma2 semaphore(%run_scoped3A : memref<!tpu.dma_semaphore, #tpu.memory_space<semaphore_mem>>) src(%dma_wait3A_179 : memref<64x128xf32, #tpu.memory_space<vmem_shared>>) dst(%dma_wait3A_177 : memref<64x128xf32, #tpu.memory_space<hbm>>)
      tpu.yield
    }) : () -> ()
    "tpu.region"() ({
      %run_scoped3A = tpu.sem_alloc : memref<!tpu.dma_semaphore, #tpu.memory_space<semaphore_mem>>
      %dma_start3A_170 = arith.constant 0 : i32
      %dma_start3A_171 = tpu.memref_slice %arg7[%arg0, %add3A_165, %dma_start3A_170] : memref<2x10240x16xf32, #tpu.memory_space<hbm>> -> memref<1x64x16xf32, #tpu.memory_space<hbm>>
      %dma_start3A_172 = tpu.memref_squeeze %dma_start3A_171 : memref<1x64x16xf32, #tpu.memory_space<hbm>> -> memref<64x16xf32, #tpu.memory_space<hbm>>
      %dma_start3A_173 = arith.constant 0 : i32
      %dma_start3A_174 = tpu.memref_slice %arg23[%add3A_165, %dma_start3A_173] : memref<10240x16xf32, #tpu.memory_space<vmem_shared>> -> memref<64x16xf32, #tpu.memory_space<vmem_shared>>
      tpu.enqueue_dma source(%dma_start3A_174 : memref<64x16xf32, #tpu.memory_space<vmem_shared>>) target(%dma_start3A_172 : memref<64x16xf32, #tpu.memory_space<hbm>>) target_semaphore(%run_scoped3A : memref<!tpu.dma_semaphore, #tpu.memory_space<semaphore_mem>>)
      %dma_wait3A_175 = arith.constant 0 : i32
      %dma_wait3A_176 = tpu.memref_slice %arg7[%arg0, %add3A_165, %dma_wait3A_175] : memref<2x10240x16xf32, #tpu.memory_space<hbm>> -> memref<1x64x16xf32, #tpu.memory_space<hbm>>
      %dma_wait3A_177 = tpu.memref_squeeze %dma_wait3A_176 : memref<1x64x16xf32, #tpu.memory_space<hbm>> -> memref<64x16xf32, #tpu.memory_space<hbm>>
      %dma_wait3A_178 = arith.constant 0 : i32
      %dma_wait3A_179 = tpu.memref_slice %arg23[%add3A_165, %dma_wait3A_178] : memref<10240x16xf32, #tpu.memory_space<vmem_shared>> -> memref<64x16xf32, #tpu.memory_space<vmem_shared>>
      tpu.wait_dma2 semaphore(%run_scoped3A : memref<!tpu.dma_semaphore, #tpu.memory_space<semaphore_mem>>) src(%dma_wait3A_179 : memref<64x16xf32, #tpu.memory_space<vmem_shared>>) dst(%dma_wait3A_177 : memref<64x16xf32, #tpu.memory_space<hbm>>)
      tpu.yield
    }) : () -> ()
    %mul3A_166 = arith.constant 640 : i32
    %mul3A_167 = arith.muli %arg1, %mul3A_166 : i32
    %add3A_168 = arith.constant 576 : i32
    %add3A_169 = arith.addi %mul3A_167, %add3A_168 : i32
    "tpu.region"() ({
      %run_scoped3A = tpu.sem_alloc : memref<!tpu.dma_semaphore, #tpu.memory_space<semaphore_mem>>
      %dma_start3A_170 = arith.constant 0 : i32
      %dma_start3A_171 = tpu.memref_slice %arg6[%arg0, %add3A_169, %dma_start3A_170] : memref<2x10240x128xf32, #tpu.memory_space<hbm>> -> memref<1x64x128xf32, #tpu.memory_space<hbm>>
      %dma_start3A_172 = tpu.memref_squeeze %dma_start3A_171 : memref<1x64x128xf32, #tpu.memory_space<hbm>> -> memref<64x128xf32, #tpu.memory_space<hbm>>
      %dma_start3A_173 = arith.constant 0 : i32
      %dma_start3A_174 = tpu.memref_slice %arg22[%add3A_169, %dma_start3A_173] : memref<10240x128xf32, #tpu.memory_space<vmem_shared>> -> memref<64x128xf32, #tpu.memory_space<vmem_shared>>
      tpu.enqueue_dma source(%dma_start3A_174 : memref<64x128xf32, #tpu.memory_space<vmem_shared>>) target(%dma_start3A_172 : memref<64x128xf32, #tpu.memory_space<hbm>>) target_semaphore(%run_scoped3A : memref<!tpu.dma_semaphore, #tpu.memory_space<semaphore_mem>>)
      %dma_wait3A_175 = arith.constant 0 : i32
      %dma_wait3A_176 = tpu.memref_slice %arg6[%arg0, %add3A_169, %dma_wait3A_175] : memref<2x10240x128xf32, #tpu.memory_space<hbm>> -> memref<1x64x128xf32, #tpu.memory_space<hbm>>
      %dma_wait3A_177 = tpu.memref_squeeze %dma_wait3A_176 : memref<1x64x128xf32, #tpu.memory_space<hbm>> -> memref<64x128xf32, #tpu.memory_space<hbm>>
      %dma_wait3A_178 = arith.constant 0 : i32
      %dma_wait3A_179 = tpu.memref_slice %arg22[%add3A_169, %dma_wait3A_178] : memref<10240x128xf32, #tpu.memory_space<vmem_shared>> -> memref<64x128xf32, #tpu.memory_space<vmem_shared>>
      tpu.wait_dma2 semaphore(%run_scoped3A : memref<!tpu.dma_semaphore, #tpu.memory_space<semaphore_mem>>) src(%dma_wait3A_179 : memref<64x128xf32, #tpu.memory_space<vmem_shared>>) dst(%dma_wait3A_177 : memref<64x128xf32, #tpu.memory_space<hbm>>)
      tpu.yield
    }) : () -> ()
    "tpu.region"() ({
      %run_scoped3A = tpu.sem_alloc : memref<!tpu.dma_semaphore, #tpu.memory_space<semaphore_mem>>
      %dma_start3A_170 = arith.constant 0 : i32
      %dma_start3A_171 = tpu.memref_slice %arg7[%arg0, %add3A_169, %dma_start3A_170] : memref<2x10240x16xf32, #tpu.memory_space<hbm>> -> memref<1x64x16xf32, #tpu.memory_space<hbm>>
      %dma_start3A_172 = tpu.memref_squeeze %dma_start3A_171 : memref<1x64x16xf32, #tpu.memory_space<hbm>> -> memref<64x16xf32, #tpu.memory_space<hbm>>
      %dma_start3A_173 = arith.constant 0 : i32
      %dma_start3A_174 = tpu.memref_slice %arg23[%add3A_169, %dma_start3A_173] : memref<10240x16xf32, #tpu.memory_space<vmem_shared>> -> memref<64x16xf32, #tpu.memory_space<vmem_shared>>
      tpu.enqueue_dma source(%dma_start3A_174 : memref<64x16xf32, #tpu.memory_space<vmem_shared>>) target(%dma_start3A_172 : memref<64x16xf32, #tpu.memory_space<hbm>>) target_semaphore(%run_scoped3A : memref<!tpu.dma_semaphore, #tpu.memory_space<semaphore_mem>>)
      %dma_wait3A_175 = arith.constant 0 : i32
      %dma_wait3A_176 = tpu.memref_slice %arg7[%arg0, %add3A_169, %dma_wait3A_175] : memref<2x10240x16xf32, #tpu.memory_space<hbm>> -> memref<1x64x16xf32, #tpu.memory_space<hbm>>
      %dma_wait3A_177 = tpu.memref_squeeze %dma_wait3A_176 : memref<1x64x16xf32, #tpu.memory_space<hbm>> -> memref<64x16xf32, #tpu.memory_space<hbm>>
      %dma_wait3A_178 = arith.constant 0 : i32
      %dma_wait3A_179 = tpu.memref_slice %arg23[%add3A_169, %dma_wait3A_178] : memref<10240x16xf32, #tpu.memory_space<vmem_shared>> -> memref<64x16xf32, #tpu.memory_space<vmem_shared>>
      tpu.wait_dma2 semaphore(%run_scoped3A : memref<!tpu.dma_semaphore, #tpu.memory_space<semaphore_mem>>) src(%dma_wait3A_179 : memref<64x16xf32, #tpu.memory_space<vmem_shared>>) dst(%dma_wait3A_177 : memref<64x16xf32, #tpu.memory_space<hbm>>)
      tpu.yield
    }) : () -> ()
    return
  }
}

module attributes {stable_mosaic.version = 14 : i64} {
  func.func @_tc1_body(%arg0: i32, %arg1: memref<256x128xf32, #tpu.memory_space<vmem>>, %arg2: memref<128x128xf32, #tpu.memory_space<vmem>>, %arg3: memref<128x16xf32, #tpu.memory_space<vmem>>, %arg4: memref<128x16xf32, #tpu.memory_space<vmem>>, %arg5: memref<256x128xf32, #tpu.memory_space<vmem>>, %arg6: memref<256x16xf32, #tpu.memory_space<vmem>>, %arg7: memref<256x16xf32, #tpu.memory_space<vmem>>) attributes {dimension_semantics = [#tpu.dimension_semantics<arbitrary>], iteration_bounds = array<i64: 40>, scalar_prefetch = 0 : i64, scratch_operands = 0 : i64, tpu.core_type = #tpu.core_type<tc>, window_params = [{transform_indices = @transform_0, window_bounds = array<i64: 256, 128>}, {pipeline_mode = #tpu.pipeline_mode<synchronous>, transform_indices = @transform_1, window_bounds = array<i64: 128, 128>}, {pipeline_mode = #tpu.pipeline_mode<synchronous>, transform_indices = @transform_2, window_bounds = array<i64: 128, 16>}, {pipeline_mode = #tpu.pipeline_mode<synchronous>, transform_indices = @transform_3, window_bounds = array<i64: 128, 16>}, {transform_indices = @transform_4, window_bounds = array<i64: 256, 128>}, {transform_indices = @transform_5, window_bounds = array<i64: 256, 16>}, {transform_indices = @transform_6, window_bounds = array<i64: 256, 16>}]} {
    %get3A = arith.constant 0 : index
    %get3A_0 = arith.constant 0 : index
    %get3A_1 = vector.load %arg1[%get3A, %get3A_0] : memref<256x128xf32, #tpu.memory_space<vmem>>, vector<256x128xf32>
    %get3A_2 = arith.constant 0 : index
    %get3A_3 = arith.constant 0 : index
    %get3A_4 = vector.load %arg2[%get3A_2, %get3A_3] : memref<128x128xf32, #tpu.memory_space<vmem>>, vector<128x128xf32>
    %dot_general3A = arith.constant dense<0.000000e+00> : vector<256x128xf32>
    %dot_general3A_5 = tpu.matmul %get3A_1, %get3A_4, %dot_general3A {dimension_numbers = #tpu.dot_dimension_numbers<[1], [0], [0], [1], [0, 0, 1, 1], [], []>, transpose_lhs_hint = false} : vector<256x128xf32>, vector<128x128xf32>, vector<256x128xf32> -> vector<256x128xf32>
    %swap3A = arith.constant 0 : index
    %swap3A_6 = arith.constant 0 : index
    %swap3A_7 = vector.load %arg5[%swap3A, %swap3A_6] : memref<256x128xf32, #tpu.memory_space<vmem>>, vector<256x128xf32>
    tpu.vector_store %arg5[%swap3A, %swap3A_6], %dot_general3A_5 {strides = array<i32>} : memref<256x128xf32, #tpu.memory_space<vmem>>, vector<256x128xf32>,
    %get3A_8 = arith.constant 0 : index
    %get3A_9 = arith.constant 0 : index
    %get3A_10 = vector.load %arg3[%get3A_8, %get3A_9] : memref<128x16xf32, #tpu.memory_space<vmem>>, vector<128x16xf32>
    %dot_general3A_11 = arith.constant dense<0.000000e+00> : vector<256x16xf32>
    %dot_general3A_12 = tpu.matmul %dot_general3A_5, %get3A_10, %dot_general3A_11 {dimension_numbers = #tpu.dot_dimension_numbers<[1], [0], [0], [1], [0, 0, 1, 1], [], []>, transpose_lhs_hint = false} : vector<256x128xf32>, vector<128x16xf32>, vector<256x16xf32> -> vector<256x16xf32>
    %swap3A_13 = arith.constant 0 : index
    %swap3A_14 = arith.constant 0 : index
    %swap3A_15 = vector.load %arg6[%swap3A_13, %swap3A_14] : memref<256x16xf32, #tpu.memory_space<vmem>>, vector<256x16xf32>
    tpu.vector_store %arg6[%swap3A_13, %swap3A_14], %dot_general3A_12 {strides = array<i32>} : memref<256x16xf32, #tpu.memory_space<vmem>>, vector<256x16xf32>,
    %get3A_16 = arith.constant 0 : index
    %get3A_17 = arith.constant 0 : index
    %get3A_18 = vector.load %arg4[%get3A_16, %get3A_17] : memref<128x16xf32, #tpu.memory_space<vmem>>, vector<128x16xf32>
    %dot_general3A_19 = arith.constant dense<0.000000e+00> : vector<256x16xf32>
    %dot_general3A_20 = tpu.matmul %dot_general3A_5, %get3A_18, %dot_general3A_19 {dimension_numbers = #tpu.dot_dimension_numbers<[1], [0], [0], [1], [0, 0, 1, 1], [], []>, transpose_lhs_hint = false} : vector<256x128xf32>, vector<128x16xf32>, vector<256x16xf32> -> vector<256x16xf32>
    %swap3A_21 = arith.constant 0 : index
    %swap3A_22 = arith.constant 0 : index
    %swap3A_23 = vector.load %arg7[%swap3A_21, %swap3A_22] : memref<256x16xf32, #tpu.memory_space<vmem>>, vector<256x16xf32>
    tpu.vector_store %arg7[%swap3A_21, %swap3A_22], %dot_general3A_20 {strides = array<i32>} : memref<256x16xf32, #tpu.memory_space<vmem>>, vector<256x16xf32>,
    return
  }
  func.func @transform_0(%arg0: i32) -> (i32, i32) {
    %c0_i32 = arith.constant 0 : i32
    %c0_i32_0 = arith.constant 0 : i32
    return %arg0, %c0_i32 : i32, i32
  }
  func.func @transform_1(%arg0: i32) -> (i32, i32) {
    %c0_i32 = arith.constant 0 : i32
    %c0_i32_0 = arith.constant 0 : i32
    %c0_i32_1 = arith.constant 0 : i32
    return %c0_i32, %c0_i32_0 : i32, i32
  }
  func.func @transform_2(%arg0: i32) -> (i32, i32) {
    %c0_i32 = arith.constant 0 : i32
    %c0_i32_0 = arith.constant 0 : i32
    %c0_i32_1 = arith.constant 0 : i32
    return %c0_i32, %c0_i32_0 : i32, i32
  }
  func.func @transform_3(%arg0: i32) -> (i32, i32) {
    %c0_i32 = arith.constant 0 : i32
    %c0_i32_0 = arith.constant 0 : i32
    %c0_i32_1 = arith.constant 0 : i32
    return %c0_i32, %c0_i32_0 : i32, i32
  }
  func.func @transform_4(%arg0: i32) -> (i32, i32) {
    %c0_i32 = arith.constant 0 : i32
    %c0_i32_0 = arith.constant 0 : i32
    return %arg0, %c0_i32 : i32, i32
  }
  func.func @transform_5(%arg0: i32) -> (i32, i32) {
    %c0_i32 = arith.constant 0 : i32
    %c0_i32_0 = arith.constant 0 : i32
    return %arg0, %c0_i32 : i32, i32
  }
  func.func @transform_6(%arg0: i32) -> (i32, i32) {
    %c0_i32 = arith.constant 0 : i32
    %c0_i32_0 = arith.constant 0 : i32
    return %arg0, %c0_i32 : i32, i32
  }
}

module attributes {stable_mosaic.version = 14 : i64} {
  func.func @_tc2_body(%arg0: i32, %arg1: memref<256x128xf32, #tpu.memory_space<vmem>>, %arg2: memref<256x128xf32, #tpu.memory_space<vmem>>, %arg3: memref<256x16xf32, #tpu.memory_space<vmem>>, %arg4: memref<256x16xf32, #tpu.memory_space<vmem>>, %arg5: memref<16x128xf32, #tpu.memory_space<vmem>>, %arg6: memref<1x128xf32, #tpu.memory_space<vmem>>, %arg7: memref<128x32xf32, #tpu.memory_space<vmem>>, %arg8: memref<128x32xf32, #tpu.memory_space<vmem>>, %arg9: memref<64x16xf32, #tpu.memory_space<vmem>>, %arg10: memref<64x16xf32, #tpu.memory_space<vmem>>, %arg11: memref<256x64xf32, #tpu.memory_space<vmem>>, %arg12: memref<256x16xf32, #tpu.memory_space<vmem>>, %arg13: memref<256x16xf32, #tpu.memory_space<vmem>>) attributes {dimension_semantics = [#tpu.dimension_semantics<arbitrary>], iteration_bounds = array<i64: 40>, scalar_prefetch = 0 : i64, scratch_operands = 0 : i64, tpu.core_type = #tpu.core_type<tc>, window_params = [{transform_indices = @transform_0, window_bounds = array<i64: 256, 128>}, {transform_indices = @transform_1, window_bounds = array<i64: 256, 128>}, {transform_indices = @transform_2, window_bounds = array<i64: 256, 16>}, {transform_indices = @transform_3, window_bounds = array<i64: 256, 16>}, {pipeline_mode = #tpu.pipeline_mode<synchronous>, transform_indices = @transform_4, window_bounds = array<i64: 16, 128>}, {pipeline_mode = #tpu.pipeline_mode<synchronous>, transform_indices = @transform_5, window_bounds = array<i64: 1, 128>}, {pipeline_mode = #tpu.pipeline_mode<synchronous>, transform_indices = @transform_6, window_bounds = array<i64: 128, 32>}, {pipeline_mode = #tpu.pipeline_mode<synchronous>, transform_indices = @transform_7, window_bounds = array<i64: 128, 32>}, {pipeline_mode = #tpu.pipeline_mode<synchronous>, transform_indices = @transform_8, window_bounds = array<i64: 64, 16>}, {pipeline_mode = #tpu.pipeline_mode<synchronous>, transform_indices = @transform_9, window_bounds = array<i64: 64, 16>}, {transform_indices = @transform_10, window_bounds = array<i64: 256, 64>}, {transform_indices = @transform_11, window_bounds = array<i64: 256, 16>}, {transform_indices = @transform_12, window_bounds = array<i64: 256, 16>}]} {
    %get3A = arith.constant 0 : index
    %get3A_0 = arith.constant 0 : index
    %get3A_1 = vector.load %arg3[%get3A, %get3A_0] : memref<256x16xf32, #tpu.memory_space<vmem>>, vector<256x16xf32>
    %get3A_2 = arith.constant 0 : index
    %get3A_3 = arith.constant 0 : index
    %get3A_4 = vector.load %arg4[%get3A_2, %get3A_3] : memref<256x16xf32, #tpu.memory_space<vmem>>, vector<256x16xf32>
    %add3A = arith.addf %get3A_1, %get3A_4 : vector<256x16xf32>
    %get3A_5 = arith.constant 0 : index
    %get3A_6 = arith.constant 0 : index
    %get3A_7 = vector.load %arg5[%get3A_5, %get3A_6] : memref<16x128xf32, #tpu.memory_space<vmem>>, vector<16x128xf32>
    %dot_general3A = arith.constant dense<0.000000e+00> : vector<256x128xf32>
    %dot_general3A_8 = tpu.matmul %add3A, %get3A_7, %dot_general3A {dimension_numbers = #tpu.dot_dimension_numbers<[1], [0], [0], [1], [0, 0, 1, 1], [], []>, transpose_lhs_hint = false} : vector<256x16xf32>, vector<16x128xf32>, vector<256x128xf32> -> vector<256x128xf32>
    %get3A_9 = arith.constant 0 : index
    %get3A_10 = arith.constant 0 : index
    %get3A_11 = vector.load %arg1[%get3A_9, %get3A_10] : memref<256x128xf32, #tpu.memory_space<vmem>>, vector<256x128xf32>
    %get3A_12 = arith.constant 0 : index
    %get3A_13 = arith.constant 0 : index
    %get3A_14 = vector.load %arg2[%get3A_12, %get3A_13] : memref<256x128xf32, #tpu.memory_space<vmem>>, vector<256x128xf32>
    %add3A_15 = arith.addf %get3A_11, %get3A_14 : vector<256x128xf32>
    %add3A_16 = arith.constant 1.000000e-16 : f32
    %add3A_17 = vector.broadcast %add3A_16 : f32 to vector<256x128xf32>
    %add3A_18 = arith.addf %dot_general3A_8, %add3A_17 : vector<256x128xf32>
    %div3A = arith.divf %add3A_15, %add3A_18 : vector<256x128xf32>
    %get3A_19 = arith.constant 0 : index
    %get3A_20 = arith.constant 0 : index
    %get3A_21 = vector.load %arg6[%get3A_19, %get3A_20] : memref<1x128xf32, #tpu.memory_space<vmem>>, vector<1x128xf32>
    %add3A_22 = vector.broadcast %get3A_21 : vector<1x128xf32> to vector<256x128xf32>
    %add3A_23 = arith.addf %div3A, %add3A_22 : vector<256x128xf32>
    %max3A = arith.constant 0.000000e+00 : f32
    %max3A_24 = vector.broadcast %max3A : f32 to vector<256x128xf32>
    %max3A_25 = arith.maximumf %add3A_23, %max3A_24 : vector<256x128xf32>
    %get3A_26 = arith.constant 0 : index
    %get3A_27 = arith.constant 0 : index
    %get3A_28 = vector.load %arg7[%get3A_26, %get3A_27] : memref<128x32xf32, #tpu.memory_space<vmem>>, vector<128x32xf32>
    %dot_general3A_29 = arith.constant dense<0.000000e+00> : vector<256x32xf32>
    %dot_general3A_30 = tpu.matmul %max3A_25, %get3A_28, %dot_general3A_29 {dimension_numbers = #tpu.dot_dimension_numbers<[1], [0], [0], [1], [0, 0, 1, 1], [], []>, transpose_lhs_hint = false} : vector<256x128xf32>, vector<128x32xf32>, vector<256x32xf32> -> vector<256x32xf32>
    %get3A_31 = arith.constant 0 : index
    %get3A_32 = arith.constant 0 : index
    %get3A_33 = vector.load %arg8[%get3A_31, %get3A_32] : memref<128x32xf32, #tpu.memory_space<vmem>>, vector<128x32xf32>
    %dot_general3A_34 = arith.constant dense<0.000000e+00> : vector<256x32xf32>
    %dot_general3A_35 = tpu.matmul %max3A_25, %get3A_33, %dot_general3A_34 {dimension_numbers = #tpu.dot_dimension_numbers<[1], [0], [0], [1], [0, 0, 1, 1], [], []>, transpose_lhs_hint = false} : vector<256x128xf32>, vector<128x32xf32>, vector<256x32xf32> -> vector<256x32xf32>
    %concatenate3A = tpu.concatenate %dot_general3A_30, %dot_general3A_35 in 1 : vector<256x32xf32>, vector<256x32xf32> -> vector<256x64xf32>
    %swap3A = arith.constant 0 : index
    %swap3A_36 = arith.constant 0 : index
    %swap3A_37 = vector.load %arg11[%swap3A, %swap3A_36] : memref<256x64xf32, #tpu.memory_space<vmem>>, vector<256x64xf32>
    tpu.vector_store %arg11[%swap3A, %swap3A_36], %concatenate3A {strides = array<i32>} : memref<256x64xf32, #tpu.memory_space<vmem>>, vector<256x64xf32>,
    %get3A_38 = arith.constant 0 : index
    %get3A_39 = arith.constant 0 : index
    %get3A_40 = vector.load %arg9[%get3A_38, %get3A_39] : memref<64x16xf32, #tpu.memory_space<vmem>>, vector<64x16xf32>
    %dot_general3A_41 = arith.constant dense<0.000000e+00> : vector<256x16xf32>
    %dot_general3A_42 = tpu.matmul %concatenate3A, %get3A_40, %dot_general3A_41 {dimension_numbers = #tpu.dot_dimension_numbers<[1], [0], [0], [1], [0, 0, 1, 1], [], []>, transpose_lhs_hint = false} : vector<256x64xf32>, vector<64x16xf32>, vector<256x16xf32> -> vector<256x16xf32>
    %swap3A_43 = arith.constant 0 : index
    %swap3A_44 = arith.constant 0 : index
    %swap3A_45 = vector.load %arg12[%swap3A_43, %swap3A_44] : memref<256x16xf32, #tpu.memory_space<vmem>>, vector<256x16xf32>
    tpu.vector_store %arg12[%swap3A_43, %swap3A_44], %dot_general3A_42 {strides = array<i32>} : memref<256x16xf32, #tpu.memory_space<vmem>>, vector<256x16xf32>,
    %get3A_46 = arith.constant 0 : index
    %get3A_47 = arith.constant 0 : index
    %get3A_48 = vector.load %arg10[%get3A_46, %get3A_47] : memref<64x16xf32, #tpu.memory_space<vmem>>, vector<64x16xf32>
    %dot_general3A_49 = arith.constant dense<0.000000e+00> : vector<256x16xf32>
    %dot_general3A_50 = tpu.matmul %concatenate3A, %get3A_48, %dot_general3A_49 {dimension_numbers = #tpu.dot_dimension_numbers<[1], [0], [0], [1], [0, 0, 1, 1], [], []>, transpose_lhs_hint = false} : vector<256x64xf32>, vector<64x16xf32>, vector<256x16xf32> -> vector<256x16xf32>
    %swap3A_51 = arith.constant 0 : index
    %swap3A_52 = arith.constant 0 : index
    %swap3A_53 = vector.load %arg13[%swap3A_51, %swap3A_52] : memref<256x16xf32, #tpu.memory_space<vmem>>, vector<256x16xf32>
    tpu.vector_store %arg13[%swap3A_51, %swap3A_52], %dot_general3A_50 {strides = array<i32>} : memref<256x16xf32, #tpu.memory_space<vmem>>, vector<256x16xf32>,
    return
  }
  func.func @transform_0(%arg0: i32) -> (i32, i32) {
    %c0_i32 = arith.constant 0 : i32
    %c0_i32_0 = arith.constant 0 : i32
    return %arg0, %c0_i32 : i32, i32
  }
  func.func @transform_1(%arg0: i32) -> (i32, i32) {
    %c0_i32 = arith.constant 0 : i32
    %c0_i32_0 = arith.constant 0 : i32
    return %arg0, %c0_i32 : i32, i32
  }
  func.func @transform_2(%arg0: i32) -> (i32, i32) {
    %c0_i32 = arith.constant 0 : i32
    %c0_i32_0 = arith.constant 0 : i32
    return %arg0, %c0_i32 : i32, i32
  }
  func.func @transform_3(%arg0: i32) -> (i32, i32) {
    %c0_i32 = arith.constant 0 : i32
    %c0_i32_0 = arith.constant 0 : i32
    return %arg0, %c0_i32 : i32, i32
  }
  func.func @transform_4(%arg0: i32) -> (i32, i32) {
    %c0_i32 = arith.constant 0 : i32
    %c0_i32_0 = arith.constant 0 : i32
    %c0_i32_1 = arith.constant 0 : i32
    return %c0_i32, %c0_i32_0 : i32, i32
  }
  func.func @transform_5(%arg0: i32) -> (i32, i32) {
    %c0_i32 = arith.constant 0 : i32
    %c0_i32_0 = arith.constant 0 : i32
    %c0_i32_1 = arith.constant 0 : i32
    return %c0_i32, %c0_i32_0 : i32, i32
  }
  func.func @transform_6(%arg0: i32) -> (i32, i32) {
    %c0_i32 = arith.constant 0 : i32
    %c0_i32_0 = arith.constant 0 : i32
    %c0_i32_1 = arith.constant 0 : i32
    return %c0_i32, %c0_i32_0 : i32, i32
  }
  func.func @transform_7(%arg0: i32) -> (i32, i32) {
    %c0_i32 = arith.constant 0 : i32
    %c0_i32_0 = arith.constant 0 : i32
    %c0_i32_1 = arith.constant 0 : i32
    return %c0_i32, %c0_i32_0 : i32, i32
  }
  func.func @transform_8(%arg0: i32) -> (i32, i32) {
    %c0_i32 = arith.constant 0 : i32
    %c0_i32_0 = arith.constant 0 : i32
    %c0_i32_1 = arith.constant 0 : i32
    return %c0_i32, %c0_i32_0 : i32, i32
  }
  func.func @transform_9(%arg0: i32) -> (i32, i32) {
    %c0_i32 = arith.constant 0 : i32
    %c0_i32_0 = arith.constant 0 : i32
    %c0_i32_1 = arith.constant 0 : i32
    return %c0_i32, %c0_i32_0 : i32, i32
  }
  func.func @transform_10(%arg0: i32) -> (i32, i32) {
    %c0_i32 = arith.constant 0 : i32
    %c0_i32_0 = arith.constant 0 : i32
    return %arg0, %c0_i32 : i32, i32
  }
  func.func @transform_11(%arg0: i32) -> (i32, i32) {
    %c0_i32 = arith.constant 0 : i32
    %c0_i32_0 = arith.constant 0 : i32
    return %arg0, %c0_i32 : i32, i32
  }
  func.func @transform_12(%arg0: i32) -> (i32, i32) {
    %c0_i32 = arith.constant 0 : i32
    %c0_i32_0 = arith.constant 0 : i32
    return %arg0, %c0_i32 : i32, i32
  }
}

module attributes {stable_mosaic.version = 14 : i64} {
  func.func @_tc3_body(%arg0: i32, %arg1: memref<256x64xf32, #tpu.memory_space<vmem>>, %arg2: memref<256x64xf32, #tpu.memory_space<vmem>>, %arg3: memref<256x16xf32, #tpu.memory_space<vmem>>, %arg4: memref<256x16xf32, #tpu.memory_space<vmem>>, %arg5: memref<16x32xf32, #tpu.memory_space<vmem>>, %arg6: memref<16x32xf32, #tpu.memory_space<vmem>>, %arg7: memref<1x32xf32, #tpu.memory_space<vmem>>, %arg8: memref<1x32xf32, #tpu.memory_space<vmem>>, %arg9: memref<256x32xf32, #tpu.memory_space<vmem>>, %arg10: memref<256x32xf32, #tpu.memory_space<vmem>>) attributes {dimension_semantics = [#tpu.dimension_semantics<arbitrary>], iteration_bounds = array<i64: 40>, scalar_prefetch = 0 : i64, scratch_operands = 0 : i64, tpu.core_type = #tpu.core_type<tc>, window_params = [{transform_indices = @transform_0, window_bounds = array<i64: 256, 64>}, {transform_indices = @transform_1, window_bounds = array<i64: 256, 64>}, {transform_indices = @transform_2, window_bounds = array<i64: 256, 16>}, {transform_indices = @transform_3, window_bounds = array<i64: 256, 16>}, {pipeline_mode = #tpu.pipeline_mode<synchronous>, transform_indices = @transform_4, window_bounds = array<i64: 16, 32>}, {pipeline_mode = #tpu.pipeline_mode<synchronous>, transform_indices = @transform_5, window_bounds = array<i64: 16, 32>}, {pipeline_mode = #tpu.pipeline_mode<synchronous>, transform_indices = @transform_6, window_bounds = array<i64: 1, 32>}, {pipeline_mode = #tpu.pipeline_mode<synchronous>, transform_indices = @transform_7, window_bounds = array<i64: 1, 32>}, {transform_indices = @transform_8, window_bounds = array<i64: 256, 32>}, {transform_indices = @transform_9, window_bounds = array<i64: 256, 32>}]} {
    %get3A = arith.constant 0 : index
    %get3A_0 = arith.constant 0 : index
    %get3A_1 = vector.load %arg1[%get3A, %get3A_0] : memref<256x64xf32, #tpu.memory_space<vmem>>, vector<256x64xf32>
    %get3A_2 = arith.constant 0 : index
    %get3A_3 = arith.constant 0 : index
    %get3A_4 = vector.load %arg2[%get3A_2, %get3A_3] : memref<256x64xf32, #tpu.memory_space<vmem>>, vector<256x64xf32>
    %add3A = arith.addf %get3A_1, %get3A_4 : vector<256x64xf32>
    %get3A_5 = arith.constant 0 : index
    %get3A_6 = arith.constant 0 : index
    %get3A_7 = vector.load %arg3[%get3A_5, %get3A_6] : memref<256x16xf32, #tpu.memory_space<vmem>>, vector<256x16xf32>
    %get3A_8 = arith.constant 0 : index
    %get3A_9 = arith.constant 0 : index
    %get3A_10 = vector.load %arg4[%get3A_8, %get3A_9] : memref<256x16xf32, #tpu.memory_space<vmem>>, vector<256x16xf32>
    %add3A_11 = arith.addf %get3A_7, %get3A_10 : vector<256x16xf32>
    %get3A_12 = arith.constant 0 : index
    %get3A_13 = arith.constant 0 : index
    %get3A_14 = vector.load %arg5[%get3A_12, %get3A_13] : memref<16x32xf32, #tpu.memory_space<vmem>>, vector<16x32xf32>
    %dot_general3A = arith.constant dense<0.000000e+00> : vector<256x32xf32>
    %dot_general3A_15 = tpu.matmul %add3A_11, %get3A_14, %dot_general3A {dimension_numbers = #tpu.dot_dimension_numbers<[1], [0], [0], [1], [0, 0, 1, 1], [], []>, transpose_lhs_hint = false} : vector<256x16xf32>, vector<16x32xf32>, vector<256x32xf32> -> vector<256x32xf32>
    %get3A_16 = arith.constant 0 : index
    %get3A_17 = arith.constant 0 : index
    %get3A_18 = vector.load %arg6[%get3A_16, %get3A_17] : memref<16x32xf32, #tpu.memory_space<vmem>>, vector<16x32xf32>
    %dot_general3A_19 = arith.constant dense<0.000000e+00> : vector<256x32xf32>
    %dot_general3A_20 = tpu.matmul %add3A_11, %get3A_18, %dot_general3A_19 {dimension_numbers = #tpu.dot_dimension_numbers<[1], [0], [0], [1], [0, 0, 1, 1], [], []>, transpose_lhs_hint = false} : vector<256x16xf32>, vector<16x32xf32>, vector<256x32xf32> -> vector<256x32xf32>
    %slice3A = vector.extract_strided_slice %add3A {offsets = [0, 0], sizes = [256, 32], strides = [1, 1]} : vector<256x64xf32> to vector<256x32xf32>
    %add3A_21 = arith.constant 1.000000e-16 : f32
    %add3A_22 = vector.broadcast %add3A_21 : f32 to vector<256x32xf32>
    %add3A_23 = arith.addf %dot_general3A_15, %add3A_22 : vector<256x32xf32>
    %div3A = arith.divf %slice3A, %add3A_23 : vector<256x32xf32>
    %get3A_24 = arith.constant 0 : index
    %get3A_25 = arith.constant 0 : index
    %get3A_26 = vector.load %arg7[%get3A_24, %get3A_25] : memref<1x32xf32, #tpu.memory_space<vmem>>, vector<1x32xf32>
    %add3A_27 = vector.broadcast %get3A_26 : vector<1x32xf32> to vector<256x32xf32>
    %add3A_28 = arith.addf %div3A, %add3A_27 : vector<256x32xf32>
    %swap3A = arith.constant 0 : index
    %swap3A_29 = arith.constant 0 : index
    %swap3A_30 = vector.load %arg9[%swap3A, %swap3A_29] : memref<256x32xf32, #tpu.memory_space<vmem>>, vector<256x32xf32>
    tpu.vector_store %arg9[%swap3A, %swap3A_29], %add3A_28 {strides = array<i32>} : memref<256x32xf32, #tpu.memory_space<vmem>>, vector<256x32xf32>,
    %slice3A_31 = vector.extract_strided_slice %add3A {offsets = [0, 32], sizes = [256, 32], strides = [1, 1]} : vector<256x64xf32> to vector<256x32xf32>
    %add3A_32 = arith.constant 1.000000e-16 : f32
    %add3A_33 = vector.broadcast %add3A_32 : f32 to vector<256x32xf32>
    %add3A_34 = arith.addf %dot_general3A_20, %add3A_33 : vector<256x32xf32>
    %div3A_35 = arith.divf %slice3A_31, %add3A_34 : vector<256x32xf32>
    %get3A_36 = arith.constant 0 : index
    %get3A_37 = arith.constant 0 : index
    %get3A_38 = vector.load %arg8[%get3A_36, %get3A_37] : memref<1x32xf32, #tpu.memory_space<vmem>>, vector<1x32xf32>
    %add3A_39 = vector.broadcast %get3A_38 : vector<1x32xf32> to vector<256x32xf32>
    %add3A_40 = arith.addf %div3A_35, %add3A_39 : vector<256x32xf32>
    %swap3A_41 = arith.constant 0 : index
    %swap3A_42 = arith.constant 0 : index
    %swap3A_43 = vector.load %arg10[%swap3A_41, %swap3A_42] : memref<256x32xf32, #tpu.memory_space<vmem>>, vector<256x32xf32>
    tpu.vector_store %arg10[%swap3A_41, %swap3A_42], %add3A_40 {strides = array<i32>} : memref<256x32xf32, #tpu.memory_space<vmem>>, vector<256x32xf32>,
    return
  }
  func.func @transform_0(%arg0: i32) -> (i32, i32) {
    %c0_i32 = arith.constant 0 : i32
    %c0_i32_0 = arith.constant 0 : i32
    return %arg0, %c0_i32 : i32, i32
  }
  func.func @transform_1(%arg0: i32) -> (i32, i32) {
    %c0_i32 = arith.constant 0 : i32
    %c0_i32_0 = arith.constant 0 : i32
    return %arg0, %c0_i32 : i32, i32
  }
  func.func @transform_2(%arg0: i32) -> (i32, i32) {
    %c0_i32 = arith.constant 0 : i32
    %c0_i32_0 = arith.constant 0 : i32
    return %arg0, %c0_i32 : i32, i32
  }
  func.func @transform_3(%arg0: i32) -> (i32, i32) {
    %c0_i32 = arith.constant 0 : i32
    %c0_i32_0 = arith.constant 0 : i32
    return %arg0, %c0_i32 : i32, i32
  }
  func.func @transform_4(%arg0: i32) -> (i32, i32) {
    %c0_i32 = arith.constant 0 : i32
    %c0_i32_0 = arith.constant 0 : i32
    %c0_i32_1 = arith.constant 0 : i32
    return %c0_i32, %c0_i32_0 : i32, i32
  }
  func.func @transform_5(%arg0: i32) -> (i32, i32) {
    %c0_i32 = arith.constant 0 : i32
    %c0_i32_0 = arith.constant 0 : i32
    %c0_i32_1 = arith.constant 0 : i32
    return %c0_i32, %c0_i32_0 : i32, i32
  }
  func.func @transform_6(%arg0: i32) -> (i32, i32) {
    %c0_i32 = arith.constant 0 : i32
    %c0_i32_0 = arith.constant 0 : i32
    %c0_i32_1 = arith.constant 0 : i32
    return %c0_i32, %c0_i32_0 : i32, i32
  }
  func.func @transform_7(%arg0: i32) -> (i32, i32) {
    %c0_i32 = arith.constant 0 : i32
    %c0_i32_0 = arith.constant 0 : i32
    %c0_i32_1 = arith.constant 0 : i32
    return %c0_i32, %c0_i32_0 : i32, i32
  }
  func.func @transform_8(%arg0: i32) -> (i32, i32) {
    %c0_i32 = arith.constant 0 : i32
    %c0_i32_0 = arith.constant 0 : i32
    return %arg0, %c0_i32 : i32, i32
  }
  func.func @transform_9(%arg0: i32) -> (i32, i32) {
    %c0_i32 = arith.constant 0 : i32
    %c0_i32_0 = arith.constant 0 : i32
    return %arg0, %c0_i32 : i32, i32
  }
}

</mosaic_0001>

<sc_bundles>
// kernel: kernel.10.cloned.1.call-start
scs
__scs_entry_jumppad:
0x0: {  	(pc) =	sbr.rel $0x88, $3  }
0x1: {  	(tag) =	ssettag $0x0;
	lr =	simm.s32 $0x1  }
0x2: {  	[smem:$0x3F93] =	sst lr;
	_ =	strace $0xD0000000  }
0x3: {  	_ = 	snop  }
0x4: {  	_ = 	snop  }
0x5: {  	_ = 	snop  }
0x6: {  	_ = 	snop  }
0x7: {  	_ = 	snop  }
__scs_overlays_trampoline_lowered:
0x8: {  	[smem:$0x3FA2] =	sst s0  }
0x9: {  	[smem:$0x3FA3] =	sst s1  }
0xa: {  	[smem:$0x3FA4] =	sst s2  }
0xb: {  	[smem:$0x3FA5] =	sst s3  }
0xc: {  	[smem:$0x3FA6] =	sst s4  }
0xd: {  	[smem:$0x3FA7] =	sst s5  }
0xe: {  	[smem:$0x3FA8] =	sst s6  }
0xf: {  	[smem:$0x3FA9] =	sst s7  }
0x10: {  	[smem:$0x3FAA] =	sst s8  }
0x11: {  	[smem:$0x3FAB] =	sst s9;
	s0 =	simm.s32 @!p0 $0x0  }
0x12: {  	s1 =	sld [smem:$0x3F91];
	s0 =	simm.s32 @p0 $0x1  }
0x13: {  	[smem:$0x3FAC] =	sst s0;
	s0 =	simm.s32 @!p1 $0x0  }
0x14: {  	s2 =	sld [smem:$0x3F90];
	s0 =	simm.s32 @p1 $0x1  }
0x15: {  	[smem:$0x3FAD] =	sst s0;
	s0 =	simm.s32 @!p2 $0x0  }
0x16: {  	s3 =	sld [smem:$0x3FDB];
	s0 =	simm.s32 @p2 $0x1  }
0x17: {  	s4 =	simm.s32 $0x1BF5;
	[smem:$0x3FAF] =	sst s0  }
0x18: {  	s0 =	sld [smem:$0x3F92];
	_ =	swait.ge [sflag:s4], $0x0  }
0x19: {  	s7 =	sld [smem:$0x3F93]  }
0x1a: {  	s8 =	sadd.s32 $0xFFFFE003, lr  }
0x1b: {  	s9 =	sadd.s32 $0xFFFFFEF7, lr;
	s5 =	simm.s32 $0xFFFFFFFF;
	p2 =	slt.u32 s8, $0xFFFFF086  }
0x1c: {  	p1 =	slt.u32 s9, $0xF7A;
	s5 =	simm.s32 @!p2 $0x0  }
0x1d: {  	s5 =	simm.s32 @p1 $0x1;
	p0 =	seq.s32 s7, s2  }
0x1e: {  	s7 =	smul.u32 @!p0 $0xF7A, s2;
	p2 =	seq.s32 @!p0 s5, $0x0  }
0x1f: {  	s9 =	smul.u32 $0xF7A, s1;
	s8 =	simm.s32 @!p0 $0x1BF5;
	p2 =	por !p2, p0  }
0x20: {  	[sflag:s8] =	ssyncset.s32 @!p0 $0xFFFFF086;
	s6 =	sadd.s32 @!p0 s3, s7;
	s7 =	simm.s32 @!p0 $0x108  }
0x21: {  	s3 =	sadd.s32 s3, s9;
	s6 =	sadd.s32 @!p0 $0x88, s6;
	s7 =	simm.s32 @p2 $0x1082  }
0x22: {  	[simem:s7], [sflag:s8] =	dma.local @!p0 [hbm:s6], $0xF7A  }
0x23: {  	s9 =	sor.u32 $0xD0000000, s2;
	s6 =	simm.s32 $0x108;
	_ =	swait.ge @!p0 [sflag:s8], $0x0  }
0x24: {  	s3 =	sadd.s32 $0x88, s3;
	s6 =	simm.s32 @!p1 $0x1082;
	[sflag:s4] =	ssyncset.s32 $0xFFFFF086  }
0x25: {  	[simem:s6], [sflag:s4] =	dma.local [hbm:s3], $0xF7A  }
0x26: {  	[smem:$0x3F93] =	sst s1;
	(tag) =	ssettag s2;
	_ =	strace s9  }
0x27: {  	s1 =	sld [smem:$0x3FA3]  }
0x28: {  	s2 =	sld [smem:$0x3FA4]  }
0x29: {  	s4 =	sld [smem:$0x3FA6]  }
0x2a: {  	p0 =	seq.s32 s5, $0x0;
	s5 =	sld [smem:$0x3FA7]  }
0x2b: {  	s6 =	sld [smem:$0x3FA8]  }
0x2c: {  	s7 =	sld [smem:$0x3FA9]  }
0x2d: {  	s3 =	simm.s32 $0x108;
	s8 =	sld [smem:$0x3FAA]  }
0x2e: {  	s3 =	simm.s32 @!p0 $0x1082;
	s9 =	sld [smem:$0x3FAB]  }
0x2f: {  	lr =	sadd.s32 s0, s3;
	s0 =	sld [smem:$0x3FA2]  }
0x30: {  	s3 =	sld [smem:$0x3FA5]  }
0x31: {  	[smem:$0x3FAE] =	sst s10  }
0x32: {  	s10 =	sld [smem:$0x3FAC];
	_ =	sdelay $0x3  }
0x33: {  	p0 =	seq.s32 s10, $0x1;
	s10 =	sld [smem:$0x3FAE];
	_ =	sdelay $0x3  }
0x34: {  	[smem:$0x3FAE] =	sst s10  }
0x35: {  	s10 =	sld [smem:$0x3FAD];
	_ =	sdelay $0x3  }
0x36: {  	p1 =	seq.s32 s10, $0x1;
	s10 =	sld [smem:$0x3FAE];
	_ =	sdelay $0x3  }
0x37: {  	[smem:$0x3FAE] =	sst s10  }
0x38: {  	s10 =	sld [smem:$0x3FAF]  }
0x39: {  	_ = 	snop;
	(pc) =	sbr.ind lr, $3  }
0x3a: {  	_ = 	snop  }
0x3b: {  	_ = 	snop  }
0x3c: {  	p2 =	seq.s32 s10, $0x1;
	s10 =	sld [smem:$0x3FAE]  }
0x3d: {  	_ =	shalt  }
0x3e: {  	_ =	shalt  }
0x3f: {  	_ =	shalt  }
0x40: {  	_ =	shalt  }
0x41: {  	_ =	shalt  }
0x42: {  	_ =	shalt  }
0x43: {  	_ =	shalt  }
0x44: {  	_ =	shalt  }
0x45: {  	_ =	shalt  }
0x46: {  	_ =	shalt  }
0x47: {  	_ =	shalt  }
0x48: {  	_ =	shalt  }
0x49: {  	_ =	shalt  }
0x4a: {  	_ =	shalt  }
0x4b: {  	_ =	shalt  }
0x4c: {  	_ =	shalt  }
0x4d: {  	_ =	shalt  }
0x4e: {  	_ =	shalt  }
0x4f: {  	_ =	shalt  }
0x50: {  	_ =	shalt  }
0x51: {  	_ =	shalt  }
0x52: {  	_ =	shalt  }
0x53: {  	_ =	shalt  }
0x54: {  	_ =	shalt  }
0x55: {  	_ =	shalt  }
0x56: {  	_ =	shalt  }
0x57: {  	_ =	shalt  }
0x58: {  	_ =	shalt  }
0x59: {  	_ =	shalt  }
0x5a: {  	_ =	shalt  }
0x5b: {  	_ =	shalt  }
0x5c: {  	_ =	shalt  }
0x5d: {  	_ =	shalt  }
0x5e: {  	_ =	shalt  }
0x5f: {  	_ =	shalt  }
0x60: {  	_ =	shalt  }
0x61: {  	_ =	shalt  }
0x62: {  	_ =	shalt  }
0x63: {  	_ =	shalt  }
0x64: {  	_ =	shalt  }
0x65: {  	_ =	shalt  }
0x66: {  	_ =	shalt  }
0x67: {  	_ =	shalt  }
0x68: {  	_ =	shalt  }
0x69: {  	_ =	shalt  }
0x6a: {  	_ =	shalt  }
0x6b: {  	_ =	shalt  }
0x6c: {  	_ =	shalt  }
0x6d: {  	_ =	shalt  }
0x6e: {  	_ =	shalt  }
0x6f: {  	_ =	shalt  }
0x70: {  	_ =	shalt  }
0x71: {  	_ =	shalt  }
0x72: {  	_ =	shalt  }
0x73: {  	_ =	shalt  }
0x74: {  	_ =	shalt  }
0x75: {  	_ =	shalt  }
0x76: {  	_ =	shalt  }
0x77: {  	_ =	shalt  }
0x78: {  	_ =	shalt  }
0x79: {  	_ =	shalt  }
0x7a: {  	_ =	shalt  }
0x7b: {  	_ =	shalt  }
0x7c: {  	_ =	shalt  }
0x7d: {  	_ =	shalt  }
0x7e: {  	_ =	shalt  }
0x7f: {  	_ =	shalt  }
0x80: {  	_ =	shalt  }
0x81: {  	_ =	shalt  }
0x82: {  	_ =	shalt  }
0x83: {  	_ =	shalt  }
0x84: {  	_ =	shalt  }
0x85: {  	_ =	shalt  }
0x86: {  	_ =	shalt  }
0x87: {  	_ =	shalt  }
.Lfunc_end0:
.L_simem_size_0:
called_computation.1_lowered:
.L_overlay_start_0:
0x88: {  	s2 =	sld [smem:$0x3FD9]  }
0x89: {  	s3 =	sld [smem:$0x3FFE];
	_ =	sdelay $0x1  }
0x8a: {  	s1 =	srdreg.scid  }
0x8b: {  	s0 =	sand.u32 $0x1, s1  }
0x8c: {  	s14 =	sshll.u32 s0, $0xA;
	s2 =	sadd.s32 s3, s2  }
0x8d: {  	s2 =	sadd.s32 s2, s14  }
0x8e: {  	[smem:$0x3FBA] =	sst s2  }
0x8f: {  	_ = 	snop  }
0x90: {  	s2 =	sld [smem:$0x3FD0];
	_ =	sdelay $0x2  }
0x91: {  	s15 =	simm.s32 $0xA;
	s4 =	simm.s32 $0x10  }
0x92: {  	[smem:s4], [sflag:s15] =	dma.local [hbm:s2], $0x1  }
0x93: {  	_ =	swait.eq [sflag:s15], $0x1  }
0x94: {  	[sflag:s15] =	ssyncset.done $0x0  }
0x95: {  	s16 =	sld [smem:$0x10];
	[sflag:s15] =	ssyncadd.s32 $0xFFFFFFFF  }
0x96: {  	s17 =	sld [smem:$0x11];
	(tm) =	ssettm $0x1  }
0x97: {  	s18 =	sld [smem:$0x3FFB];
	_ =	sdelay $0x3  }
0x98: {  	_ =	strace s18  }
0x99: {  	s4 =	sld [smem:$0x3FFC];
	_ =	sdelay $0x3  }
0x9a: {  	_ =	strace s4  }
0x9b: {  	s4 =	sld [smem:$0x3FFD];
	_ =	sdelay $0x3  }
0x9c: {  	_ =	strace s4  }
0x9d: {  	_ =	strace $0x8FFFFFFF  }
0x9e: {  	s19 =	sld [smem:$0x3FDB];
	_ =	sdelay $0x1  }
0x9f: {  	s5 =	simm.s32 $_scs_section_size  }
0xa0: {  	s6 =	simm.s32 $_size__tile_overlayer_lowered;
	s7 =	simm.s32 $_tile_overlayer_lowered  }
0xa1: {  	s22 =	simm.s32 $0x1BFF;
	s21 =	sshll.u32 s7, $0x1;
	s4 =	sadd.s32 s5, s19  }
0xa2: {  	s8 =	simm.s32 $0x0;
	s20 =	sshll.u32 s6, $0x1;
	s6 =	sadd.s32 s21, s4  }
0xa3: {  	[timem:s8], [sflag:s22] =	dma.local [hbm:s6], s20  }
0xa4: {  	_ =	swait.ge [sflag:s22], s20  }
0xa5: {  	s5 =	ssub.s32 $0x0, s20;
	[sflag:s22] =	ssyncset.done $0x0  }
0xa6: {  	[sflag:s22] =	ssyncadd.s32 s5;
	_ =	sdelay $0x1  }
0xa7: {  	s23 =	simm.s32 $0x1B8B  }
0xa8: {  	_ =	swait.ge [sflag:s23], $0x1  }
0xa9: {  	[sflag:s23] =	ssyncset.done $0x0  }
0xaa: {  	s25 =	simm.s32 $0x1B8E;
	s24 =	sld [smem:$0x3FFE];
	[sflag:s23] =	ssyncadd.s32 $0xFFFFFFFF  }
0xab: {  	s26 =	simm.s32 $execute0_lowered;
	[smem:$0x3FD2] =	sst s25  }
0xac: {  	s6 =	sshll.u32 s26, $0x1;
	_ =	strace $0x80000049;
	[dreg:$0x1] =	wrdreg $0xFFFFFFFF  }
0xad: {  	s28 =	simm.s32 $_size_execute0_lowered;
	s4 =	sadd.s32 s4, s6;
	[dreg:$0x0] =	wrdreg $0x0  }
0xae: {  	s6 =	sshll.u32 s28, $0x1;
	[dreg:$0x2] =	wrdreg s4  }
0xaf: {  	[dreg:$0x3] =	wrdreg s6  }
0xb0: {  	[dreg:$0x4] =	wrdreg $0xC0  }
0xb1: {  	_ =	task [dreg:s8], $0x5FFFF  }
0xb2: {  	[dreg:$0x1] =	wrdreg $0xFFFFFFFF  }
0xb3: {  	[dreg:$0x0] =	wrdreg $0x60  }
0xb4: {  	[dreg:$0x2] =	wrdreg s24  }
0xb5: {  	[dreg:$0x3] =	wrdreg s17  }
0xb6: {  	[dreg:$0x4] =	wrdreg s16  }
0xb7: {  	[dreg:$0x5] =	wrdreg $0x88000  }
0xb8: {  	[dreg:$0x6] =	wrdreg $0x128000  }
0xb9: {  	[dreg:$0x7] =	wrdreg $0x9  }
0xba: {  	_ =	task.clear_ibuf [dreg:s8], $0x8FFFF;
	_ =	strace $0x90000049  }
0xbb: {  	s29 =	simm.s32 $0x9;
	_ =	strace $0x8000004B  }
0xbc: {  	_ =	swait.ge [sflag:s29], $0x1  }
0xbd: {  	[sflag:s29] =	ssyncadd.s32 $0xFFFFFFFF  }
0xbe: {  	_ =	strace $0x9000004B  }
0xbf: {  	_ =	sfence  }
0xc0: {  	s30 =	sld [smem:$0x0];
	_ =	sdelay $0x2  }
0xc1: {  	s31 =	sshll.u32 s1, $0xD;
	s1 =	sshrl.u32 s1, $0x2  }
0xc2: {  	s3 =	sand.u32 $0x4000, s31;
	s1 =	sadd.s32 s1, s30  }
0xc3: {  	s0 =	sor.u32 s3, s0;
	s1 =	sshll.u32 s1, $0x11  }
0xc4: {  	s0 =	sor.u32 s1, s0  }
0xc5: {  	s0 =	sadd.s32 $0x8F2B, s0  }
0xc6: {  	[sflag:s0] =	ssyncadd.remote.s32 $0x1  }
0xc7: {  	_ =	sfence.sel $0xFFFF  }
0xc8: {  	[dreg:$0x0] =	wrdreg $0xFFFFFFFF;
	(pc) =	sbr.abs _section_cstart, $3  }
0xc9: {  	[dreg:$0x1] =	wrdreg $0xFFFFFFFF  }
0xca: {  	_ =	task.clear_ibuf [dreg:s8], $0x2FFFF;
	_ =	strace $0x9FFFFFFF  }
0xcb: {  	(tm) =	ssettm $0x7FFFFFFF  }
tec
execute0_lowered:
.L_overlay_start_1:
0x0: {  	(tag) =	ssettag $0x1  }
0x1: {  	s0 =	srdreg.scid  }
0x2: {  	s31 =	stileid.u32;
	s2 =	rddreg [dreg:$0x0];
	s1 =	sand.u32 $0x1, s0  }
0x3: {  	s10 =	smul.u32 $0x280, s31;
	s13 =	sadd.s32 $0x16400, s2;
	s0 =	ssub.s32 $0x2, s1  }
0x4: {  	s28 =	sadd.s32 $0x3E400, s2;
	s18 =	smul.u32 $0xA0000, s1;
	s3 =	sshrl.u32 s0, $0x1  }
0x5: {  	s14 =	sor.u32 $0x40, s10;
	s15 =	sadd.s32 $0x80, s10;
	s16 =	sadd.s32 $0xC0, s10  }
0x6: {  	s17 =	sadd.s32 $0x100, s10;
	s19 =	sadd.s32 $0x140, s10;
	s20 =	sadd.s32 $0x180, s10  }
0x7: {  	s21 =	sadd.s32 $0x1C0, s10;
	s22 =	sadd.s32 $0x200, s10;
	s23 =	sadd.s32 $0x240, s10  }
0x8: {  	s0 =	ssub.s32 s0, s3;
	s3 =	smul.u32 $0xA000, s31;
	s6 =	sshll.u32 s14, $0x6  }
0x9: {  	s4 =	sshll.u32 s15, $0x6;
	s5 =	sshll.u32 s16, $0x6;
	s7 =	sshll.u32 s17, $0x6  }
0xa: {  	s9 =	sshll.u32 s19, $0x6;
	s8 =	sshll.u32 s20, $0x6;
	s15 =	sshll.u32 s15, $0x4  }
0xb: {  	s16 =	sshll.u32 s16, $0x4;
	s17 =	sshll.u32 s17, $0x4;
	s19 =	sshll.u32 s19, $0x4  }
0xc: {  	s12 =	sadd.s32 s18, s6;
	s24 =	sadd.s32 s18, s4;
	s11 =	sadd.s32 s3, s18  }
0xd: {  	s10 =	sshrl.u32 s12, $0x3;
	s12 =	sadd.s32 s18, s5;
	s25 =	sshrl.u32 s24, $0x3  }
0xe: {  	s24 =	sadd.s32 s18, s7;
	s11 =	sshrl.u32 s11, $0x3;
	s10 =	sadd.s32 s13, s10  }
0xf: {  	s26 =	sshrl.u32 s12, $0x3;
	s11 =	sadd.s32 s13, s11;
	[dreg:$0x7] =	wrdreg s10  }
0x10: {  	s10 =	sadd.s32 s13, s25;
	s12 =	sadd.s32 s13, s26;
	[dreg:$0x6] =	wrdreg s11  }
0x11: {  	s25 =	sadd.s32 s18, s9;
	s26 =	sadd.s32 s18, s8;
	[dreg:$0x8] =	wrdreg s10  }
0x12: {  	[dreg:$0x9] =	wrdreg s12;
	s10 =	sshrl.u32 s24, $0x3;
	s11 =	sshrl.u32 s25, $0x3  }
0x13: {  	s24 =	sshrl.u32 s26, $0x3;
	s12 =	sshll.u32 s21, $0x6;
	s10 =	sadd.s32 s13, s10  }
0x14: {  	s25 =	sadd.s32 s13, s24;
	s24 =	sadd.s32 s18, s12;
	[dreg:$0xa] =	wrdreg s10  }
0x15: {  	s10 =	sadd.s32 s13, s11;
	[dreg:$0xc] =	wrdreg s25;
	s11 =	sshll.u32 s22, $0x6  }
0x16: {  	s24 =	sshrl.u32 s24, $0x3;
	s22 =	sshll.u32 s22, $0x4;
	[dreg:$0xb] =	wrdreg s10  }
0x17: {  	s10 =	sshll.u32 s23, $0x6;
	s25 =	sadd.s32 s18, s11;
	s24 =	sadd.s32 s13, s24  }
0x18: {  	s18 =	sadd.s32 s18, s10;
	[dreg:$0xd] =	wrdreg s24;
	s26 =	sshrl.u32 s25, $0x3  }
0x19: {  	s25 =	simm.s32 $0x0;
	s18 =	sshrl.u32 s18, $0x3;
	s24 =	sadd.s32 s13, s26  }
0x1a: {  	[dreg:$0xe] =	wrdreg s24;
	s13 =	sadd.s32 s13, s18;
	s24 =	smul.u32 $0x28000, s1  }
0x1b: {  	[dreg:$0xf] =	wrdreg s13;
	s13 =	sshll.u32 s14, $0x4;
	s14 =	smul.u32 $0x2800, s31  }
0x1c: {  	s26 =	simm.s32 $0x0;
	[smem:$0x7FF] =	sst s25;
	s25 =	sshll.u32 s21, $0x4  }
0x1d: {  	[dreg:$0x10] =	wrdreg s26;
	s26 =	sshll.u32 s23, $0x4;
	s21 =	sadd.s32 s14, s24  }
0x1e: {  	s23 =	sadd.s32 s24, s13;
	s29 =	sadd.s32 s24, s22;
	s18 =	sshrl.u32 s21, $0x3  }
0x1f: {  	s29 =	sshrl.u32 s29, $0x3;
	s21 =	sshrl.u32 s23, $0x3;
	s18 =	sadd.s32 s28, s18  }
0x20: {  	s23 =	sadd.s32 s24, s15;
	s21 =	sadd.s32 s28, s21;
	[dreg:$0x11] =	wrdreg s18  }
0x21: {  	s29 =	sadd.s32 s28, s29;
	s23 =	sshrl.u32 s23, $0x3;
	[dreg:$0x12] =	wrdreg s21  }
0x22: {  	s18 =	sadd.s32 s28, s23;
	s21 =	sadd.s32 s24, s16;
	s23 =	sadd.s32 s24, s17  }
0x23: {  	[dreg:$0x13] =	wrdreg s18;
	s18 =	sshrl.u32 s21, $0x3;
	s21 =	sshrl.u32 s23, $0x3  }
0x24: {  	[dreg:$0x19] =	wrdreg s29;
	s23 =	sadd.s32 s24, s19;
	s21 =	sadd.s32 s28, s21  }
0x25: {  	s18 =	sadd.s32 s28, s18;
	[dreg:$0x15] =	wrdreg s21;
	s21 =	sshrl.u32 s23, $0x3  }
0x26: {  	s20 =	sshll.u32 s20, $0x4;
	[dreg:$0x14] =	wrdreg s18;
	s18 =	sadd.s32 s28, s21  }
0x27: {  	s23 =	sadd.s32 s24, s20;
	s21 =	sadd.s32 s24, s25;
	[dreg:$0x16] =	wrdreg s18  }
0x28: {  	s23 =	sshrl.u32 s23, $0x3;
	s24 =	sadd.s32 s24, s26;
	s18 =	rddreg [dreg:$0x1]  }
0x29: {  	s23 =	sadd.s32 s28, s23;
	s30 =	sshrl.u32 s24, $0x3;
	s24 =	rddreg [dreg:$0x4]  }
0x2a: {  	s21 =	sshrl.u32 s21, $0x3;
	[dreg:$0x17] =	wrdreg s23  }
0x2b: {  	s21 =	sadd.s32 s28, s21;
	s23 =	rddreg [dreg:$0x3]  }
0x2c: {  	[dreg:$0x18] =	wrdreg s21  }
0x2d: {  	s28 =	sadd.s32 s28, s30;
	s21 =	rddreg [dreg:$0x2]  }
0x2e: {  	[dreg:$0x1a] =	wrdreg s28;
	s3 =	sadd.s32 s3, s23  }
0x2f: {  	s14 =	sadd.s32 s14, s24;
	_ =	strace $0x8000004A;
	[dreg:$0x1b] =	wrdreg s3  }
0x30: {  	s8 =	sadd.s32 s8, s23;
	[dreg:$0x1c] =	wrdreg s14  }
0x31: {  	s12 =	sadd.s32 s12, s23;
	[smem:$0x7EF] =	sst s8  }
0x32: {  	s0 =	smax.u32 s0, $0x1;
	[smem:$0x7F1] =	sst s12  }
0x33: {  	s25 =	sadd.s32 s25, s24;
	[smem:$0x7F9] =	sst s0  }
0x34: {  	s26 =	sadd.s32 s26, s24;
	[smem:$0x7FC] =	sst s25  }
0x35: {  	s1 =	sshll.u32 s1, $0x4;
	s3 =	sadd.s32 s6, s23;
	[smem:$0x7FD] =	sst s26  }
0x36: {  	s1 =	sor.u32 s31, s1;
	s6 =	sadd.s32 s13, s24;
	[dreg:$0x1d] =	wrdreg s3  }
0x37: {  	s31 =	simm.s32 $0x9;
	s13 =	sadd.s32 s4, s23;
	[dreg:$0x1e] =	wrdreg s6  }
0x38: {  	s29 =	sadd.s32 $0x99400, s2;
	s14 =	sadd.s32 s15, s24;
	[dreg:$0x1f] =	wrdreg s13  }
0x39: {  	s30 =	simm.s32 $0x280;
	s15 =	sadd.s32 s5, s23;
	[smem:$0x7E8] =	sst s14  }
0x3a: {  	s28 =	sadd.s32 $0x2400, s2;
	s4 =	sadd.s32 s7, s23;
	[smem:$0x7E9] =	sst s15  }
0x3b: {  	s5 =	sadd.s32 s17, s24;
	s7 =	sadd.s32 s19, s24;
	[smem:$0x7EB] =	sst s4  }
0x3c: {  	s0 =	simm.s32 $0x100;
	s12 =	simm.s32 $0x4400;
	[smem:$0x7EC] =	sst s5  }
0x3d: {  	s3 =	sadd.s32 s16, s24;
	s6 =	sadd.s32 s9, s23;
	[smem:$0x7EE] =	sst s7  }
0x3e: {  	s9 =	sadd.s32 s20, s24;
	s13 =	smul.u32 $0x54, s1;
	[smem:$0x7EA] =	sst s3  }
0x3f: {  	s14 =	sadd.s32 s11, s23;
	s1 =	smul.u32 $0xA80, s1;
	[smem:$0x7ED] =	sst s6  }
0x40: {  	s15 =	sadd.s32 s22, s24;
	s16 =	sadd.s32 s10, s23;
	[smem:$0x7F0] =	sst s9  }
0x41: {  	s4 =	simm.s32 $0x2400;
	s5 =	simm.s32 $0x1;
	[smem:$0x7F2] =	sst s14  }
0x42: {  	s7 =	simm.s32 $0x6;
	s11 =	simm.s32 $0x4;
	[smem:$0x7F3] =	sst s15  }
0x43: {  	[smem:$0x7F4] =	sst s16;
	s6 =	simm.s32 $0x200;
	s17 =	sor.u32 $0x2, s13  }
0x44: {  	s9 =	simm.s32 $0x180;
	s19 =	sor.u32 $0x3, s13;
	[smem:$0x7F5] =	sst s17  }
0x45: {  	s14 =	simm.s32 $0x2;
	s20 =	sadd.s32 $0x4, s13;
	[smem:$0x7F6] =	sst s19  }
0x46: {  	s15 =	simm.s32 $0x3;
	s2 =	sadd.s32 $0x5, s13;
	[smem:$0x7F7] =	sst s20  }
0x47: {  	s16 =	simm.s32 $0x300;
	s1 =	sadd.s32 s29, s1;
	[smem:$0x7F8] =	sst s2  }
0x48: {  	s3 =	simm.s32 $0x380;
	s13 =	simm.s32 $0x6400;
	[smem:$0x7FA] =	sst s1  }
0x49: {  	s22 =	sadd.s32 $0x20, s1;
	s1 =	simm.s32 $0x80;
	s17 =	simm.s32 $0x7  }
0x4a: {  	v0 =	vimm.f32 $0.0e+00;
	s2 =	simm.s32 $0x8;
	[smem:$0x7FB] =	sst s22;
	s22 =	simm.s32 $0x6C00  }
.LBB2_1:
0x4b: {  	s8 =	simm.s32 $0x7420  }
0x4c: {  	[tilespmem:s8+$0x0] =	vst v0  }
0x4d: {  	[tilespmem:s8+$0xFFFFFFE0] =	vst v0  }
0x4e: {  	[tilespmem:s8+$0x10] =	vst v0  }
0x4f: {  	s19 =	simm.s32 $0x40;
	s20 =	simm.s32 $0x0;
	[tilespmem:s8+$0xFFFFFFF0] =	vst v0  }
.LBB2_2:
0x50: {  	p0 =	sne.s32 s19, $0xFC0  }
0x51: {  	[tilespmem:s20+$0x8400] =	vst v0;
	s8 =	sadd.s32 $0x40, s8;
	s20 =	smov.u32 s19;
	s19 =	sadd.s32 $0x40, s19  }
.Ltmp0:
0x52: {  	[tilespmem:s8+$0x0] =	vst v0;
	(pc) =	sbr.rel @p0 .LBB2_2-.Ltmp0, $4  }
0x53: {  	_ = 	snop  }
0x54: {  	[tilespmem:s8+$0xFFFFFFE0] =	vst v0  }
0x55: {  	[tilespmem:s8+$0x10] =	vst v0  }
0x56: {  	s20 =	sshra.s32 s20, $0x2;
	[tilespmem:s8+$0xFFFFFFF0] =	vst v0  }
0x57: {  	[tilespmem:s20+$0x8400] =	vst v0;
	s8 =	rddreg [dreg:$0x1b];
	s10 =	simm.s32 $0x7400  }
0x58: {  	[spmem:s8] =	stream.linear.scatter [tilespmem:s10], [sflag:$0x9], $0x1000, $0x38;
	[tilespmem:$0x15000] =	vst v63  }
0x59: {  	_ =	swait.ge [sflag:s31], $0x1000  }
0x5a: {  	[sflag:s31] =	ssyncset.done $0x0  }
0x5b: {  	s19 =	simm.s32 $0x8400;
	s20 =	rddreg [dreg:$0x1c];
	[sflag:s31] =	ssyncadd.s32 $0xFFFFF000  }
0x5c: {  	[spmem:s20] =	stream.linear.scatter [tilespmem:s19], [sflag:$0x9], $0x400, $0x38;
	[tilespmem:$0x15000] =	vst v63  }
0x5d: {  	_ =	swait.ge [sflag:s31], $0x400  }
0x5e: {  	[sflag:s31] =	ssyncset.done $0x0  }
0x5f: {  	s20 =	rddreg [dreg:$0x1d];
	[sflag:s31] =	ssyncadd.s32 $0xFFFFFC00  }
0x60: {  	[spmem:s20] =	stream.linear.scatter [tilespmem:s10], [sflag:$0x9], $0x1000, $0x38;
	[tilespmem:$0x15000] =	vst v63  }
0x61: {  	_ =	swait.ge [sflag:s31], $0x1000  }
0x62: {  	[sflag:s31] =	ssyncset.done $0x0  }
0x63: {  	s20 =	rddreg [dreg:$0x1e];
	[sflag:s31] =	ssyncadd.s32 $0xFFFFF000  }
0x64: {  	[spmem:s20] =	stream.linear.scatter [tilespmem:s19], [sflag:$0x9], $0x400, $0x38;
	[tilespmem:$0x15000] =	vst v63  }
0x65: {  	_ =	swait.ge [sflag:s31], $0x400  }
0x66: {  	[sflag:s31] =	ssyncset.done $0x0  }
0x67: {  	s20 =	rddreg [dreg:$0x1f];
	[sflag:s31] =	ssyncadd.s32 $0xFFFFFC00  }
0x68: {  	[spmem:s20] =	stream.linear.scatter [tilespmem:s10], [sflag:$0x9], $0x1000, $0x38;
	[tilespmem:$0x15000] =	vst v63  }
0x69: {  	_ =	swait.ge [sflag:s31], $0x1000  }
0x6a: {  	s20 =	sld [smem:$0x7E8]  }
0x6b: {  	[sflag:s31] =	ssyncset.done $0x0  }
0x6c: {  	[sflag:s31] =	ssyncadd.s32 $0xFFFFF000  }
0x6d: {  	[spmem:s20] =	stream.linear.scatter [tilespmem:s19], [sflag:$0x9], $0x400, $0x38;
	[tilespmem:$0x15000] =	vst v63  }
0x6e: {  	_ =	swait.ge [sflag:s31], $0x400  }
0x6f: {  	s20 =	sld [smem:$0x7E9]  }
0x70: {  	[sflag:s31] =	ssyncset.done $0x0  }
0x71: {  	[sflag:s31] =	ssyncadd.s32 $0xFFFFFC00  }
0x72: {  	[spmem:s20] =	stream.linear.scatter [tilespmem:s10], [sflag:$0x9], $0x1000, $0x38;
	[tilespmem:$0x15000] =	vst v63  }
0x73: {  	_ =	swait.ge [sflag:s31], $0x1000  }
0x74: {  	s20 =	sld [smem:$0x7EA]  }
0x75: {  	[sflag:s31] =	ssyncset.done $0x0  }
0x76: {  	[sflag:s31] =	ssyncadd.s32 $0xFFFFF000  }
0x77: {  	[spmem:s20] =	stream.linear.scatter [tilespmem:s19], [sflag:$0x9], $0x400, $0x38;
	[tilespmem:$0x15000] =	vst v63  }
0x78: {  	_ =	swait.ge [sflag:s31], $0x400  }
0x79: {  	s20 =	sld [smem:$0x7EB]  }
0x7a: {  	[sflag:s31] =	ssyncset.done $0x0  }
0x7b: {  	[sflag:s31] =	ssyncadd.s32 $0xFFFFFC00  }
0x7c: {  	[spmem:s20] =	stream.linear.scatter [tilespmem:s10], [sflag:$0x9], $0x1000, $0x38;
	[tilespmem:$0x15000] =	vst v63  }
0x7d: {  	_ =	swait.ge [sflag:s31], $0x1000  }
0x7e: {  	s20 =	sld [smem:$0x7EC]  }
0x7f: {  	[sflag:s31] =	ssyncset.done $0x0  }
0x80: {  	[sflag:s31] =	ssyncadd.s32 $0xFFFFF000  }
0x81: {  	[spmem:s20] =	stream.linear.scatter [tilespmem:s19], [sflag:$0x9], $0x400, $0x38;
	[tilespmem:$0x15000] =	vst v63  }
0x82: {  	_ =	swait.ge [sflag:s31], $0x400  }
0x83: {  	s20 =	sld [smem:$0x7ED]  }
0x84: {  	[sflag:s31] =	ssyncset.done $0x0  }
0x85: {  	[sflag:s31] =	ssyncadd.s32 $0xFFFFFC00  }
0x86: {  	[spmem:s20] =	stream.linear.scatter [tilespmem:s10], [sflag:$0x9], $0x1000, $0x38;
	[tilespmem:$0x15000] =	vst v63  }
0x87: {  	_ =	swait.ge [sflag:s31], $0x1000  }
0x88: {  	s20 =	sld [smem:$0x7EE]  }
0x89: {  	[sflag:s31] =	ssyncset.done $0x0  }
0x8a: {  	[sflag:s31] =	ssyncadd.s32 $0xFFFFF000  }
0x8b: {  	[spmem:s20] =	stream.linear.scatter [tilespmem:s19], [sflag:$0x9], $0x400, $0x38;
	[tilespmem:$0x15000] =	vst v63  }
0x8c: {  	_ =	swait.ge [sflag:s31], $0x400  }
0x8d: {  	s20 =	sld [smem:$0x7EF]  }
0x8e: {  	[sflag:s31] =	ssyncset.done $0x0  }
0x8f: {  	[sflag:s31] =	ssyncadd.s32 $0xFFFFFC00  }
0x90: {  	[spmem:s20] =	stream.linear.scatter [tilespmem:s10], [sflag:$0x9], $0x1000, $0x38;
	[tilespmem:$0x15000] =	vst v63  }
0x91: {  	_ =	swait.ge [sflag:s31], $0x1000  }
0x92: {  	s20 =	sld [smem:$0x7F0]  }
0x93: {  	[sflag:s31] =	ssyncset.done $0x0  }
0x94: {  	[sflag:s31] =	ssyncadd.s32 $0xFFFFF000  }
0x95: {  	[spmem:s20] =	stream.linear.scatter [tilespmem:s19], [sflag:$0x9], $0x400, $0x38;
	[tilespmem:$0x15000] =	vst v63  }
0x96: {  	_ =	swait.ge [sflag:s31], $0x400  }
0x97: {  	s20 =	sld [smem:$0x7F1]  }
0x98: {  	[sflag:s31] =	ssyncset.done $0x0  }
0x99: {  	[sflag:s31] =	ssyncadd.s32 $0xFFFFFC00  }
0x9a: {  	[spmem:s20] =	stream.linear.scatter [tilespmem:s10], [sflag:$0x9], $0x1000, $0x38;
	[tilespmem:$0x15000] =	vst v63  }
0x9b: {  	_ =	swait.ge [sflag:s31], $0x1000  }
0x9c: {  	[sflag:s31] =	ssyncset.done $0x0  }
0x9d: {  	[sflag:s31] =	ssyncadd.s32 $0xFFFFF000  }
0x9e: {  	[spmem:s25] =	stream.linear.scatter [tilespmem:s19], [sflag:$0x9], $0x400, $0x38;
	[tilespmem:$0x15000] =	vst v63  }
0x9f: {  	_ =	swait.ge [sflag:s31], $0x400  }
0xa0: {  	s25 =	sld [smem:$0x7F2]  }
0xa1: {  	[sflag:s31] =	ssyncset.done $0x0  }
0xa2: {  	[sflag:s31] =	ssyncadd.s32 $0xFFFFFC00  }
0xa3: {  	[spmem:s25] =	stream.linear.scatter [tilespmem:s10], [sflag:$0x9], $0x1000, $0x38;
	[tilespmem:$0x15000] =	vst v63  }
0xa4: {  	_ =	swait.ge [sflag:s31], $0x1000  }
0xa5: {  	s20 =	sld [smem:$0x7F3]  }
0xa6: {  	[sflag:s31] =	ssyncset.done $0x0  }
0xa7: {  	[sflag:s31] =	ssyncadd.s32 $0xFFFFF000  }
0xa8: {  	[spmem:s20] =	stream.linear.scatter [tilespmem:s19], [sflag:$0x9], $0x400, $0x38;
	[tilespmem:$0x15000] =	vst v63  }
0xa9: {  	_ =	swait.ge [sflag:s31], $0x400  }
0xaa: {  	s25 =	sld [smem:$0x7F4]  }
0xab: {  	[sflag:s31] =	ssyncset.done $0x0  }
0xac: {  	[sflag:s31] =	ssyncadd.s32 $0xFFFFFC00  }
0xad: {  	[spmem:s25] =	stream.linear.scatter [tilespmem:s10], [sflag:$0x9], $0x1000, $0x38;
	[tilespmem:$0x15000] =	vst v63  }
0xae: {  	_ =	swait.ge [sflag:s31], $0x1000  }
0xaf: {  	[sflag:s31] =	ssyncset.done $0x0  }
0xb0: {  	[sflag:s31] =	ssyncadd.s32 $0xFFFFF000  }
0xb1: {  	[spmem:s26] =	stream.linear.scatter [tilespmem:s19], [sflag:$0x9], $0x400, $0x38;
	[tilespmem:$0x15000] =	vst v63  }
0xb2: {  	_ =	swait.ge [sflag:s31], $0x400  }
0xb3: {  	[sflag:s31] =	ssyncset.done $0x0  }
0xb4: {  	[sflag:s31] =	ssyncadd.s32 $0xFFFFFC00  }
0xb5: {  	[bflag:$0x0] =	sbarrier.arrive $0xFFFF  }
0xb6: {  	s26 =	sld [smem:$0x7FA];
	_ =	sdelay $0x1  }
0xb7: {  	s10 =	simm.s32 $0x0;
	s19 =	sld [smem:$0x7FB]  }
0xb8: {  	[tilespmem:s10], [sflag:$0x5] =	stream.linear.gather [hbm4b:s26+s10], $0x100, $0x38;
	[tilespmem:$0x15000] =	vst v63  }
0xb9: {  	s20 =	simm.s32 $0x5  }
0xba: {  	[tilespmem:s0], [sflag:$0x6] =	stream.linear.gather [hbm4b:s19+s10], $0x100, $0x38;
	[tilespmem:$0x15000] =	vst v63  }
0xbb: {  	_ =	swait.ge [sflag:s20], $0x100  }
0xbc: {  	[sflag:s20] =	ssyncset.done $0x0  }
0xbd: {  	s25 =	simm.s32 $0x400;
	[sflag:s20] =	ssyncadd.s32 $0xFFFFFF00  }
0xbe: {  	[tilespmem:s25], [sflag:$0x1] =	stream.indirect.gather [hbm4b:s18+s1], $0x10, s10, s1, $0xb8;
	[tilespmem:$0x15000] =	vst v63  }
0xbf: {  	s26 =	simm.s32 $0x1400  }
0xc0: {  	[tilespmem:s26], [sflag:$0x1] =	stream.indirect.gather [hbm4b:s21+s1], $0x10, s1, s1, $0xb8;
	[tilespmem:$0x15000] =	vst v63  }
0xc1: {  	s20 =	simm.s32 $0x0  }
0xc2: {  	[tilespmem:s4], [sflag:$0x1] =	stream.indirect.gather [hbm4b:s28+s1], $0x40, s10, s1, $0xb8;
	[tilespmem:$0x15000] =	vst v63  }
.LBB2_4:
0xc3: {  	_ =	swait.ge [sflag:s5], $0x800  }
0xc4: {  	[sflag:s5] =	ssyncset.done $0x0  }
0xc5: {  	[sflag:s5] =	ssyncadd.s32 $0xFFFFF800  }
0xc6: {  	_ =	swait.ge [sflag:s5], $0x800  }
0xc7: {  	[sflag:s5] =	ssyncset.done $0x0  }
0xc8: {  	[sflag:s5] =	ssyncadd.s32 $0xFFFFF800  }
0xc9: {  	_ =	swait.ge [sflag:s5], $0x2000  }
0xca: {  	p0 =	seq.s32 s20, $0x0;
	[sflag:s5] =	ssyncset.done $0x0  }
0xcb: {  	s8 =	simm.s32 @!p0 $0x4;
	[sflag:s5] =	ssyncadd.s32 $0xFFFFE000  }
0xcc: {  	_ =	swait.ge @!p0 [sflag:s8], $0x2000  }
0xcd: {  	s10 =	sld [smem:$0x7F5];
	_ =	sdelay $0x1  }
0xce: {  	s25 =	sshll.u32 s20, $0x2;
	[sflag:s8] =	ssyncset.done @!p0 $0x0  }
0xcf: {  	[sflag:s8] =	ssyncadd.s32 @!p0 $0xFFFFE000;
	s19 =	sadd.s32 s25, s10  }
0xd0: {  	_ =	swait.ge @!p0 [sflag:s8], $0x800;
	s19 =	sshll.u32 s19, $0x5  }
0xd1: {  	[sflag:s8] =	ssyncset.done @!p0 $0x0;
	s19 =	sand.u32 $0x1FFFFFC0, s19  }
0xd2: {  	s26 =	simm.s32 $0x0;
	[sflag:s8] =	ssyncadd.s32 @!p0 $0xFFFFF800;
	s19 =	sadd.s32 s29, s19  }
0xd3: {  	[tilespmem:s6], [sflag:$0x7] =	stream.linear.gather [hbm4b:s19+s26], $0x100, $0x38;
	[tilespmem:$0x15000] =	vst v63  }
0xd4: {  	_ =	swait.ge [sflag:s7], $0x100  }
0xd5: {  	[sflag:s7] =	ssyncset.done $0x0  }
0xd6: {  	s10 =	simm.s32 $0xC00;
	[sflag:s7] =	ssyncadd.s32 $0xFFFFFF00  }
0xd7: {  	[tilespmem:s10], [sflag:$0x2] =	stream.indirect.gather [hbm4b:s18+s1], $0x10, s0, s1, $0xb8;
	[tilespmem:$0x15000] =	vst v63  }
0xd8: {  	s19 =	simm.s32 $0x1C00  }
0xd9: {  	[tilespmem:s19], [sflag:$0x2] =	stream.indirect.gather [hbm4b:s21+s1], $0x10, s9, s1, $0xb8;
	[tilespmem:$0x15000] =	vst v63  }
0xda: {  	s26 =	simm.s32 $0x0  }
0xdb: {  	[tilespmem:s12], [sflag:$0x2] =	stream.indirect.gather [hbm4b:s28+s1], $0x40, s0, s1, $0xb8;
	[tilespmem:$0x15000] =	vst v63  }
0xdc: {  	v1 =	vld [tilespmem:s26+$0x400]  }
0xdd: {  	v2 =	vld [tilespmem:s26+$0x1400];
	_ =	sdelay $0x4  }
0xde: {  	v1 =	vadd.f32 v2, v1;
	_ =	sdelay $0x1  }
0xdf: {  	v2 =	vmul.f32 $2.000000030e-01, v1  }
0xe0: {  	vm0 =	vge.f32 v1, $0.0e+00  }
0xe1: {  	v1 =	vsel vm0, v1, v2  }
0xe2: {  	v1 =	vmul.f32 $1.442695020e+00, v1;
	_ =	sdelay $0x1  }
0xe3: {  	(erf) = vpow2.f32 v1;
	_ =	sdelay $0x8  }
0xe4: {  	v1 =	vpop (erf)  }
0xe5: {  	s19 =	simm.s32 $0x2420;
	[tilespmem:s26+$0x6400] =	vst v1  }
0xe6: {  	v5 =	vld [tilespmem:s19+$0xFFFFFFE0]  }
0xe7: {  	v4 =	vld [tilespmem:s19+$0xFFFFFFF0]  }
0xe8: {  	v2 =	vld [tilespmem:s19+$0x0]  }
0xe9: {  	s8 =	simm.s32 $0x40;
	v6 =	vbroadcast v1, $0x0;
	s26 =	simm.s32 $0x2420;
	v3 =	vld [tilespmem:s19+$0x10]  }
.LBB2_5:
0xea: {  	p0 =	sne.s32 s8, $0x1FC0  }
0xeb: {  	s19 =	sadd.s32 $0x40, s19;
	s10 =	smov.u32 s8;
	s8 =	sadd.s32 $0x40, s8  }
0xec: {  	v1 =	vbroadcast v1, $0x1;
	v5 =	vmul.f32 v6, v5  }
0xed: {  	v4 =	vmul.f32 v6, v4  }
0xee: {  	[tilespmem:s26+$0xFFFFFFE0] =	vst v5;
	v2 =	vmul.f32 v1, v2  }
0xef: {  	s10 =	sshra.s32 s10, $0x2;
	[tilespmem:s26+$0xFFFFFFF0] =	vst v4;
	v1 =	vmul.f32 v3, v1  }
0xf0: {  	[tilespmem:s26+$0x0] =	vst v2  }
0xf1: {  	[tilespmem:s26+$0x10] =	vst v1;
	s26 =	smov.u32 s19  }
0xf2: {  	v1 =	vld [tilespmem:s10+$0x400]  }
0xf3: {  	v2 =	vld [tilespmem:s10+$0x1400];
	_ =	sdelay $0x4  }
0xf4: {  	v1 =	vadd.f32 v2, v1;
	_ =	sdelay $0x1  }
0xf5: {  	v2 =	vmul.f32 $2.000000030e-01, v1  }
0xf6: {  	vm0 =	vge.f32 v1, $0.0e+00  }
0xf7: {  	v1 =	vsel vm0, v1, v2  }
0xf8: {  	v1 =	vmul.f32 $1.442695020e+00, v1;
	_ =	sdelay $0x1  }
0xf9: {  	(erf) = vpow2.f32 v1;
	_ =	sdelay $0x8  }
0xfa: {  	v1 =	vpop (erf)  }
.Ltmp1:
0xfb: {  	[tilespmem:s10+$0x6400] =	vst v1;
	(pc) =	sbr.rel @p0 .LBB2_5-.Ltmp1, $4  }
0xfc: {  	v5 =	vld [tilespmem:s19+$0xFFFFFFE0]  }
0xfd: {  	v4 =	vld [tilespmem:s19+$0xFFFFFFF0]  }
0xfe: {  	v2 =	vld [tilespmem:s19+$0x0]  }
0xff: {  	v6 =	vbroadcast v1, $0x0;
	v3 =	vld [tilespmem:s19+$0x10]  }
0x100: {  	_ = 	snop  }
0x101: {  	v1 =	vbroadcast v1, $0x1;
	v5 =	vmul.f32 v6, v5  }
0x102: {  	v4 =	vmul.f32 v6, v4  }
0x103: {  	[tilespmem:s26+$0xFFFFFFE0] =	vst v5;
	v2 =	vmul.f32 v1, v2  }
0x104: {  	[tilespmem:s26+$0xFFFFFFF0] =	vst v4;
	v1 =	vmul.f32 v3, v1  }
0x105: {  	[tilespmem:s26+$0x0] =	vst v2  }
0x106: {  	[tilespmem:s26+$0x10] =	vst v1  }
0x107: {  	[spmem:s23] =	stream.indirect.scatter.add.f32 [tilespmem:s4], [sflag:$0x3], $0x40, s1, s1, $0xb8;
	[tilespmem:$0x15000] =	vst v63  }
0x108: {  	_ = 	snop  }
0x109: {  	[spmem:s24] =	stream.indirect.scatter.add.f32 [tilespmem:s13], [sflag:$0x3], $0x10, s1, s1, $0xb8;
	[tilespmem:$0x15000] =	vst v63  }
0x10a: {  	_ =	swait.ge [sflag:s14], $0x800  }
0x10b: {  	[sflag:s14] =	ssyncset.done $0x0  }
0x10c: {  	[sflag:s14] =	ssyncadd.s32 $0xFFFFF800  }
0x10d: {  	_ =	swait.ge [sflag:s14], $0x800  }
0x10e: {  	[sflag:s14] =	ssyncset.done $0x0  }
0x10f: {  	[sflag:s14] =	ssyncadd.s32 $0xFFFFF800  }
0x110: {  	_ =	swait.ge [sflag:s14], $0x2000  }
0x111: {  	[sflag:s14] =	ssyncset.done $0x0  }
0x112: {  	[sflag:s14] =	ssyncadd.s32 $0xFFFFE000  }
0x113: {  	_ =	swait.ge [sflag:s15], $0x2000  }
0x114: {  	s8 =	sld [smem:$0x7F6];
	_ =	sdelay $0x1  }
0x115: {  	[sflag:s15] =	ssyncset.done $0x0  }
0x116: {  	[sflag:s15] =	ssyncadd.s32 $0xFFFFE000;
	s8 =	sadd.s32 s25, s8  }
0x117: {  	_ =	swait.ge [sflag:s15], $0x800;
	s8 =	sshll.u32 s8, $0x5  }
0x118: {  	[sflag:s15] =	ssyncset.done $0x0;
	s8 =	sand.u32 $0x1FFFFFE0, s8  }
0x119: {  	s10 =	simm.s32 $0x0;
	[sflag:s15] =	ssyncadd.s32 $0xFFFFF800;
	s8 =	sadd.s32 s29, s8  }
0x11a: {  	[tilespmem:s16], [sflag:$0x8] =	stream.linear.gather [hbm4b:s8+s10], $0x100, $0x38;
	[tilespmem:$0x15000] =	vst v63  }
0x11b: {  	_ =	swait.ge [sflag:s17], $0x100  }
0x11c: {  	[sflag:s17] =	ssyncset.done $0x0  }
0x11d: {  	s10 =	simm.s32 $0x400;
	[sflag:s17] =	ssyncadd.s32 $0xFFFFFF00  }
0x11e: {  	[tilespmem:s10], [sflag:$0x1] =	stream.indirect.gather [hbm4b:s18+s1], $0x10, s6, s1, $0xb8;
	[tilespmem:$0x15000] =	vst v63  }
0x11f: {  	s19 =	simm.s32 $0x1400  }
0x120: {  	[tilespmem:s19], [sflag:$0x1] =	stream.indirect.gather [hbm4b:s21+s1], $0x10, s30, s1, $0xb8;
	[tilespmem:$0x15000] =	vst v63  }
0x121: {  	s26 =	simm.s32 $0x0  }
0x122: {  	[tilespmem:s4], [sflag:$0x1] =	stream.indirect.gather [hbm4b:s28+s1], $0x40, s6, s1, $0xb8;
	[tilespmem:$0x15000] =	vst v63  }
0x123: {  	v1 =	vld [tilespmem:s26+$0xC00]  }
0x124: {  	v2 =	vld [tilespmem:s26+$0x1C00];
	_ =	sdelay $0x4  }
0x125: {  	v1 =	vadd.f32 v2, v1;
	_ =	sdelay $0x1  }
0x126: {  	v2 =	vmul.f32 $2.000000030e-01, v1  }
0x127: {  	vm0 =	vge.f32 v1, $0.0e+00  }
0x128: {  	v1 =	vsel vm0, v1, v2  }
0x129: {  	v1 =	vmul.f32 $1.442695020e+00, v1;
	_ =	sdelay $0x1  }
0x12a: {  	(erf) = vpow2.f32 v1;
	_ =	sdelay $0x8  }
0x12b: {  	v1 =	vpop (erf)  }
0x12c: {  	s19 =	simm.s32 $0x4420;
	[tilespmem:s26+$0x6C00] =	vst v1  }
0x12d: {  	v5 =	vld [tilespmem:s19+$0xFFFFFFE0]  }
0x12e: {  	v4 =	vld [tilespmem:s19+$0xFFFFFFF0]  }
0x12f: {  	v2 =	vld [tilespmem:s19+$0x0]  }
0x130: {  	s8 =	simm.s32 $0x40;
	v6 =	vbroadcast v1, $0x0;
	s26 =	simm.s32 $0x4420;
	v3 =	vld [tilespmem:s19+$0x10]  }
.LBB2_7:
0x131: {  	p0 =	sne.s32 s8, $0x1FC0  }
0x132: {  	s19 =	sadd.s32 $0x40, s19;
	s10 =	smov.u32 s8;
	s8 =	sadd.s32 $0x40, s8  }
0x133: {  	v1 =	vbroadcast v1, $0x1;
	v5 =	vmul.f32 v6, v5  }
0x134: {  	v4 =	vmul.f32 v6, v4  }
0x135: {  	[tilespmem:s26+$0xFFFFFFE0] =	vst v5;
	v2 =	vmul.f32 v1, v2  }
0x136: {  	s10 =	sshra.s32 s10, $0x2;
	[tilespmem:s26+$0xFFFFFFF0] =	vst v4;
	v1 =	vmul.f32 v3, v1  }
0x137: {  	[tilespmem:s26+$0x0] =	vst v2  }
0x138: {  	[tilespmem:s26+$0x10] =	vst v1;
	s26 =	smov.u32 s19  }
0x139: {  	v1 =	vld [tilespmem:s10+$0xC00]  }
0x13a: {  	v2 =	vld [tilespmem:s10+$0x1C00];
	_ =	sdelay $0x4  }
0x13b: {  	v1 =	vadd.f32 v2, v1;
	_ =	sdelay $0x1  }
0x13c: {  	v2 =	vmul.f32 $2.000000030e-01, v1  }
0x13d: {  	vm0 =	vge.f32 v1, $0.0e+00  }
0x13e: {  	v1 =	vsel vm0, v1, v2  }
0x13f: {  	v1 =	vmul.f32 $1.442695020e+00, v1;
	_ =	sdelay $0x1  }
0x140: {  	(erf) = vpow2.f32 v1;
	_ =	sdelay $0x8  }
0x141: {  	v1 =	vpop (erf)  }
.Ltmp2:
0x142: {  	[tilespmem:s10+$0x6C00] =	vst v1;
	(pc) =	sbr.rel @p0 .LBB2_7-.Ltmp2, $4  }
0x143: {  	v5 =	vld [tilespmem:s19+$0xFFFFFFE0]  }
0x144: {  	v4 =	vld [tilespmem:s19+$0xFFFFFFF0]  }
0x145: {  	v2 =	vld [tilespmem:s19+$0x0]  }
0x146: {  	v6 =	vbroadcast v1, $0x0;
	v3 =	vld [tilespmem:s19+$0x10]  }
0x147: {  	_ = 	snop  }
0x148: {  	v1 =	vbroadcast v1, $0x1;
	v5 =	vmul.f32 v6, v5  }
0x149: {  	v4 =	vmul.f32 v6, v4  }
0x14a: {  	[tilespmem:s26+$0xFFFFFFE0] =	vst v5;
	v2 =	vmul.f32 v1, v2  }
0x14b: {  	[tilespmem:s26+$0xFFFFFFF0] =	vst v4;
	v1 =	vmul.f32 v3, v1  }
0x14c: {  	[tilespmem:s26+$0x0] =	vst v2  }
0x14d: {  	[tilespmem:s26+$0x10] =	vst v1  }
0x14e: {  	[spmem:s23] =	stream.indirect.scatter.add.f32 [tilespmem:s12], [sflag:$0x4], $0x40, s9, s1, $0xb8;
	[tilespmem:$0x15000] =	vst v63  }
0x14f: {  	_ = 	snop  }
0x150: {  	[spmem:s24] =	stream.indirect.scatter.add.f32 [tilespmem:s22], [sflag:$0x4], $0x10, s9, s1, $0xb8;
	[tilespmem:$0x15000] =	vst v63  }
0x151: {  	_ =	swait.ge [sflag:s5], $0x800  }
0x152: {  	[sflag:s5] =	ssyncset.done $0x0  }
0x153: {  	[sflag:s5] =	ssyncadd.s32 $0xFFFFF800  }
0x154: {  	_ =	swait.ge [sflag:s5], $0x800  }
0x155: {  	[sflag:s5] =	ssyncset.done $0x0  }
0x156: {  	[sflag:s5] =	ssyncadd.s32 $0xFFFFF800  }
0x157: {  	_ =	swait.ge [sflag:s5], $0x2000  }
0x158: {  	[sflag:s5] =	ssyncset.done $0x0  }
0x159: {  	[sflag:s5] =	ssyncadd.s32 $0xFFFFE000  }
0x15a: {  	_ =	swait.ge [sflag:s11], $0x2000  }
0x15b: {  	s8 =	sld [smem:$0x7F7];
	_ =	sdelay $0x1  }
0x15c: {  	p0 =	seq.s32 s20, $0x14;
	[sflag:s11] =	ssyncset.done $0x0  }
0x15d: {  	[sflag:s11] =	ssyncadd.s32 $0xFFFFE000;
	s8 =	sadd.s32 @!p0 s25, s8  }
0x15e: {  	_ =	swait.ge [sflag:s11], $0x800;
	s8 =	sshll.u32 @!p0 s8, $0x5  }
0x15f: {  	[sflag:s11] =	ssyncset.done $0x0;
	s8 =	sand.u32 @!p0 $0x1FFFFF80, s8  }
0x160: {  	s10 =	simm.s32 @!p0 $0x0;
	[sflag:s11] =	ssyncadd.s32 $0xFFFFF800;
	s8 =	sadd.s32 @!p0 s29, s8  }
0x161: {  	[tilespmem:s10], [sflag:$0x5] =	stream.linear.gather @!p0 [hbm4b:s8+s10], $0x100, $0x38;
	[tilespmem:$0x15000] =	vst v63  }
0x162: {  	_ =	swait.ge [sflag:s2], $0x100  }
0x163: {  	[sflag:s2] =	ssyncset.done $0x0  }
0x164: {  	s10 =	simm.s32 $0xC00;
	[sflag:s2] =	ssyncadd.s32 $0xFFFFFF00  }
0x165: {  	[tilespmem:s10], [sflag:$0x2] =	stream.indirect.gather [hbm4b:s18+s1], $0x10, s16, s1, $0xb8;
	[tilespmem:$0x15000] =	vst v63  }
0x166: {  	s19 =	simm.s32 $0x1C00  }
0x167: {  	[tilespmem:s19], [sflag:$0x2] =	stream.indirect.gather [hbm4b:s21+s1], $0x10, s3, s1, $0xb8;
	[tilespmem:$0x15000] =	vst v63  }
0x168: {  	s26 =	simm.s32 $0x0  }
0x169: {  	[tilespmem:s12], [sflag:$0x2] =	stream.indirect.gather [hbm4b:s28+s1], $0x40, s16, s1, $0xb8;
	[tilespmem:$0x15000] =	vst v63  }
0x16a: {  	v1 =	vld [tilespmem:s26+$0x400]  }
0x16b: {  	v2 =	vld [tilespmem:s26+$0x1400];
	_ =	sdelay $0x4  }
0x16c: {  	v1 =	vadd.f32 v2, v1;
	_ =	sdelay $0x1  }
0x16d: {  	v2 =	vmul.f32 $2.000000030e-01, v1  }
0x16e: {  	vm0 =	vge.f32 v1, $0.0e+00  }
0x16f: {  	v1 =	vsel vm0, v1, v2  }
0x170: {  	v1 =	vmul.f32 $1.442695020e+00, v1;
	_ =	sdelay $0x1  }
0x171: {  	(erf) = vpow2.f32 v1;
	_ =	sdelay $0x8  }
0x172: {  	v1 =	vpop (erf)  }
0x173: {  	s19 =	simm.s32 $0x2420;
	[tilespmem:s26+$0x6400] =	vst v1  }
0x174: {  	v5 =	vld [tilespmem:s19+$0xFFFFFFE0]  }
0x175: {  	v4 =	vld [tilespmem:s19+$0xFFFFFFF0]  }
0x176: {  	v2 =	vld [tilespmem:s19+$0x0]  }
0x177: {  	s8 =	simm.s32 $0x40;
	v6 =	vbroadcast v1, $0x0;
	s26 =	simm.s32 $0x2420;
	v3 =	vld [tilespmem:s19+$0x10]  }
.LBB2_9:
0x178: {  	p1 =	sne.s32 s8, $0x1FC0  }
0x179: {  	s19 =	sadd.s32 $0x40, s19;
	s10 =	smov.u32 s8;
	s8 =	sadd.s32 $0x40, s8  }
0x17a: {  	v1 =	vbroadcast v1, $0x1;
	v5 =	vmul.f32 v6, v5  }
0x17b: {  	v4 =	vmul.f32 v6, v4  }
0x17c: {  	[tilespmem:s26+$0xFFFFFFE0] =	vst v5;
	v2 =	vmul.f32 v1, v2  }
0x17d: {  	s10 =	sshra.s32 s10, $0x2;
	[tilespmem:s26+$0xFFFFFFF0] =	vst v4;
	v1 =	vmul.f32 v3, v1  }
0x17e: {  	[tilespmem:s26+$0x0] =	vst v2  }
0x17f: {  	[tilespmem:s26+$0x10] =	vst v1;
	s26 =	smov.u32 s19  }
0x180: {  	v1 =	vld [tilespmem:s10+$0x400]  }
0x181: {  	v2 =	vld [tilespmem:s10+$0x1400];
	_ =	sdelay $0x4  }
0x182: {  	v1 =	vadd.f32 v2, v1;
	_ =	sdelay $0x1  }
0x183: {  	v2 =	vmul.f32 $2.000000030e-01, v1  }
0x184: {  	vm0 =	vge.f32 v1, $0.0e+00  }
0x185: {  	v1 =	vsel vm0, v1, v2  }
0x186: {  	v1 =	vmul.f32 $1.442695020e+00, v1;
	_ =	sdelay $0x1  }
0x187: {  	(erf) = vpow2.f32 v1;
	_ =	sdelay $0x8  }
0x188: {  	v1 =	vpop (erf)  }
.Ltmp3:
0x189: {  	[tilespmem:s10+$0x6400] =	vst v1;
	(pc) =	sbr.rel @p1 .LBB2_9-.Ltmp3, $4  }
0x18a: {  	v5 =	vld [tilespmem:s19+$0xFFFFFFE0]  }
0x18b: {  	v4 =	vld [tilespmem:s19+$0xFFFFFFF0]  }
0x18c: {  	v2 =	vld [tilespmem:s19+$0x0]  }
0x18d: {  	v6 =	vbroadcast v1, $0x0;
	v3 =	vld [tilespmem:s19+$0x10]  }
0x18e: {  	_ = 	snop  }
0x18f: {  	v1 =	vbroadcast v1, $0x1;
	v5 =	vmul.f32 v6, v5  }
0x190: {  	v4 =	vmul.f32 v6, v4  }
0x191: {  	[tilespmem:s26+$0xFFFFFFE0] =	vst v5;
	v2 =	vmul.f32 v1, v2  }
0x192: {  	[tilespmem:s26+$0xFFFFFFF0] =	vst v4;
	v1 =	vmul.f32 v3, v1  }
0x193: {  	[tilespmem:s26+$0x0] =	vst v2  }
0x194: {  	[tilespmem:s26+$0x10] =	vst v1  }
0x195: {  	[spmem:s23] =	stream.indirect.scatter.add.f32 [tilespmem:s4], [sflag:$0x3], $0x40, s30, s1, $0xb8;
	[tilespmem:$0x15000] =	vst v63  }
0x196: {  	_ = 	snop  }
0x197: {  	[spmem:s24] =	stream.indirect.scatter.add.f32 [tilespmem:s13], [sflag:$0x3], $0x10, s30, s1, $0xb8;
	[tilespmem:$0x15000] =	vst v63  }
0x198: {  	_ =	swait.ge [sflag:s14], $0x800  }
0x199: {  	[sflag:s14] =	ssyncset.done $0x0  }
0x19a: {  	[sflag:s14] =	ssyncadd.s32 $0xFFFFF800  }
0x19b: {  	_ =	swait.ge [sflag:s14], $0x800  }
0x19c: {  	[sflag:s14] =	ssyncset.done $0x0  }
0x19d: {  	[sflag:s14] =	ssyncadd.s32 $0xFFFFF800  }
0x19e: {  	_ =	swait.ge [sflag:s14], $0x2000  }
0x19f: {  	[sflag:s14] =	ssyncset.done $0x0  }
0x1a0: {  	s8 =	simm.s32 @!p0 $0x3;
	[sflag:s14] =	ssyncadd.s32 $0xFFFFE000  }
0x1a1: {  	_ =	swait.ge @!p0 [sflag:s8], $0x2000  }
0x1a2: {  	[sflag:s8] =	ssyncset.done @!p0 $0x0  }
0x1a3: {  	[sflag:s8] =	ssyncadd.s32 @!p0 $0xFFFFE000  }
0x1a4: {  	_ =	swait.ge @!p0 [sflag:s8], $0x800  }
0x1a5: {  	s10 =	sld [smem:$0x7F8];
	_ =	sdelay $0x2  }
0x1a6: {  	s10 =	sadd.s32 @!p0 s25, s10  }
0x1a7: {  	[sflag:s8] =	ssyncset.done @!p0 $0x0;
	s10 =	sshll.u32 @!p0 s10, $0x5  }
0x1a8: {  	[sflag:s8] =	ssyncadd.s32 @!p0 $0xFFFFF800;
	s8 =	sand.u32 @!p0 $0x1FFFFFA0, s10  }
0x1a9: {  	s19 =	simm.s32 @!p0 $0x100;
	s10 =	simm.s32 @!p0 $0x0;
	s8 =	sadd.s32 @!p0 s29, s8  }
0x1aa: {  	[tilespmem:s19], [sflag:$0x6] =	stream.linear.gather @!p0 [hbm4b:s8+s10], $0x100, $0x38;
	[tilespmem:$0x15000] =	vst v63  }
0x1ab: {  	s8 =	simm.s32 @!p0 $0x5  }
0x1ac: {  	_ =	swait.ge @!p0 [sflag:s8], $0x100  }
0x1ad: {  	[sflag:s8] =	ssyncset.done @!p0 $0x0  }
0x1ae: {  	s19 =	simm.s32 @!p0 $0x400;
	[sflag:s8] =	ssyncadd.s32 @!p0 $0xFFFFFF00;
	s8 =	simm.s32 @!p0 $0x80  }
0x1af: {  	[tilespmem:s19], [sflag:$0x1] =	stream.indirect.gather @!p0 [hbm4b:s18+s8], $0x10, s10, s8, $0xb8;
	[tilespmem:$0x15000] =	vst v63  }
0x1b0: {  	s19 =	simm.s32 @!p0 $0x1400  }
0x1b1: {  	[tilespmem:s19], [sflag:$0x1] =	stream.indirect.gather @!p0 [hbm4b:s21+s8], $0x10, s8, s8, $0xb8;
	[tilespmem:$0x15000] =	vst v63  }
0x1b2: {  	s26 =	simm.s32 $0x0;
	s19 =	simm.s32 @!p0 $0x2400  }
0x1b3: {  	[tilespmem:s19], [sflag:$0x1] =	stream.indirect.gather @!p0 [hbm4b:s28+s8], $0x40, s10, s8, $0xb8;
	[tilespmem:$0x15000] =	vst v63  }
0x1b4: {  	v1 =	vld [tilespmem:s26+$0xC00]  }
0x1b5: {  	v2 =	vld [tilespmem:s26+$0x1C00];
	_ =	sdelay $0x4  }
0x1b6: {  	v1 =	vadd.f32 v2, v1;
	_ =	sdelay $0x1  }
0x1b7: {  	v2 =	vmul.f32 $2.000000030e-01, v1  }
0x1b8: {  	vm0 =	vge.f32 v1, $0.0e+00  }
0x1b9: {  	v1 =	vsel vm0, v1, v2  }
0x1ba: {  	v1 =	vmul.f32 $1.442695020e+00, v1;
	_ =	sdelay $0x1  }
0x1bb: {  	(erf) = vpow2.f32 v1;
	_ =	sdelay $0x8  }
0x1bc: {  	v1 =	vpop (erf)  }
0x1bd: {  	s19 =	simm.s32 $0x4420;
	[tilespmem:s26+$0x6C00] =	vst v1  }
0x1be: {  	v5 =	vld [tilespmem:s19+$0xFFFFFFE0]  }
0x1bf: {  	v4 =	vld [tilespmem:s19+$0xFFFFFFF0]  }
0x1c0: {  	v2 =	vld [tilespmem:s19+$0x0]  }
0x1c1: {  	s25 =	simm.s32 $0x4420;
	s8 =	simm.s32 $0x40;
	v6 =	vbroadcast v1, $0x0;
	v3 =	vld [tilespmem:s19+$0x10]  }
.LBB2_11:
0x1c2: {  	p0 =	sne.s32 s8, $0x1FC0  }
0x1c3: {  	s19 =	sadd.s32 $0x40, s19;
	s10 =	smov.u32 s8;
	s8 =	sadd.s32 $0x40, s8  }
0x1c4: {  	v1 =	vbroadcast v1, $0x1;
	v5 =	vmul.f32 v6, v5  }
0x1c5: {  	v4 =	vmul.f32 v6, v4  }
0x1c6: {  	[tilespmem:s25+$0xFFFFFFE0] =	vst v5;
	v2 =	vmul.f32 v1, v2  }
0x1c7: {  	s10 =	sshra.s32 s10, $0x2;
	[tilespmem:s25+$0xFFFFFFF0] =	vst v4;
	v1 =	vmul.f32 v3, v1  }
0x1c8: {  	[tilespmem:s25+$0x0] =	vst v2  }
0x1c9: {  	[tilespmem:s25+$0x10] =	vst v1;
	s25 =	smov.u32 s19  }
0x1ca: {  	v1 =	vld [tilespmem:s10+$0xC00]  }
0x1cb: {  	v2 =	vld [tilespmem:s10+$0x1C00];
	_ =	sdelay $0x4  }
0x1cc: {  	v1 =	vadd.f32 v2, v1;
	_ =	sdelay $0x1  }
0x1cd: {  	v2 =	vmul.f32 $2.000000030e-01, v1  }
0x1ce: {  	vm0 =	vge.f32 v1, $0.0e+00  }
0x1cf: {  	v1 =	vsel vm0, v1, v2  }
0x1d0: {  	v1 =	vmul.f32 $1.442695020e+00, v1;
	_ =	sdelay $0x1  }
0x1d1: {  	(erf) = vpow2.f32 v1;
	_ =	sdelay $0x8  }
0x1d2: {  	v1 =	vpop (erf)  }
.Ltmp4:
0x1d3: {  	[tilespmem:s10+$0x6C00] =	vst v1;
	(pc) =	sbr.rel @p0 .LBB2_11-.Ltmp4, $4  }
0x1d4: {  	v5 =	vld [tilespmem:s19+$0xFFFFFFE0]  }
0x1d5: {  	v4 =	vld [tilespmem:s19+$0xFFFFFFF0]  }
0x1d6: {  	v2 =	vld [tilespmem:s19+$0x0]  }
0x1d7: {  	v6 =	vbroadcast v1, $0x0;
	v3 =	vld [tilespmem:s19+$0x10]  }
0x1d8: {  	_ = 	snop  }
0x1d9: {  	v1 =	vbroadcast v1, $0x1;
	v5 =	vmul.f32 v6, v5  }
0x1da: {  	v4 =	vmul.f32 v6, v4  }
0x1db: {  	s20 =	sadd.s32 $0x1, s20;
	[tilespmem:s25+$0xFFFFFFE0] =	vst v5;
	v2 =	vmul.f32 v1, v2  }
0x1dc: {  	p0 =	sne.s32 s20, $0x15;
	[tilespmem:s25+$0xFFFFFFF0] =	vst v4;
	v1 =	vmul.f32 v3, v1  }
.Ltmp5:
0x1dd: {  	[tilespmem:s25+$0x0] =	vst v2;
	(pc) =	sbr.rel @p0 .LBB2_4-.Ltmp5, $4  }
0x1de: {  	[tilespmem:s25+$0x10] =	vst v1  }
0x1df: {  	[spmem:s23] =	stream.indirect.scatter.add.f32 [tilespmem:s12], [sflag:$0x4], $0x40, s3, s1, $0xb8;
	[tilespmem:$0x15000] =	vst v63  }
0x1e0: {  	_ = 	snop  }
0x1e1: {  	[spmem:s24] =	stream.indirect.scatter.add.f32 [tilespmem:s22], [sflag:$0x4], $0x10, s3, s1, $0xb8;
	[tilespmem:$0x15000] =	vst v63  }
0x1e2: {  	_ =	swait.ge [sflag:s15], $0x2000  }
0x1e3: {  	[sflag:s15] =	ssyncset.done $0x0  }
0x1e4: {  	[sflag:s15] =	ssyncadd.s32 $0xFFFFE000  }
0x1e5: {  	_ =	swait.ge [sflag:s15], $0x800  }
0x1e6: {  	[sflag:s15] =	ssyncset.done $0x0  }
0x1e7: {  	[sflag:s15] =	ssyncadd.s32 $0xFFFFF800  }
0x1e8: {  	_ =	swait.ge [sflag:s11], $0x2000  }
0x1e9: {  	[sflag:s11] =	ssyncset.done $0x0  }
0x1ea: {  	[sflag:s11] =	ssyncadd.s32 $0xFFFFE000  }
0x1eb: {  	_ =	swait.ge [sflag:s11], $0x800  }
0x1ec: {  	[sflag:s11] =	ssyncset.done $0x0  }
0x1ed: {  	[sflag:s11] =	ssyncadd.s32 $0xFFFFF800  }
0x1ee: {  	s8 =	stileid.u32;
	[bflag:$0x0] =	sbarrier.arrive $0xFFFF  }
0x1ef: {  	s8 =	sshll.u32 s8, $0x6;
	s26 =	rddreg [dreg:$0x1b]  }
0x1f0: {  	s20 =	sor.u32 $0x1C09, s8;
	s10 =	rddreg [dreg:$0x6];
	s8 =	sshrl.u32 s26, $0x3  }
0x1f1: {  	[hbm:s10], [sflag:s20] =	dma.local [spmem:s8], $0x200  }
0x1f2: {  	_ =	swait.ge [sflag:s31], $0x200  }
0x1f3: {  	[sflag:s31] =	ssyncset.done $0x0;
	s10 =	rddreg [dreg:$0x1c]  }
0x1f4: {  	s19 =	rddreg [dreg:$0x11];
	[sflag:s31] =	ssyncadd.s32 $0xFFFFFE00;
	s8 =	sshrl.u32 s10, $0x3  }
0x1f5: {  	[hbm:s19], [sflag:s20] =	dma.local [spmem:s8], $0x80  }
0x1f6: {  	_ =	swait.ge [sflag:s31], $0x80  }
0x1f7: {  	[sflag:s31] =	ssyncset.done $0x0;
	s25 =	rddreg [dreg:$0x1d]  }
0x1f8: {  	s26 =	rddreg [dreg:$0x7];
	[sflag:s31] =	ssyncadd.s32 $0xFFFFFF80;
	s8 =	sshrl.u32 s25, $0x3  }
0x1f9: {  	[hbm:s26], [sflag:s20] =	dma.local [spmem:s8], $0x200  }
0x1fa: {  	_ =	swait.ge [sflag:s31], $0x200  }
0x1fb: {  	[sflag:s31] =	ssyncset.done $0x0;
	s10 =	rddreg [dreg:$0x1e]  }
0x1fc: {  	s19 =	rddreg [dreg:$0x12];
	[sflag:s31] =	ssyncadd.s32 $0xFFFFFE00;
	s8 =	sshrl.u32 s10, $0x3  }
0x1fd: {  	[hbm:s19], [sflag:s20] =	dma.local [spmem:s8], $0x80  }
0x1fe: {  	_ =	swait.ge [sflag:s31], $0x80  }
0x1ff: {  	[sflag:s31] =	ssyncset.done $0x0;
	s25 =	rddreg [dreg:$0x1f]  }
0x200: {  	s26 =	rddreg [dreg:$0x8];
	[sflag:s31] =	ssyncadd.s32 $0xFFFFFF80;
	s8 =	sshrl.u32 s25, $0x3  }
0x201: {  	[hbm:s26], [sflag:s20] =	dma.local [spmem:s8], $0x200  }
0x202: {  	_ =	swait.ge [sflag:s31], $0x200  }
0x203: {  	s10 =	sld [smem:$0x7E8];
	_ =	sdelay $0x1  }
0x204: {  	[sflag:s31] =	ssyncset.done $0x0  }
0x205: {  	s19 =	rddreg [dreg:$0x13];
	[sflag:s31] =	ssyncadd.s32 $0xFFFFFE00;
	s8 =	sshrl.u32 s10, $0x3  }
0x206: {  	[hbm:s19], [sflag:s20] =	dma.local [spmem:s8], $0x80  }
0x207: {  	_ =	swait.ge [sflag:s31], $0x80  }
0x208: {  	s25 =	sld [smem:$0x7E9];
	_ =	sdelay $0x1  }
0x209: {  	[sflag:s31] =	ssyncset.done $0x0  }
0x20a: {  	s26 =	rddreg [dreg:$0x9];
	[sflag:s31] =	ssyncadd.s32 $0xFFFFFF80;
	s8 =	sshrl.u32 s25, $0x3  }
0x20b: {  	[hbm:s26], [sflag:s20] =	dma.local [spmem:s8], $0x200  }
0x20c: {  	_ =	swait.ge [sflag:s31], $0x200  }
0x20d: {  	s10 =	sld [smem:$0x7EA];
	_ =	sdelay $0x1  }
0x20e: {  	[sflag:s31] =	ssyncset.done $0x0  }
0x20f: {  	s19 =	rddreg [dreg:$0x14];
	[sflag:s31] =	ssyncadd.s32 $0xFFFFFE00;
	s8 =	sshrl.u32 s10, $0x3  }
0x210: {  	[hbm:s19], [sflag:s20] =	dma.local [spmem:s8], $0x80  }
0x211: {  	_ =	swait.ge [sflag:s31], $0x80  }
0x212: {  	s25 =	sld [smem:$0x7EB];
	_ =	sdelay $0x1  }
0x213: {  	[sflag:s31] =	ssyncset.done $0x0  }
0x214: {  	s26 =	rddreg [dreg:$0xa];
	[sflag:s31] =	ssyncadd.s32 $0xFFFFFF80;
	s8 =	sshrl.u32 s25, $0x3  }
0x215: {  	[hbm:s26], [sflag:s20] =	dma.local [spmem:s8], $0x200  }
0x216: {  	_ =	swait.ge [sflag:s31], $0x200  }
0x217: {  	s10 =	sld [smem:$0x7EC];
	_ =	sdelay $0x1  }
0x218: {  	[sflag:s31] =	ssyncset.done $0x0  }
0x219: {  	s19 =	rddreg [dreg:$0x15];
	[sflag:s31] =	ssyncadd.s32 $0xFFFFFE00;
	s8 =	sshrl.u32 s10, $0x3  }
0x21a: {  	[hbm:s19], [sflag:s20] =	dma.local [spmem:s8], $0x80  }
0x21b: {  	_ =	swait.ge [sflag:s31], $0x80  }
0x21c: {  	s25 =	sld [smem:$0x7ED];
	_ =	sdelay $0x1  }
0x21d: {  	[sflag:s31] =	ssyncset.done $0x0  }
0x21e: {  	s26 =	rddreg [dreg:$0xb];
	[sflag:s31] =	ssyncadd.s32 $0xFFFFFF80;
	s8 =	sshrl.u32 s25, $0x3  }
0x21f: {  	[hbm:s26], [sflag:s20] =	dma.local [spmem:s8], $0x200  }
0x220: {  	_ =	swait.ge [sflag:s31], $0x200  }
0x221: {  	s10 =	sld [smem:$0x7EE];
	_ =	sdelay $0x1  }
0x222: {  	[sflag:s31] =	ssyncset.done $0x0  }
0x223: {  	s19 =	rddreg [dreg:$0x16];
	[sflag:s31] =	ssyncadd.s32 $0xFFFFFE00;
	s8 =	sshrl.u32 s10, $0x3  }
0x224: {  	[hbm:s19], [sflag:s20] =	dma.local [spmem:s8], $0x80  }
0x225: {  	_ =	swait.ge [sflag:s31], $0x80  }
0x226: {  	s25 =	sld [smem:$0x7EF];
	_ =	sdelay $0x1  }
0x227: {  	[sflag:s31] =	ssyncset.done $0x0  }
0x228: {  	s26 =	rddreg [dreg:$0xc];
	[sflag:s31] =	ssyncadd.s32 $0xFFFFFF80;
	s8 =	sshrl.u32 s25, $0x3  }
0x229: {  	[hbm:s26], [sflag:s20] =	dma.local [spmem:s8], $0x200  }
0x22a: {  	_ =	swait.ge [sflag:s31], $0x200  }
0x22b: {  	s10 =	sld [smem:$0x7F0];
	_ =	sdelay $0x1  }
0x22c: {  	[sflag:s31] =	ssyncset.done $0x0  }
0x22d: {  	s19 =	rddreg [dreg:$0x17];
	[sflag:s31] =	ssyncadd.s32 $0xFFFFFE00;
	s8 =	sshrl.u32 s10, $0x3  }
0x22e: {  	[hbm:s19], [sflag:s20] =	dma.local [spmem:s8], $0x80  }
0x22f: {  	_ =	swait.ge [sflag:s31], $0x80  }
0x230: {  	s25 =	sld [smem:$0x7F1];
	_ =	sdelay $0x1  }
0x231: {  	[sflag:s31] =	ssyncset.done $0x0  }
0x232: {  	s26 =	rddreg [dreg:$0xd];
	[sflag:s31] =	ssyncadd.s32 $0xFFFFFF80;
	s8 =	sshrl.u32 s25, $0x3  }
0x233: {  	[hbm:s26], [sflag:s20] =	dma.local [spmem:s8], $0x200  }
0x234: {  	_ =	swait.ge [sflag:s31], $0x200  }
0x235: {  	s25 =	sld [smem:$0x7FC];
	_ =	sdelay $0x1  }
0x236: {  	[sflag:s31] =	ssyncset.done $0x0  }
0x237: {  	s26 =	rddreg [dreg:$0x18];
	[sflag:s31] =	ssyncadd.s32 $0xFFFFFE00;
	s19 =	sshrl.u32 s25, $0x3  }
0x238: {  	[hbm:s26], [sflag:s20] =	dma.local [spmem:s19], $0x80  }
0x239: {  	_ =	swait.ge [sflag:s31], $0x80  }
0x23a: {  	s19 =	sld [smem:$0x7F2];
	_ =	sdelay $0x1  }
0x23b: {  	[sflag:s31] =	ssyncset.done $0x0  }
0x23c: {  	s26 =	rddreg [dreg:$0xe];
	[sflag:s31] =	ssyncadd.s32 $0xFFFFFF80;
	s8 =	sshrl.u32 s19, $0x3  }
0x23d: {  	[hbm:s26], [sflag:s20] =	dma.local [spmem:s8], $0x200  }
0x23e: {  	_ =	swait.ge [sflag:s31], $0x200  }
0x23f: {  	s19 =	sld [smem:$0x7F3];
	_ =	sdelay $0x1  }
0x240: {  	[sflag:s31] =	ssyncset.done $0x0  }
0x241: {  	s26 =	rddreg [dreg:$0x19];
	[sflag:s31] =	ssyncadd.s32 $0xFFFFFE00;
	s8 =	sshrl.u32 s19, $0x3  }
0x242: {  	[hbm:s26], [sflag:s20] =	dma.local [spmem:s8], $0x80  }
0x243: {  	_ =	swait.ge [sflag:s31], $0x80  }
0x244: {  	s19 =	sld [smem:$0x7F4];
	_ =	sdelay $0x1  }
0x245: {  	[sflag:s31] =	ssyncset.done $0x0  }
0x246: {  	s26 =	rddreg [dreg:$0xf];
	[sflag:s31] =	ssyncadd.s32 $0xFFFFFF80;
	s8 =	sshrl.u32 s19, $0x3  }
0x247: {  	[hbm:s26], [sflag:s20] =	dma.local [spmem:s8], $0x200  }
0x248: {  	_ =	swait.ge [sflag:s31], $0x200  }
0x249: {  	s26 =	sld [smem:$0x7FD];
	_ =	sdelay $0x1  }
0x24a: {  	[sflag:s31] =	ssyncset.done $0x0  }
0x24b: {  	s19 =	rddreg [dreg:$0x1a];
	[sflag:s31] =	ssyncadd.s32 $0xFFFFFE00;
	s10 =	sshrl.u32 s26, $0x3  }
0x24c: {  	[hbm:s19], [sflag:s20] =	dma.local [spmem:s10], $0x80  }
0x24d: {  	_ =	swait.ge [sflag:s31], $0x80  }
0x24e: {  	s20 =	sld [smem:$0x7F9]  }
0x24f: {  	s19 =	rddreg [dreg:$0x10]  }
0x250: {  	s8 =	sadd.s32 $0x1, s19  }
0x251: {  	p0 =	sne.s32 s8, s20  }
.Ltmp6:
0x252: {  	_ = 	snop;
	(pc) =	sbr.rel @p0 .LBB2_1-.Ltmp6, $3  }
0x253: {  	_ =	sdelay $0x1  }
0x254: {  	[sflag:s31] =	ssyncset.done $0x0  }
0x255: {  	[sflag:s31] =	ssyncadd.s32 $0xFFFFFF80;
	[dreg:$0x10] =	wrdreg s8  }
0x256: {  	_ =	sfence.sel $0x180000  }
0x257: {  	[bflag:$0x0] =	sbarrier.arrive $0xFFFF  }
0x258: {  	_ =	strace $0x9000004A  }
0x259: {  	s0 =	stileid.u32;
	[bflag:$0x2] =	sbarrier.arrive $0xFFFF  }
0x25a: {  	p0 =	sne.s32 s0, $0x0;
	s0 =	rddreg [dreg:$0x5]  }
0x25b: {  	s0 =	sadd.s32 @!p0 $0x100000, s0  }
0x25c: {  	[sflag:s0] =	ssyncadd.tile.s32 @!p0 $0x1;
	_ =	shalt  }
.Lfunc_end2:
_tile_overlayer_lowered:
.L_overlay_start_2:
0x25d: {  	(tag) =	ssettag $0x2  }
0x25e: {  	s0 =	rddreg [dreg:$0x0];
	s2 =	stileid.u32  }
0x25f: {  	s1 =	rddreg [dreg:$0x1];
	p0 =	sne.s32 s2, $0x0  }
0x260: {  	s3 =	rddreg [dreg:$0x2];
	[bflag:$0x3] =	sbarrier.arrive $0xFFFF;
	s2 =	simm.s32 @!p0 $0x1C09  }
0x261: {  	[timem:s3], [sflag:s2] =	dma.local @!p0 [hbm:s0], s1  }
0x262: {  	s0 =	simm.s32 @!p0 $0x9  }
0x263: {  	_ =	swait.ge @!p0 [sflag:s0], s1  }
0x264: {  	s1 =	ssub.s32 @!p0 $0x0, s1;
	[sflag:s0] =	ssyncset.done @!p0 $0x0  }
0x265: {  	[sflag:s0] =	ssyncadd.s32 @!p0 s1  }
0x266: {  	[bflag:$0x3] =	sbarrier.arrive $0xFFFF  }
0x267: {  	_ =	shalt  }

// kernel: kernel.7.cloned.1.call-start
scs
__scs_entry_jumppad:
0x0: {  	(pc) =	sbr.rel $0x88, $3  }
0x1: {  	(tag) =	ssettag $0x0;
	lr =	simm.s32 $0x1  }
0x2: {  	[smem:$0x3F93] =	sst lr;
	_ =	strace $0xD0000000  }
0x3: {  	_ = 	snop  }
0x4: {  	_ = 	snop  }
0x5: {  	_ = 	snop  }
0x6: {  	_ = 	snop  }
0x7: {  	_ = 	snop  }
__scs_overlays_trampoline_lowered:
0x8: {  	[smem:$0x3FA2] =	sst s0  }
0x9: {  	[smem:$0x3FA3] =	sst s1  }
0xa: {  	[smem:$0x3FA4] =	sst s2  }
0xb: {  	[smem:$0x3FA5] =	sst s3  }
0xc: {  	[smem:$0x3FA6] =	sst s4  }
0xd: {  	[smem:$0x3FA7] =	sst s5  }
0xe: {  	[smem:$0x3FA8] =	sst s6  }
0xf: {  	[smem:$0x3FA9] =	sst s7  }
0x10: {  	[smem:$0x3FAA] =	sst s8  }
0x11: {  	[smem:$0x3FAB] =	sst s9;
	s0 =	simm.s32 @!p0 $0x0  }
0x12: {  	s1 =	sld [smem:$0x3F91];
	s0 =	simm.s32 @p0 $0x1  }
0x13: {  	[smem:$0x3FAC] =	sst s0;
	s0 =	simm.s32 @!p1 $0x0  }
0x14: {  	s2 =	sld [smem:$0x3F90];
	s0 =	simm.s32 @p1 $0x1  }
0x15: {  	[smem:$0x3FAD] =	sst s0;
	s0 =	simm.s32 @!p2 $0x0  }
0x16: {  	s3 =	sld [smem:$0x3FDB];
	s0 =	simm.s32 @p2 $0x1  }
0x17: {  	s4 =	simm.s32 $0x1BF5;
	[smem:$0x3FAF] =	sst s0  }
0x18: {  	s0 =	sld [smem:$0x3F92];
	_ =	swait.ge [sflag:s4], $0x0  }
0x19: {  	s7 =	sld [smem:$0x3F93]  }
0x1a: {  	s8 =	sadd.s32 $0xFFFFE003, lr  }
0x1b: {  	s9 =	sadd.s32 $0xFFFFFEF7, lr;
	s5 =	simm.s32 $0xFFFFFFFF;
	p2 =	slt.u32 s8, $0xFFFFF086  }
0x1c: {  	p1 =	slt.u32 s9, $0xF7A;
	s5 =	simm.s32 @!p2 $0x0  }
0x1d: {  	s5 =	simm.s32 @p1 $0x1;
	p0 =	seq.s32 s7, s2  }
0x1e: {  	s7 =	smul.u32 @!p0 $0xF7A, s2;
	p2 =	seq.s32 @!p0 s5, $0x0  }
0x1f: {  	s9 =	smul.u32 $0xF7A, s1;
	s8 =	simm.s32 @!p0 $0x1BF5;
	p2 =	por !p2, p0  }
0x20: {  	[sflag:s8] =	ssyncset.s32 @!p0 $0xFFFFF086;
	s6 =	sadd.s32 @!p0 s3, s7;
	s7 =	simm.s32 @!p0 $0x108  }
0x21: {  	s3 =	sadd.s32 s3, s9;
	s6 =	sadd.s32 @!p0 $0x88, s6;
	s7 =	simm.s32 @p2 $0x1082  }
0x22: {  	[simem:s7], [sflag:s8] =	dma.local @!p0 [hbm:s6], $0xF7A  }
0x23: {  	s9 =	sor.u32 $0xD0000000, s2;
	s6 =	simm.s32 $0x108;
	_ =	swait.ge @!p0 [sflag:s8], $0x0  }
0x24: {  	s3 =	sadd.s32 $0x88, s3;
	s6 =	simm.s32 @!p1 $0x1082;
	[sflag:s4] =	ssyncset.s32 $0xFFFFF086  }
0x25: {  	[simem:s6], [sflag:s4] =	dma.local [hbm:s3], $0xF7A  }
0x26: {  	[smem:$0x3F93] =	sst s1;
	(tag) =	ssettag s2;
	_ =	strace s9  }
0x27: {  	s1 =	sld [smem:$0x3FA3]  }
0x28: {  	s2 =	sld [smem:$0x3FA4]  }
0x29: {  	s4 =	sld [smem:$0x3FA6]  }
0x2a: {  	p0 =	seq.s32 s5, $0x0;
	s5 =	sld [smem:$0x3FA7]  }
0x2b: {  	s6 =	sld [smem:$0x3FA8]  }
0x2c: {  	s7 =	sld [smem:$0x3FA9]  }
0x2d: {  	s3 =	simm.s32 $0x108;
	s8 =	sld [smem:$0x3FAA]  }
0x2e: {  	s3 =	simm.s32 @!p0 $0x1082;
	s9 =	sld [smem:$0x3FAB]  }
0x2f: {  	lr =	sadd.s32 s0, s3;
	s0 =	sld [smem:$0x3FA2]  }
0x30: {  	s3 =	sld [smem:$0x3FA5]  }
0x31: {  	[smem:$0x3FAE] =	sst s10  }
0x32: {  	s10 =	sld [smem:$0x3FAC];
	_ =	sdelay $0x3  }
0x33: {  	p0 =	seq.s32 s10, $0x1;
	s10 =	sld [smem:$0x3FAE];
	_ =	sdelay $0x3  }
0x34: {  	[smem:$0x3FAE] =	sst s10  }
0x35: {  	s10 =	sld [smem:$0x3FAD];
	_ =	sdelay $0x3  }
0x36: {  	p1 =	seq.s32 s10, $0x1;
	s10 =	sld [smem:$0x3FAE];
	_ =	sdelay $0x3  }
0x37: {  	[smem:$0x3FAE] =	sst s10  }
0x38: {  	s10 =	sld [smem:$0x3FAF]  }
0x39: {  	_ = 	snop;
	(pc) =	sbr.ind lr, $3  }
0x3a: {  	_ = 	snop  }
0x3b: {  	_ = 	snop  }
0x3c: {  	p2 =	seq.s32 s10, $0x1;
	s10 =	sld [smem:$0x3FAE]  }
0x3d: {  	_ =	shalt  }
0x3e: {  	_ =	shalt  }
0x3f: {  	_ =	shalt  }
0x40: {  	_ =	shalt  }
0x41: {  	_ =	shalt  }
0x42: {  	_ =	shalt  }
0x43: {  	_ =	shalt  }
0x44: {  	_ =	shalt  }
0x45: {  	_ =	shalt  }
0x46: {  	_ =	shalt  }
0x47: {  	_ =	shalt  }
0x48: {  	_ =	shalt  }
0x49: {  	_ =	shalt  }
0x4a: {  	_ =	shalt  }
0x4b: {  	_ =	shalt  }
0x4c: {  	_ =	shalt  }
0x4d: {  	_ =	shalt  }
0x4e: {  	_ =	shalt  }
0x4f: {  	_ =	shalt  }
0x50: {  	_ =	shalt  }
0x51: {  	_ =	shalt  }
0x52: {  	_ =	shalt  }
0x53: {  	_ =	shalt  }
0x54: {  	_ =	shalt  }
0x55: {  	_ =	shalt  }
0x56: {  	_ =	shalt  }
0x57: {  	_ =	shalt  }
0x58: {  	_ =	shalt  }
0x59: {  	_ =	shalt  }
0x5a: {  	_ =	shalt  }
0x5b: {  	_ =	shalt  }
0x5c: {  	_ =	shalt  }
0x5d: {  	_ =	shalt  }
0x5e: {  	_ =	shalt  }
0x5f: {  	_ =	shalt  }
0x60: {  	_ =	shalt  }
0x61: {  	_ =	shalt  }
0x62: {  	_ =	shalt  }
0x63: {  	_ =	shalt  }
0x64: {  	_ =	shalt  }
0x65: {  	_ =	shalt  }
0x66: {  	_ =	shalt  }
0x67: {  	_ =	shalt  }
0x68: {  	_ =	shalt  }
0x69: {  	_ =	shalt  }
0x6a: {  	_ =	shalt  }
0x6b: {  	_ =	shalt  }
0x6c: {  	_ =	shalt  }
0x6d: {  	_ =	shalt  }
0x6e: {  	_ =	shalt  }
0x6f: {  	_ =	shalt  }
0x70: {  	_ =	shalt  }
0x71: {  	_ =	shalt  }
0x72: {  	_ =	shalt  }
0x73: {  	_ =	shalt  }
0x74: {  	_ =	shalt  }
0x75: {  	_ =	shalt  }
0x76: {  	_ =	shalt  }
0x77: {  	_ =	shalt  }
0x78: {  	_ =	shalt  }
0x79: {  	_ =	shalt  }
0x7a: {  	_ =	shalt  }
0x7b: {  	_ =	shalt  }
0x7c: {  	_ =	shalt  }
0x7d: {  	_ =	shalt  }
0x7e: {  	_ =	shalt  }
0x7f: {  	_ =	shalt  }
0x80: {  	_ =	shalt  }
0x81: {  	_ =	shalt  }
0x82: {  	_ =	shalt  }
0x83: {  	_ =	shalt  }
0x84: {  	_ =	shalt  }
0x85: {  	_ =	shalt  }
0x86: {  	_ =	shalt  }
0x87: {  	_ =	shalt  }
.Lfunc_end0:
.L_simem_size_0:
called_computation_lowered:
.L_overlay_start_0:
0x88: {  	s2 =	sld [smem:$0x3FD9]  }
0x89: {  	s3 =	sld [smem:$0x3FFE];
	_ =	sdelay $0x1  }
0x8a: {  	s1 =	srdreg.scid  }
0x8b: {  	s0 =	sand.u32 $0x1, s1  }
0x8c: {  	s14 =	sshll.u32 s0, $0xA;
	s2 =	sadd.s32 s3, s2  }
0x8d: {  	s2 =	sadd.s32 s2, s14  }
0x8e: {  	[smem:$0x3FBA] =	sst s2  }
0x8f: {  	_ = 	snop  }
0x90: {  	s2 =	sld [smem:$0x3FD0];
	_ =	sdelay $0x2  }
0x91: {  	s15 =	simm.s32 $0xA;
	s4 =	simm.s32 $0x10  }
0x92: {  	[smem:s4], [sflag:s15] =	dma.local [hbm:s2], $0x1  }
0x93: {  	_ =	swait.eq [sflag:s15], $0x1  }
0x94: {  	[sflag:s15] =	ssyncset.done $0x0  }
0x95: {  	s16 =	sld [smem:$0x10];
	[sflag:s15] =	ssyncadd.s32 $0xFFFFFFFF  }
0x96: {  	s17 =	sld [smem:$0x11];
	(tm) =	ssettm $0x1  }
0x97: {  	s18 =	sld [smem:$0x3FFB];
	_ =	sdelay $0x3  }
0x98: {  	_ =	strace s18  }
0x99: {  	s4 =	sld [smem:$0x3FFC];
	_ =	sdelay $0x3  }
0x9a: {  	_ =	strace s4  }
0x9b: {  	s4 =	sld [smem:$0x3FFD];
	_ =	sdelay $0x3  }
0x9c: {  	_ =	strace s4  }
0x9d: {  	_ =	strace $0x8FFFFFFF  }
0x9e: {  	s19 =	sld [smem:$0x3FDB];
	_ =	sdelay $0x1  }
0x9f: {  	s5 =	simm.s32 $_scs_section_size  }
0xa0: {  	s6 =	simm.s32 $_size__tile_overlayer_lowered;
	s7 =	simm.s32 $_tile_overlayer_lowered  }
0xa1: {  	s22 =	simm.s32 $0x1BFF;
	s21 =	sshll.u32 s7, $0x1;
	s4 =	sadd.s32 s5, s19  }
0xa2: {  	s8 =	simm.s32 $0x0;
	s20 =	sshll.u32 s6, $0x1;
	s6 =	sadd.s32 s21, s4  }
0xa3: {  	[timem:s8], [sflag:s22] =	dma.local [hbm:s6], s20  }
0xa4: {  	_ =	swait.ge [sflag:s22], s20  }
0xa5: {  	s5 =	ssub.s32 $0x0, s20;
	[sflag:s22] =	ssyncset.done $0x0  }
0xa6: {  	[sflag:s22] =	ssyncadd.s32 s5;
	_ =	sdelay $0x1  }
0xa7: {  	s23 =	simm.s32 $0x1B8B  }
0xa8: {  	_ =	swait.ge [sflag:s23], $0x1  }
0xa9: {  	[sflag:s23] =	ssyncset.done $0x0  }
0xaa: {  	s25 =	simm.s32 $0x1B8E;
	s24 =	sld [smem:$0x3FFE];
	[sflag:s23] =	ssyncadd.s32 $0xFFFFFFFF  }
0xab: {  	s26 =	simm.s32 $execute0_lowered;
	[smem:$0x3FD2] =	sst s25  }
0xac: {  	s6 =	sshll.u32 s26, $0x1;
	_ =	strace $0x80000046;
	[dreg:$0x1] =	wrdreg $0xFFFFFFFF  }
0xad: {  	s28 =	simm.s32 $_size_execute0_lowered;
	s4 =	sadd.s32 s4, s6;
	[dreg:$0x0] =	wrdreg $0x0  }
0xae: {  	s6 =	sshll.u32 s28, $0x1;
	[dreg:$0x2] =	wrdreg s4  }
0xaf: {  	[dreg:$0x3] =	wrdreg s6  }
0xb0: {  	[dreg:$0x4] =	wrdreg $0xC0  }
0xb1: {  	_ =	task [dreg:s8], $0x5FFFF  }
0xb2: {  	[dreg:$0x1] =	wrdreg $0xFFFFFFFF  }
0xb3: {  	[dreg:$0x0] =	wrdreg $0x60  }
0xb4: {  	[dreg:$0x2] =	wrdreg s24  }
0xb5: {  	[dreg:$0x3] =	wrdreg s17  }
0xb6: {  	[dreg:$0x4] =	wrdreg s16  }
0xb7: {  	[dreg:$0x5] =	wrdreg $0x7E000  }
0xb8: {  	[dreg:$0x6] =	wrdreg $0x1BE000  }
0xb9: {  	[dreg:$0x7] =	wrdreg $0x9  }
0xba: {  	_ =	task.clear_ibuf [dreg:s8], $0x8FFFF;
	_ =	strace $0x90000046  }
0xbb: {  	s29 =	simm.s32 $0x9;
	_ =	strace $0x80000048  }
0xbc: {  	_ =	swait.ge [sflag:s29], $0x1  }
0xbd: {  	[sflag:s29] =	ssyncadd.s32 $0xFFFFFFFF  }
0xbe: {  	_ =	strace $0x90000048  }
0xbf: {  	_ =	sfence  }
0xc0: {  	s30 =	sld [smem:$0x0];
	_ =	sdelay $0x2  }
0xc1: {  	s31 =	sshll.u32 s1, $0xD;
	s1 =	sshrl.u32 s1, $0x2  }
0xc2: {  	s3 =	sand.u32 $0x4000, s31;
	s1 =	sadd.s32 s1, s30  }
0xc3: {  	s0 =	sor.u32 s3, s0;
	s1 =	sshll.u32 s1, $0x11  }
0xc4: {  	s0 =	sor.u32 s1, s0  }
0xc5: {  	s0 =	sadd.s32 $0x8F2B, s0  }
0xc6: {  	[sflag:s0] =	ssyncadd.remote.s32 $0x1  }
0xc7: {  	_ =	sfence.sel $0xFFFF  }
0xc8: {  	[dreg:$0x0] =	wrdreg $0xFFFFFFFF;
	(pc) =	sbr.abs _section_cstart, $3  }
0xc9: {  	[dreg:$0x1] =	wrdreg $0xFFFFFFFF  }
0xca: {  	_ =	task.clear_ibuf [dreg:s8], $0x2FFFF;
	_ =	strace $0x9FFFFFFF  }
0xcb: {  	(tm) =	ssettm $0x7FFFFFFF  }
tec
execute0_lowered:
.L_overlay_start_1:
0x0: {  	(tag) =	ssettag $0x1  }
0x1: {  	s0 =	srdreg.scid  }
0x2: {  	s31 =	stileid.u32;
	s2 =	rddreg [dreg:$0x0];
	s1 =	sand.u32 $0x1, s0  }
0x3: {  	s10 =	smul.u32 $0x280, s31;
	s13 =	sadd.s32 $0x3F400, s2;
	s0 =	ssub.s32 $0x2, s1  }
0x4: {  	s28 =	sadd.s32 $0x8F400, s2;
	s18 =	smul.u32 $0x140000, s1;
	s3 =	sshrl.u32 s0, $0x1  }
0x5: {  	s14 =	sor.u32 $0x40, s10;
	s15 =	sadd.s32 $0x80, s10;
	s16 =	sadd.s32 $0xC0, s10  }
0x6: {  	s17 =	sadd.s32 $0x100, s10;
	s19 =	sadd.s32 $0x140, s10;
	s20 =	sadd.s32 $0x180, s10  }
0x7: {  	s21 =	sadd.s32 $0x1C0, s10;
	s22 =	sadd.s32 $0x200, s10;
	s23 =	sadd.s32 $0x240, s10  }
0x8: {  	s0 =	ssub.s32 s0, s3;
	s3 =	smul.u32 $0x14000, s31;
	s6 =	sshll.u32 s14, $0x7  }
0x9: {  	s4 =	sshll.u32 s15, $0x7;
	s5 =	sshll.u32 s16, $0x7;
	s7 =	sshll.u32 s17, $0x7  }
0xa: {  	s9 =	sshll.u32 s19, $0x7;
	s8 =	sshll.u32 s20, $0x7;
	s15 =	sshll.u32 s15, $0x4  }
0xb: {  	s16 =	sshll.u32 s16, $0x4;
	s17 =	sshll.u32 s17, $0x4;
	s19 =	sshll.u32 s19, $0x4  }
0xc: {  	s12 =	sadd.s32 s18, s6;
	s24 =	sadd.s32 s18, s4;
	s11 =	sadd.s32 s3, s18  }
0xd: {  	s10 =	sshrl.u32 s12, $0x3;
	s12 =	sadd.s32 s18, s5;
	s25 =	sshrl.u32 s24, $0x3  }
0xe: {  	s24 =	sadd.s32 s18, s7;
	s11 =	sshrl.u32 s11, $0x3;
	s10 =	sadd.s32 s13, s10  }
0xf: {  	s26 =	sshrl.u32 s12, $0x3;
	s11 =	sadd.s32 s13, s11;
	[dreg:$0x7] =	wrdreg s10  }
0x10: {  	s10 =	sadd.s32 s13, s25;
	s12 =	sadd.s32 s13, s26;
	[dreg:$0x6] =	wrdreg s11  }
0x11: {  	s25 =	sadd.s32 s18, s9;
	s26 =	sadd.s32 s18, s8;
	[dreg:$0x8] =	wrdreg s10  }
0x12: {  	[dreg:$0x9] =	wrdreg s12;
	s10 =	sshrl.u32 s24, $0x3;
	s11 =	sshrl.u32 s25, $0x3  }
0x13: {  	s24 =	sshrl.u32 s26, $0x3;
	s12 =	sshll.u32 s21, $0x7;
	s10 =	sadd.s32 s13, s10  }
0x14: {  	s25 =	sadd.s32 s13, s24;
	s24 =	sadd.s32 s18, s12;
	[dreg:$0xa] =	wrdreg s10  }
0x15: {  	s10 =	sadd.s32 s13, s11;
	[dreg:$0xc] =	wrdreg s25;
	s11 =	sshll.u32 s22, $0x7  }
0x16: {  	s24 =	sshrl.u32 s24, $0x3;
	s22 =	sshll.u32 s22, $0x4;
	[dreg:$0xb] =	wrdreg s10  }
0x17: {  	s10 =	sshll.u32 s23, $0x7;
	s25 =	sadd.s32 s18, s11;
	s24 =	sadd.s32 s13, s24  }
0x18: {  	s18 =	sadd.s32 s18, s10;
	[dreg:$0xd] =	wrdreg s24;
	s26 =	sshrl.u32 s25, $0x3  }
0x19: {  	s25 =	simm.s32 $0x0;
	s18 =	sshrl.u32 s18, $0x3;
	s24 =	sadd.s32 s13, s26  }
0x1a: {  	[dreg:$0xe] =	wrdreg s24;
	s13 =	sadd.s32 s13, s18;
	s24 =	smul.u32 $0x28000, s1  }
0x1b: {  	[dreg:$0xf] =	wrdreg s13;
	s13 =	sshll.u32 s14, $0x4;
	s14 =	smul.u32 $0x2800, s31  }
0x1c: {  	s26 =	simm.s32 $0x0;
	[smem:$0x7FF] =	sst s25;
	s25 =	sshll.u32 s21, $0x4  }
0x1d: {  	[dreg:$0x10] =	wrdreg s26;
	s26 =	sshll.u32 s23, $0x4;
	s21 =	sadd.s32 s14, s24  }
0x1e: {  	s23 =	sadd.s32 s24, s13;
	s29 =	sadd.s32 s24, s22;
	s18 =	sshrl.u32 s21, $0x3  }
0x1f: {  	s29 =	sshrl.u32 s29, $0x3;
	s21 =	sshrl.u32 s23, $0x3;
	s18 =	sadd.s32 s28, s18  }
0x20: {  	s23 =	sadd.s32 s24, s15;
	s21 =	sadd.s32 s28, s21;
	[dreg:$0x11] =	wrdreg s18  }
0x21: {  	s29 =	sadd.s32 s28, s29;
	s23 =	sshrl.u32 s23, $0x3;
	[dreg:$0x12] =	wrdreg s21  }
0x22: {  	s18 =	sadd.s32 s28, s23;
	s21 =	sadd.s32 s24, s16;
	s23 =	sadd.s32 s24, s17  }
0x23: {  	[dreg:$0x13] =	wrdreg s18;
	s18 =	sshrl.u32 s21, $0x3;
	s21 =	sshrl.u32 s23, $0x3  }
0x24: {  	[dreg:$0x19] =	wrdreg s29;
	s23 =	sadd.s32 s24, s19;
	s21 =	sadd.s32 s28, s21  }
0x25: {  	s18 =	sadd.s32 s28, s18;
	[dreg:$0x15] =	wrdreg s21;
	s21 =	sshrl.u32 s23, $0x3  }
0x26: {  	s20 =	sshll.u32 s20, $0x4;
	[dreg:$0x14] =	wrdreg s18;
	s18 =	sadd.s32 s28, s21  }
0x27: {  	s23 =	sadd.s32 s24, s20;
	s21 =	sadd.s32 s24, s25;
	[dreg:$0x16] =	wrdreg s18  }
0x28: {  	s23 =	sshrl.u32 s23, $0x3;
	s24 =	sadd.s32 s24, s26;
	s18 =	rddreg [dreg:$0x1]  }
0x29: {  	s23 =	sadd.s32 s28, s23;
	s30 =	sshrl.u32 s24, $0x3;
	s24 =	rddreg [dreg:$0x4]  }
0x2a: {  	s21 =	sshrl.u32 s21, $0x3;
	[dreg:$0x17] =	wrdreg s23  }
0x2b: {  	s21 =	sadd.s32 s28, s21;
	s23 =	rddreg [dreg:$0x3]  }
0x2c: {  	[dreg:$0x18] =	wrdreg s21  }
0x2d: {  	s28 =	sadd.s32 s28, s30;
	s21 =	rddreg [dreg:$0x2]  }
0x2e: {  	[dreg:$0x1a] =	wrdreg s28;
	s3 =	sadd.s32 s3, s23  }
0x2f: {  	s14 =	sadd.s32 s14, s24;
	_ =	strace $0x80000047;
	[dreg:$0x1b] =	wrdreg s3  }
0x30: {  	s8 =	sadd.s32 s8, s23;
	[dreg:$0x1c] =	wrdreg s14  }
0x31: {  	s12 =	sadd.s32 s12, s23;
	[smem:$0x7EF] =	sst s8  }
0x32: {  	s0 =	smax.u32 s0, $0x1;
	[smem:$0x7F1] =	sst s12  }
0x33: {  	s25 =	sadd.s32 s25, s24;
	[smem:$0x7F9] =	sst s0  }
0x34: {  	s26 =	sadd.s32 s26, s24;
	[smem:$0x7FC] =	sst s25  }
0x35: {  	s1 =	sshll.u32 s1, $0x4;
	s3 =	sadd.s32 s6, s23;
	[smem:$0x7FD] =	sst s26  }
0x36: {  	s1 =	sor.u32 s31, s1;
	s6 =	sadd.s32 s13, s24;
	[dreg:$0x1d] =	wrdreg s3  }
0x37: {  	s31 =	simm.s32 $0x9;
	s13 =	sadd.s32 s4, s23;
	[dreg:$0x1e] =	wrdreg s6  }
0x38: {  	s29 =	sadd.s32 $0x2400, s2;
	s14 =	sadd.s32 s15, s24;
	[dreg:$0x1f] =	wrdreg s13  }
0x39: {  	s30 =	simm.s32 $0x140;
	s15 =	sadd.s32 s5, s23;
	[smem:$0x7E8] =	sst s14  }
0x3a: {  	s28 =	sadd.s32 $0x17400, s2;
	s4 =	sadd.s32 s7, s23;
	[smem:$0x7E9] =	sst s15  }
0x3b: {  	s5 =	sadd.s32 s17, s24;
	s7 =	sadd.s32 s19, s24;
	[smem:$0x7EB] =	sst s4  }
0x3c: {  	s0 =	simm.s32 $0x80;
	s12 =	simm.s32 $0x3200;
	[smem:$0x7EC] =	sst s5  }
0x3d: {  	s3 =	sadd.s32 s16, s24;
	s6 =	sadd.s32 s9, s23;
	[smem:$0x7EE] =	sst s7  }
0x3e: {  	s9 =	sadd.s32 s20, s24;
	s13 =	smul.u32 $0xA8, s1;
	[smem:$0x7EA] =	sst s3  }
0x3f: {  	s14 =	sadd.s32 s11, s23;
	s1 =	smul.u32 $0xA80, s1;
	[smem:$0x7ED] =	sst s6  }
0x40: {  	s15 =	sadd.s32 s22, s24;
	s16 =	sadd.s32 s10, s23;
	[smem:$0x7F0] =	sst s9  }
0x41: {  	s4 =	simm.s32 $0x1200;
	s5 =	simm.s32 $0x1;
	[smem:$0x7F2] =	sst s14  }
0x42: {  	s7 =	simm.s32 $0x6;
	s11 =	simm.s32 $0x4;
	[smem:$0x7F3] =	sst s15  }
0x43: {  	[smem:$0x7F4] =	sst s16;
	s6 =	simm.s32 $0x100;
	s17 =	sor.u32 $0x2, s13  }
0x44: {  	s9 =	simm.s32 $0xC0;
	s19 =	sor.u32 $0x3, s13;
	[smem:$0x7F5] =	sst s17  }
0x45: {  	s14 =	simm.s32 $0x2;
	s20 =	sor.u32 $0x4, s13;
	[smem:$0x7F6] =	sst s19  }
0x46: {  	s15 =	simm.s32 $0x3;
	s2 =	sor.u32 $0x5, s13;
	[smem:$0x7F7] =	sst s20  }
0x47: {  	s16 =	simm.s32 $0x180;
	s1 =	sadd.s32 s29, s1;
	[smem:$0x7F8] =	sst s2  }
0x48: {  	s3 =	simm.s32 $0x1C0;
	s13 =	simm.s32 $0x5200;
	[smem:$0x7FA] =	sst s1  }
0x49: {  	s22 =	sadd.s32 $0x10, s1;
	s1 =	simm.s32 $0x40;
	s17 =	simm.s32 $0x7  }
0x4a: {  	v0 =	vimm.f32 $0.0e+00;
	s2 =	simm.s32 $0x8;
	[smem:$0x7FB] =	sst s22;
	s22 =	simm.s32 $0x5600  }
.LBB2_1:
0x4b: {  	s8 =	simm.s32 $0x5A40  }
0x4c: {  	[tilespmem:s8+$0xFFFFFFD0] =	vst v0  }
0x4d: {  	[tilespmem:s8+$0xFFFFFFE0] =	vst v0  }
0x4e: {  	[tilespmem:s8+$0xFFFFFFF0] =	vst v0  }
0x4f: {  	[tilespmem:s8+$0x0] =	vst v0  }
0x50: {  	[tilespmem:s8+$0x10] =	vst v0  }
0x51: {  	[tilespmem:s8+$0x20] =	vst v0  }
0x52: {  	[tilespmem:s8+$0x30] =	vst v0  }
0x53: {  	s20 =	simm.s32 $0x0;
	s19 =	simm.s32 $0x40;
	[tilespmem:s8+$0xFFFFFFC0] =	vst v0  }
.LBB2_2:
0x54: {  	p0 =	sne.s32 s19, $0xFC0;
	[tilespmem:s20+$0x7A00] =	vst v0;
	s8 =	sadd.s32 $0x80, s8  }
0x55: {  	[tilespmem:s8+$0xFFFFFFD0] =	vst v0  }
0x56: {  	[tilespmem:s8+$0xFFFFFFE0] =	vst v0  }
0x57: {  	[tilespmem:s8+$0xFFFFFFF0] =	vst v0  }
.Ltmp0:
0x58: {  	[tilespmem:s8+$0x0] =	vst v0;
	(pc) =	sbr.rel @p0 .LBB2_2-.Ltmp0, $4  }
0x59: {  	[tilespmem:s8+$0x10] =	vst v0  }
0x5a: {  	[tilespmem:s8+$0x20] =	vst v0  }
0x5b: {  	[tilespmem:s8+$0x30] =	vst v0  }
0x5c: {  	s20 =	sshra.s32 s19, $0x2;
	s19 =	sadd.s32 $0x40, s19;
	[tilespmem:s8+$0xFFFFFFC0] =	vst v0  }
0x5d: {  	[tilespmem:s20+$0x7A00] =	vst v0;
	s8 =	rddreg [dreg:$0x1b];
	s10 =	simm.s32 $0x5A00  }
0x5e: {  	[spmem:s8] =	stream.linear.scatter [tilespmem:s10], [sflag:$0x9], $0x2000, $0x38;
	[tilespmem:$0x1E600] =	vst v63  }
0x5f: {  	_ =	swait.ge [sflag:s31], $0x2000  }
0x60: {  	[sflag:s31] =	ssyncset.done $0x0  }
0x61: {  	s19 =	simm.s32 $0x7A00;
	s20 =	rddreg [dreg:$0x1c];
	[sflag:s31] =	ssyncadd.s32 $0xFFFFE000  }
0x62: {  	[spmem:s20] =	stream.linear.scatter [tilespmem:s19], [sflag:$0x9], $0x400, $0x38;
	[tilespmem:$0x1E600] =	vst v63  }
0x63: {  	_ =	swait.ge [sflag:s31], $0x400  }
0x64: {  	[sflag:s31] =	ssyncset.done $0x0  }
0x65: {  	s20 =	rddreg [dreg:$0x1d];
	[sflag:s31] =	ssyncadd.s32 $0xFFFFFC00  }
0x66: {  	[spmem:s20] =	stream.linear.scatter [tilespmem:s10], [sflag:$0x9], $0x2000, $0x38;
	[tilespmem:$0x1E600] =	vst v63  }
0x67: {  	_ =	swait.ge [sflag:s31], $0x2000  }
0x68: {  	[sflag:s31] =	ssyncset.done $0x0  }
0x69: {  	s20 =	rddreg [dreg:$0x1e];
	[sflag:s31] =	ssyncadd.s32 $0xFFFFE000  }
0x6a: {  	[spmem:s20] =	stream.linear.scatter [tilespmem:s19], [sflag:$0x9], $0x400, $0x38;
	[tilespmem:$0x1E600] =	vst v63  }
0x6b: {  	_ =	swait.ge [sflag:s31], $0x400  }
0x6c: {  	[sflag:s31] =	ssyncset.done $0x0  }
0x6d: {  	s20 =	rddreg [dreg:$0x1f];
	[sflag:s31] =	ssyncadd.s32 $0xFFFFFC00  }
0x6e: {  	[spmem:s20] =	stream.linear.scatter [tilespmem:s10], [sflag:$0x9], $0x2000, $0x38;
	[tilespmem:$0x1E600] =	vst v63  }
0x6f: {  	_ =	swait.ge [sflag:s31], $0x2000  }
0x70: {  	s20 =	sld [smem:$0x7E8]  }
0x71: {  	[sflag:s31] =	ssyncset.done $0x0  }
0x72: {  	[sflag:s31] =	ssyncadd.s32 $0xFFFFE000  }
0x73: {  	[spmem:s20] =	stream.linear.scatter [tilespmem:s19], [sflag:$0x9], $0x400, $0x38;
	[tilespmem:$0x1E600] =	vst v63  }
0x74: {  	_ =	swait.ge [sflag:s31], $0x400  }
0x75: {  	s20 =	sld [smem:$0x7E9]  }
0x76: {  	[sflag:s31] =	ssyncset.done $0x0  }
0x77: {  	[sflag:s31] =	ssyncadd.s32 $0xFFFFFC00  }
0x78: {  	[spmem:s20] =	stream.linear.scatter [tilespmem:s10], [sflag:$0x9], $0x2000, $0x38;
	[tilespmem:$0x1E600] =	vst v63  }
0x79: {  	_ =	swait.ge [sflag:s31], $0x2000  }
0x7a: {  	s20 =	sld [smem:$0x7EA]  }
0x7b: {  	[sflag:s31] =	ssyncset.done $0x0  }
0x7c: {  	[sflag:s31] =	ssyncadd.s32 $0xFFFFE000  }
0x7d: {  	[spmem:s20] =	stream.linear.scatter [tilespmem:s19], [sflag:$0x9], $0x400, $0x38;
	[tilespmem:$0x1E600] =	vst v63  }
0x7e: {  	_ =	swait.ge [sflag:s31], $0x400  }
0x7f: {  	s20 =	sld [smem:$0x7EB]  }
0x80: {  	[sflag:s31] =	ssyncset.done $0x0  }
0x81: {  	[sflag:s31] =	ssyncadd.s32 $0xFFFFFC00  }
0x82: {  	[spmem:s20] =	stream.linear.scatter [tilespmem:s10], [sflag:$0x9], $0x2000, $0x38;
	[tilespmem:$0x1E600] =	vst v63  }
0x83: {  	_ =	swait.ge [sflag:s31], $0x2000  }
0x84: {  	s20 =	sld [smem:$0x7EC]  }
0x85: {  	[sflag:s31] =	ssyncset.done $0x0  }
0x86: {  	[sflag:s31] =	ssyncadd.s32 $0xFFFFE000  }
0x87: {  	[spmem:s20] =	stream.linear.scatter [tilespmem:s19], [sflag:$0x9], $0x400, $0x38;
	[tilespmem:$0x1E600] =	vst v63  }
0x88: {  	_ =	swait.ge [sflag:s31], $0x400  }
0x89: {  	s20 =	sld [smem:$0x7ED]  }
0x8a: {  	[sflag:s31] =	ssyncset.done $0x0  }
0x8b: {  	[sflag:s31] =	ssyncadd.s32 $0xFFFFFC00  }
0x8c: {  	[spmem:s20] =	stream.linear.scatter [tilespmem:s10], [sflag:$0x9], $0x2000, $0x38;
	[tilespmem:$0x1E600] =	vst v63  }
0x8d: {  	_ =	swait.ge [sflag:s31], $0x2000  }
0x8e: {  	s20 =	sld [smem:$0x7EE]  }
0x8f: {  	[sflag:s31] =	ssyncset.done $0x0  }
0x90: {  	[sflag:s31] =	ssyncadd.s32 $0xFFFFE000  }
0x91: {  	[spmem:s20] =	stream.linear.scatter [tilespmem:s19], [sflag:$0x9], $0x400, $0x38;
	[tilespmem:$0x1E600] =	vst v63  }
0x92: {  	_ =	swait.ge [sflag:s31], $0x400  }
0x93: {  	s20 =	sld [smem:$0x7EF]  }
0x94: {  	[sflag:s31] =	ssyncset.done $0x0  }
0x95: {  	[sflag:s31] =	ssyncadd.s32 $0xFFFFFC00  }
0x96: {  	[spmem:s20] =	stream.linear.scatter [tilespmem:s10], [sflag:$0x9], $0x2000, $0x38;
	[tilespmem:$0x1E600] =	vst v63  }
0x97: {  	_ =	swait.ge [sflag:s31], $0x2000  }
0x98: {  	s20 =	sld [smem:$0x7F0]  }
0x99: {  	[sflag:s31] =	ssyncset.done $0x0  }
0x9a: {  	[sflag:s31] =	ssyncadd.s32 $0xFFFFE000  }
0x9b: {  	[spmem:s20] =	stream.linear.scatter [tilespmem:s19], [sflag:$0x9], $0x400, $0x38;
	[tilespmem:$0x1E600] =	vst v63  }
0x9c: {  	_ =	swait.ge [sflag:s31], $0x400  }
0x9d: {  	s20 =	sld [smem:$0x7F1]  }
0x9e: {  	[sflag:s31] =	ssyncset.done $0x0  }
0x9f: {  	[sflag:s31] =	ssyncadd.s32 $0xFFFFFC00  }
0xa0: {  	[spmem:s20] =	stream.linear.scatter [tilespmem:s10], [sflag:$0x9], $0x2000, $0x38;
	[tilespmem:$0x1E600] =	vst v63  }
0xa1: {  	_ =	swait.ge [sflag:s31], $0x2000  }
0xa2: {  	[sflag:s31] =	ssyncset.done $0x0  }
0xa3: {  	[sflag:s31] =	ssyncadd.s32 $0xFFFFE000  }
0xa4: {  	[spmem:s25] =	stream.linear.scatter [tilespmem:s19], [sflag:$0x9], $0x400, $0x38;
	[tilespmem:$0x1E600] =	vst v63  }
0xa5: {  	_ =	swait.ge [sflag:s31], $0x400  }
0xa6: {  	s25 =	sld [smem:$0x7F2]  }
0xa7: {  	[sflag:s31] =	ssyncset.done $0x0  }
0xa8: {  	[sflag:s31] =	ssyncadd.s32 $0xFFFFFC00  }
0xa9: {  	[spmem:s25] =	stream.linear.scatter [tilespmem:s10], [sflag:$0x9], $0x2000, $0x38;
	[tilespmem:$0x1E600] =	vst v63  }
0xaa: {  	_ =	swait.ge [sflag:s31], $0x2000  }
0xab: {  	s20 =	sld [smem:$0x7F3]  }
0xac: {  	[sflag:s31] =	ssyncset.done $0x0  }
0xad: {  	[sflag:s31] =	ssyncadd.s32 $0xFFFFE000  }
0xae: {  	[spmem:s20] =	stream.linear.scatter [tilespmem:s19], [sflag:$0x9], $0x400, $0x38;
	[tilespmem:$0x1E600] =	vst v63  }
0xaf: {  	_ =	swait.ge [sflag:s31], $0x400  }
0xb0: {  	s25 =	sld [smem:$0x7F4]  }
0xb1: {  	[sflag:s31] =	ssyncset.done $0x0  }
0xb2: {  	[sflag:s31] =	ssyncadd.s32 $0xFFFFFC00  }
0xb3: {  	[spmem:s25] =	stream.linear.scatter [tilespmem:s10], [sflag:$0x9], $0x2000, $0x38;
	[tilespmem:$0x1E600] =	vst v63  }
0xb4: {  	_ =	swait.ge [sflag:s31], $0x2000  }
0xb5: {  	[sflag:s31] =	ssyncset.done $0x0  }
0xb6: {  	[sflag:s31] =	ssyncadd.s32 $0xFFFFE000  }
0xb7: {  	[spmem:s26] =	stream.linear.scatter [tilespmem:s19], [sflag:$0x9], $0x400, $0x38;
	[tilespmem:$0x1E600] =	vst v63  }
0xb8: {  	_ =	swait.ge [sflag:s31], $0x400  }
0xb9: {  	[sflag:s31] =	ssyncset.done $0x0  }
0xba: {  	[sflag:s31] =	ssyncadd.s32 $0xFFFFFC00  }
0xbb: {  	[bflag:$0x0] =	sbarrier.arrive $0xFFFF  }
0xbc: {  	s26 =	sld [smem:$0x7FA];
	_ =	sdelay $0x1  }
0xbd: {  	s10 =	simm.s32 $0x0;
	s19 =	sld [smem:$0x7FB]  }
0xbe: {  	[tilespmem:s10], [sflag:$0x5] =	stream.linear.gather [hbm4b:s26+s10], $0x80, $0x38;
	[tilespmem:$0x1E600] =	vst v63  }
0xbf: {  	s20 =	simm.s32 $0x5  }
0xc0: {  	[tilespmem:s0], [sflag:$0x6] =	stream.linear.gather [hbm4b:s19+s10], $0x80, $0x38;
	[tilespmem:$0x1E600] =	vst v63  }
0xc1: {  	_ =	swait.ge [sflag:s20], $0x80  }
0xc2: {  	[sflag:s20] =	ssyncset.done $0x0  }
0xc3: {  	s25 =	simm.s32 $0x200;
	[sflag:s20] =	ssyncadd.s32 $0xFFFFFF80  }
0xc4: {  	[tilespmem:s25], [sflag:$0x1] =	stream.indirect.gather [hbm4b:s18+s1], $0x10, s10, s1, $0xb8;
	[tilespmem:$0x1E600] =	vst v63  }
0xc5: {  	s26 =	simm.s32 $0xA00  }
0xc6: {  	[tilespmem:s26], [sflag:$0x1] =	stream.indirect.gather [hbm4b:s21+s1], $0x10, s1, s1, $0xb8;
	[tilespmem:$0x1E600] =	vst v63  }
0xc7: {  	s20 =	simm.s32 $0x0  }
0xc8: {  	[tilespmem:s4], [sflag:$0x1] =	stream.indirect.gather [hbm4b:s28+s1], $0x80, s10, s1, $0xb8;
	[tilespmem:$0x1E600] =	vst v63  }
.LBB2_4:
0xc9: {  	_ =	swait.ge [sflag:s5], $0x400  }
0xca: {  	[sflag:s5] =	ssyncset.done $0x0  }
0xcb: {  	[sflag:s5] =	ssyncadd.s32 $0xFFFFFC00  }
0xcc: {  	_ =	swait.ge [sflag:s5], $0x400  }
0xcd: {  	[sflag:s5] =	ssyncset.done $0x0  }
0xce: {  	[sflag:s5] =	ssyncadd.s32 $0xFFFFFC00  }
0xcf: {  	_ =	swait.ge [sflag:s5], $0x2000  }
0xd0: {  	p0 =	seq.s32 s20, $0x0;
	[sflag:s5] =	ssyncset.done $0x0  }
0xd1: {  	s8 =	simm.s32 @!p0 $0x4;
	[sflag:s5] =	ssyncadd.s32 $0xFFFFE000  }
0xd2: {  	_ =	swait.ge @!p0 [sflag:s8], $0x2000  }
0xd3: {  	s10 =	sld [smem:$0x7F5];
	_ =	sdelay $0x1  }
0xd4: {  	s25 =	sshll.u32 s20, $0x2;
	[sflag:s8] =	ssyncset.done @!p0 $0x0  }
0xd5: {  	[sflag:s8] =	ssyncadd.s32 @!p0 $0xFFFFE000;
	s19 =	sadd.s32 s25, s10  }
0xd6: {  	_ =	swait.ge @!p0 [sflag:s8], $0x400;
	s19 =	sshll.u32 s19, $0x4  }
0xd7: {  	[sflag:s8] =	ssyncset.done @!p0 $0x0;
	s19 =	sand.u32 $0x1FFFFFE0, s19  }
0xd8: {  	[sflag:s8] =	ssyncadd.s32 @!p0 $0xFFFFFC00;
	s10 =	sadd.s32 s29, s19;
	s19 =	simm.s32 $0x0  }
0xd9: {  	[tilespmem:s6], [sflag:$0x7] =	stream.linear.gather [hbm4b:s10+s19], $0x80, $0x38;
	[tilespmem:$0x1E600] =	vst v63  }
0xda: {  	_ =	swait.ge [sflag:s7], $0x80  }
0xdb: {  	[sflag:s7] =	ssyncset.done $0x0  }
0xdc: {  	s26 =	simm.s32 $0x600;
	[sflag:s7] =	ssyncadd.s32 $0xFFFFFF80  }
0xdd: {  	[tilespmem:s26], [sflag:$0x2] =	stream.indirect.gather [hbm4b:s18+s1], $0x10, s0, s1, $0xb8;
	[tilespmem:$0x1E600] =	vst v63  }
0xde: {  	s10 =	simm.s32 $0xE00  }
0xdf: {  	[tilespmem:s10], [sflag:$0x2] =	stream.indirect.gather [hbm4b:s21+s1], $0x10, s9, s1, $0xb8;
	[tilespmem:$0x1E600] =	vst v63  }
0xe0: {  	s19 =	simm.s32 $0x0  }
0xe1: {  	[tilespmem:s12], [sflag:$0x2] =	stream.indirect.gather [hbm4b:s28+s1], $0x80, s0, s1, $0xb8;
	[tilespmem:$0x1E600] =	vst v63  }
0xe2: {  	v1 =	vld [tilespmem:s19+$0x200]  }
0xe3: {  	v2 =	vld [tilespmem:s19+$0xA00];
	_ =	sdelay $0x4  }
0xe4: {  	v1 =	vadd.f32 v2, v1;
	_ =	sdelay $0x1  }
0xe5: {  	v2 =	vmul.f32 $2.000000030e-01, v1  }
0xe6: {  	vm0 =	vge.f32 v1, $0.0e+00  }
0xe7: {  	v1 =	vsel vm0, v1, v2  }
0xe8: {  	v1 =	vmul.f32 $1.442695020e+00, v1;
	_ =	sdelay $0x1  }
0xe9: {  	(erf) = vpow2.f32 v1;
	_ =	sdelay $0x8  }
0xea: {  	v2 =	vpop (erf)  }
0xeb: {  	s26 =	simm.s32 $0x1240;
	[tilespmem:s19+$0x5200] =	vst v2  }
0xec: {  	v10 =	vld [tilespmem:s26+$0x30]  }
0xed: {  	v9 =	vld [tilespmem:s26+$0xFFFFFFE0]  }
0xee: {  	v7 =	vld [tilespmem:s26+$0x10]  }
0xef: {  	v4 =	vbroadcast v2, $0x3;
	v3 =	vld [tilespmem:s26+$0x20]  }
0xf0: {  	v1 =	vbroadcast v2, $0x1;
	v5 =	vld [tilespmem:s26+$0xFFFFFFD0]  }
0xf1: {  	s8 =	simm.s32 $0x1240;
	s19 =	simm.s32 $0x40;
	v8 =	vbroadcast v2, $0x2;
	v6 =	vld [tilespmem:s26+$0x0];
	v10 =	vmul.f32 v10, v4  }
.LBB2_5:
0xf2: {  	p0 =	sne.s32 s19, $0xFC0  }
0xf3: {  	v9 =	vmul.f32 v1, v9;
	v11 =	vld [tilespmem:s26+$0xFFFFFFF0];
	s8 =	sadd.s32 $0x80, s8;
	s10 =	smov.u32 s19;
	s19 =	sadd.s32 $0x40, s19  }
0xf4: {  	v2 =	vbroadcast v2, $0x0;
	v12 =	vld [tilespmem:s26+$0xFFFFFFC0];
	v7 =	vmul.f32 v7, v8;
	[tilespmem:s26+$0x30] =	vst v10  }
0xf5: {  	[tilespmem:s26+$0xFFFFFFE0] =	vst v9;
	v3 =	vmul.f32 v3, v4  }
0xf6: {  	v4 =	vmul.f32 v2, v5;
	[tilespmem:s26+$0x10] =	vst v7  }
0xf7: {  	v5 =	vmul.f32 v6, v8;
	[tilespmem:s26+$0x20] =	vst v3  }
0xf8: {  	[tilespmem:s26+$0xFFFFFFD0] =	vst v4;
	v1 =	vmul.f32 v11, v1  }
0xf9: {  	v2 =	vmul.f32 v2, v12;
	[tilespmem:s26+$0x0] =	vst v5  }
0xfa: {  	[tilespmem:s26+$0xFFFFFFF0] =	vst v1  }
0xfb: {  	s10 =	sshra.s32 s10, $0x2;
	[tilespmem:s26+$0xFFFFFFC0] =	vst v2;
	s26 =	smov.u32 s8  }
0xfc: {  	v1 =	vld [tilespmem:s10+$0x200]  }
0xfd: {  	v2 =	vld [tilespmem:s10+$0xA00];
	_ =	sdelay $0x4  }
0xfe: {  	v1 =	vadd.f32 v2, v1;
	_ =	sdelay $0x1  }
0xff: {  	vm0 =	vge.f32 v1, $0.0e+00;
	v2 =	vmul.f32 $2.000000030e-01, v1;
	_ =	sdelay $0x1  }
0x100: {  	v1 =	vsel vm0, v1, v2  }
0x101: {  	v1 =	vmul.f32 $1.442695020e+00, v1;
	_ =	sdelay $0x1  }
0x102: {  	(erf) = vpow2.f32 v1;
	_ =	sdelay $0x8  }
0x103: {  	v2 =	vpop (erf)  }
0x104: {  	[tilespmem:s10+$0x5200] =	vst v2  }
0x105: {  	v10 =	vld [tilespmem:s8+$0x30]  }
.Ltmp1:
0x106: {  	v9 =	vld [tilespmem:s8+$0xFFFFFFE0];
	(pc) =	sbr.rel @p0 .LBB2_5-.Ltmp1, $4  }
0x107: {  	v7 =	vld [tilespmem:s8+$0x10]  }
0x108: {  	v4 =	vbroadcast v2, $0x3;
	v3 =	vld [tilespmem:s8+$0x20]  }
0x109: {  	v1 =	vbroadcast v2, $0x1;
	v5 =	vld [tilespmem:s8+$0xFFFFFFD0]  }
0x10a: {  	v8 =	vbroadcast v2, $0x2;
	v6 =	vld [tilespmem:s8+$0x0];
	v10 =	vmul.f32 v10, v4  }
0x10b: {  	v9 =	vmul.f32 v1, v9;
	v11 =	vld [tilespmem:s26+$0xFFFFFFF0]  }
0x10c: {  	v12 =	vld [tilespmem:s26+$0xFFFFFFC0];
	v2 =	vbroadcast v2, $0x0;
	v7 =	vmul.f32 v7, v8;
	[tilespmem:s26+$0x30] =	vst v10  }
0x10d: {  	[tilespmem:s26+$0xFFFFFFE0] =	vst v9;
	v3 =	vmul.f32 v3, v4  }
0x10e: {  	v4 =	vmul.f32 v2, v5;
	[tilespmem:s26+$0x10] =	vst v7  }
0x10f: {  	v5 =	vmul.f32 v6, v8;
	[tilespmem:s26+$0x20] =	vst v3  }
0x110: {  	[tilespmem:s26+$0xFFFFFFD0] =	vst v4;
	v1 =	vmul.f32 v11, v1  }
0x111: {  	v2 =	vmul.f32 v2, v12;
	[tilespmem:s26+$0x0] =	vst v5  }
0x112: {  	[tilespmem:s26+$0xFFFFFFF0] =	vst v1  }
0x113: {  	[tilespmem:s26+$0xFFFFFFC0] =	vst v2  }
0x114: {  	[spmem:s23] =	stream.indirect.scatter.add.f32 [tilespmem:s4], [sflag:$0x3], $0x80, s1, s1, $0xb8;
	[tilespmem:$0x1E600] =	vst v63  }
0x115: {  	_ = 	snop  }
0x116: {  	[spmem:s24] =	stream.indirect.scatter.add.f32 [tilespmem:s13], [sflag:$0x3], $0x10, s1, s1, $0xb8;
	[tilespmem:$0x1E600] =	vst v63  }
0x117: {  	_ =	swait.ge [sflag:s14], $0x400  }
0x118: {  	[sflag:s14] =	ssyncset.done $0x0  }
0x119: {  	[sflag:s14] =	ssyncadd.s32 $0xFFFFFC00  }
0x11a: {  	_ =	swait.ge [sflag:s14], $0x400  }
0x11b: {  	[sflag:s14] =	ssyncset.done $0x0  }
0x11c: {  	[sflag:s14] =	ssyncadd.s32 $0xFFFFFC00  }
0x11d: {  	_ =	swait.ge [sflag:s14], $0x2000  }
0x11e: {  	[sflag:s14] =	ssyncset.done $0x0  }
0x11f: {  	[sflag:s14] =	ssyncadd.s32 $0xFFFFE000  }
0x120: {  	_ =	swait.ge [sflag:s15], $0x2000  }
0x121: {  	s8 =	sld [smem:$0x7F6];
	_ =	sdelay $0x1  }
0x122: {  	[sflag:s15] =	ssyncset.done $0x0  }
0x123: {  	[sflag:s15] =	ssyncadd.s32 $0xFFFFE000;
	s8 =	sadd.s32 s25, s8  }
0x124: {  	_ =	swait.ge [sflag:s15], $0x400;
	s8 =	sshll.u32 s8, $0x4  }
0x125: {  	[sflag:s15] =	ssyncset.done $0x0;
	s8 =	sand.u32 $0x1FFFFFF0, s8  }
0x126: {  	s10 =	simm.s32 $0x0;
	[sflag:s15] =	ssyncadd.s32 $0xFFFFFC00;
	s8 =	sadd.s32 s29, s8  }
0x127: {  	[tilespmem:s16], [sflag:$0x8] =	stream.linear.gather [hbm4b:s8+s10], $0x80, $0x38;
	[tilespmem:$0x1E600] =	vst v63  }
0x128: {  	_ =	swait.ge [sflag:s17], $0x80  }
0x129: {  	[sflag:s17] =	ssyncset.done $0x0  }
0x12a: {  	s26 =	simm.s32 $0x200;
	[sflag:s17] =	ssyncadd.s32 $0xFFFFFF80  }
0x12b: {  	[tilespmem:s26], [sflag:$0x1] =	stream.indirect.gather [hbm4b:s18+s1], $0x10, s6, s1, $0xb8;
	[tilespmem:$0x1E600] =	vst v63  }
0x12c: {  	s10 =	simm.s32 $0xA00  }
0x12d: {  	[tilespmem:s10], [sflag:$0x1] =	stream.indirect.gather [hbm4b:s21+s1], $0x10, s30, s1, $0xb8;
	[tilespmem:$0x1E600] =	vst v63  }
0x12e: {  	s19 =	simm.s32 $0x0  }
0x12f: {  	[tilespmem:s4], [sflag:$0x1] =	stream.indirect.gather [hbm4b:s28+s1], $0x80, s6, s1, $0xb8;
	[tilespmem:$0x1E600] =	vst v63  }
0x130: {  	v1 =	vld [tilespmem:s19+$0x600]  }
0x131: {  	v2 =	vld [tilespmem:s19+$0xE00];
	_ =	sdelay $0x4  }
0x132: {  	v1 =	vadd.f32 v2, v1;
	_ =	sdelay $0x1  }
0x133: {  	v2 =	vmul.f32 $2.000000030e-01, v1  }
0x134: {  	vm0 =	vge.f32 v1, $0.0e+00  }
0x135: {  	v1 =	vsel vm0, v1, v2  }
0x136: {  	v1 =	vmul.f32 $1.442695020e+00, v1;
	_ =	sdelay $0x1  }
0x137: {  	(erf) = vpow2.f32 v1;
	_ =	sdelay $0x8  }
0x138: {  	v2 =	vpop (erf)  }
0x139: {  	s26 =	simm.s32 $0x3240;
	[tilespmem:s19+$0x5600] =	vst v2  }
0x13a: {  	v10 =	vld [tilespmem:s26+$0x30]  }
0x13b: {  	v9 =	vld [tilespmem:s26+$0xFFFFFFE0]  }
0x13c: {  	v7 =	vld [tilespmem:s26+$0x10]  }
0x13d: {  	v4 =	vbroadcast v2, $0x3;
	v3 =	vld [tilespmem:s26+$0x20]  }
0x13e: {  	v1 =	vbroadcast v2, $0x1;
	v5 =	vld [tilespmem:s26+$0xFFFFFFD0]  }
0x13f: {  	s8 =	simm.s32 $0x3240;
	s19 =	simm.s32 $0x40;
	v8 =	vbroadcast v2, $0x2;
	v6 =	vld [tilespmem:s26+$0x0];
	v10 =	vmul.f32 v10, v4  }
.LBB2_7:
0x140: {  	p0 =	sne.s32 s19, $0xFC0  }
0x141: {  	v9 =	vmul.f32 v1, v9;
	v11 =	vld [tilespmem:s26+$0xFFFFFFF0];
	s8 =	sadd.s32 $0x80, s8;
	s10 =	smov.u32 s19;
	s19 =	sadd.s32 $0x40, s19  }
0x142: {  	v2 =	vbroadcast v2, $0x0;
	v12 =	vld [tilespmem:s26+$0xFFFFFFC0];
	v7 =	vmul.f32 v7, v8;
	[tilespmem:s26+$0x30] =	vst v10  }
0x143: {  	[tilespmem:s26+$0xFFFFFFE0] =	vst v9;
	v3 =	vmul.f32 v3, v4  }
0x144: {  	v4 =	vmul.f32 v2, v5;
	[tilespmem:s26+$0x10] =	vst v7  }
0x145: {  	v5 =	vmul.f32 v6, v8;
	[tilespmem:s26+$0x20] =	vst v3  }
0x146: {  	[tilespmem:s26+$0xFFFFFFD0] =	vst v4;
	v1 =	vmul.f32 v11, v1  }
0x147: {  	v2 =	vmul.f32 v2, v12;
	[tilespmem:s26+$0x0] =	vst v5  }
0x148: {  	[tilespmem:s26+$0xFFFFFFF0] =	vst v1  }
0x149: {  	s10 =	sshra.s32 s10, $0x2;
	[tilespmem:s26+$0xFFFFFFC0] =	vst v2;
	s26 =	smov.u32 s8  }
0x14a: {  	v1 =	vld [tilespmem:s10+$0x600]  }
0x14b: {  	v2 =	vld [tilespmem:s10+$0xE00];
	_ =	sdelay $0x4  }
0x14c: {  	v1 =	vadd.f32 v2, v1;
	_ =	sdelay $0x1  }
0x14d: {  	vm0 =	vge.f32 v1, $0.0e+00;
	v2 =	vmul.f32 $2.000000030e-01, v1;
	_ =	sdelay $0x1  }
0x14e: {  	v1 =	vsel vm0, v1, v2  }
0x14f: {  	v1 =	vmul.f32 $1.442695020e+00, v1;
	_ =	sdelay $0x1  }
0x150: {  	(erf) = vpow2.f32 v1;
	_ =	sdelay $0x8  }
0x151: {  	v2 =	vpop (erf)  }
0x152: {  	[tilespmem:s10+$0x5600] =	vst v2  }
0x153: {  	v10 =	vld [tilespmem:s8+$0x30]  }
.Ltmp2:
0x154: {  	v9 =	vld [tilespmem:s8+$0xFFFFFFE0];
	(pc) =	sbr.rel @p0 .LBB2_7-.Ltmp2, $4  }
0x155: {  	v7 =	vld [tilespmem:s8+$0x10]  }
0x156: {  	v4 =	vbroadcast v2, $0x3;
	v3 =	vld [tilespmem:s8+$0x20]  }
0x157: {  	v1 =	vbroadcast v2, $0x1;
	v5 =	vld [tilespmem:s8+$0xFFFFFFD0]  }
0x158: {  	v8 =	vbroadcast v2, $0x2;
	v6 =	vld [tilespmem:s8+$0x0];
	v10 =	vmul.f32 v10, v4  }
0x159: {  	v9 =	vmul.f32 v1, v9;
	v11 =	vld [tilespmem:s26+$0xFFFFFFF0]  }
0x15a: {  	v12 =	vld [tilespmem:s26+$0xFFFFFFC0];
	v2 =	vbroadcast v2, $0x0;
	v7 =	vmul.f32 v7, v8;
	[tilespmem:s26+$0x30] =	vst v10  }
0x15b: {  	[tilespmem:s26+$0xFFFFFFE0] =	vst v9;
	v3 =	vmul.f32 v3, v4  }
0x15c: {  	v4 =	vmul.f32 v2, v5;
	[tilespmem:s26+$0x10] =	vst v7  }
0x15d: {  	v5 =	vmul.f32 v6, v8;
	[tilespmem:s26+$0x20] =	vst v3  }
0x15e: {  	[tilespmem:s26+$0xFFFFFFD0] =	vst v4;
	v1 =	vmul.f32 v11, v1  }
0x15f: {  	v2 =	vmul.f32 v2, v12;
	[tilespmem:s26+$0x0] =	vst v5  }
0x160: {  	[tilespmem:s26+$0xFFFFFFF0] =	vst v1  }
0x161: {  	[tilespmem:s26+$0xFFFFFFC0] =	vst v2  }
0x162: {  	[spmem:s23] =	stream.indirect.scatter.add.f32 [tilespmem:s12], [sflag:$0x4], $0x80, s9, s1, $0xb8;
	[tilespmem:$0x1E600] =	vst v63  }
0x163: {  	_ = 	snop  }
0x164: {  	[spmem:s24] =	stream.indirect.scatter.add.f32 [tilespmem:s22], [sflag:$0x4], $0x10, s9, s1, $0xb8;
	[tilespmem:$0x1E600] =	vst v63  }
0x165: {  	_ =	swait.ge [sflag:s5], $0x400  }
0x166: {  	[sflag:s5] =	ssyncset.done $0x0  }
0x167: {  	[sflag:s5] =	ssyncadd.s32 $0xFFFFFC00  }
0x168: {  	_ =	swait.ge [sflag:s5], $0x400  }
0x169: {  	[sflag:s5] =	ssyncset.done $0x0  }
0x16a: {  	[sflag:s5] =	ssyncadd.s32 $0xFFFFFC00  }
0x16b: {  	_ =	swait.ge [sflag:s5], $0x2000  }
0x16c: {  	[sflag:s5] =	ssyncset.done $0x0  }
0x16d: {  	[sflag:s5] =	ssyncadd.s32 $0xFFFFE000  }
0x16e: {  	_ =	swait.ge [sflag:s11], $0x2000  }
0x16f: {  	s8 =	sld [smem:$0x7F7];
	_ =	sdelay $0x1  }
0x170: {  	p0 =	seq.s32 s20, $0x29;
	[sflag:s11] =	ssyncset.done $0x0  }
0x171: {  	[sflag:s11] =	ssyncadd.s32 $0xFFFFE000;
	s8 =	sadd.s32 @!p0 s25, s8  }
0x172: {  	_ =	swait.ge [sflag:s11], $0x400;
	s8 =	sshll.u32 @!p0 s8, $0x4  }
0x173: {  	[sflag:s11] =	ssyncset.done $0x0;
	s8 =	sand.u32 @!p0 $0x1FFFFFC0, s8  }
0x174: {  	s10 =	simm.s32 @!p0 $0x0;
	[sflag:s11] =	ssyncadd.s32 $0xFFFFFC00;
	s8 =	sadd.s32 @!p0 s29, s8  }
0x175: {  	[tilespmem:s10], [sflag:$0x5] =	stream.linear.gather @!p0 [hbm4b:s8+s10], $0x80, $0x38;
	[tilespmem:$0x1E600] =	vst v63  }
0x176: {  	_ =	swait.ge [sflag:s2], $0x80  }
0x177: {  	[sflag:s2] =	ssyncset.done $0x0  }
0x178: {  	s26 =	simm.s32 $0x600;
	[sflag:s2] =	ssyncadd.s32 $0xFFFFFF80  }
0x179: {  	[tilespmem:s26], [sflag:$0x2] =	stream.indirect.gather [hbm4b:s18+s1], $0x10, s16, s1, $0xb8;
	[tilespmem:$0x1E600] =	vst v63  }
0x17a: {  	s10 =	simm.s32 $0xE00  }
0x17b: {  	[tilespmem:s10], [sflag:$0x2] =	stream.indirect.gather [hbm4b:s21+s1], $0x10, s3, s1, $0xb8;
	[tilespmem:$0x1E600] =	vst v63  }
0x17c: {  	s19 =	simm.s32 $0x0  }
0x17d: {  	[tilespmem:s12], [sflag:$0x2] =	stream.indirect.gather [hbm4b:s28+s1], $0x80, s16, s1, $0xb8;
	[tilespmem:$0x1E600] =	vst v63  }
0x17e: {  	v1 =	vld [tilespmem:s19+$0x200]  }
0x17f: {  	v2 =	vld [tilespmem:s19+$0xA00];
	_ =	sdelay $0x4  }
0x180: {  	v1 =	vadd.f32 v2, v1;
	_ =	sdelay $0x1  }
0x181: {  	v2 =	vmul.f32 $2.000000030e-01, v1  }
0x182: {  	vm0 =	vge.f32 v1, $0.0e+00  }
0x183: {  	v1 =	vsel vm0, v1, v2  }
0x184: {  	v1 =	vmul.f32 $1.442695020e+00, v1;
	_ =	sdelay $0x1  }
0x185: {  	(erf) = vpow2.f32 v1;
	_ =	sdelay $0x8  }
0x186: {  	v2 =	vpop (erf)  }
0x187: {  	s26 =	simm.s32 $0x1240;
	[tilespmem:s19+$0x5200] =	vst v2  }
0x188: {  	v10 =	vld [tilespmem:s26+$0x30]  }
0x189: {  	v9 =	vld [tilespmem:s26+$0xFFFFFFE0]  }
0x18a: {  	v7 =	vld [tilespmem:s26+$0x10]  }
0x18b: {  	v4 =	vbroadcast v2, $0x3;
	v3 =	vld [tilespmem:s26+$0x20]  }
0x18c: {  	v1 =	vbroadcast v2, $0x1;
	v5 =	vld [tilespmem:s26+$0xFFFFFFD0]  }
0x18d: {  	s8 =	simm.s32 $0x1240;
	s19 =	simm.s32 $0x40;
	v8 =	vbroadcast v2, $0x2;
	v6 =	vld [tilespmem:s26+$0x0];
	v10 =	vmul.f32 v10, v4  }
.LBB2_9:
0x18e: {  	p1 =	sne.s32 s19, $0xFC0  }
0x18f: {  	v9 =	vmul.f32 v1, v9;
	v11 =	vld [tilespmem:s26+$0xFFFFFFF0];
	s8 =	sadd.s32 $0x80, s8;
	s10 =	smov.u32 s19;
	s19 =	sadd.s32 $0x40, s19  }
0x190: {  	v2 =	vbroadcast v2, $0x0;
	v12 =	vld [tilespmem:s26+$0xFFFFFFC0];
	v7 =	vmul.f32 v7, v8;
	[tilespmem:s26+$0x30] =	vst v10  }
0x191: {  	[tilespmem:s26+$0xFFFFFFE0] =	vst v9;
	v3 =	vmul.f32 v3, v4  }
0x192: {  	v4 =	vmul.f32 v2, v5;
	[tilespmem:s26+$0x10] =	vst v7  }
0x193: {  	v5 =	vmul.f32 v6, v8;
	[tilespmem:s26+$0x20] =	vst v3  }
0x194: {  	[tilespmem:s26+$0xFFFFFFD0] =	vst v4;
	v1 =	vmul.f32 v11, v1  }
0x195: {  	v2 =	vmul.f32 v2, v12;
	[tilespmem:s26+$0x0] =	vst v5  }
0x196: {  	[tilespmem:s26+$0xFFFFFFF0] =	vst v1  }
0x197: {  	s10 =	sshra.s32 s10, $0x2;
	[tilespmem:s26+$0xFFFFFFC0] =	vst v2;
	s26 =	smov.u32 s8  }
0x198: {  	v1 =	vld [tilespmem:s10+$0x200]  }
0x199: {  	v2 =	vld [tilespmem:s10+$0xA00];
	_ =	sdelay $0x4  }
0x19a: {  	v1 =	vadd.f32 v2, v1;
	_ =	sdelay $0x1  }
0x19b: {  	vm0 =	vge.f32 v1, $0.0e+00;
	v2 =	vmul.f32 $2.000000030e-01, v1;
	_ =	sdelay $0x1  }
0x19c: {  	v1 =	vsel vm0, v1, v2  }
0x19d: {  	v1 =	vmul.f32 $1.442695020e+00, v1;
	_ =	sdelay $0x1  }
0x19e: {  	(erf) = vpow2.f32 v1;
	_ =	sdelay $0x8  }
0x19f: {  	v2 =	vpop (erf)  }
0x1a0: {  	[tilespmem:s10+$0x5200] =	vst v2  }
0x1a1: {  	v10 =	vld [tilespmem:s8+$0x30]  }
.Ltmp3:
0x1a2: {  	v9 =	vld [tilespmem:s8+$0xFFFFFFE0];
	(pc) =	sbr.rel @p1 .LBB2_9-.Ltmp3, $4  }
0x1a3: {  	v7 =	vld [tilespmem:s8+$0x10]  }
0x1a4: {  	v4 =	vbroadcast v2, $0x3;
	v3 =	vld [tilespmem:s8+$0x20]  }
0x1a5: {  	v1 =	vbroadcast v2, $0x1;
	v5 =	vld [tilespmem:s8+$0xFFFFFFD0]  }
0x1a6: {  	v8 =	vbroadcast v2, $0x2;
	v6 =	vld [tilespmem:s8+$0x0];
	v10 =	vmul.f32 v10, v4  }
0x1a7: {  	v9 =	vmul.f32 v1, v9;
	v11 =	vld [tilespmem:s26+$0xFFFFFFF0]  }
0x1a8: {  	v12 =	vld [tilespmem:s26+$0xFFFFFFC0];
	v2 =	vbroadcast v2, $0x0;
	v7 =	vmul.f32 v7, v8;
	[tilespmem:s26+$0x30] =	vst v10  }
0x1a9: {  	[tilespmem:s26+$0xFFFFFFE0] =	vst v9;
	v3 =	vmul.f32 v3, v4  }
0x1aa: {  	v4 =	vmul.f32 v2, v5;
	[tilespmem:s26+$0x10] =	vst v7  }
0x1ab: {  	v5 =	vmul.f32 v6, v8;
	[tilespmem:s26+$0x20] =	vst v3  }
0x1ac: {  	[tilespmem:s26+$0xFFFFFFD0] =	vst v4;
	v1 =	vmul.f32 v11, v1  }
0x1ad: {  	v2 =	vmul.f32 v2, v12;
	[tilespmem:s26+$0x0] =	vst v5  }
0x1ae: {  	[tilespmem:s26+$0xFFFFFFF0] =	vst v1  }
0x1af: {  	[tilespmem:s26+$0xFFFFFFC0] =	vst v2  }
0x1b0: {  	[spmem:s23] =	stream.indirect.scatter.add.f32 [tilespmem:s4], [sflag:$0x3], $0x80, s30, s1, $0xb8;
	[tilespmem:$0x1E600] =	vst v63  }
0x1b1: {  	_ = 	snop  }
0x1b2: {  	[spmem:s24] =	stream.indirect.scatter.add.f32 [tilespmem:s13], [sflag:$0x3], $0x10, s30, s1, $0xb8;
	[tilespmem:$0x1E600] =	vst v63  }
0x1b3: {  	_ =	swait.ge [sflag:s14], $0x400  }
0x1b4: {  	[sflag:s14] =	ssyncset.done $0x0  }
0x1b5: {  	[sflag:s14] =	ssyncadd.s32 $0xFFFFFC00  }
0x1b6: {  	_ =	swait.ge [sflag:s14], $0x400  }
0x1b7: {  	[sflag:s14] =	ssyncset.done $0x0  }
0x1b8: {  	[sflag:s14] =	ssyncadd.s32 $0xFFFFFC00  }
0x1b9: {  	_ =	swait.ge [sflag:s14], $0x2000  }
0x1ba: {  	[sflag:s14] =	ssyncset.done $0x0  }
0x1bb: {  	s8 =	simm.s32 @!p0 $0x3;
	[sflag:s14] =	ssyncadd.s32 $0xFFFFE000  }
0x1bc: {  	_ =	swait.ge @!p0 [sflag:s8], $0x2000  }
0x1bd: {  	[sflag:s8] =	ssyncset.done @!p0 $0x0  }
0x1be: {  	[sflag:s8] =	ssyncadd.s32 @!p0 $0xFFFFE000  }
0x1bf: {  	_ =	swait.ge @!p0 [sflag:s8], $0x400  }
0x1c0: {  	s10 =	sld [smem:$0x7F8];
	_ =	sdelay $0x2  }
0x1c1: {  	s10 =	sadd.s32 @!p0 s25, s10  }
0x1c2: {  	[sflag:s8] =	ssyncset.done @!p0 $0x0;
	s10 =	sshll.u32 @!p0 s10, $0x4  }
0x1c3: {  	[sflag:s8] =	ssyncadd.s32 @!p0 $0xFFFFFC00;
	s8 =	sand.u32 @!p0 $0x1FFFFFD0, s10  }
0x1c4: {  	s19 =	simm.s32 @!p0 $0x80;
	s10 =	simm.s32 @!p0 $0x0;
	s8 =	sadd.s32 @!p0 s29, s8  }
0x1c5: {  	[tilespmem:s19], [sflag:$0x6] =	stream.linear.gather @!p0 [hbm4b:s8+s10], $0x80, $0x38;
	[tilespmem:$0x1E600] =	vst v63  }
0x1c6: {  	s8 =	simm.s32 @!p0 $0x5  }
0x1c7: {  	_ =	swait.ge @!p0 [sflag:s8], $0x80  }
0x1c8: {  	[sflag:s8] =	ssyncset.done @!p0 $0x0  }
0x1c9: {  	s19 =	simm.s32 @!p0 $0x200;
	[sflag:s8] =	ssyncadd.s32 @!p0 $0xFFFFFF80;
	s8 =	simm.s32 @!p0 $0x40  }
0x1ca: {  	[tilespmem:s19], [sflag:$0x1] =	stream.indirect.gather @!p0 [hbm4b:s18+s8], $0x10, s10, s8, $0xb8;
	[tilespmem:$0x1E600] =	vst v63  }
0x1cb: {  	s19 =	simm.s32 @!p0 $0xA00  }
0x1cc: {  	[tilespmem:s19], [sflag:$0x1] =	stream.indirect.gather @!p0 [hbm4b:s21+s8], $0x10, s8, s8, $0xb8;
	[tilespmem:$0x1E600] =	vst v63  }
0x1cd: {  	s26 =	simm.s32 $0x0;
	s19 =	simm.s32 @!p0 $0x1200  }
0x1ce: {  	[tilespmem:s19], [sflag:$0x1] =	stream.indirect.gather @!p0 [hbm4b:s28+s8], $0x80, s10, s8, $0xb8;
	[tilespmem:$0x1E600] =	vst v63  }
0x1cf: {  	v1 =	vld [tilespmem:s26+$0x600]  }
0x1d0: {  	v2 =	vld [tilespmem:s26+$0xE00];
	_ =	sdelay $0x4  }
0x1d1: {  	v1 =	vadd.f32 v2, v1;
	_ =	sdelay $0x1  }
0x1d2: {  	v2 =	vmul.f32 $2.000000030e-01, v1  }
0x1d3: {  	vm0 =	vge.f32 v1, $0.0e+00  }
0x1d4: {  	v1 =	vsel vm0, v1, v2  }
0x1d5: {  	v1 =	vmul.f32 $1.442695020e+00, v1;
	_ =	sdelay $0x1  }
0x1d6: {  	(erf) = vpow2.f32 v1;
	_ =	sdelay $0x8  }
0x1d7: {  	v2 =	vpop (erf)  }
0x1d8: {  	s25 =	simm.s32 $0x3240;
	[tilespmem:s26+$0x5600] =	vst v2  }
0x1d9: {  	v10 =	vld [tilespmem:s25+$0x30]  }
0x1da: {  	v9 =	vld [tilespmem:s25+$0xFFFFFFE0]  }
0x1db: {  	v7 =	vld [tilespmem:s25+$0x10]  }
0x1dc: {  	v4 =	vbroadcast v2, $0x3;
	v3 =	vld [tilespmem:s25+$0x20]  }
0x1dd: {  	v1 =	vbroadcast v2, $0x1;
	v5 =	vld [tilespmem:s25+$0xFFFFFFD0]  }
0x1de: {  	s19 =	simm.s32 $0x40;
	s8 =	simm.s32 $0x3240;
	v8 =	vbroadcast v2, $0x2;
	v6 =	vld [tilespmem:s25+$0x0];
	v10 =	vmul.f32 v10, v4  }
.LBB2_11:
0x1df: {  	p0 =	sne.s32 s19, $0xFC0  }
0x1e0: {  	v9 =	vmul.f32 v1, v9;
	v11 =	vld [tilespmem:s25+$0xFFFFFFF0];
	s8 =	sadd.s32 $0x80, s8;
	s10 =	smov.u32 s19;
	s19 =	sadd.s32 $0x40, s19  }
0x1e1: {  	v2 =	vbroadcast v2, $0x0;
	v12 =	vld [tilespmem:s25+$0xFFFFFFC0];
	v7 =	vmul.f32 v7, v8;
	[tilespmem:s25+$0x30] =	vst v10  }
0x1e2: {  	[tilespmem:s25+$0xFFFFFFE0] =	vst v9;
	v3 =	vmul.f32 v3, v4  }
0x1e3: {  	v4 =	vmul.f32 v2, v5;
	[tilespmem:s25+$0x10] =	vst v7  }
0x1e4: {  	v5 =	vmul.f32 v6, v8;
	[tilespmem:s25+$0x20] =	vst v3  }
0x1e5: {  	[tilespmem:s25+$0xFFFFFFD0] =	vst v4;
	v1 =	vmul.f32 v11, v1  }
0x1e6: {  	v2 =	vmul.f32 v2, v12;
	[tilespmem:s25+$0x0] =	vst v5  }
0x1e7: {  	[tilespmem:s25+$0xFFFFFFF0] =	vst v1  }
0x1e8: {  	s10 =	sshra.s32 s10, $0x2;
	[tilespmem:s25+$0xFFFFFFC0] =	vst v2;
	s25 =	smov.u32 s8  }
0x1e9: {  	v1 =	vld [tilespmem:s10+$0x600]  }
0x1ea: {  	v2 =	vld [tilespmem:s10+$0xE00];
	_ =	sdelay $0x4  }
0x1eb: {  	v1 =	vadd.f32 v2, v1;
	_ =	sdelay $0x1  }
0x1ec: {  	vm0 =	vge.f32 v1, $0.0e+00;
	v2 =	vmul.f32 $2.000000030e-01, v1;
	_ =	sdelay $0x1  }
0x1ed: {  	v1 =	vsel vm0, v1, v2  }
0x1ee: {  	v1 =	vmul.f32 $1.442695020e+00, v1;
	_ =	sdelay $0x1  }
0x1ef: {  	(erf) = vpow2.f32 v1;
	_ =	sdelay $0x8  }
0x1f0: {  	v2 =	vpop (erf)  }
0x1f1: {  	[tilespmem:s10+$0x5600] =	vst v2  }
0x1f2: {  	v10 =	vld [tilespmem:s8+$0x30]  }
.Ltmp4:
0x1f3: {  	v9 =	vld [tilespmem:s8+$0xFFFFFFE0];
	(pc) =	sbr.rel @p0 .LBB2_11-.Ltmp4, $4  }
0x1f4: {  	v7 =	vld [tilespmem:s8+$0x10]  }
0x1f5: {  	v4 =	vbroadcast v2, $0x3;
	v3 =	vld [tilespmem:s8+$0x20]  }
0x1f6: {  	v1 =	vbroadcast v2, $0x1;
	v5 =	vld [tilespmem:s8+$0xFFFFFFD0]  }
0x1f7: {  	v8 =	vbroadcast v2, $0x2;
	v6 =	vld [tilespmem:s8+$0x0];
	v10 =	vmul.f32 v10, v4  }
0x1f8: {  	v9 =	vmul.f32 v1, v9;
	v11 =	vld [tilespmem:s25+$0xFFFFFFF0]  }
0x1f9: {  	v12 =	vld [tilespmem:s25+$0xFFFFFFC0];
	v2 =	vbroadcast v2, $0x0;
	v7 =	vmul.f32 v7, v8;
	[tilespmem:s25+$0x30] =	vst v10  }
0x1fa: {  	[tilespmem:s25+$0xFFFFFFE0] =	vst v9;
	v3 =	vmul.f32 v3, v4  }
0x1fb: {  	v62 =	vmul.f32 v2, v5;
	[tilespmem:s25+$0x10] =	vst v7  }
0x1fc: {  	v63 =	vmul.f32 v6, v8;
	[tilespmem:s25+$0x20] =	vst v3  }
0x1fd: {  	s20 =	sadd.s32 $0x1, s20;
	[tilespmem:s25+$0xFFFFFFD0] =	vst v62;
	v1 =	vmul.f32 v11, v1  }
0x1fe: {  	p0 =	sne.s32 s20, $0x2A;
	v2 =	vmul.f32 v2, v12;
	[tilespmem:s25+$0x0] =	vst v63  }
.Ltmp5:
0x1ff: {  	[tilespmem:s25+$0xFFFFFFF0] =	vst v1;
	(pc) =	sbr.rel @p0 .LBB2_4-.Ltmp5, $4  }
0x200: {  	[tilespmem:s25+$0xFFFFFFC0] =	vst v2  }
0x201: {  	[spmem:s23] =	stream.indirect.scatter.add.f32 [tilespmem:s12], [sflag:$0x4], $0x80, s3, s1, $0xb8;
	[tilespmem:$0x1E600] =	vst v63  }
0x202: {  	_ = 	snop  }
0x203: {  	[spmem:s24] =	stream.indirect.scatter.add.f32 [tilespmem:s22], [sflag:$0x4], $0x10, s3, s1, $0xb8;
	[tilespmem:$0x1E600] =	vst v63  }
0x204: {  	_ =	swait.ge [sflag:s15], $0x2000  }
0x205: {  	[sflag:s15] =	ssyncset.done $0x0  }
0x206: {  	[sflag:s15] =	ssyncadd.s32 $0xFFFFE000  }
0x207: {  	_ =	swait.ge [sflag:s15], $0x400  }
0x208: {  	[sflag:s15] =	ssyncset.done $0x0  }
0x209: {  	[sflag:s15] =	ssyncadd.s32 $0xFFFFFC00  }
0x20a: {  	_ =	swait.ge [sflag:s11], $0x2000  }
0x20b: {  	[sflag:s11] =	ssyncset.done $0x0  }
0x20c: {  	[sflag:s11] =	ssyncadd.s32 $0xFFFFE000  }
0x20d: {  	_ =	swait.ge [sflag:s11], $0x400  }
0x20e: {  	[sflag:s11] =	ssyncset.done $0x0  }
0x20f: {  	[sflag:s11] =	ssyncadd.s32 $0xFFFFFC00  }
0x210: {  	s8 =	stileid.u32;
	[bflag:$0x0] =	sbarrier.arrive $0xFFFF  }
0x211: {  	s8 =	sshll.u32 s8, $0x6;
	s26 =	rddreg [dreg:$0x1b]  }
0x212: {  	s20 =	sor.u32 $0x1C09, s8;
	s10 =	rddreg [dreg:$0x6];
	s8 =	sshrl.u32 s26, $0x3  }
0x213: {  	[hbm:s10], [sflag:s20] =	dma.local [spmem:s8], $0x400  }
0x214: {  	_ =	swait.ge [sflag:s31], $0x400  }
0x215: {  	[sflag:s31] =	ssyncset.done $0x0;
	s10 =	rddreg [dreg:$0x1c]  }
0x216: {  	s19 =	rddreg [dreg:$0x11];
	[sflag:s31] =	ssyncadd.s32 $0xFFFFFC00;
	s8 =	sshrl.u32 s10, $0x3  }
0x217: {  	[hbm:s19], [sflag:s20] =	dma.local [spmem:s8], $0x80  }
0x218: {  	_ =	swait.ge [sflag:s31], $0x80  }
0x219: {  	[sflag:s31] =	ssyncset.done $0x0;
	s25 =	rddreg [dreg:$0x1d]  }
0x21a: {  	s26 =	rddreg [dreg:$0x7];
	[sflag:s31] =	ssyncadd.s32 $0xFFFFFF80;
	s8 =	sshrl.u32 s25, $0x3  }
0x21b: {  	[hbm:s26], [sflag:s20] =	dma.local [spmem:s8], $0x400  }
0x21c: {  	_ =	swait.ge [sflag:s31], $0x400  }
0x21d: {  	[sflag:s31] =	ssyncset.done $0x0;
	s10 =	rddreg [dreg:$0x1e]  }
0x21e: {  	s19 =	rddreg [dreg:$0x12];
	[sflag:s31] =	ssyncadd.s32 $0xFFFFFC00;
	s8 =	sshrl.u32 s10, $0x3  }
0x21f: {  	[hbm:s19], [sflag:s20] =	dma.local [spmem:s8], $0x80  }
0x220: {  	_ =	swait.ge [sflag:s31], $0x80  }
0x221: {  	[sflag:s31] =	ssyncset.done $0x0;
	s25 =	rddreg [dreg:$0x1f]  }
0x222: {  	s26 =	rddreg [dreg:$0x8];
	[sflag:s31] =	ssyncadd.s32 $0xFFFFFF80;
	s8 =	sshrl.u32 s25, $0x3  }
0x223: {  	[hbm:s26], [sflag:s20] =	dma.local [spmem:s8], $0x400  }
0x224: {  	_ =	swait.ge [sflag:s31], $0x400  }
0x225: {  	s10 =	sld [smem:$0x7E8];
	_ =	sdelay $0x1  }
0x226: {  	[sflag:s31] =	ssyncset.done $0x0  }
0x227: {  	s19 =	rddreg [dreg:$0x13];
	[sflag:s31] =	ssyncadd.s32 $0xFFFFFC00;
	s8 =	sshrl.u32 s10, $0x3  }
0x228: {  	[hbm:s19], [sflag:s20] =	dma.local [spmem:s8], $0x80  }
0x229: {  	_ =	swait.ge [sflag:s31], $0x80  }
0x22a: {  	s25 =	sld [smem:$0x7E9];
	_ =	sdelay $0x1  }
0x22b: {  	[sflag:s31] =	ssyncset.done $0x0  }
0x22c: {  	s26 =	rddreg [dreg:$0x9];
	[sflag:s31] =	ssyncadd.s32 $0xFFFFFF80;
	s8 =	sshrl.u32 s25, $0x3  }
0x22d: {  	[hbm:s26], [sflag:s20] =	dma.local [spmem:s8], $0x400  }
0x22e: {  	_ =	swait.ge [sflag:s31], $0x400  }
0x22f: {  	s10 =	sld [smem:$0x7EA];
	_ =	sdelay $0x1  }
0x230: {  	[sflag:s31] =	ssyncset.done $0x0  }
0x231: {  	s19 =	rddreg [dreg:$0x14];
	[sflag:s31] =	ssyncadd.s32 $0xFFFFFC00;
	s8 =	sshrl.u32 s10, $0x3  }
0x232: {  	[hbm:s19], [sflag:s20] =	dma.local [spmem:s8], $0x80  }
0x233: {  	_ =	swait.ge [sflag:s31], $0x80  }
0x234: {  	s25 =	sld [smem:$0x7EB];
	_ =	sdelay $0x1  }
0x235: {  	[sflag:s31] =	ssyncset.done $0x0  }
0x236: {  	s26 =	rddreg [dreg:$0xa];
	[sflag:s31] =	ssyncadd.s32 $0xFFFFFF80;
	s8 =	sshrl.u32 s25, $0x3  }
0x237: {  	[hbm:s26], [sflag:s20] =	dma.local [spmem:s8], $0x400  }
0x238: {  	_ =	swait.ge [sflag:s31], $0x400  }
0x239: {  	s10 =	sld [smem:$0x7EC];
	_ =	sdelay $0x1  }
0x23a: {  	[sflag:s31] =	ssyncset.done $0x0  }
0x23b: {  	s19 =	rddreg [dreg:$0x15];
	[sflag:s31] =	ssyncadd.s32 $0xFFFFFC00;
	s8 =	sshrl.u32 s10, $0x3  }
0x23c: {  	[hbm:s19], [sflag:s20] =	dma.local [spmem:s8], $0x80  }
0x23d: {  	_ =	swait.ge [sflag:s31], $0x80  }
0x23e: {  	s25 =	sld [smem:$0x7ED];
	_ =	sdelay $0x1  }
0x23f: {  	[sflag:s31] =	ssyncset.done $0x0  }
0x240: {  	s26 =	rddreg [dreg:$0xb];
	[sflag:s31] =	ssyncadd.s32 $0xFFFFFF80;
	s8 =	sshrl.u32 s25, $0x3  }
0x241: {  	[hbm:s26], [sflag:s20] =	dma.local [spmem:s8], $0x400  }
0x242: {  	_ =	swait.ge [sflag:s31], $0x400  }
0x243: {  	s10 =	sld [smem:$0x7EE];
	_ =	sdelay $0x1  }
0x244: {  	[sflag:s31] =	ssyncset.done $0x0  }
0x245: {  	s19 =	rddreg [dreg:$0x16];
	[sflag:s31] =	ssyncadd.s32 $0xFFFFFC00;
	s8 =	sshrl.u32 s10, $0x3  }
0x246: {  	[hbm:s19], [sflag:s20] =	dma.local [spmem:s8], $0x80  }
0x247: {  	_ =	swait.ge [sflag:s31], $0x80  }
0x248: {  	s25 =	sld [smem:$0x7EF];
	_ =	sdelay $0x1  }
0x249: {  	[sflag:s31] =	ssyncset.done $0x0  }
0x24a: {  	s26 =	rddreg [dreg:$0xc];
	[sflag:s31] =	ssyncadd.s32 $0xFFFFFF80;
	s8 =	sshrl.u32 s25, $0x3  }
0x24b: {  	[hbm:s26], [sflag:s20] =	dma.local [spmem:s8], $0x400  }
0x24c: {  	_ =	swait.ge [sflag:s31], $0x400  }
0x24d: {  	s10 =	sld [smem:$0x7F0];
	_ =	sdelay $0x1  }
0x24e: {  	[sflag:s31] =	ssyncset.done $0x0  }
0x24f: {  	s19 =	rddreg [dreg:$0x17];
	[sflag:s31] =	ssyncadd.s32 $0xFFFFFC00;
	s8 =	sshrl.u32 s10, $0x3  }
0x250: {  	[hbm:s19], [sflag:s20] =	dma.local [spmem:s8], $0x80  }
0x251: {  	_ =	swait.ge [sflag:s31], $0x80  }
0x252: {  	s25 =	sld [smem:$0x7F1];
	_ =	sdelay $0x1  }
0x253: {  	[sflag:s31] =	ssyncset.done $0x0  }
0x254: {  	s26 =	rddreg [dreg:$0xd];
	[sflag:s31] =	ssyncadd.s32 $0xFFFFFF80;
	s8 =	sshrl.u32 s25, $0x3  }
0x255: {  	[hbm:s26], [sflag:s20] =	dma.local [spmem:s8], $0x400  }
0x256: {  	_ =	swait.ge [sflag:s31], $0x400  }
0x257: {  	s25 =	sld [smem:$0x7FC];
	_ =	sdelay $0x1  }
0x258: {  	[sflag:s31] =	ssyncset.done $0x0  }
0x259: {  	s26 =	rddreg [dreg:$0x18];
	[sflag:s31] =	ssyncadd.s32 $0xFFFFFC00;
	s19 =	sshrl.u32 s25, $0x3  }
0x25a: {  	[hbm:s26], [sflag:s20] =	dma.local [spmem:s19], $0x80  }
0x25b: {  	_ =	swait.ge [sflag:s31], $0x80  }
0x25c: {  	s19 =	sld [smem:$0x7F2];
	_ =	sdelay $0x1  }
0x25d: {  	[sflag:s31] =	ssyncset.done $0x0  }
0x25e: {  	s26 =	rddreg [dreg:$0xe];
	[sflag:s31] =	ssyncadd.s32 $0xFFFFFF80;
	s8 =	sshrl.u32 s19, $0x3  }
0x25f: {  	[hbm:s26], [sflag:s20] =	dma.local [spmem:s8], $0x400  }
0x260: {  	_ =	swait.ge [sflag:s31], $0x400  }
0x261: {  	s19 =	sld [smem:$0x7F3];
	_ =	sdelay $0x1  }
0x262: {  	[sflag:s31] =	ssyncset.done $0x0  }
0x263: {  	s26 =	rddreg [dreg:$0x19];
	[sflag:s31] =	ssyncadd.s32 $0xFFFFFC00;
	s8 =	sshrl.u32 s19, $0x3  }
0x264: {  	[hbm:s26], [sflag:s20] =	dma.local [spmem:s8], $0x80  }
0x265: {  	_ =	swait.ge [sflag:s31], $0x80  }
0x266: {  	s19 =	sld [smem:$0x7F4];
	_ =	sdelay $0x1  }
0x267: {  	[sflag:s31] =	ssyncset.done $0x0  }
0x268: {  	s26 =	rddreg [dreg:$0xf];
	[sflag:s31] =	ssyncadd.s32 $0xFFFFFF80;
	s8 =	sshrl.u32 s19, $0x3  }
0x269: {  	[hbm:s26], [sflag:s20] =	dma.local [spmem:s8], $0x400  }
0x26a: {  	_ =	swait.ge [sflag:s31], $0x400  }
0x26b: {  	s26 =	sld [smem:$0x7FD];
	_ =	sdelay $0x1  }
0x26c: {  	[sflag:s31] =	ssyncset.done $0x0  }
0x26d: {  	s19 =	rddreg [dreg:$0x1a];
	[sflag:s31] =	ssyncadd.s32 $0xFFFFFC00;
	s10 =	sshrl.u32 s26, $0x3  }
0x26e: {  	[hbm:s19], [sflag:s20] =	dma.local [spmem:s10], $0x80  }
0x26f: {  	_ =	swait.ge [sflag:s31], $0x80  }
0x270: {  	s20 =	sld [smem:$0x7F9]  }
0x271: {  	s19 =	rddreg [dreg:$0x10]  }
0x272: {  	s8 =	sadd.s32 $0x1, s19  }
0x273: {  	p0 =	sne.s32 s8, s20  }
.Ltmp6:
0x274: {  	_ = 	snop;
	(pc) =	sbr.rel @p0 .LBB2_1-.Ltmp6, $3  }
0x275: {  	_ =	sdelay $0x1  }
0x276: {  	[sflag:s31] =	ssyncset.done $0x0  }
0x277: {  	[sflag:s31] =	ssyncadd.s32 $0xFFFFFF80;
	[dreg:$0x10] =	wrdreg s8  }
0x278: {  	_ =	sfence.sel $0x180000  }
0x279: {  	[bflag:$0x0] =	sbarrier.arrive $0xFFFF  }
0x27a: {  	_ =	strace $0x90000047  }
0x27b: {  	s0 =	stileid.u32;
	[bflag:$0x2] =	sbarrier.arrive $0xFFFF  }
0x27c: {  	p0 =	sne.s32 s0, $0x0;
	s0 =	rddreg [dreg:$0x5]  }
0x27d: {  	s0 =	sadd.s32 @!p0 $0x100000, s0  }
0x27e: {  	[sflag:s0] =	ssyncadd.tile.s32 @!p0 $0x1;
	_ =	shalt  }
.Lfunc_end2:
_tile_overlayer_lowered:
.L_overlay_start_2:
0x27f: {  	(tag) =	ssettag $0x2  }
0x280: {  	s0 =	rddreg [dreg:$0x0];
	s2 =	stileid.u32  }
0x281: {  	s1 =	rddreg [dreg:$0x1];
	p0 =	sne.s32 s2, $0x0  }
0x282: {  	s3 =	rddreg [dreg:$0x2];
	[bflag:$0x3] =	sbarrier.arrive $0xFFFF;
	s2 =	simm.s32 @!p0 $0x1C09  }
0x283: {  	[timem:s3], [sflag:s2] =	dma.local @!p0 [hbm:s0], s1  }
0x284: {  	s0 =	simm.s32 @!p0 $0x9  }
0x285: {  	_ =	swait.ge @!p0 [sflag:s0], s1  }
0x286: {  	s1 =	ssub.s32 @!p0 $0x0, s1;
	[sflag:s0] =	ssyncset.done @!p0 $0x0  }
0x287: {  	[sflag:s0] =	ssyncadd.s32 @!p0 s1  }
0x288: {  	[bflag:$0x3] =	sbarrier.arrive $0xFFFF  }
0x289: {  	_ =	shalt  }

</sc_bundles>
